<compile_context>
chip_gen: v7x
topology: tpu7x:2x2x1
jax: 0.10.2.dev20260603
libtpu: 0.0.44.dev20260713+nightly
codegen_flags: <defaults>
</compile_context>

<pallas_src>
import functools
import math

import jax
import jax.numpy as jnp
from jax import lax
from jax.experimental import pallas as pl
from jax.experimental.pallas import tpu as pltpu
from jax.experimental.pallas import tpu_sc as plsc

NC = 2
NS = 16
LANES = 16


def _proj_body(x_ref, w1_ref, w2_ref, o1_ref, o2_ref):
    x = x_ref[0]
    o1_ref[0] = jnp.dot(x, w1_ref[...], preferred_element_type=jnp.float32)
    o2_ref[0] = jnp.dot(x, w2_ref[...], preferred_element_type=jnp.float32)


def _proj(nodes, w1, w2):
    B, N, F = nodes.shape
    RP = 512
    grid = (B, N // RP)
    out = jax.ShapeDtypeStruct((B, N, F), jnp.float32)
    return pl.pallas_call(
        _proj_body,
        grid=grid,
        in_specs=[
            pl.BlockSpec((1, RP, F), lambda b, i: (b, i, 0)),
            pl.BlockSpec((F, F), lambda b, i: (0, 0)),
            pl.BlockSpec((F, F), lambda b, i: (0, 0)),
        ],
        out_specs=[
            pl.BlockSpec((1, RP, F), lambda b, i: (b, i, 0)),
            pl.BlockSpec((1, RP, F), lambda b, i: (b, i, 0)),
        ],
        out_shape=[out, out],
    )(nodes, w1, w2)


def _make_gather(BE, F, C=128):
    n_w = NC * NS
    per_w = BE // n_w
    n_chunks = per_w // C
    mesh = plsc.VectorSubcoreMesh(core_axis_name="c", subcore_axis_name="s")

    def body(p1, p2, i0, i1, t, i0_v, i1_v, r0_v, r1_v, sem0, sem1):
        wid = lax.axis_index("s") * NC + lax.axis_index("c")
        base = wid * per_w

        def chunk(i, carry):
            off = base + i * C
            pltpu.sync_copy(i0.at[pl.ds(off, C)], i0_v)
            pltpu.sync_copy(i1.at[pl.ds(off, C)], i1_v)
            cp0 = pltpu.async_copy(p1.at[i0_v], r0_v, sem0)
            cp1 = pltpu.async_copy(p2.at[i1_v], r1_v, sem1)
            cp0.wait()
            cp1.wait()

            @plsc.parallel_loop(0, C * (F // LANES), unroll=8)
            def _add(k):
                r = k // (F // LANES)
                sl = pl.ds((k % (F // LANES)) * LANES, LANES)
                r0_v[r, sl] = r0_v[r, sl] + r1_v[r, sl]

            pltpu.sync_copy(r0_v, t.at[pl.ds(off, C)])
            return carry

        lax.fori_loop(0, n_chunks, chunk, 0)

    return pl.kernel(
        body,
        mesh=mesh,
        compiler_params=pltpu.CompilerParams(needs_layout_passes=False),
        out_type=jax.ShapeDtypeStruct((BE, F), jnp.float32),
        scratch_types=[
            pltpu.VMEM((C,), jnp.int32),
            pltpu.VMEM((C,), jnp.int32),
            pltpu.VMEM((C, F), jnp.float32),
            pltpu.VMEM((C, F), jnp.float32),
            pltpu.SemaphoreType.DMA,
            pltpu.SemaphoreType.DMA,
        ],
    )


def _make_scatter(B, E, N, F, C=256):
    bpc = B // NC
    rows = bpc * N
    n_edges = bpc * E
    n_chunks = n_edges // C
    blk = LANES * C
    stride = rows + 1
    acc_sz = LANES * stride
    out_sz = LANES * rows
    assert F == NS * LANES
    mesh = plsc.VectorSubcoreMesh(core_axis_name="c", subcore_axis_name="s")

    tstride = LANES + 1

    def body(wm1d, pos1d, agg1d, pos_v0, pos_v1, wm_v0, wm_v1, wt_v, acc_v,
             sem0, sem1):
        c = lax.axis_index("c")
        s = lax.axis_index("s")
        iota = lax.iota(jnp.int32, LANES)
        zeros = jnp.zeros((LANES,), jnp.float32)
        pos_bufs = (pos_v0, pos_v1)
        wm_bufs = (wm_v0, wm_v1)
        sems = (sem0, sem1)

        @plsc.parallel_loop(0, acc_sz // LANES, unroll=8)
        def _zrow(i):
            acc_v[pl.ds(i * LANES, LANES)] = zeros

        def issue(g, b):
            pltpu.async_copy(pos1d.at[pl.ds(g * C * LANES, C * LANES)],
                             pos_bufs[b], sems[b])
            pltpu.async_copy(wm1d.at[pl.ds((g * NS + s) * blk, blk)],
                             wm_bufs[b], sems[b])

        def drain(g, b):
            pltpu.make_async_copy(pos1d.at[pl.ds(g * C * LANES, C * LANES)],
                                  pos_bufs[b], sems[b]).wait()
            pltpu.make_async_copy(wm1d.at[pl.ds((g * NS + s) * blk, blk)],
                                  wm_bufs[b], sems[b]).wait()

        g0 = c * n_chunks
        issue(g0, 0)

        def outer(i, carry):
            for b in range(2):
                li = 2 * i + b
                g = g0 + li
                drain(g, b)

                @pl.when(li + 1 < n_chunks)
                def _():
                    issue(g + 1, b ^ 1)

                pv = pos_bufs[b]
                wv = wm_bufs[b]

                @plsc.parallel_loop(0, C * LANES // LANES, unroll=8)
                def _tr(i):
                    l = i // (C // LANES)
                    eg = i % (C // LANES)
                    vals = wv[pl.ds(l * C + eg * LANES, LANES)]
                    plsc.store_scatter(
                        wt_v, [iota * tstride + (eg * LANES * tstride + l)],
                        vals)

                @plsc.parallel_loop(0, C, unroll=8)
                def _edge(e):
                    pos = pv[pl.ds(e * LANES, LANES)]
                    val = plsc.load_gather(wt_v, [iota + e * tstride])
                    plsc.addupdate_scatter(acc_v, [pos], val)
            return carry

        lax.fori_loop(0, n_chunks // 2, outer, 0)
        base = (c * NS + s) * out_sz
        for l in range(LANES):
            lb = l * stride

            @plsc.parallel_loop(0, rows // LANES, unroll=8)
            def _cp(i):
                wm_v0[pl.ds(i * LANES, LANES)] = plsc.load_gather(
                    acc_v, [iota + (lb + i * LANES)])

            pltpu.sync_copy(wm_v0, agg1d.at[pl.ds(base + l * rows, rows)])

    return pl.kernel(
        body,
        mesh=mesh,
        compiler_params=pltpu.CompilerParams(needs_layout_passes=False),
        out_type=jax.ShapeDtypeStruct((NC * NS * out_sz,), jnp.float32),
        scratch_types=[
            pltpu.VMEM((C * LANES,), jnp.int32),
            pltpu.VMEM((C * LANES,), jnp.int32),
            pltpu.VMEM((blk,), jnp.float32),
            pltpu.VMEM((blk,), jnp.float32),
            pltpu.VMEM((C * (LANES + 1),), jnp.float32),
            pltpu.VMEM((acc_sz,), jnp.float32),
            pltpu.SemaphoreType.DMA,
            pltpu.SemaphoreType.DMA,
        ],
    )


def _gelu(x):
    return 0.5 * x * (1.0 + lax.erf(x * (1.0 / math.sqrt(2.0))))


def _edge_body(t_ref, ef_ref, d_ref, w3_ref, bm_ref, g_ref, be_ref, sig_ref,
               beta_ref, o_ref, ot_ref):
    u = t_ref[...] + jnp.dot(ef_ref[...], w3_ref[...],
                             preferred_element_type=jnp.float32) + bm_ref[...]
    g = _gelu(u)
    mu = jnp.mean(g, axis=-1, keepdims=True)
    xc = g - mu
    var = jnp.mean(xc * xc, axis=-1, keepdims=True)
    m = xc * lax.rsqrt(var + 1e-3) * g_ref[...] + be_ref[...]
    sig = sig_ref[0, 0]
    beta = beta_ref[0, 0]
    d = d_ref[...]
    xw = (d * d) * (0.5 / (sig * sig))
    w = jnp.exp(-jnp.exp(beta * jnp.log(xw)))
    wm = m * w
    o_ref[...] = wm
    R, F = wm.shape
    CC = 256
    for cc in range(R // CC):
        mcc = wm[cc * CC:(cc + 1) * CC, :].T
        ot_ref[pl.ds(cc * CC * F, CC * F)] = mcc.reshape(CC * F)


def _edge_stage(t, ef, dist, w3, bm, gm, bem, sig, beta):
    BE, F = t.shape
    DE = ef.shape[-1]
    R = 1024
    grid = (BE // R,)
    smem = functools.partial(pl.BlockSpec, memory_space=pltpu.SMEM)
    return pl.pallas_call(
        _edge_body,
        grid=grid,
        in_specs=[
            pl.BlockSpec((R, F), lambda i: (i, 0)),
            pl.BlockSpec((R, DE), lambda i: (i, 0)),
            pl.BlockSpec((R, 1), lambda i: (i, 0)),
            pl.BlockSpec((DE, F), lambda i: (0, 0)),
            pl.BlockSpec((1, F), lambda i: (0, 0)),
            pl.BlockSpec((1, F), lambda i: (0, 0)),
            pl.BlockSpec((1, F), lambda i: (0, 0)),
            smem((1, 1), lambda i: (0, 0)),
            smem((1, 1), lambda i: (0, 0)),
        ],
        out_specs=[
            pl.BlockSpec((R, F), lambda i: (i, 0)),
            pl.BlockSpec((R * F,), lambda i: (i,)),
        ],
        out_shape=[
            jax.ShapeDtypeStruct((BE, F), jnp.float32),
            jax.ShapeDtypeStruct((BE * F,), jnp.float32),
        ],
    )(t, ef, dist, w3, bm, gm, bem, sig, beta)


def _qkvg_body(n_ref, at_ref, wt_ref, wb_ref, b_ref, oq_ref, ok_ref, ov_ref,
               og_ref):
    F = oq_ref.shape[-1]
    y = jnp.dot(n_ref[0], wt_ref[...], preferred_element_type=jnp.float32)
    y += lax.dot_general(at_ref[...], wb_ref[...], (((0,), (0,)), ((), ())),
                         preferred_element_type=jnp.float32)
    y += b_ref[...]
    oq_ref[0] = y[:, :F]
    ok_ref[0] = y[:, F:2 * F]
    ov_ref[0] = y[:, 2 * F:3 * F]
    og_ref[0] = jax.nn.sigmoid(y[:, 3 * F:])


def _qkvg(nodes, agg_t, wtop, wbot, bcat):
    B, N, F = nodes.shape
    RP = 512
    grid = (B, N // RP)
    out = jax.ShapeDtypeStruct((B, N, F), jnp.float32)
    nrp = N // RP
    return pl.pallas_call(
        _qkvg_body,
        grid=grid,
        in_specs=[
            pl.BlockSpec((1, RP, F), lambda b, i: (b, i, 0)),
            pl.BlockSpec((F, RP), lambda b, i: (0, b * nrp + i)),
            pl.BlockSpec((F, 4 * F), lambda b, i: (0, 0)),
            pl.BlockSpec((F, 4 * F), lambda b, i: (0, 0)),
            pl.BlockSpec((1, 4 * F), lambda b, i: (0, 0)),
        ],
        out_specs=[
            pl.BlockSpec((1, RP, F), lambda b, i: (b, i, 0)),
            pl.BlockSpec((1, RP, F), lambda b, i: (b, i, 0)),
            pl.BlockSpec((1, RP, F), lambda b, i: (b, i, 0)),
            pl.BlockSpec((1, RP, F), lambda b, i: (b, i, 0)),
        ],
        out_shape=[out, out, out, out],
    )(nodes, agg_t, wtop, wbot, bcat)


def _attn_body(q_ref, k_ref, v_ref, g_ref, wo_ref, bo_ref, gu_ref, bu_ref,
               o_ref, *, H):
    q = q_ref[0]
    k = k_ref[0]
    v = v_ref[0]
    gt = g_ref[0]
    F = q.shape[-1]
    dh = F // H
    scale = 1.0 / math.sqrt(dh)
    outs = []
    for h in range(H):
        qh = q[:, h * dh:(h + 1) * dh]
        kh = k[:, h * dh:(h + 1) * dh]
        vh = v[:, h * dh:(h + 1) * dh]
        s = lax.dot_general(qh, kh, (((1,), (1,)), ((), ())),
                            preferred_element_type=jnp.float32) * scale
        mx = jnp.max(s, axis=-1, keepdims=True)
        p = jnp.exp(s - mx)
        wgt = p / jnp.sum(p, axis=-1, keepdims=True)
        outs.append(jnp.dot(wgt, vh, preferred_element_type=jnp.float32))
    att = jnp.concatenate(outs, axis=1) * gt
    out = jnp.dot(att, wo_ref[...], preferred_element_type=jnp.float32) + bo_ref[...]
    out = _gelu(out)
    mu = jnp.mean(out, axis=-1, keepdims=True)
    xc = out - mu
    var = jnp.mean(xc * xc, axis=-1, keepdims=True)
    o_ref[0] = xc * lax.rsqrt(var + 1e-3) * gu_ref[...] + bu_ref[...]


def _attention(q, k, v, gt, wo, bo, gu, bu, H):
    B, N, F = q.shape
    QB = 256
    grid = (B, N // QB)
    return pl.pallas_call(
        functools.partial(_attn_body, H=H),
        grid=grid,
        in_specs=[
            pl.BlockSpec((1, QB, F), lambda b, i: (b, i, 0)),
            pl.BlockSpec((1, N, F), lambda b, i: (b, 0, 0)),
            pl.BlockSpec((1, N, F), lambda b, i: (b, 0, 0)),
            pl.BlockSpec((1, QB, F), lambda b, i: (b, i, 0)),
            pl.BlockSpec((F, F), lambda b, i: (0, 0)),
            pl.BlockSpec((1, F), lambda b, i: (0, 0)),
            pl.BlockSpec((1, F), lambda b, i: (0, 0)),
            pl.BlockSpec((1, F), lambda b, i: (0, 0)),
        ],
        out_specs=pl.BlockSpec((1, QB, F), lambda b, i: (b, i, 0)),
        out_shape=jax.ShapeDtypeStruct((B, N, F), jnp.float32),
    )(q, k, v, gt, wo, bo, gu, bu)


def kernel(nodes, edge_features, distance, edges, W_msg, b_msg, g_msg, be_msg,
           Wq, bq, Wk, bk, Wv, bv, Wg, bg, Wo, bo, g_upd, be_upd, sigma,
           beta_p):
    B, N, F = nodes.shape
    E = edges.shape[1]
    DE = edge_features.shape[-1]
    H = 8
    BE = B * E

    w1 = W_msg[:F]
    w2 = W_msg[F:2 * F]
    w3 = W_msg[2 * F:]

    p1, p2 = _proj(nodes, w1, w2)

    e0 = edges[..., 0].astype(jnp.int32)
    e1 = edges[..., 1].astype(jnp.int32)
    boff = (jnp.arange(B, dtype=jnp.int32) * N)[:, None]
    idx0 = (e0 + boff).reshape(BE)
    idx1 = (e1 + boff).reshape(BE)
    t = _make_gather(BE, F)(p1.reshape(B * N, F), p2.reshape(B * N, F),
                            idx0, idx1)

    wm, wm_t = _edge_stage(t, edge_features.reshape(BE, DE),
                     distance.reshape(BE, 1), w3,
                     b_msg.reshape(1, F), g_msg.reshape(1, F),
                     be_msg.reshape(1, F), sigma.reshape(1, 1),
                     beta_p.reshape(1, 1))

    bpc = B // NC
    locoff = ((jnp.arange(B, dtype=jnp.int32) % bpc) * N)[:, None]
    idx_sc = (e1 + locoff).reshape(BE)
    lane_off = jnp.arange(LANES, dtype=jnp.int32) * (bpc * N + 1)
    pos1d = (idx_sc[:, None] + lane_off[None, :]).reshape(BE * LANES)
    agg1d = _make_scatter(B, E, N, F)(wm_t, pos1d)
    agg_t = agg1d.reshape(NC, NS, LANES, bpc * N).transpose(1, 2, 0, 3)
    agg_t = agg_t.reshape(F, B * N)

    wcat = jnp.concatenate([Wq, Wk, Wv, Wg], axis=1)
    bcat = jnp.concatenate([bq, bk, bv, bg]).reshape(1, 4 * F)
    q, k, v, gt = _qkvg(nodes, agg_t, wcat[:F], wcat[F:], bcat)
    updated = _attention(q, k, v, gt, Wo, bo.reshape(1, F),
                         g_upd.reshape(1, F), be_upd.reshape(1, F), H)

    return (updated, wm.reshape(B, E, F), distance, edges)

# --- scband reference (transcript-rebuilt; emitter-appended) ---
"""Pipeline reference for scband-fgnn-62972810494060 (READ-ONLY COPY).

The authoritative reference and input builder live on the scoring server;
editing this copy changes nothing except your own understanding.
"""

import jax, jax.numpy as jnp
import numpy as np

B, N, E, F, DE, H = 4, 2048, 32768, 256, 16, 8

def layer_norm(x, g, b, eps=1e-3):
    m = jnp.mean(x, axis=-1, keepdims=True)
    v = jnp.var(x, axis=-1, keepdims=True)
    return (x - m) / jnp.sqrt(v + eps) * g + b

def setup_inputs(seed: int = 0):
    key = jax.random.key(seed)
    ks = jax.random.split(key, 16)
    s_msg = 1.0 / np.sqrt(2 * F + DE)
    s_att = 1.0 / np.sqrt(2 * F)
    s_out = 1.0 / np.sqrt(F)
    return {
        "nodes": jax.random.normal(ks[0], (B, N, F), jnp.float32),
        "edge_features": jax.random.normal(ks[1], (B, E, DE), jnp.float32),
        "distance": jax.random.uniform(ks[2], (B, E, 1), jnp.float32) * 0.01,
        "edges": jax.random.randint(ks[3], (B, E, 2), 0, N),
        "W_msg": jax.random.normal(ks[4], (2 * F + DE, F), jnp.float32) * s_msg,
        "b_msg": jnp.zeros((F,), jnp.float32),
        "g_msg": jnp.ones((F,), jnp.float32),
        "be_msg": jnp.zeros((F,), jnp.float32),
        "Wq": jax.random.normal(ks[5], (2 * F, F), jnp.float32) * s_att,
        "bq": jnp.zeros((F,), jnp.float32),
        "Wk": jax.random.normal(ks[6], (2 * F, F), jnp.float32) * s_att,
        "bk": jnp.zeros((F,), jnp.float32),
        "Wv": jax.random.normal(ks[7], (2 * F, F), jnp.float32) * s_att,
        "bv": jnp.zeros((F,), jnp.float32),
        "Wg": jax.random.normal(ks[8], (2 * F, F), jnp.float32) * s_att,
        "bg": jnp.zeros((F,), jnp.float32),
        "Wo": jax.random.normal(ks[9], (F, F), jnp.float32) * s_out,
        "bo": jnp.zeros((F,), jnp.float32),
        "g_upd": jnp.ones((F,), jnp.float32),
        "be_upd": jnp.zeros((F,), jnp.float32),
        "sigma": jnp.array([0.005], jnp.float32),
        "beta_p": jnp.array([4.0], jnp.float32),
    }

def reference(nodes, edge_features, distance, edges, W_msg, b_msg, g_msg, be_msg, Wq, bq, Wk, bk, Wv, bv, Wg, bg, Wo, bo, g_upd, be_upd, sigma, beta_p):
    Bv, Nv, Fv = nodes.shape
    Ev = edges.shape[1]
    # message: gather endpoint features per edge (batch_dims=1 gather)
    msg_in = jax.vmap(lambda n, e: n[e])(nodes, edges)  # [B, E, 2, F]
    messages = msg_in.reshape(Bv, Ev, 2 * Fv)
    reshaped = jnp.concatenate([messages, edge_features], axis=-1)
    m = reshaped @ W_msg + b_msg
    m = jax.nn.gelu(m, approximate=False)
    m = layer_norm(m, g_msg, be_msg)
    # generalized-Gaussian edge weighting
    edge_weights = jnp.exp(-jnp.power(jnp.square(distance) / (2.0 * jnp.square(sigma)), beta_p))
    weighted_messages = m * edge_weights
    # per-graph scatter-add to destination nodes (tf.scan over batch of unsorted_segment_sum)
    aggregated = jax.vmap(lambda wm, e: jax.ops.segment_sum(wm, e[:, 1], num_segments=Nv))(weighted_messages, edges)
    # update: multi-head gated self-attention over concat([nodes, aggregated])
    x = jnp.concatenate([nodes, aggregated], axis=-1)  # [B, N, 2F]
    dh = Fv // H
    def sh(t):
        return t.reshape(Bv, Nv, H, dh).transpose(0, 2, 1, 3)
    q = sh(x @ Wq + bq)
    k = sh(x @ Wk + bk)
    v = sh(x @ Wv + bv)
    gate = sh(jax.nn.sigmoid(x @ Wg + bg))
    score = q @ k.transpose(0, 1, 3, 2)
    w = jax.nn.softmax(score / jnp.sqrt(jnp.float32(dh)), axis=-1)
    att = (w @ v) * gate
    att = att.transpose(0, 2, 1, 3).reshape(Bv, Nv, Fv)
    out = att @ Wo + bo
    out = jax.nn.gelu(out, approximate=False)
    updated_nodes = layer_norm(out, g_upd, be_upd)
    return (updated_nodes, weighted_messages, distance, edges)

if __name__ == "__main__":
    import jax
    _d = setup_inputs()
    print(jax.jit(kernel)(*tuple(_d.values())))

</pallas_src>

<mosaic_0001>
#map = affine_map<(d0, d1) -> (0)>
module attributes {stable_mosaic.version = 14 : i64} {
  func.func @body(%arg0: i32, %arg1: i32, %arg2: memref<33554432xf32, #tpu.memory_space<hbm>>, %arg3: memref<2097152xi32, #tpu.memory_space<hbm>>, %arg4: memref<2097152xf32, #tpu.memory_space<hbm>>, %arg5: memref<4096xi32, #tpu.memory_space<vmem>>, %arg6: memref<4096xi32, #tpu.memory_space<vmem>>, %arg7: memref<4096xf32, #tpu.memory_space<vmem>>, %arg8: memref<4096xf32, #tpu.memory_space<vmem>>, %arg9: memref<4352xf32, #tpu.memory_space<vmem>>, %arg10: memref<65552xf32, #tpu.memory_space<vmem>>, %arg11: memref<!tpu.dma_semaphore, #tpu.memory_space<semaphore_mem>>, %arg12: memref<!tpu.dma_semaphore, #tpu.memory_space<semaphore_mem>>) attributes {dimension_semantics = [#tpu.dimension_semantics<core_parallel>, #tpu.dimension_semantics<subcore_parallel>], iteration_bounds = array<i64: 2, 16>, scalar_prefetch = 0 : i64, scratch_operands = 8 : i64, tpu.core_type = #tpu.core_type<sc_vector_subcore>, window_params = [{transform_indices = #map}, {transform_indices = #map}, {transform_indices = #map}]} {
    %iota3A = tpu.iota {dimensions = array<i32: 0>} : vector<16xi32>
    %broadcast_in_dim3A = arith.constant 0.000000e+00 : f32
    %broadcast_in_dim3A_0 = vector.broadcast %broadcast_in_dim3A : f32 to vector<16xf32>
    %parallel_loop3A = arith.constant 0 : i32
    %parallel_loop3A_1 = arith.constant 4097 : i32
    %parallel_loop3A_2 = arith.constant 1 : i32
    scf.for %parallel_loop3A_105 = %parallel_loop3A to %parallel_loop3A_1 step %parallel_loop3A_2  : i32 {
      %parallel_loop3A_106 = arith.constant 16 : i32
      %parallel_loop3A_107 = arith.muli %parallel_loop3A_105, %parallel_loop3A_106 : i32
      %parallel_loop3A_108 = arith.index_cast %parallel_loop3A_107 : i32 to index
      %parallel_loop3A_109 = tpu.vector_load %arg10[%parallel_loop3A_108] {strides = array<i32>} : memref<65552xf32, #tpu.memory_space<vmem>>, vector<16xf32>,
      tpu.vector_store %arg10[%parallel_loop3A_108], %broadcast_in_dim3A_0 {strides = array<i32>} : memref<65552xf32, #tpu.memory_space<vmem>>, vector<16xf32>,
    } {sc.loop_unroll_factor = 8 : i64, sc.parallel_access}
    %mul3A = arith.constant 256 : i32
    %mul3A_3 = arith.muli %arg0, %mul3A : i32
    %mul3A_4 = arith.constant 256 : i32
    %mul3A_5 = arith.muli %mul3A_3, %mul3A_4 : i32
    %mul3A_6 = arith.constant 16 : i32
    %mul3A_7 = arith.muli %mul3A_5, %mul3A_6 : i32
    %dma_start3A = tpu.memref_slice %arg3[%mul3A_7] : memref<2097152xi32, #tpu.memory_space<hbm>> -> memref<4096xi32, #tpu.memory_space<hbm>>
    %dma_start3A_8 = tpu.memref_slice %arg3[%mul3A_7] : memref<2097152xi32, #tpu.memory_space<hbm>> -> memref<4096xi32, #tpu.memory_space<hbm>>
    tpu.enqueue_dma source(%dma_start3A_8 : memref<4096xi32, #tpu.memory_space<hbm>>) target(%arg5 : memref<4096xi32, #tpu.memory_space<vmem>>) target_semaphore(%arg11 : memref<!tpu.dma_semaphore, #tpu.memory_space<semaphore_mem>>)
    %mul3A_9 = arith.constant 16 : i32
    %mul3A_10 = arith.muli %mul3A_3, %mul3A_9 : i32
    %add3A = arith.addi %mul3A_10, %arg1 : i32
    %mul3A_11 = arith.constant 4096 : i32
    %mul3A_12 = arith.muli %add3A, %mul3A_11 : i32
    %dma_start3A_13 = tpu.memref_slice %arg2[%mul3A_12] : memref<33554432xf32, #tpu.memory_space<hbm>> -> memref<4096xf32, #tpu.memory_space<hbm>>
    %dma_start3A_14 = tpu.memref_slice %arg2[%mul3A_12] : memref<33554432xf32, #tpu.memory_space<hbm>> -> memref<4096xf32, #tpu.memory_space<hbm>>
    tpu.enqueue_dma source(%dma_start3A_14 : memref<4096xf32, #tpu.memory_space<hbm>>) target(%arg7 : memref<4096xf32, #tpu.memory_space<vmem>>) target_semaphore(%arg11 : memref<!tpu.dma_semaphore, #tpu.memory_space<semaphore_mem>>)
    %scan3A = arith.constant 0 : i32
    %scan3A_15 = arith.constant 0 : i32
    %scan3A_16 = arith.constant 128 : i32
    %scan3A_17 = arith.addi %scan3A_15, %scan3A_16 : i32
    %scan3A_18 = arith.constant 1 : i32
    scf.for %scan3A_105 = %scan3A_15 to %scan3A_17 step %scan3A_18  : i32 {
      %mul3A_106 = arith.constant 2 : i32
      %mul3A_107 = arith.muli %mul3A_106, %scan3A_105 : i32
      %add3A_108 = arith.constant 0 : i32
      %add3A_109 = arith.addi %mul3A_107, %add3A_108 : i32
      %add3A_110 = arith.addi %mul3A_3, %add3A_109 : i32
      %mul3A_111 = arith.constant 256 : i32
      %mul3A_112 = arith.muli %add3A_110, %mul3A_111 : i32
      %mul3A_113 = arith.constant 16 : i32
      %mul3A_114 = arith.muli %mul3A_112, %mul3A_113 : i32
      %dma_wait3A = tpu.memref_slice %arg3[%mul3A_114] : memref<2097152xi32, #tpu.memory_space<hbm>> -> memref<4096xi32, #tpu.memory_space<hbm>>
      %dma_wait3A_115 = tpu.memref_slice %arg3[%mul3A_114] : memref<2097152xi32, #tpu.memory_space<hbm>> -> memref<4096xi32, #tpu.memory_space<hbm>>
      tpu.wait_dma2 semaphore(%arg11 : memref<!tpu.dma_semaphore, #tpu.memory_space<semaphore_mem>>) src(%dma_wait3A_115 : memref<4096xi32, #tpu.memory_space<hbm>>) dst(%arg5 : memref<4096xi32, #tpu.memory_space<vmem>>)
      %mul3A_116 = arith.constant 16 : i32
      %mul3A_117 = arith.muli %add3A_110, %mul3A_116 : i32
      %add3A_118 = arith.addi %mul3A_117, %arg1 : i32
      %mul3A_119 = arith.constant 4096 : i32
      %mul3A_120 = arith.muli %add3A_118, %mul3A_119 : i32
      %dma_wait3A_121 = tpu.memref_slice %arg2[%mul3A_120] : memref<33554432xf32, #tpu.memory_space<hbm>> -> memref<4096xf32, #tpu.memory_space<hbm>>
      %dma_wait3A_122 = tpu.memref_slice %arg2[%mul3A_120] : memref<33554432xf32, #tpu.memory_space<hbm>> -> memref<4096xf32, #tpu.memory_space<hbm>>
      tpu.wait_dma2 semaphore(%arg11 : memref<!tpu.dma_semaphore, #tpu.memory_space<semaphore_mem>>) src(%dma_wait3A_122 : memref<4096xf32, #tpu.memory_space<hbm>>) dst(%arg7 : memref<4096xf32, #tpu.memory_space<vmem>>)
      %add3A_123 = arith.constant 1 : i32
      %add3A_124 = arith.addi %add3A_109, %add3A_123 : i32
      %lt3A = arith.constant 256 : i32
      %lt3A_125 = arith.cmpi slt, %add3A_124, %lt3A : i32
      %convert_element_type3A = arith.extui %lt3A_125 : i1 to i32
      %cond3A = arith.constant 0 : i32
      %cond3A_126 = arith.cmpi ne, %convert_element_type3A, %cond3A : i32
      scf.if %cond3A_126 {
        %add3A_164 = arith.constant 1 : i32
        %add3A_165 = arith.addi %add3A_110, %add3A_164 : i32
        %mul3A_166 = arith.constant 256 : i32
        %mul3A_167 = arith.muli %add3A_165, %mul3A_166 : i32
        %mul3A_168 = arith.constant 16 : i32
        %mul3A_169 = arith.muli %mul3A_167, %mul3A_168 : i32
        %dma_start3A_170 = tpu.memref_slice %arg3[%mul3A_169] : memref<2097152xi32, #tpu.memory_space<hbm>> -> memref<4096xi32, #tpu.memory_space<hbm>>
        %dma_start3A_171 = tpu.memref_slice %arg3[%mul3A_169] : memref<2097152xi32, #tpu.memory_space<hbm>> -> memref<4096xi32, #tpu.memory_space<hbm>>
        tpu.enqueue_dma source(%dma_start3A_171 : memref<4096xi32, #tpu.memory_space<hbm>>) target(%arg6 : memref<4096xi32, #tpu.memory_space<vmem>>) target_semaphore(%arg12 : memref<!tpu.dma_semaphore, #tpu.memory_space<semaphore_mem>>)
        %mul3A_172 = arith.constant 16 : i32
        %mul3A_173 = arith.muli %add3A_165, %mul3A_172 : i32
        %add3A_174 = arith.addi %mul3A_173, %arg1 : i32
        %mul3A_175 = arith.constant 4096 : i32
        %mul3A_176 = arith.muli %add3A_174, %mul3A_175 : i32
        %dma_start3A_177 = tpu.memref_slice %arg2[%mul3A_176] : memref<33554432xf32, #tpu.memory_space<hbm>> -> memref<4096xf32, #tpu.memory_space<hbm>>
        %dma_start3A_178 = tpu.memref_slice %arg2[%mul3A_176] : memref<33554432xf32, #tpu.memory_space<hbm>> -> memref<4096xf32, #tpu.memory_space<hbm>>
        tpu.enqueue_dma source(%dma_start3A_178 : memref<4096xf32, #tpu.memory_space<hbm>>) target(%arg8 : memref<4096xf32, #tpu.memory_space<vmem>>) target_semaphore(%arg12 : memref<!tpu.dma_semaphore, #tpu.memory_space<semaphore_mem>>)
      } else {
      }
      %parallel_loop3A_127 = arith.constant 0 : i32
      %parallel_loop3A_128 = arith.constant 256 : i32
      %parallel_loop3A_129 = arith.constant 1 : i32
      scf.for %parallel_loop3A_164 = %parallel_loop3A_127 to %parallel_loop3A_128 step %parallel_loop3A_129  : i32 {
        %parallel_loop3A_165 = arith.constant 16 : i32
        %parallel_loop3A_166 = arith.divsi %parallel_loop3A_164, %parallel_loop3A_165 : i32
        %parallel_loop3A_167 = arith.constant 0 : i32
        %parallel_loop3A_168 = arith.cmpi sgt, %parallel_loop3A_164, %parallel_loop3A_167 : i32
        %parallel_loop3A_169 = arith.extui %parallel_loop3A_168 : i1 to i32
        %parallel_loop3A_170 = arith.constant 0 : i32
        %parallel_loop3A_171 = arith.cmpi slt, %parallel_loop3A_164, %parallel_loop3A_170 : i32
        %parallel_loop3A_172 = arith.extui %parallel_loop3A_171 : i1 to i32
        %parallel_loop3A_173 = arith.subi %parallel_loop3A_169, %parallel_loop3A_172 : i32
        %parallel_loop3A_174 = arith.constant 0 : i32
        %parallel_loop3A_175 = arith.cmpi sgt, %parallel_loop3A_165, %parallel_loop3A_174 : i32
        %parallel_loop3A_176 = arith.extui %parallel_loop3A_175 : i1 to i32
        %parallel_loop3A_177 = arith.constant 0 : i32
        %parallel_loop3A_178 = arith.cmpi slt, %parallel_loop3A_165, %parallel_loop3A_177 : i32
        %parallel_loop3A_179 = arith.extui %parallel_loop3A_178 : i1 to i32
        %parallel_loop3A_180 = arith.subi %parallel_loop3A_176, %parallel_loop3A_179 : i32
        %parallel_loop3A_181 = arith.cmpi ne, %parallel_loop3A_173, %parallel_loop3A_180 : i32
        %parallel_loop3A_182 = arith.remsi %parallel_loop3A_164, %parallel_loop3A_165 : i32
        %parallel_loop3A_183 = arith.constant 0 : i32
        %parallel_loop3A_184 = arith.cmpi ne, %parallel_loop3A_182, %parallel_loop3A_183 : i32
        %parallel_loop3A_185 = arith.andi %parallel_loop3A_181, %parallel_loop3A_184 : i1
        %parallel_loop3A_186 = arith.constant 1 : i32
        %parallel_loop3A_187 = arith.subi %parallel_loop3A_166, %parallel_loop3A_186 : i32
        %parallel_loop3A_188 = arith.select %parallel_loop3A_185, %parallel_loop3A_187, %parallel_loop3A_166 : i32
        %parallel_loop3A_189 = arith.constant 16 : i32
        %parallel_loop3A_190 = arith.constant 0 : i32
        %parallel_loop3A_191 = arith.cmpi eq, %parallel_loop3A_189, %parallel_loop3A_190 : i32
        %parallel_loop3A_192 = arith.constant 1 : i32
        %parallel_loop3A_193 = arith.select %parallel_loop3A_191, %parallel_loop3A_192, %parallel_loop3A_189 : i32
        %parallel_loop3A_194 = arith.remsi %parallel_loop3A_164, %parallel_loop3A_193 : i32
        %parallel_loop3A_195 = arith.constant 0 : i32
        %parallel_loop3A_196 = arith.cmpi ne, %parallel_loop3A_194, %parallel_loop3A_195 : i32
        %parallel_loop3A_197 = arith.constant 0 : i32
        %parallel_loop3A_198 = arith.cmpi slt, %parallel_loop3A_194, %parallel_loop3A_197 : i32
        %parallel_loop3A_199 = arith.constant 0 : i32
        %parallel_loop3A_200 = arith.cmpi slt, %parallel_loop3A_193, %parallel_loop3A_199 : i32
        %parallel_loop3A_201 = arith.xori %parallel_loop3A_198, %parallel_loop3A_200 : i1
        %parallel_loop3A_202 = arith.andi %parallel_loop3A_201, %parallel_loop3A_196 : i1
        %parallel_loop3A_203 = arith.addi %parallel_loop3A_194, %parallel_loop3A_193 : i32
        %parallel_loop3A_204 = arith.select %parallel_loop3A_202, %parallel_loop3A_203, %parallel_loop3A_194 : i32
        %parallel_loop3A_205 = arith.constant 256 : i32
        %parallel_loop3A_206 = arith.muli %parallel_loop3A_188, %parallel_loop3A_205 : i32
        %parallel_loop3A_207 = arith.constant 16 : i32
        %parallel_loop3A_208 = arith.muli %parallel_loop3A_204, %parallel_loop3A_207 : i32
        %parallel_loop3A_209 = arith.addi %parallel_loop3A_206, %parallel_loop3A_208 : i32
        %parallel_loop3A_210 = arith.index_cast %parallel_loop3A_209 : i32 to index
        %parallel_loop3A_211 = tpu.vector_load %arg7[%parallel_loop3A_210] {strides = array<i32>} : memref<4096xf32, #tpu.memory_space<vmem>>, vector<16xf32>,
        %parallel_loop3A_212 = arith.constant 17 : i32
        %parallel_loop3A_213 = vector.broadcast %parallel_loop3A_212 : i32 to vector<16xi32>
        %parallel_loop3A_214 = arith.muli %iota3A, %parallel_loop3A_213 : vector<16xi32>
        %parallel_loop3A_215 = arith.constant 16 : i32
        %parallel_loop3A_216 = arith.muli %parallel_loop3A_204, %parallel_loop3A_215 : i32
        %parallel_loop3A_217 = arith.constant 17 : i32
        %parallel_loop3A_218 = arith.muli %parallel_loop3A_216, %parallel_loop3A_217 : i32
        %parallel_loop3A_219 = arith.addi %parallel_loop3A_218, %parallel_loop3A_188 : i32
        %parallel_loop3A_220 = vector.broadcast %parallel_loop3A_219 : i32 to vector<16xi32>
        %parallel_loop3A_221 = arith.addi %parallel_loop3A_214, %parallel_loop3A_220 : vector<16xi32>
        tpu.vector_store_idx %arg9[%parallel_loop3A_221], %parallel_loop3A_211 : memref<4352xf32, #tpu.memory_space<vmem>>[vector<16xi32>], vector<16xf32>,
      } {sc.loop_unroll_factor = 8 : i64, sc.parallel_access}
      %parallel_loop3A_130 = arith.constant 0 : i32
      %parallel_loop3A_131 = arith.constant 256 : i32
      %parallel_loop3A_132 = arith.constant 1 : i32
      scf.for %parallel_loop3A_164 = %parallel_loop3A_130 to %parallel_loop3A_131 step %parallel_loop3A_132  : i32 {
        %parallel_loop3A_165 = arith.constant 16 : i32
        %parallel_loop3A_166 = arith.muli %parallel_loop3A_164, %parallel_loop3A_165 : i32
        %parallel_loop3A_167 = arith.index_cast %parallel_loop3A_166 : i32 to index
        %parallel_loop3A_168 = tpu.vector_load %arg5[%parallel_loop3A_167] {strides = array<i32>} : memref<4096xi32, #tpu.memory_space<vmem>>, vector<16xi32>,
        %parallel_loop3A_169 = arith.constant 17 : i32
        %parallel_loop3A_170 = arith.muli %parallel_loop3A_164, %parallel_loop3A_169 : i32
        %parallel_loop3A_171 = vector.broadcast %parallel_loop3A_170 : i32 to vector<16xi32>
        %parallel_loop3A_172 = arith.addi %iota3A, %parallel_loop3A_171 : vector<16xi32>
        %parallel_loop3A_173 = tpu.vector_load_idx %arg9[%parallel_loop3A_172] : memref<4352xf32, #tpu.memory_space<vmem>>[vector<16xi32>], vector<16xf32>,
        tpu.vector_store_idx %arg10[%parallel_loop3A_168], %parallel_loop3A_173 {add = true} : memref<65552xf32, #tpu.memory_space<vmem>>[vector<16xi32>], vector<16xf32>,
      } {sc.loop_unroll_factor = 8 : i64, sc.parallel_access}
      %mul3A_133 = arith.constant 2 : i32
      %mul3A_134 = arith.muli %mul3A_133, %scan3A_105 : i32
      %add3A_135 = arith.constant 1 : i32
      %add3A_136 = arith.addi %mul3A_134, %add3A_135 : i32
      %add3A_137 = arith.addi %mul3A_3, %add3A_136 : i32
      %mul3A_138 = arith.constant 256 : i32
      %mul3A_139 = arith.muli %add3A_137, %mul3A_138 : i32
      %mul3A_140 = arith.constant 16 : i32
      %mul3A_141 = arith.muli %mul3A_139, %mul3A_140 : i32
      %dma_wait3A_142 = tpu.memref_slice %arg3[%mul3A_141] : memref<2097152xi32, #tpu.memory_space<hbm>> -> memref<4096xi32, #tpu.memory_space<hbm>>
      %dma_wait3A_143 = tpu.memref_slice %arg3[%mul3A_141] : memref<2097152xi32, #tpu.memory_space<hbm>> -> memref<4096xi32, #tpu.memory_space<hbm>>
      tpu.wait_dma2 semaphore(%arg12 : memref<!tpu.dma_semaphore, #tpu.memory_space<semaphore_mem>>) src(%dma_wait3A_143 : memref<4096xi32, #tpu.memory_space<hbm>>) dst(%arg6 : memref<4096xi32, #tpu.memory_space<vmem>>)
      %mul3A_144 = arith.constant 16 : i32
      %mul3A_145 = arith.muli %add3A_137, %mul3A_144 : i32
      %add3A_146 = arith.addi %mul3A_145, %arg1 : i32
      %mul3A_147 = arith.constant 4096 : i32
      %mul3A_148 = arith.muli %add3A_146, %mul3A_147 : i32
      %dma_wait3A_149 = tpu.memref_slice %arg2[%mul3A_148] : memref<33554432xf32, #tpu.memory_space<hbm>> -> memref<4096xf32, #tpu.memory_space<hbm>>
      %dma_wait3A_150 = tpu.memref_slice %arg2[%mul3A_148] : memref<33554432xf32, #tpu.memory_space<hbm>> -> memref<4096xf32, #tpu.memory_space<hbm>>
      tpu.wait_dma2 semaphore(%arg12 : memref<!tpu.dma_semaphore, #tpu.memory_space<semaphore_mem>>) src(%dma_wait3A_150 : memref<4096xf32, #tpu.memory_space<hbm>>) dst(%arg8 : memref<4096xf32, #tpu.memory_space<vmem>>)
      %add3A_151 = arith.constant 1 : i32
      %add3A_152 = arith.addi %add3A_136, %add3A_151 : i32
      %lt3A_153 = arith.constant 256 : i32
      %lt3A_154 = arith.cmpi slt, %add3A_152, %lt3A_153 : i32
      %convert_element_type3A_155 = arith.extui %lt3A_154 : i1 to i32
      %cond3A_156 = arith.constant 0 : i32
      %cond3A_157 = arith.cmpi ne, %convert_element_type3A_155, %cond3A_156 : i32
      scf.if %cond3A_157 {
        %add3A_164 = arith.constant 1 : i32
        %add3A_165 = arith.addi %add3A_137, %add3A_164 : i32
        %mul3A_166 = arith.constant 256 : i32
        %mul3A_167 = arith.muli %add3A_165, %mul3A_166 : i32
        %mul3A_168 = arith.constant 16 : i32
        %mul3A_169 = arith.muli %mul3A_167, %mul3A_168 : i32
        %dma_start3A_170 = tpu.memref_slice %arg3[%mul3A_169] : memref<2097152xi32, #tpu.memory_space<hbm>> -> memref<4096xi32, #tpu.memory_space<hbm>>
        %dma_start3A_171 = tpu.memref_slice %arg3[%mul3A_169] : memref<2097152xi32, #tpu.memory_space<hbm>> -> memref<4096xi32, #tpu.memory_space<hbm>>
        tpu.enqueue_dma source(%dma_start3A_171 : memref<4096xi32, #tpu.memory_space<hbm>>) target(%arg5 : memref<4096xi32, #tpu.memory_space<vmem>>) target_semaphore(%arg11 : memref<!tpu.dma_semaphore, #tpu.memory_space<semaphore_mem>>)
        %mul3A_172 = arith.constant 16 : i32
        %mul3A_173 = arith.muli %add3A_165, %mul3A_172 : i32
        %add3A_174 = arith.addi %mul3A_173, %arg1 : i32
        %mul3A_175 = arith.constant 4096 : i32
        %mul3A_176 = arith.muli %add3A_174, %mul3A_175 : i32
        %dma_start3A_177 = tpu.memref_slice %arg2[%mul3A_176] : memref<33554432xf32, #tpu.memory_space<hbm>> -> memref<4096xf32, #tpu.memory_space<hbm>>
        %dma_start3A_178 = tpu.memref_slice %arg2[%mul3A_176] : memref<33554432xf32, #tpu.memory_space<hbm>> -> memref<4096xf32, #tpu.memory_space<hbm>>
        tpu.enqueue_dma source(%dma_start3A_178 : memref<4096xf32, #tpu.memory_space<hbm>>) target(%arg7 : memref<4096xf32, #tpu.memory_space<vmem>>) target_semaphore(%arg11 : memref<!tpu.dma_semaphore, #tpu.memory_space<semaphore_mem>>)
      } else {
      }
      %parallel_loop3A_158 = arith.constant 0 : i32
      %parallel_loop3A_159 = arith.constant 256 : i32
      %parallel_loop3A_160 = arith.constant 1 : i32
      scf.for %parallel_loop3A_164 = %parallel_loop3A_158 to %parallel_loop3A_159 step %parallel_loop3A_160  : i32 {
        %parallel_loop3A_165 = arith.constant 16 : i32
        %parallel_loop3A_166 = arith.divsi %parallel_loop3A_164, %parallel_loop3A_165 : i32
        %parallel_loop3A_167 = arith.constant 0 : i32
        %parallel_loop3A_168 = arith.cmpi sgt, %parallel_loop3A_164, %parallel_loop3A_167 : i32
        %parallel_loop3A_169 = arith.extui %parallel_loop3A_168 : i1 to i32
        %parallel_loop3A_170 = arith.constant 0 : i32
        %parallel_loop3A_171 = arith.cmpi slt, %parallel_loop3A_164, %parallel_loop3A_170 : i32
        %parallel_loop3A_172 = arith.extui %parallel_loop3A_171 : i1 to i32
        %parallel_loop3A_173 = arith.subi %parallel_loop3A_169, %parallel_loop3A_172 : i32
        %parallel_loop3A_174 = arith.constant 0 : i32
        %parallel_loop3A_175 = arith.cmpi sgt, %parallel_loop3A_165, %parallel_loop3A_174 : i32
        %parallel_loop3A_176 = arith.extui %parallel_loop3A_175 : i1 to i32
        %parallel_loop3A_177 = arith.constant 0 : i32
        %parallel_loop3A_178 = arith.cmpi slt, %parallel_loop3A_165, %parallel_loop3A_177 : i32
        %parallel_loop3A_179 = arith.extui %parallel_loop3A_178 : i1 to i32
        %parallel_loop3A_180 = arith.subi %parallel_loop3A_176, %parallel_loop3A_179 : i32
        %parallel_loop3A_181 = arith.cmpi ne, %parallel_loop3A_173, %parallel_loop3A_180 : i32
        %parallel_loop3A_182 = arith.remsi %parallel_loop3A_164, %parallel_loop3A_165 : i32
        %parallel_loop3A_183 = arith.constant 0 : i32
        %parallel_loop3A_184 = arith.cmpi ne, %parallel_loop3A_182, %parallel_loop3A_183 : i32
        %parallel_loop3A_185 = arith.andi %parallel_loop3A_181, %parallel_loop3A_184 : i1
        %parallel_loop3A_186 = arith.constant 1 : i32
        %parallel_loop3A_187 = arith.subi %parallel_loop3A_166, %parallel_loop3A_186 : i32
        %parallel_loop3A_188 = arith.select %parallel_loop3A_185, %parallel_loop3A_187, %parallel_loop3A_166 : i32
        %parallel_loop3A_189 = arith.constant 16 : i32
        %parallel_loop3A_190 = arith.constant 0 : i32
        %parallel_loop3A_191 = arith.cmpi eq, %parallel_loop3A_189, %parallel_loop3A_190 : i32
        %parallel_loop3A_192 = arith.constant 1 : i32
        %parallel_loop3A_193 = arith.select %parallel_loop3A_191, %parallel_loop3A_192, %parallel_loop3A_189 : i32
        %parallel_loop3A_194 = arith.remsi %parallel_loop3A_164, %parallel_loop3A_193 : i32
        %parallel_loop3A_195 = arith.constant 0 : i32
        %parallel_loop3A_196 = arith.cmpi ne, %parallel_loop3A_194, %parallel_loop3A_195 : i32
        %parallel_loop3A_197 = arith.constant 0 : i32
        %parallel_loop3A_198 = arith.cmpi slt, %parallel_loop3A_194, %parallel_loop3A_197 : i32
        %parallel_loop3A_199 = arith.constant 0 : i32
        %parallel_loop3A_200 = arith.cmpi slt, %parallel_loop3A_193, %parallel_loop3A_199 : i32
        %parallel_loop3A_201 = arith.xori %parallel_loop3A_198, %parallel_loop3A_200 : i1
        %parallel_loop3A_202 = arith.andi %parallel_loop3A_201, %parallel_loop3A_196 : i1
        %parallel_loop3A_203 = arith.addi %parallel_loop3A_194, %parallel_loop3A_193 : i32
        %parallel_loop3A_204 = arith.select %parallel_loop3A_202, %parallel_loop3A_203, %parallel_loop3A_194 : i32
        %parallel_loop3A_205 = arith.constant 256 : i32
        %parallel_loop3A_206 = arith.muli %parallel_loop3A_188, %parallel_loop3A_205 : i32
        %parallel_loop3A_207 = arith.constant 16 : i32
        %parallel_loop3A_208 = arith.muli %parallel_loop3A_204, %parallel_loop3A_207 : i32
        %parallel_loop3A_209 = arith.addi %parallel_loop3A_206, %parallel_loop3A_208 : i32
        %parallel_loop3A_210 = arith.index_cast %parallel_loop3A_209 : i32 to index
        %parallel_loop3A_211 = tpu.vector_load %arg8[%parallel_loop3A_210] {strides = array<i32>} : memref<4096xf32, #tpu.memory_space<vmem>>, vector<16xf32>,
        %parallel_loop3A_212 = arith.constant 17 : i32
        %parallel_loop3A_213 = vector.broadcast %parallel_loop3A_212 : i32 to vector<16xi32>
        %parallel_loop3A_214 = arith.muli %iota3A, %parallel_loop3A_213 : vector<16xi32>
        %parallel_loop3A_215 = arith.constant 16 : i32
        %parallel_loop3A_216 = arith.muli %parallel_loop3A_204, %parallel_loop3A_215 : i32
        %parallel_loop3A_217 = arith.constant 17 : i32
        %parallel_loop3A_218 = arith.muli %parallel_loop3A_216, %parallel_loop3A_217 : i32
        %parallel_loop3A_219 = arith.addi %parallel_loop3A_218, %parallel_loop3A_188 : i32
        %parallel_loop3A_220 = vector.broadcast %parallel_loop3A_219 : i32 to vector<16xi32>
        %parallel_loop3A_221 = arith.addi %parallel_loop3A_214, %parallel_loop3A_220 : vector<16xi32>
        tpu.vector_store_idx %arg9[%parallel_loop3A_221], %parallel_loop3A_211 : memref<4352xf32, #tpu.memory_space<vmem>>[vector<16xi32>], vector<16xf32>,
      } {sc.loop_unroll_factor = 8 : i64, sc.parallel_access}
      %parallel_loop3A_161 = arith.constant 0 : i32
      %parallel_loop3A_162 = arith.constant 256 : i32
      %parallel_loop3A_163 = arith.constant 1 : i32
      scf.for %parallel_loop3A_164 = %parallel_loop3A_161 to %parallel_loop3A_162 step %parallel_loop3A_163  : i32 {
        %parallel_loop3A_165 = arith.constant 16 : i32
        %parallel_loop3A_166 = arith.muli %parallel_loop3A_164, %parallel_loop3A_165 : i32
        %parallel_loop3A_167 = arith.index_cast %parallel_loop3A_166 : i32 to index
        %parallel_loop3A_168 = tpu.vector_load %arg6[%parallel_loop3A_167] {strides = array<i32>} : memref<4096xi32, #tpu.memory_space<vmem>>, vector<16xi32>,
        %parallel_loop3A_169 = arith.constant 17 : i32
        %parallel_loop3A_170 = arith.muli %parallel_loop3A_164, %parallel_loop3A_169 : i32
        %parallel_loop3A_171 = vector.broadcast %parallel_loop3A_170 : i32 to vector<16xi32>
        %parallel_loop3A_172 = arith.addi %iota3A, %parallel_loop3A_171 : vector<16xi32>
        %parallel_loop3A_173 = tpu.vector_load_idx %arg9[%parallel_loop3A_172] : memref<4352xf32, #tpu.memory_space<vmem>>[vector<16xi32>], vector<16xf32>,
        tpu.vector_store_idx %arg10[%parallel_loop3A_168], %parallel_loop3A_173 {add = true} : memref<65552xf32, #tpu.memory_space<vmem>>[vector<16xi32>], vector<16xf32>,
      } {sc.loop_unroll_factor = 8 : i64, sc.parallel_access}
    }
    %scan3A_19 = arith.constant 128 : i32
    %mul3A_20 = arith.constant 16 : i32
    %mul3A_21 = arith.muli %arg0, %mul3A_20 : i32
    %add3A_22 = arith.addi %mul3A_21, %arg1 : i32
    %mul3A_23 = arith.constant 65536 : i32
    %mul3A_24 = arith.muli %add3A_22, %mul3A_23 : i32
    %parallel_loop3A_25 = arith.constant 0 : i32
    %parallel_loop3A_26 = arith.constant 256 : i32
    %parallel_loop3A_27 = arith.constant 1 : i32
    scf.for %parallel_loop3A_105 = %parallel_loop3A_25 to %parallel_loop3A_26 step %parallel_loop3A_27  : i32 {
      %parallel_loop3A_106 = arith.constant 16 : i32
      %parallel_loop3A_107 = arith.muli %parallel_loop3A_105, %parallel_loop3A_106 : i32
      %parallel_loop3A_108 = arith.constant 0 : i32
      %parallel_loop3A_109 = arith.addi %parallel_loop3A_108, %parallel_loop3A_107 : i32
      %parallel_loop3A_110 = vector.broadcast %parallel_loop3A_109 : i32 to vector<16xi32>
      %parallel_loop3A_111 = arith.addi %iota3A, %parallel_loop3A_110 : vector<16xi32>
      %parallel_loop3A_112 = tpu.vector_load_idx %arg10[%parallel_loop3A_111] : memref<65552xf32, #tpu.memory_space<vmem>>[vector<16xi32>], vector<16xf32>,
      %parallel_loop3A_113 = arith.constant 16 : i32
      %parallel_loop3A_114 = arith.muli %parallel_loop3A_105, %parallel_loop3A_113 : i32
      %parallel_loop3A_115 = arith.index_cast %parallel_loop3A_114 : i32 to index
      %parallel_loop3A_116 = tpu.vector_load %arg7[%parallel_loop3A_115] {strides = array<i32>} : memref<4096xf32, #tpu.memory_space<vmem>>, vector<16xf32>,
      tpu.vector_store %arg7[%parallel_loop3A_115], %parallel_loop3A_112 {strides = array<i32>} : memref<4096xf32, #tpu.memory_space<vmem>>, vector<16xf32>,
    } {sc.loop_unroll_factor = 8 : i64, sc.parallel_access}
    %add3A_28 = arith.constant 0 : i32
    %add3A_29 = arith.addi %mul3A_24, %add3A_28 : i32
    "tpu.region"() ({
      %run_scoped3A = tpu.sem_alloc : memref<!tpu.dma_semaphore, #tpu.memory_space<semaphore_mem>>
      %dma_start3A_105 = tpu.memref_slice %arg4[%add3A_29] : memref<2097152xf32, #tpu.memory_space<hbm>> -> memref<4096xf32, #tpu.memory_space<hbm>>
      %dma_start3A_106 = tpu.memref_slice %arg4[%add3A_29] : memref<2097152xf32, #tpu.memory_space<hbm>> -> memref<4096xf32, #tpu.memory_space<hbm>>
      tpu.enqueue_dma source(%arg7 : memref<4096xf32, #tpu.memory_space<vmem>>) target(%dma_start3A_106 : memref<4096xf32, #tpu.memory_space<hbm>>) target_semaphore(%run_scoped3A : memref<!tpu.dma_semaphore, #tpu.memory_space<semaphore_mem>>)
      %dma_wait3A = tpu.memref_slice %arg4[%add3A_29] : memref<2097152xf32, #tpu.memory_space<hbm>> -> memref<4096xf32, #tpu.memory_space<hbm>>
      %dma_wait3A_107 = tpu.memref_slice %arg4[%add3A_29] : memref<2097152xf32, #tpu.memory_space<hbm>> -> memref<4096xf32, #tpu.memory_space<hbm>>
      tpu.wait_dma2 semaphore(%run_scoped3A : memref<!tpu.dma_semaphore, #tpu.memory_space<semaphore_mem>>) src(%arg7 : memref<4096xf32, #tpu.memory_space<vmem>>) dst(%dma_wait3A_107 : memref<4096xf32, #tpu.memory_space<hbm>>)
      tpu.yield
    }) : () -> ()
    %parallel_loop3A_30 = arith.constant 0 : i32
    %parallel_loop3A_31 = arith.constant 256 : i32
    %parallel_loop3A_32 = arith.constant 1 : i32
    scf.for %parallel_loop3A_105 = %parallel_loop3A_30 to %parallel_loop3A_31 step %parallel_loop3A_32  : i32 {
      %parallel_loop3A_106 = arith.constant 16 : i32
      %parallel_loop3A_107 = arith.muli %parallel_loop3A_105, %parallel_loop3A_106 : i32
      %parallel_loop3A_108 = arith.constant 4097 : i32
      %parallel_loop3A_109 = arith.addi %parallel_loop3A_108, %parallel_loop3A_107 : i32
      %parallel_loop3A_110 = vector.broadcast %parallel_loop3A_109 : i32 to vector<16xi32>
      %parallel_loop3A_111 = arith.addi %iota3A, %parallel_loop3A_110 : vector<16xi32>
      %parallel_loop3A_112 = tpu.vector_load_idx %arg10[%parallel_loop3A_111] : memref<65552xf32, #tpu.memory_space<vmem>>[vector<16xi32>], vector<16xf32>,
      %parallel_loop3A_113 = arith.constant 16 : i32
      %parallel_loop3A_114 = arith.muli %parallel_loop3A_105, %parallel_loop3A_113 : i32
      %parallel_loop3A_115 = arith.index_cast %parallel_loop3A_114 : i32 to index
      %parallel_loop3A_116 = tpu.vector_load %arg7[%parallel_loop3A_115] {strides = array<i32>} : memref<4096xf32, #tpu.memory_space<vmem>>, vector<16xf32>,
      tpu.vector_store %arg7[%parallel_loop3A_115], %parallel_loop3A_112 {strides = array<i32>} : memref<4096xf32, #tpu.memory_space<vmem>>, vector<16xf32>,
    } {sc.loop_unroll_factor = 8 : i64, sc.parallel_access}
    %add3A_33 = arith.constant 4096 : i32
    %add3A_34 = arith.addi %mul3A_24, %add3A_33 : i32
    "tpu.region"() ({
      %run_scoped3A = tpu.sem_alloc : memref<!tpu.dma_semaphore, #tpu.memory_space<semaphore_mem>>
      %dma_start3A_105 = tpu.memref_slice %arg4[%add3A_34] : memref<2097152xf32, #tpu.memory_space<hbm>> -> memref<4096xf32, #tpu.memory_space<hbm>>
      %dma_start3A_106 = tpu.memref_slice %arg4[%add3A_34] : memref<2097152xf32, #tpu.memory_space<hbm>> -> memref<4096xf32, #tpu.memory_space<hbm>>
      tpu.enqueue_dma source(%arg7 : memref<4096xf32, #tpu.memory_space<vmem>>) target(%dma_start3A_106 : memref<4096xf32, #tpu.memory_space<hbm>>) target_semaphore(%run_scoped3A : memref<!tpu.dma_semaphore, #tpu.memory_space<semaphore_mem>>)
      %dma_wait3A = tpu.memref_slice %arg4[%add3A_34] : memref<2097152xf32, #tpu.memory_space<hbm>> -> memref<4096xf32, #tpu.memory_space<hbm>>
      %dma_wait3A_107 = tpu.memref_slice %arg4[%add3A_34] : memref<2097152xf32, #tpu.memory_space<hbm>> -> memref<4096xf32, #tpu.memory_space<hbm>>
      tpu.wait_dma2 semaphore(%run_scoped3A : memref<!tpu.dma_semaphore, #tpu.memory_space<semaphore_mem>>) src(%arg7 : memref<4096xf32, #tpu.memory_space<vmem>>) dst(%dma_wait3A_107 : memref<4096xf32, #tpu.memory_space<hbm>>)
      tpu.yield
    }) : () -> ()
    %parallel_loop3A_35 = arith.constant 0 : i32
    %parallel_loop3A_36 = arith.constant 256 : i32
    %parallel_loop3A_37 = arith.constant 1 : i32
    scf.for %parallel_loop3A_105 = %parallel_loop3A_35 to %parallel_loop3A_36 step %parallel_loop3A_37  : i32 {
      %parallel_loop3A_106 = arith.constant 16 : i32
      %parallel_loop3A_107 = arith.muli %parallel_loop3A_105, %parallel_loop3A_106 : i32
      %parallel_loop3A_108 = arith.constant 8194 : i32
      %parallel_loop3A_109 = arith.addi %parallel_loop3A_108, %parallel_loop3A_107 : i32
      %parallel_loop3A_110 = vector.broadcast %parallel_loop3A_109 : i32 to vector<16xi32>
      %parallel_loop3A_111 = arith.addi %iota3A, %parallel_loop3A_110 : vector<16xi32>
      %parallel_loop3A_112 = tpu.vector_load_idx %arg10[%parallel_loop3A_111] : memref<65552xf32, #tpu.memory_space<vmem>>[vector<16xi32>], vector<16xf32>,
      %parallel_loop3A_113 = arith.constant 16 : i32
      %parallel_loop3A_114 = arith.muli %parallel_loop3A_105, %parallel_loop3A_113 : i32
      %parallel_loop3A_115 = arith.index_cast %parallel_loop3A_114 : i32 to index
      %parallel_loop3A_116 = tpu.vector_load %arg7[%parallel_loop3A_115] {strides = array<i32>} : memref<4096xf32, #tpu.memory_space<vmem>>, vector<16xf32>,
      tpu.vector_store %arg7[%parallel_loop3A_115], %parallel_loop3A_112 {strides = array<i32>} : memref<4096xf32, #tpu.memory_space<vmem>>, vector<16xf32>,
    } {sc.loop_unroll_factor = 8 : i64, sc.parallel_access}
    %add3A_38 = arith.constant 8192 : i32
    %add3A_39 = arith.addi %mul3A_24, %add3A_38 : i32
    "tpu.region"() ({
      %run_scoped3A = tpu.sem_alloc : memref<!tpu.dma_semaphore, #tpu.memory_space<semaphore_mem>>
      %dma_start3A_105 = tpu.memref_slice %arg4[%add3A_39] : memref<2097152xf32, #tpu.memory_space<hbm>> -> memref<4096xf32, #tpu.memory_space<hbm>>
      %dma_start3A_106 = tpu.memref_slice %arg4[%add3A_39] : memref<2097152xf32, #tpu.memory_space<hbm>> -> memref<4096xf32, #tpu.memory_space<hbm>>
      tpu.enqueue_dma source(%arg7 : memref<4096xf32, #tpu.memory_space<vmem>>) target(%dma_start3A_106 : memref<4096xf32, #tpu.memory_space<hbm>>) target_semaphore(%run_scoped3A : memref<!tpu.dma_semaphore, #tpu.memory_space<semaphore_mem>>)
      %dma_wait3A = tpu.memref_slice %arg4[%add3A_39] : memref<2097152xf32, #tpu.memory_space<hbm>> -> memref<4096xf32, #tpu.memory_space<hbm>>
      %dma_wait3A_107 = tpu.memref_slice %arg4[%add3A_39] : memref<2097152xf32, #tpu.memory_space<hbm>> -> memref<4096xf32, #tpu.memory_space<hbm>>
      tpu.wait_dma2 semaphore(%run_scoped3A : memref<!tpu.dma_semaphore, #tpu.memory_space<semaphore_mem>>) src(%arg7 : memref<4096xf32, #tpu.memory_space<vmem>>) dst(%dma_wait3A_107 : memref<4096xf32, #tpu.memory_space<hbm>>)
      tpu.yield
    }) : () -> ()
    %parallel_loop3A_40 = arith.constant 0 : i32
    %parallel_loop3A_41 = arith.constant 256 : i32
    %parallel_loop3A_42 = arith.constant 1 : i32
    scf.for %parallel_loop3A_105 = %parallel_loop3A_40 to %parallel_loop3A_41 step %parallel_loop3A_42  : i32 {
      %parallel_loop3A_106 = arith.constant 16 : i32
      %parallel_loop3A_107 = arith.muli %parallel_loop3A_105, %parallel_loop3A_106 : i32
      %parallel_loop3A_108 = arith.constant 12291 : i32
      %parallel_loop3A_109 = arith.addi %parallel_loop3A_108, %parallel_loop3A_107 : i32
      %parallel_loop3A_110 = vector.broadcast %parallel_loop3A_109 : i32 to vector<16xi32>
      %parallel_loop3A_111 = arith.addi %iota3A, %parallel_loop3A_110 : vector<16xi32>
      %parallel_loop3A_112 = tpu.vector_load_idx %arg10[%parallel_loop3A_111] : memref<65552xf32, #tpu.memory_space<vmem>>[vector<16xi32>], vector<16xf32>,
      %parallel_loop3A_113 = arith.constant 16 : i32
      %parallel_loop3A_114 = arith.muli %parallel_loop3A_105, %parallel_loop3A_113 : i32
      %parallel_loop3A_115 = arith.index_cast %parallel_loop3A_114 : i32 to index
      %parallel_loop3A_116 = tpu.vector_load %arg7[%parallel_loop3A_115] {strides = array<i32>} : memref<4096xf32, #tpu.memory_space<vmem>>, vector<16xf32>,
      tpu.vector_store %arg7[%parallel_loop3A_115], %parallel_loop3A_112 {strides = array<i32>} : memref<4096xf32, #tpu.memory_space<vmem>>, vector<16xf32>,
    } {sc.loop_unroll_factor = 8 : i64, sc.parallel_access}
    %add3A_43 = arith.constant 12288 : i32
    %add3A_44 = arith.addi %mul3A_24, %add3A_43 : i32
    "tpu.region"() ({
      %run_scoped3A = tpu.sem_alloc : memref<!tpu.dma_semaphore, #tpu.memory_space<semaphore_mem>>
      %dma_start3A_105 = tpu.memref_slice %arg4[%add3A_44] : memref<2097152xf32, #tpu.memory_space<hbm>> -> memref<4096xf32, #tpu.memory_space<hbm>>
      %dma_start3A_106 = tpu.memref_slice %arg4[%add3A_44] : memref<2097152xf32, #tpu.memory_space<hbm>> -> memref<4096xf32, #tpu.memory_space<hbm>>
      tpu.enqueue_dma source(%arg7 : memref<4096xf32, #tpu.memory_space<vmem>>) target(%dma_start3A_106 : memref<4096xf32, #tpu.memory_space<hbm>>) target_semaphore(%run_scoped3A : memref<!tpu.dma_semaphore, #tpu.memory_space<semaphore_mem>>)
      %dma_wait3A = tpu.memref_slice %arg4[%add3A_44] : memref<2097152xf32, #tpu.memory_space<hbm>> -> memref<4096xf32, #tpu.memory_space<hbm>>
      %dma_wait3A_107 = tpu.memref_slice %arg4[%add3A_44] : memref<2097152xf32, #tpu.memory_space<hbm>> -> memref<4096xf32, #tpu.memory_space<hbm>>
      tpu.wait_dma2 semaphore(%run_scoped3A : memref<!tpu.dma_semaphore, #tpu.memory_space<semaphore_mem>>) src(%arg7 : memref<4096xf32, #tpu.memory_space<vmem>>) dst(%dma_wait3A_107 : memref<4096xf32, #tpu.memory_space<hbm>>)
      tpu.yield
    }) : () -> ()
    %parallel_loop3A_45 = arith.constant 0 : i32
    %parallel_loop3A_46 = arith.constant 256 : i32
    %parallel_loop3A_47 = arith.constant 1 : i32
    scf.for %parallel_loop3A_105 = %parallel_loop3A_45 to %parallel_loop3A_46 step %parallel_loop3A_47  : i32 {
      %parallel_loop3A_106 = arith.constant 16 : i32
      %parallel_loop3A_107 = arith.muli %parallel_loop3A_105, %parallel_loop3A_106 : i32
      %parallel_loop3A_108 = arith.constant 16388 : i32
      %parallel_loop3A_109 = arith.addi %parallel_loop3A_108, %parallel_loop3A_107 : i32
      %parallel_loop3A_110 = vector.broadcast %parallel_loop3A_109 : i32 to vector<16xi32>
      %parallel_loop3A_111 = arith.addi %iota3A, %parallel_loop3A_110 : vector<16xi32>
      %parallel_loop3A_112 = tpu.vector_load_idx %arg10[%parallel_loop3A_111] : memref<65552xf32, #tpu.memory_space<vmem>>[vector<16xi32>], vector<16xf32>,
      %parallel_loop3A_113 = arith.constant 16 : i32
      %parallel_loop3A_114 = arith.muli %parallel_loop3A_105, %parallel_loop3A_113 : i32
      %parallel_loop3A_115 = arith.index_cast %parallel_loop3A_114 : i32 to index
      %parallel_loop3A_116 = tpu.vector_load %arg7[%parallel_loop3A_115] {strides = array<i32>} : memref<4096xf32, #tpu.memory_space<vmem>>, vector<16xf32>,
      tpu.vector_store %arg7[%parallel_loop3A_115], %parallel_loop3A_112 {strides = array<i32>} : memref<4096xf32, #tpu.memory_space<vmem>>, vector<16xf32>,
    } {sc.loop_unroll_factor = 8 : i64, sc.parallel_access}
    %add3A_48 = arith.constant 16384 : i32
    %add3A_49 = arith.addi %mul3A_24, %add3A_48 : i32
    "tpu.region"() ({
      %run_scoped3A = tpu.sem_alloc : memref<!tpu.dma_semaphore, #tpu.memory_space<semaphore_mem>>
      %dma_start3A_105 = tpu.memref_slice %arg4[%add3A_49] : memref<2097152xf32, #tpu.memory_space<hbm>> -> memref<4096xf32, #tpu.memory_space<hbm>>
      %dma_start3A_106 = tpu.memref_slice %arg4[%add3A_49] : memref<2097152xf32, #tpu.memory_space<hbm>> -> memref<4096xf32, #tpu.memory_space<hbm>>
      tpu.enqueue_dma source(%arg7 : memref<4096xf32, #tpu.memory_space<vmem>>) target(%dma_start3A_106 : memref<4096xf32, #tpu.memory_space<hbm>>) target_semaphore(%run_scoped3A : memref<!tpu.dma_semaphore, #tpu.memory_space<semaphore_mem>>)
      %dma_wait3A = tpu.memref_slice %arg4[%add3A_49] : memref<2097152xf32, #tpu.memory_space<hbm>> -> memref<4096xf32, #tpu.memory_space<hbm>>
      %dma_wait3A_107 = tpu.memref_slice %arg4[%add3A_49] : memref<2097152xf32, #tpu.memory_space<hbm>> -> memref<4096xf32, #tpu.memory_space<hbm>>
      tpu.wait_dma2 semaphore(%run_scoped3A : memref<!tpu.dma_semaphore, #tpu.memory_space<semaphore_mem>>) src(%arg7 : memref<4096xf32, #tpu.memory_space<vmem>>) dst(%dma_wait3A_107 : memref<4096xf32, #tpu.memory_space<hbm>>)
      tpu.yield
    }) : () -> ()
    %parallel_loop3A_50 = arith.constant 0 : i32
    %parallel_loop3A_51 = arith.constant 256 : i32
    %parallel_loop3A_52 = arith.constant 1 : i32
    scf.for %parallel_loop3A_105 = %parallel_loop3A_50 to %parallel_loop3A_51 step %parallel_loop3A_52  : i32 {
      %parallel_loop3A_106 = arith.constant 16 : i32
      %parallel_loop3A_107 = arith.muli %parallel_loop3A_105, %parallel_loop3A_106 : i32
      %parallel_loop3A_108 = arith.constant 20485 : i32
      %parallel_loop3A_109 = arith.addi %parallel_loop3A_108, %parallel_loop3A_107 : i32
      %parallel_loop3A_110 = vector.broadcast %parallel_loop3A_109 : i32 to vector<16xi32>
      %parallel_loop3A_111 = arith.addi %iota3A, %parallel_loop3A_110 : vector<16xi32>
      %parallel_loop3A_112 = tpu.vector_load_idx %arg10[%parallel_loop3A_111] : memref<65552xf32, #tpu.memory_space<vmem>>[vector<16xi32>], vector<16xf32>,
      %parallel_loop3A_113 = arith.constant 16 : i32
      %parallel_loop3A_114 = arith.muli %parallel_loop3A_105, %parallel_loop3A_113 : i32
      %parallel_loop3A_115 = arith.index_cast %parallel_loop3A_114 : i32 to index
      %parallel_loop3A_116 = tpu.vector_load %arg7[%parallel_loop3A_115] {strides = array<i32>} : memref<4096xf32, #tpu.memory_space<vmem>>, vector<16xf32>,
      tpu.vector_store %arg7[%parallel_loop3A_115], %parallel_loop3A_112 {strides = array<i32>} : memref<4096xf32, #tpu.memory_space<vmem>>, vector<16xf32>,
    } {sc.loop_unroll_factor = 8 : i64, sc.parallel_access}
    %add3A_53 = arith.constant 20480 : i32
    %add3A_54 = arith.addi %mul3A_24, %add3A_53 : i32
    "tpu.region"() ({
      %run_scoped3A = tpu.sem_alloc : memref<!tpu.dma_semaphore, #tpu.memory_space<semaphore_mem>>
      %dma_start3A_105 = tpu.memref_slice %arg4[%add3A_54] : memref<2097152xf32, #tpu.memory_space<hbm>> -> memref<4096xf32, #tpu.memory_space<hbm>>
      %dma_start3A_106 = tpu.memref_slice %arg4[%add3A_54] : memref<2097152xf32, #tpu.memory_space<hbm>> -> memref<4096xf32, #tpu.memory_space<hbm>>
      tpu.enqueue_dma source(%arg7 : memref<4096xf32, #tpu.memory_space<vmem>>) target(%dma_start3A_106 : memref<4096xf32, #tpu.memory_space<hbm>>) target_semaphore(%run_scoped3A : memref<!tpu.dma_semaphore, #tpu.memory_space<semaphore_mem>>)
      %dma_wait3A = tpu.memref_slice %arg4[%add3A_54] : memref<2097152xf32, #tpu.memory_space<hbm>> -> memref<4096xf32, #tpu.memory_space<hbm>>
      %dma_wait3A_107 = tpu.memref_slice %arg4[%add3A_54] : memref<2097152xf32, #tpu.memory_space<hbm>> -> memref<4096xf32, #tpu.memory_space<hbm>>
      tpu.wait_dma2 semaphore(%run_scoped3A : memref<!tpu.dma_semaphore, #tpu.memory_space<semaphore_mem>>) src(%arg7 : memref<4096xf32, #tpu.memory_space<vmem>>) dst(%dma_wait3A_107 : memref<4096xf32, #tpu.memory_space<hbm>>)
      tpu.yield
    }) : () -> ()
    %parallel_loop3A_55 = arith.constant 0 : i32
    %parallel_loop3A_56 = arith.constant 256 : i32
    %parallel_loop3A_57 = arith.constant 1 : i32
    scf.for %parallel_loop3A_105 = %parallel_loop3A_55 to %parallel_loop3A_56 step %parallel_loop3A_57  : i32 {
      %parallel_loop3A_106 = arith.constant 16 : i32
      %parallel_loop3A_107 = arith.muli %parallel_loop3A_105, %parallel_loop3A_106 : i32
      %parallel_loop3A_108 = arith.constant 24582 : i32
      %parallel_loop3A_109 = arith.addi %parallel_loop3A_108, %parallel_loop3A_107 : i32
      %parallel_loop3A_110 = vector.broadcast %parallel_loop3A_109 : i32 to vector<16xi32>
      %parallel_loop3A_111 = arith.addi %iota3A, %parallel_loop3A_110 : vector<16xi32>
      %parallel_loop3A_112 = tpu.vector_load_idx %arg10[%parallel_loop3A_111] : memref<65552xf32, #tpu.memory_space<vmem>>[vector<16xi32>], vector<16xf32>,
      %parallel_loop3A_113 = arith.constant 16 : i32
      %parallel_loop3A_114 = arith.muli %parallel_loop3A_105, %parallel_loop3A_113 : i32
      %parallel_loop3A_115 = arith.index_cast %parallel_loop3A_114 : i32 to index
      %parallel_loop3A_116 = tpu.vector_load %arg7[%parallel_loop3A_115] {strides = array<i32>} : memref<4096xf32, #tpu.memory_space<vmem>>, vector<16xf32>,
      tpu.vector_store %arg7[%parallel_loop3A_115], %parallel_loop3A_112 {strides = array<i32>} : memref<4096xf32, #tpu.memory_space<vmem>>, vector<16xf32>,
    } {sc.loop_unroll_factor = 8 : i64, sc.parallel_access}
    %add3A_58 = arith.constant 24576 : i32
    %add3A_59 = arith.addi %mul3A_24, %add3A_58 : i32
    "tpu.region"() ({
      %run_scoped3A = tpu.sem_alloc : memref<!tpu.dma_semaphore, #tpu.memory_space<semaphore_mem>>
      %dma_start3A_105 = tpu.memref_slice %arg4[%add3A_59] : memref<2097152xf32, #tpu.memory_space<hbm>> -> memref<4096xf32, #tpu.memory_space<hbm>>
      %dma_start3A_106 = tpu.memref_slice %arg4[%add3A_59] : memref<2097152xf32, #tpu.memory_space<hbm>> -> memref<4096xf32, #tpu.memory_space<hbm>>
      tpu.enqueue_dma source(%arg7 : memref<4096xf32, #tpu.memory_space<vmem>>) target(%dma_start3A_106 : memref<4096xf32, #tpu.memory_space<hbm>>) target_semaphore(%run_scoped3A : memref<!tpu.dma_semaphore, #tpu.memory_space<semaphore_mem>>)
      %dma_wait3A = tpu.memref_slice %arg4[%add3A_59] : memref<2097152xf32, #tpu.memory_space<hbm>> -> memref<4096xf32, #tpu.memory_space<hbm>>
      %dma_wait3A_107 = tpu.memref_slice %arg4[%add3A_59] : memref<2097152xf32, #tpu.memory_space<hbm>> -> memref<4096xf32, #tpu.memory_space<hbm>>
      tpu.wait_dma2 semaphore(%run_scoped3A : memref<!tpu.dma_semaphore, #tpu.memory_space<semaphore_mem>>) src(%arg7 : memref<4096xf32, #tpu.memory_space<vmem>>) dst(%dma_wait3A_107 : memref<4096xf32, #tpu.memory_space<hbm>>)
      tpu.yield
    }) : () -> ()
    %parallel_loop3A_60 = arith.constant 0 : i32
    %parallel_loop3A_61 = arith.constant 256 : i32
    %parallel_loop3A_62 = arith.constant 1 : i32
    scf.for %parallel_loop3A_105 = %parallel_loop3A_60 to %parallel_loop3A_61 step %parallel_loop3A_62  : i32 {
      %parallel_loop3A_106 = arith.constant 16 : i32
      %parallel_loop3A_107 = arith.muli %parallel_loop3A_105, %parallel_loop3A_106 : i32
      %parallel_loop3A_108 = arith.constant 28679 : i32
      %parallel_loop3A_109 = arith.addi %parallel_loop3A_108, %parallel_loop3A_107 : i32
      %parallel_loop3A_110 = vector.broadcast %parallel_loop3A_109 : i32 to vector<16xi32>
      %parallel_loop3A_111 = arith.addi %iota3A, %parallel_loop3A_110 : vector<16xi32>
      %parallel_loop3A_112 = tpu.vector_load_idx %arg10[%parallel_loop3A_111] : memref<65552xf32, #tpu.memory_space<vmem>>[vector<16xi32>], vector<16xf32>,
      %parallel_loop3A_113 = arith.constant 16 : i32
      %parallel_loop3A_114 = arith.muli %parallel_loop3A_105, %parallel_loop3A_113 : i32
      %parallel_loop3A_115 = arith.index_cast %parallel_loop3A_114 : i32 to index
      %parallel_loop3A_116 = tpu.vector_load %arg7[%parallel_loop3A_115] {strides = array<i32>} : memref<4096xf32, #tpu.memory_space<vmem>>, vector<16xf32>,
      tpu.vector_store %arg7[%parallel_loop3A_115], %parallel_loop3A_112 {strides = array<i32>} : memref<4096xf32, #tpu.memory_space<vmem>>, vector<16xf32>,
    } {sc.loop_unroll_factor = 8 : i64, sc.parallel_access}
    %add3A_63 = arith.constant 28672 : i32
    %add3A_64 = arith.addi %mul3A_24, %add3A_63 : i32
    "tpu.region"() ({
      %run_scoped3A = tpu.sem_alloc : memref<!tpu.dma_semaphore, #tpu.memory_space<semaphore_mem>>
      %dma_start3A_105 = tpu.memref_slice %arg4[%add3A_64] : memref<2097152xf32, #tpu.memory_space<hbm>> -> memref<4096xf32, #tpu.memory_space<hbm>>
      %dma_start3A_106 = tpu.memref_slice %arg4[%add3A_64] : memref<2097152xf32, #tpu.memory_space<hbm>> -> memref<4096xf32, #tpu.memory_space<hbm>>
      tpu.enqueue_dma source(%arg7 : memref<4096xf32, #tpu.memory_space<vmem>>) target(%dma_start3A_106 : memref<4096xf32, #tpu.memory_space<hbm>>) target_semaphore(%run_scoped3A : memref<!tpu.dma_semaphore, #tpu.memory_space<semaphore_mem>>)
      %dma_wait3A = tpu.memref_slice %arg4[%add3A_64] : memref<2097152xf32, #tpu.memory_space<hbm>> -> memref<4096xf32, #tpu.memory_space<hbm>>
      %dma_wait3A_107 = tpu.memref_slice %arg4[%add3A_64] : memref<2097152xf32, #tpu.memory_space<hbm>> -> memref<4096xf32, #tpu.memory_space<hbm>>
      tpu.wait_dma2 semaphore(%run_scoped3A : memref<!tpu.dma_semaphore, #tpu.memory_space<semaphore_mem>>) src(%arg7 : memref<4096xf32, #tpu.memory_space<vmem>>) dst(%dma_wait3A_107 : memref<4096xf32, #tpu.memory_space<hbm>>)
      tpu.yield
    }) : () -> ()
    %parallel_loop3A_65 = arith.constant 0 : i32
    %parallel_loop3A_66 = arith.constant 256 : i32
    %parallel_loop3A_67 = arith.constant 1 : i32
    scf.for %parallel_loop3A_105 = %parallel_loop3A_65 to %parallel_loop3A_66 step %parallel_loop3A_67  : i32 {
      %parallel_loop3A_106 = arith.constant 16 : i32
      %parallel_loop3A_107 = arith.muli %parallel_loop3A_105, %parallel_loop3A_106 : i32
      %parallel_loop3A_108 = arith.constant 32776 : i32
      %parallel_loop3A_109 = arith.addi %parallel_loop3A_108, %parallel_loop3A_107 : i32
      %parallel_loop3A_110 = vector.broadcast %parallel_loop3A_109 : i32 to vector<16xi32>
      %parallel_loop3A_111 = arith.addi %iota3A, %parallel_loop3A_110 : vector<16xi32>
      %parallel_loop3A_112 = tpu.vector_load_idx %arg10[%parallel_loop3A_111] : memref<65552xf32, #tpu.memory_space<vmem>>[vector<16xi32>], vector<16xf32>,
      %parallel_loop3A_113 = arith.constant 16 : i32
      %parallel_loop3A_114 = arith.muli %parallel_loop3A_105, %parallel_loop3A_113 : i32
      %parallel_loop3A_115 = arith.index_cast %parallel_loop3A_114 : i32 to index
      %parallel_loop3A_116 = tpu.vector_load %arg7[%parallel_loop3A_115] {strides = array<i32>} : memref<4096xf32, #tpu.memory_space<vmem>>, vector<16xf32>,
      tpu.vector_store %arg7[%parallel_loop3A_115], %parallel_loop3A_112 {strides = array<i32>} : memref<4096xf32, #tpu.memory_space<vmem>>, vector<16xf32>,
    } {sc.loop_unroll_factor = 8 : i64, sc.parallel_access}
    %add3A_68 = arith.constant 32768 : i32
    %add3A_69 = arith.addi %mul3A_24, %add3A_68 : i32
    "tpu.region"() ({
      %run_scoped3A = tpu.sem_alloc : memref<!tpu.dma_semaphore, #tpu.memory_space<semaphore_mem>>
      %dma_start3A_105 = tpu.memref_slice %arg4[%add3A_69] : memref<2097152xf32, #tpu.memory_space<hbm>> -> memref<4096xf32, #tpu.memory_space<hbm>>
      %dma_start3A_106 = tpu.memref_slice %arg4[%add3A_69] : memref<2097152xf32, #tpu.memory_space<hbm>> -> memref<4096xf32, #tpu.memory_space<hbm>>
      tpu.enqueue_dma source(%arg7 : memref<4096xf32, #tpu.memory_space<vmem>>) target(%dma_start3A_106 : memref<4096xf32, #tpu.memory_space<hbm>>) target_semaphore(%run_scoped3A : memref<!tpu.dma_semaphore, #tpu.memory_space<semaphore_mem>>)
      %dma_wait3A = tpu.memref_slice %arg4[%add3A_69] : memref<2097152xf32, #tpu.memory_space<hbm>> -> memref<4096xf32, #tpu.memory_space<hbm>>
      %dma_wait3A_107 = tpu.memref_slice %arg4[%add3A_69] : memref<2097152xf32, #tpu.memory_space<hbm>> -> memref<4096xf32, #tpu.memory_space<hbm>>
      tpu.wait_dma2 semaphore(%run_scoped3A : memref<!tpu.dma_semaphore, #tpu.memory_space<semaphore_mem>>) src(%arg7 : memref<4096xf32, #tpu.memory_space<vmem>>) dst(%dma_wait3A_107 : memref<4096xf32, #tpu.memory_space<hbm>>)
      tpu.yield
    }) : () -> ()
    %parallel_loop3A_70 = arith.constant 0 : i32
    %parallel_loop3A_71 = arith.constant 256 : i32
    %parallel_loop3A_72 = arith.constant 1 : i32
    scf.for %parallel_loop3A_105 = %parallel_loop3A_70 to %parallel_loop3A_71 step %parallel_loop3A_72  : i32 {
      %parallel_loop3A_106 = arith.constant 16 : i32
      %parallel_loop3A_107 = arith.muli %parallel_loop3A_105, %parallel_loop3A_106 : i32
      %parallel_loop3A_108 = arith.constant 36873 : i32
      %parallel_loop3A_109 = arith.addi %parallel_loop3A_108, %parallel_loop3A_107 : i32
      %parallel_loop3A_110 = vector.broadcast %parallel_loop3A_109 : i32 to vector<16xi32>
      %parallel_loop3A_111 = arith.addi %iota3A, %parallel_loop3A_110 : vector<16xi32>
      %parallel_loop3A_112 = tpu.vector_load_idx %arg10[%parallel_loop3A_111] : memref<65552xf32, #tpu.memory_space<vmem>>[vector<16xi32>], vector<16xf32>,
      %parallel_loop3A_113 = arith.constant 16 : i32
      %parallel_loop3A_114 = arith.muli %parallel_loop3A_105, %parallel_loop3A_113 : i32
      %parallel_loop3A_115 = arith.index_cast %parallel_loop3A_114 : i32 to index
      %parallel_loop3A_116 = tpu.vector_load %arg7[%parallel_loop3A_115] {strides = array<i32>} : memref<4096xf32, #tpu.memory_space<vmem>>, vector<16xf32>,
      tpu.vector_store %arg7[%parallel_loop3A_115], %parallel_loop3A_112 {strides = array<i32>} : memref<4096xf32, #tpu.memory_space<vmem>>, vector<16xf32>,
    } {sc.loop_unroll_factor = 8 : i64, sc.parallel_access}
    %add3A_73 = arith.constant 36864 : i32
    %add3A_74 = arith.addi %mul3A_24, %add3A_73 : i32
    "tpu.region"() ({
      %run_scoped3A = tpu.sem_alloc : memref<!tpu.dma_semaphore, #tpu.memory_space<semaphore_mem>>
      %dma_start3A_105 = tpu.memref_slice %arg4[%add3A_74] : memref<2097152xf32, #tpu.memory_space<hbm>> -> memref<4096xf32, #tpu.memory_space<hbm>>
      %dma_start3A_106 = tpu.memref_slice %arg4[%add3A_74] : memref<2097152xf32, #tpu.memory_space<hbm>> -> memref<4096xf32, #tpu.memory_space<hbm>>
      tpu.enqueue_dma source(%arg7 : memref<4096xf32, #tpu.memory_space<vmem>>) target(%dma_start3A_106 : memref<4096xf32, #tpu.memory_space<hbm>>) target_semaphore(%run_scoped3A : memref<!tpu.dma_semaphore, #tpu.memory_space<semaphore_mem>>)
      %dma_wait3A = tpu.memref_slice %arg4[%add3A_74] : memref<2097152xf32, #tpu.memory_space<hbm>> -> memref<4096xf32, #tpu.memory_space<hbm>>
      %dma_wait3A_107 = tpu.memref_slice %arg4[%add3A_74] : memref<2097152xf32, #tpu.memory_space<hbm>> -> memref<4096xf32, #tpu.memory_space<hbm>>
      tpu.wait_dma2 semaphore(%run_scoped3A : memref<!tpu.dma_semaphore, #tpu.memory_space<semaphore_mem>>) src(%arg7 : memref<4096xf32, #tpu.memory_space<vmem>>) dst(%dma_wait3A_107 : memref<4096xf32, #tpu.memory_space<hbm>>)
      tpu.yield
    }) : () -> ()
    %parallel_loop3A_75 = arith.constant 0 : i32
    %parallel_loop3A_76 = arith.constant 256 : i32
    %parallel_loop3A_77 = arith.constant 1 : i32
    scf.for %parallel_loop3A_105 = %parallel_loop3A_75 to %parallel_loop3A_76 step %parallel_loop3A_77  : i32 {
      %parallel_loop3A_106 = arith.constant 16 : i32
      %parallel_loop3A_107 = arith.muli %parallel_loop3A_105, %parallel_loop3A_106 : i32
      %parallel_loop3A_108 = arith.constant 40970 : i32
      %parallel_loop3A_109 = arith.addi %parallel_loop3A_108, %parallel_loop3A_107 : i32
      %parallel_loop3A_110 = vector.broadcast %parallel_loop3A_109 : i32 to vector<16xi32>
      %parallel_loop3A_111 = arith.addi %iota3A, %parallel_loop3A_110 : vector<16xi32>
      %parallel_loop3A_112 = tpu.vector_load_idx %arg10[%parallel_loop3A_111] : memref<65552xf32, #tpu.memory_space<vmem>>[vector<16xi32>], vector<16xf32>,
      %parallel_loop3A_113 = arith.constant 16 : i32
      %parallel_loop3A_114 = arith.muli %parallel_loop3A_105, %parallel_loop3A_113 : i32
      %parallel_loop3A_115 = arith.index_cast %parallel_loop3A_114 : i32 to index
      %parallel_loop3A_116 = tpu.vector_load %arg7[%parallel_loop3A_115] {strides = array<i32>} : memref<4096xf32, #tpu.memory_space<vmem>>, vector<16xf32>,
      tpu.vector_store %arg7[%parallel_loop3A_115], %parallel_loop3A_112 {strides = array<i32>} : memref<4096xf32, #tpu.memory_space<vmem>>, vector<16xf32>,
    } {sc.loop_unroll_factor = 8 : i64, sc.parallel_access}
    %add3A_78 = arith.constant 40960 : i32
    %add3A_79 = arith.addi %mul3A_24, %add3A_78 : i32
    "tpu.region"() ({
      %run_scoped3A = tpu.sem_alloc : memref<!tpu.dma_semaphore, #tpu.memory_space<semaphore_mem>>
      %dma_start3A_105 = tpu.memref_slice %arg4[%add3A_79] : memref<2097152xf32, #tpu.memory_space<hbm>> -> memref<4096xf32, #tpu.memory_space<hbm>>
      %dma_start3A_106 = tpu.memref_slice %arg4[%add3A_79] : memref<2097152xf32, #tpu.memory_space<hbm>> -> memref<4096xf32, #tpu.memory_space<hbm>>
      tpu.enqueue_dma source(%arg7 : memref<4096xf32, #tpu.memory_space<vmem>>) target(%dma_start3A_106 : memref<4096xf32, #tpu.memory_space<hbm>>) target_semaphore(%run_scoped3A : memref<!tpu.dma_semaphore, #tpu.memory_space<semaphore_mem>>)
      %dma_wait3A = tpu.memref_slice %arg4[%add3A_79] : memref<2097152xf32, #tpu.memory_space<hbm>> -> memref<4096xf32, #tpu.memory_space<hbm>>
      %dma_wait3A_107 = tpu.memref_slice %arg4[%add3A_79] : memref<2097152xf32, #tpu.memory_space<hbm>> -> memref<4096xf32, #tpu.memory_space<hbm>>
      tpu.wait_dma2 semaphore(%run_scoped3A : memref<!tpu.dma_semaphore, #tpu.memory_space<semaphore_mem>>) src(%arg7 : memref<4096xf32, #tpu.memory_space<vmem>>) dst(%dma_wait3A_107 : memref<4096xf32, #tpu.memory_space<hbm>>)
      tpu.yield
    }) : () -> ()
    %parallel_loop3A_80 = arith.constant 0 : i32
    %parallel_loop3A_81 = arith.constant 256 : i32
    %parallel_loop3A_82 = arith.constant 1 : i32
    scf.for %parallel_loop3A_105 = %parallel_loop3A_80 to %parallel_loop3A_81 step %parallel_loop3A_82  : i32 {
      %parallel_loop3A_106 = arith.constant 16 : i32
      %parallel_loop3A_107 = arith.muli %parallel_loop3A_105, %parallel_loop3A_106 : i32
      %parallel_loop3A_108 = arith.constant 45067 : i32
      %parallel_loop3A_109 = arith.addi %parallel_loop3A_108, %parallel_loop3A_107 : i32
      %parallel_loop3A_110 = vector.broadcast %parallel_loop3A_109 : i32 to vector<16xi32>
      %parallel_loop3A_111 = arith.addi %iota3A, %parallel_loop3A_110 : vector<16xi32>
      %parallel_loop3A_112 = tpu.vector_load_idx %arg10[%parallel_loop3A_111] : memref<65552xf32, #tpu.memory_space<vmem>>[vector<16xi32>], vector<16xf32>,
      %parallel_loop3A_113 = arith.constant 16 : i32
      %parallel_loop3A_114 = arith.muli %parallel_loop3A_105, %parallel_loop3A_113 : i32
      %parallel_loop3A_115 = arith.index_cast %parallel_loop3A_114 : i32 to index
      %parallel_loop3A_116 = tpu.vector_load %arg7[%parallel_loop3A_115] {strides = array<i32>} : memref<4096xf32, #tpu.memory_space<vmem>>, vector<16xf32>,
      tpu.vector_store %arg7[%parallel_loop3A_115], %parallel_loop3A_112 {strides = array<i32>} : memref<4096xf32, #tpu.memory_space<vmem>>, vector<16xf32>,
    } {sc.loop_unroll_factor = 8 : i64, sc.parallel_access}
    %add3A_83 = arith.constant 45056 : i32
    %add3A_84 = arith.addi %mul3A_24, %add3A_83 : i32
    "tpu.region"() ({
      %run_scoped3A = tpu.sem_alloc : memref<!tpu.dma_semaphore, #tpu.memory_space<semaphore_mem>>
      %dma_start3A_105 = tpu.memref_slice %arg4[%add3A_84] : memref<2097152xf32, #tpu.memory_space<hbm>> -> memref<4096xf32, #tpu.memory_space<hbm>>
      %dma_start3A_106 = tpu.memref_slice %arg4[%add3A_84] : memref<2097152xf32, #tpu.memory_space<hbm>> -> memref<4096xf32, #tpu.memory_space<hbm>>
      tpu.enqueue_dma source(%arg7 : memref<4096xf32, #tpu.memory_space<vmem>>) target(%dma_start3A_106 : memref<4096xf32, #tpu.memory_space<hbm>>) target_semaphore(%run_scoped3A : memref<!tpu.dma_semaphore, #tpu.memory_space<semaphore_mem>>)
      %dma_wait3A = tpu.memref_slice %arg4[%add3A_84] : memref<2097152xf32, #tpu.memory_space<hbm>> -> memref<4096xf32, #tpu.memory_space<hbm>>
      %dma_wait3A_107 = tpu.memref_slice %arg4[%add3A_84] : memref<2097152xf32, #tpu.memory_space<hbm>> -> memref<4096xf32, #tpu.memory_space<hbm>>
      tpu.wait_dma2 semaphore(%run_scoped3A : memref<!tpu.dma_semaphore, #tpu.memory_space<semaphore_mem>>) src(%arg7 : memref<4096xf32, #tpu.memory_space<vmem>>) dst(%dma_wait3A_107 : memref<4096xf32, #tpu.memory_space<hbm>>)
      tpu.yield
    }) : () -> ()
    %parallel_loop3A_85 = arith.constant 0 : i32
    %parallel_loop3A_86 = arith.constant 256 : i32
    %parallel_loop3A_87 = arith.constant 1 : i32
    scf.for %parallel_loop3A_105 = %parallel_loop3A_85 to %parallel_loop3A_86 step %parallel_loop3A_87  : i32 {
      %parallel_loop3A_106 = arith.constant 16 : i32
      %parallel_loop3A_107 = arith.muli %parallel_loop3A_105, %parallel_loop3A_106 : i32
      %parallel_loop3A_108 = arith.constant 49164 : i32
      %parallel_loop3A_109 = arith.addi %parallel_loop3A_108, %parallel_loop3A_107 : i32
      %parallel_loop3A_110 = vector.broadcast %parallel_loop3A_109 : i32 to vector<16xi32>
      %parallel_loop3A_111 = arith.addi %iota3A, %parallel_loop3A_110 : vector<16xi32>
      %parallel_loop3A_112 = tpu.vector_load_idx %arg10[%parallel_loop3A_111] : memref<65552xf32, #tpu.memory_space<vmem>>[vector<16xi32>], vector<16xf32>,
      %parallel_loop3A_113 = arith.constant 16 : i32
      %parallel_loop3A_114 = arith.muli %parallel_loop3A_105, %parallel_loop3A_113 : i32
      %parallel_loop3A_115 = arith.index_cast %parallel_loop3A_114 : i32 to index
      %parallel_loop3A_116 = tpu.vector_load %arg7[%parallel_loop3A_115] {strides = array<i32>} : memref<4096xf32, #tpu.memory_space<vmem>>, vector<16xf32>,
      tpu.vector_store %arg7[%parallel_loop3A_115], %parallel_loop3A_112 {strides = array<i32>} : memref<4096xf32, #tpu.memory_space<vmem>>, vector<16xf32>,
    } {sc.loop_unroll_factor = 8 : i64, sc.parallel_access}
    %add3A_88 = arith.constant 49152 : i32
    %add3A_89 = arith.addi %mul3A_24, %add3A_88 : i32
    "tpu.region"() ({
      %run_scoped3A = tpu.sem_alloc : memref<!tpu.dma_semaphore, #tpu.memory_space<semaphore_mem>>
      %dma_start3A_105 = tpu.memref_slice %arg4[%add3A_89] : memref<2097152xf32, #tpu.memory_space<hbm>> -> memref<4096xf32, #tpu.memory_space<hbm>>
      %dma_start3A_106 = tpu.memref_slice %arg4[%add3A_89] : memref<2097152xf32, #tpu.memory_space<hbm>> -> memref<4096xf32, #tpu.memory_space<hbm>>
      tpu.enqueue_dma source(%arg7 : memref<4096xf32, #tpu.memory_space<vmem>>) target(%dma_start3A_106 : memref<4096xf32, #tpu.memory_space<hbm>>) target_semaphore(%run_scoped3A : memref<!tpu.dma_semaphore, #tpu.memory_space<semaphore_mem>>)
      %dma_wait3A = tpu.memref_slice %arg4[%add3A_89] : memref<2097152xf32, #tpu.memory_space<hbm>> -> memref<4096xf32, #tpu.memory_space<hbm>>
      %dma_wait3A_107 = tpu.memref_slice %arg4[%add3A_89] : memref<2097152xf32, #tpu.memory_space<hbm>> -> memref<4096xf32, #tpu.memory_space<hbm>>
      tpu.wait_dma2 semaphore(%run_scoped3A : memref<!tpu.dma_semaphore, #tpu.memory_space<semaphore_mem>>) src(%arg7 : memref<4096xf32, #tpu.memory_space<vmem>>) dst(%dma_wait3A_107 : memref<4096xf32, #tpu.memory_space<hbm>>)
      tpu.yield
    }) : () -> ()
    %parallel_loop3A_90 = arith.constant 0 : i32
    %parallel_loop3A_91 = arith.constant 256 : i32
    %parallel_loop3A_92 = arith.constant 1 : i32
    scf.for %parallel_loop3A_105 = %parallel_loop3A_90 to %parallel_loop3A_91 step %parallel_loop3A_92  : i32 {
      %parallel_loop3A_106 = arith.constant 16 : i32
      %parallel_loop3A_107 = arith.muli %parallel_loop3A_105, %parallel_loop3A_106 : i32
      %parallel_loop3A_108 = arith.constant 53261 : i32
      %parallel_loop3A_109 = arith.addi %parallel_loop3A_108, %parallel_loop3A_107 : i32
      %parallel_loop3A_110 = vector.broadcast %parallel_loop3A_109 : i32 to vector<16xi32>
      %parallel_loop3A_111 = arith.addi %iota3A, %parallel_loop3A_110 : vector<16xi32>
      %parallel_loop3A_112 = tpu.vector_load_idx %arg10[%parallel_loop3A_111] : memref<65552xf32, #tpu.memory_space<vmem>>[vector<16xi32>], vector<16xf32>,
      %parallel_loop3A_113 = arith.constant 16 : i32
      %parallel_loop3A_114 = arith.muli %parallel_loop3A_105, %parallel_loop3A_113 : i32
      %parallel_loop3A_115 = arith.index_cast %parallel_loop3A_114 : i32 to index
      %parallel_loop3A_116 = tpu.vector_load %arg7[%parallel_loop3A_115] {strides = array<i32>} : memref<4096xf32, #tpu.memory_space<vmem>>, vector<16xf32>,
      tpu.vector_store %arg7[%parallel_loop3A_115], %parallel_loop3A_112 {strides = array<i32>} : memref<4096xf32, #tpu.memory_space<vmem>>, vector<16xf32>,
    } {sc.loop_unroll_factor = 8 : i64, sc.parallel_access}
    %add3A_93 = arith.constant 53248 : i32
    %add3A_94 = arith.addi %mul3A_24, %add3A_93 : i32
    "tpu.region"() ({
      %run_scoped3A = tpu.sem_alloc : memref<!tpu.dma_semaphore, #tpu.memory_space<semaphore_mem>>
      %dma_start3A_105 = tpu.memref_slice %arg4[%add3A_94] : memref<2097152xf32, #tpu.memory_space<hbm>> -> memref<4096xf32, #tpu.memory_space<hbm>>
      %dma_start3A_106 = tpu.memref_slice %arg4[%add3A_94] : memref<2097152xf32, #tpu.memory_space<hbm>> -> memref<4096xf32, #tpu.memory_space<hbm>>
      tpu.enqueue_dma source(%arg7 : memref<4096xf32, #tpu.memory_space<vmem>>) target(%dma_start3A_106 : memref<4096xf32, #tpu.memory_space<hbm>>) target_semaphore(%run_scoped3A : memref<!tpu.dma_semaphore, #tpu.memory_space<semaphore_mem>>)
      %dma_wait3A = tpu.memref_slice %arg4[%add3A_94] : memref<2097152xf32, #tpu.memory_space<hbm>> -> memref<4096xf32, #tpu.memory_space<hbm>>
      %dma_wait3A_107 = tpu.memref_slice %arg4[%add3A_94] : memref<2097152xf32, #tpu.memory_space<hbm>> -> memref<4096xf32, #tpu.memory_space<hbm>>
      tpu.wait_dma2 semaphore(%run_scoped3A : memref<!tpu.dma_semaphore, #tpu.memory_space<semaphore_mem>>) src(%arg7 : memref<4096xf32, #tpu.memory_space<vmem>>) dst(%dma_wait3A_107 : memref<4096xf32, #tpu.memory_space<hbm>>)
      tpu.yield
    }) : () -> ()
    %parallel_loop3A_95 = arith.constant 0 : i32
    %parallel_loop3A_96 = arith.constant 256 : i32
    %parallel_loop3A_97 = arith.constant 1 : i32
    scf.for %parallel_loop3A_105 = %parallel_loop3A_95 to %parallel_loop3A_96 step %parallel_loop3A_97  : i32 {
      %parallel_loop3A_106 = arith.constant 16 : i32
      %parallel_loop3A_107 = arith.muli %parallel_loop3A_105, %parallel_loop3A_106 : i32
      %parallel_loop3A_108 = arith.constant 57358 : i32
      %parallel_loop3A_109 = arith.addi %parallel_loop3A_108, %parallel_loop3A_107 : i32
      %parallel_loop3A_110 = vector.broadcast %parallel_loop3A_109 : i32 to vector<16xi32>
      %parallel_loop3A_111 = arith.addi %iota3A, %parallel_loop3A_110 : vector<16xi32>
      %parallel_loop3A_112 = tpu.vector_load_idx %arg10[%parallel_loop3A_111] : memref<65552xf32, #tpu.memory_space<vmem>>[vector<16xi32>], vector<16xf32>,
      %parallel_loop3A_113 = arith.constant 16 : i32
      %parallel_loop3A_114 = arith.muli %parallel_loop3A_105, %parallel_loop3A_113 : i32
      %parallel_loop3A_115 = arith.index_cast %parallel_loop3A_114 : i32 to index
      %parallel_loop3A_116 = tpu.vector_load %arg7[%parallel_loop3A_115] {strides = array<i32>} : memref<4096xf32, #tpu.memory_space<vmem>>, vector<16xf32>,
      tpu.vector_store %arg7[%parallel_loop3A_115], %parallel_loop3A_112 {strides = array<i32>} : memref<4096xf32, #tpu.memory_space<vmem>>, vector<16xf32>,
    } {sc.loop_unroll_factor = 8 : i64, sc.parallel_access}
    %add3A_98 = arith.constant 57344 : i32
    %add3A_99 = arith.addi %mul3A_24, %add3A_98 : i32
    "tpu.region"() ({
      %run_scoped3A = tpu.sem_alloc : memref<!tpu.dma_semaphore, #tpu.memory_space<semaphore_mem>>
      %dma_start3A_105 = tpu.memref_slice %arg4[%add3A_99] : memref<2097152xf32, #tpu.memory_space<hbm>> -> memref<4096xf32, #tpu.memory_space<hbm>>
      %dma_start3A_106 = tpu.memref_slice %arg4[%add3A_99] : memref<2097152xf32, #tpu.memory_space<hbm>> -> memref<4096xf32, #tpu.memory_space<hbm>>
      tpu.enqueue_dma source(%arg7 : memref<4096xf32, #tpu.memory_space<vmem>>) target(%dma_start3A_106 : memref<4096xf32, #tpu.memory_space<hbm>>) target_semaphore(%run_scoped3A : memref<!tpu.dma_semaphore, #tpu.memory_space<semaphore_mem>>)
      %dma_wait3A = tpu.memref_slice %arg4[%add3A_99] : memref<2097152xf32, #tpu.memory_space<hbm>> -> memref<4096xf32, #tpu.memory_space<hbm>>
      %dma_wait3A_107 = tpu.memref_slice %arg4[%add3A_99] : memref<2097152xf32, #tpu.memory_space<hbm>> -> memref<4096xf32, #tpu.memory_space<hbm>>
      tpu.wait_dma2 semaphore(%run_scoped3A : memref<!tpu.dma_semaphore, #tpu.memory_space<semaphore_mem>>) src(%arg7 : memref<4096xf32, #tpu.memory_space<vmem>>) dst(%dma_wait3A_107 : memref<4096xf32, #tpu.memory_space<hbm>>)
      tpu.yield
    }) : () -> ()
    %parallel_loop3A_100 = arith.constant 0 : i32
    %parallel_loop3A_101 = arith.constant 256 : i32
    %parallel_loop3A_102 = arith.constant 1 : i32
    scf.for %parallel_loop3A_105 = %parallel_loop3A_100 to %parallel_loop3A_101 step %parallel_loop3A_102  : i32 {
      %parallel_loop3A_106 = arith.constant 16 : i32
      %parallel_loop3A_107 = arith.muli %parallel_loop3A_105, %parallel_loop3A_106 : i32
      %parallel_loop3A_108 = arith.constant 61455 : i32
      %parallel_loop3A_109 = arith.addi %parallel_loop3A_108, %parallel_loop3A_107 : i32
      %parallel_loop3A_110 = vector.broadcast %parallel_loop3A_109 : i32 to vector<16xi32>
      %parallel_loop3A_111 = arith.addi %iota3A, %parallel_loop3A_110 : vector<16xi32>
      %parallel_loop3A_112 = tpu.vector_load_idx %arg10[%parallel_loop3A_111] : memref<65552xf32, #tpu.memory_space<vmem>>[vector<16xi32>], vector<16xf32>,
      %parallel_loop3A_113 = arith.constant 16 : i32
      %parallel_loop3A_114 = arith.muli %parallel_loop3A_105, %parallel_loop3A_113 : i32
      %parallel_loop3A_115 = arith.index_cast %parallel_loop3A_114 : i32 to index
      %parallel_loop3A_116 = tpu.vector_load %arg7[%parallel_loop3A_115] {strides = array<i32>} : memref<4096xf32, #tpu.memory_space<vmem>>, vector<16xf32>,
      tpu.vector_store %arg7[%parallel_loop3A_115], %parallel_loop3A_112 {strides = array<i32>} : memref<4096xf32, #tpu.memory_space<vmem>>, vector<16xf32>,
    } {sc.loop_unroll_factor = 8 : i64, sc.parallel_access}
    %add3A_103 = arith.constant 61440 : i32
    %add3A_104 = arith.addi %mul3A_24, %add3A_103 : i32
    "tpu.region"() ({
      %run_scoped3A = tpu.sem_alloc : memref<!tpu.dma_semaphore, #tpu.memory_space<semaphore_mem>>
      %dma_start3A_105 = tpu.memref_slice %arg4[%add3A_104] : memref<2097152xf32, #tpu.memory_space<hbm>> -> memref<4096xf32, #tpu.memory_space<hbm>>
      %dma_start3A_106 = tpu.memref_slice %arg4[%add3A_104] : memref<2097152xf32, #tpu.memory_space<hbm>> -> memref<4096xf32, #tpu.memory_space<hbm>>
      tpu.enqueue_dma source(%arg7 : memref<4096xf32, #tpu.memory_space<vmem>>) target(%dma_start3A_106 : memref<4096xf32, #tpu.memory_space<hbm>>) target_semaphore(%run_scoped3A : memref<!tpu.dma_semaphore, #tpu.memory_space<semaphore_mem>>)
      %dma_wait3A = tpu.memref_slice %arg4[%add3A_104] : memref<2097152xf32, #tpu.memory_space<hbm>> -> memref<4096xf32, #tpu.memory_space<hbm>>
      %dma_wait3A_107 = tpu.memref_slice %arg4[%add3A_104] : memref<2097152xf32, #tpu.memory_space<hbm>> -> memref<4096xf32, #tpu.memory_space<hbm>>
      tpu.wait_dma2 semaphore(%run_scoped3A : memref<!tpu.dma_semaphore, #tpu.memory_space<semaphore_mem>>) src(%arg7 : memref<4096xf32, #tpu.memory_space<vmem>>) dst(%dma_wait3A_107 : memref<4096xf32, #tpu.memory_space<hbm>>)
      tpu.yield
    }) : () -> ()
    return
  }
}

#map = affine_map<(d0, d1) -> (0, 0)>
#map1 = affine_map<(d0, d1) -> (0)>
module attributes {stable_mosaic.version = 14 : i64} {
  func.func @body(%arg0: i32, %arg1: i32, %arg2: memref<8192x256xf32, #tpu.memory_space<hbm>>, %arg3: memref<8192x256xf32, #tpu.memory_space<hbm>>, %arg4: memref<131072xi32, #tpu.memory_space<hbm>>, %arg5: memref<131072xi32, #tpu.memory_space<hbm>>, %arg6: memref<131072x256xf32, #tpu.memory_space<hbm>>, %arg7: memref<128xi32, #tpu.memory_space<vmem>>, %arg8: memref<128xi32, #tpu.memory_space<vmem>>, %arg9: memref<128x256xf32, #tpu.memory_space<vmem>>, %arg10: memref<128x256xf32, #tpu.memory_space<vmem>>, %arg11: memref<!tpu.dma_semaphore, #tpu.memory_space<semaphore_mem>>, %arg12: memref<!tpu.dma_semaphore, #tpu.memory_space<semaphore_mem>>) attributes {dimension_semantics = [#tpu.dimension_semantics<core_parallel>, #tpu.dimension_semantics<subcore_parallel>], iteration_bounds = array<i64: 2, 16>, scalar_prefetch = 0 : i64, scratch_operands = 6 : i64, tpu.core_type = #tpu.core_type<sc_vector_subcore>, window_params = [{transform_indices = #map}, {transform_indices = #map}, {transform_indices = #map1}, {transform_indices = #map1}, {transform_indices = #map}]} {
    %mul3A = arith.constant 2 : i32
    %mul3A_0 = arith.muli %arg1, %mul3A : i32
    %add3A = arith.addi %mul3A_0, %arg0 : i32
    %mul3A_1 = arith.constant 4096 : i32
    %mul3A_2 = arith.muli %add3A, %mul3A_1 : i32
    %scan3A = arith.constant 0 : i32
    %scan3A_3 = arith.constant 0 : i32
    %scan3A_4 = arith.constant 32 : i32
    %scan3A_5 = arith.addi %scan3A_3, %scan3A_4 : i32
    %scan3A_6 = arith.constant 1 : i32
    scf.for %scan3A_8 = %scan3A_3 to %scan3A_5 step %scan3A_6  : i32 {
      %mul3A_9 = arith.constant 128 : i32
      %mul3A_10 = arith.muli %scan3A_8, %mul3A_9 : i32
      %add3A_11 = arith.addi %mul3A_2, %mul3A_10 : i32
      "tpu.region"() ({
        %run_scoped3A = tpu.sem_alloc : memref<!tpu.dma_semaphore, #tpu.memory_space<semaphore_mem>>
        %dma_start3A_24 = tpu.memref_slice %arg4[%add3A_11] : memref<131072xi32, #tpu.memory_space<hbm>> -> memref<128xi32, #tpu.memory_space<hbm>>
        %dma_start3A_25 = tpu.memref_slice %arg4[%add3A_11] : memref<131072xi32, #tpu.memory_space<hbm>> -> memref<128xi32, #tpu.memory_space<hbm>>
        tpu.enqueue_dma source(%dma_start3A_25 : memref<128xi32, #tpu.memory_space<hbm>>) target(%arg7 : memref<128xi32, #tpu.memory_space<vmem>>) target_semaphore(%run_scoped3A : memref<!tpu.dma_semaphore, #tpu.memory_space<semaphore_mem>>)
        %dma_wait3A_26 = tpu.memref_slice %arg4[%add3A_11] : memref<131072xi32, #tpu.memory_space<hbm>> -> memref<128xi32, #tpu.memory_space<hbm>>
        %dma_wait3A_27 = tpu.memref_slice %arg4[%add3A_11] : memref<131072xi32, #tpu.memory_space<hbm>> -> memref<128xi32, #tpu.memory_space<hbm>>
        tpu.wait_dma2 semaphore(%run_scoped3A : memref<!tpu.dma_semaphore, #tpu.memory_space<semaphore_mem>>) src(%dma_wait3A_27 : memref<128xi32, #tpu.memory_space<hbm>>) dst(%arg7 : memref<128xi32, #tpu.memory_space<vmem>>)
        tpu.yield
      }) : () -> ()
      "tpu.region"() ({
        %run_scoped3A = tpu.sem_alloc : memref<!tpu.dma_semaphore, #tpu.memory_space<semaphore_mem>>
        %dma_start3A_24 = tpu.memref_slice %arg5[%add3A_11] : memref<131072xi32, #tpu.memory_space<hbm>> -> memref<128xi32, #tpu.memory_space<hbm>>
        %dma_start3A_25 = tpu.memref_slice %arg5[%add3A_11] : memref<131072xi32, #tpu.memory_space<hbm>> -> memref<128xi32, #tpu.memory_space<hbm>>
        tpu.enqueue_dma source(%dma_start3A_25 : memref<128xi32, #tpu.memory_space<hbm>>) target(%arg8 : memref<128xi32, #tpu.memory_space<vmem>>) target_semaphore(%run_scoped3A : memref<!tpu.dma_semaphore, #tpu.memory_space<semaphore_mem>>)
        %dma_wait3A_26 = tpu.memref_slice %arg5[%add3A_11] : memref<131072xi32, #tpu.memory_space<hbm>> -> memref<128xi32, #tpu.memory_space<hbm>>
        %dma_wait3A_27 = tpu.memref_slice %arg5[%add3A_11] : memref<131072xi32, #tpu.memory_space<hbm>> -> memref<128xi32, #tpu.memory_space<hbm>>
        tpu.wait_dma2 semaphore(%run_scoped3A : memref<!tpu.dma_semaphore, #tpu.memory_space<semaphore_mem>>) src(%dma_wait3A_27 : memref<128xi32, #tpu.memory_space<hbm>>) dst(%arg8 : memref<128xi32, #tpu.memory_space<vmem>>)
        tpu.yield
      }) : () -> ()
      %dma_start3A = arith.constant 0 : i32
      %dma_start3A_12 = arith.constant 0 : i32
      %dma_start3A_13 = tpu.memref_slice %arg2[%dma_start3A, %dma_start3A_12] : memref<8192x256xf32, #tpu.memory_space<hbm>> -> memref<8192x256xf32, #tpu.memory_space<hbm>>
      tpu.enqueue_indirect_dma source(%dma_start3A_13 : memref<8192x256xf32, #tpu.memory_space<hbm>>) target(%arg9 : memref<128x256xf32, #tpu.memory_space<vmem>>) offsets(%arg7 : memref<128xi32, #tpu.memory_space<vmem>>) semaphore(%arg11 : memref<!tpu.dma_semaphore, #tpu.memory_space<semaphore_mem>>)
      %dma_start3A_14 = arith.constant 0 : i32
      %dma_start3A_15 = arith.constant 0 : i32
      %dma_start3A_16 = tpu.memref_slice %arg3[%dma_start3A_14, %dma_start3A_15] : memref<8192x256xf32, #tpu.memory_space<hbm>> -> memref<8192x256xf32, #tpu.memory_space<hbm>>
      tpu.enqueue_indirect_dma source(%dma_start3A_16 : memref<8192x256xf32, #tpu.memory_space<hbm>>) target(%arg10 : memref<128x256xf32, #tpu.memory_space<vmem>>) offsets(%arg8 : memref<128xi32, #tpu.memory_space<vmem>>) semaphore(%arg12 : memref<!tpu.dma_semaphore, #tpu.memory_space<semaphore_mem>>)
      %dma_wait3A = arith.constant 0 : i32
      %dma_wait3A_17 = arith.constant 0 : i32
      %dma_wait3A_18 = tpu.memref_slice %arg2[%dma_wait3A, %dma_wait3A_17] : memref<8192x256xf32, #tpu.memory_space<hbm>> -> memref<8192x256xf32, #tpu.memory_space<hbm>>
      tpu.wait_indirect_dma semaphore(%arg11 : memref<!tpu.dma_semaphore, #tpu.memory_space<semaphore_mem>>) src(%dma_wait3A_18 : memref<8192x256xf32, #tpu.memory_space<hbm>>) dst(%arg9 : memref<128x256xf32, #tpu.memory_space<vmem>>)
      %dma_wait3A_19 = arith.constant 0 : i32
      %dma_wait3A_20 = arith.constant 0 : i32
      %dma_wait3A_21 = tpu.memref_slice %arg3[%dma_wait3A_19, %dma_wait3A_20] : memref<8192x256xf32, #tpu.memory_space<hbm>> -> memref<8192x256xf32, #tpu.memory_space<hbm>>
      tpu.wait_indirect_dma semaphore(%arg12 : memref<!tpu.dma_semaphore, #tpu.memory_space<semaphore_mem>>) src(%dma_wait3A_21 : memref<8192x256xf32, #tpu.memory_space<hbm>>) dst(%arg10 : memref<128x256xf32, #tpu.memory_space<vmem>>)
      %parallel_loop3A = arith.constant 0 : i32
      %parallel_loop3A_22 = arith.constant 2048 : i32
      %parallel_loop3A_23 = arith.constant 1 : i32
      scf.for %parallel_loop3A_24 = %parallel_loop3A to %parallel_loop3A_22 step %parallel_loop3A_23  : i32 {
        %parallel_loop3A_25 = arith.constant 16 : i32
        %parallel_loop3A_26 = arith.divsi %parallel_loop3A_24, %parallel_loop3A_25 : i32
        %parallel_loop3A_27 = arith.constant 0 : i32
        %parallel_loop3A_28 = arith.cmpi sgt, %parallel_loop3A_24, %parallel_loop3A_27 : i32
        %parallel_loop3A_29 = arith.extui %parallel_loop3A_28 : i1 to i32
        %parallel_loop3A_30 = arith.constant 0 : i32
        %parallel_loop3A_31 = arith.cmpi slt, %parallel_loop3A_24, %parallel_loop3A_30 : i32
        %parallel_loop3A_32 = arith.extui %parallel_loop3A_31 : i1 to i32
        %parallel_loop3A_33 = arith.subi %parallel_loop3A_29, %parallel_loop3A_32 : i32
        %parallel_loop3A_34 = arith.constant 0 : i32
        %parallel_loop3A_35 = arith.cmpi sgt, %parallel_loop3A_25, %parallel_loop3A_34 : i32
        %parallel_loop3A_36 = arith.extui %parallel_loop3A_35 : i1 to i32
        %parallel_loop3A_37 = arith.constant 0 : i32
        %parallel_loop3A_38 = arith.cmpi slt, %parallel_loop3A_25, %parallel_loop3A_37 : i32
        %parallel_loop3A_39 = arith.extui %parallel_loop3A_38 : i1 to i32
        %parallel_loop3A_40 = arith.subi %parallel_loop3A_36, %parallel_loop3A_39 : i32
        %parallel_loop3A_41 = arith.cmpi ne, %parallel_loop3A_33, %parallel_loop3A_40 : i32
        %parallel_loop3A_42 = arith.remsi %parallel_loop3A_24, %parallel_loop3A_25 : i32
        %parallel_loop3A_43 = arith.constant 0 : i32
        %parallel_loop3A_44 = arith.cmpi ne, %parallel_loop3A_42, %parallel_loop3A_43 : i32
        %parallel_loop3A_45 = arith.andi %parallel_loop3A_41, %parallel_loop3A_44 : i1
        %parallel_loop3A_46 = arith.constant 1 : i32
        %parallel_loop3A_47 = arith.subi %parallel_loop3A_26, %parallel_loop3A_46 : i32
        %parallel_loop3A_48 = arith.select %parallel_loop3A_45, %parallel_loop3A_47, %parallel_loop3A_26 : i32
        %parallel_loop3A_49 = arith.constant 16 : i32
        %parallel_loop3A_50 = arith.constant 0 : i32
        %parallel_loop3A_51 = arith.cmpi eq, %parallel_loop3A_49, %parallel_loop3A_50 : i32
        %parallel_loop3A_52 = arith.constant 1 : i32
        %parallel_loop3A_53 = arith.select %parallel_loop3A_51, %parallel_loop3A_52, %parallel_loop3A_49 : i32
        %parallel_loop3A_54 = arith.remsi %parallel_loop3A_24, %parallel_loop3A_53 : i32
        %parallel_loop3A_55 = arith.constant 0 : i32
        %parallel_loop3A_56 = arith.cmpi ne, %parallel_loop3A_54, %parallel_loop3A_55 : i32
        %parallel_loop3A_57 = arith.constant 0 : i32
        %parallel_loop3A_58 = arith.cmpi slt, %parallel_loop3A_54, %parallel_loop3A_57 : i32
        %parallel_loop3A_59 = arith.constant 0 : i32
        %parallel_loop3A_60 = arith.cmpi slt, %parallel_loop3A_53, %parallel_loop3A_59 : i32
        %parallel_loop3A_61 = arith.xori %parallel_loop3A_58, %parallel_loop3A_60 : i1
        %parallel_loop3A_62 = arith.andi %parallel_loop3A_61, %parallel_loop3A_56 : i1
        %parallel_loop3A_63 = arith.addi %parallel_loop3A_54, %parallel_loop3A_53 : i32
        %parallel_loop3A_64 = arith.select %parallel_loop3A_62, %parallel_loop3A_63, %parallel_loop3A_54 : i32
        %parallel_loop3A_65 = arith.constant 16 : i32
        %parallel_loop3A_66 = arith.muli %parallel_loop3A_64, %parallel_loop3A_65 : i32
        %parallel_loop3A_67 = arith.index_cast %parallel_loop3A_48 : i32 to index
        %parallel_loop3A_68 = arith.index_cast %parallel_loop3A_66 : i32 to index
        %parallel_loop3A_69 = tpu.vector_load %arg9[%parallel_loop3A_67, %parallel_loop3A_68] {strides = array<i32>} : memref<128x256xf32, #tpu.memory_space<vmem>>, vector<16xf32>,
        %parallel_loop3A_70 = arith.index_cast %parallel_loop3A_48 : i32 to index
        %parallel_loop3A_71 = arith.index_cast %parallel_loop3A_66 : i32 to index
        %parallel_loop3A_72 = tpu.vector_load %arg10[%parallel_loop3A_70, %parallel_loop3A_71] {strides = array<i32>} : memref<128x256xf32, #tpu.memory_space<vmem>>, vector<16xf32>,
        %parallel_loop3A_73 = arith.addf %parallel_loop3A_69, %parallel_loop3A_72 : vector<16xf32>
        %parallel_loop3A_74 = arith.index_cast %parallel_loop3A_48 : i32 to index
        %parallel_loop3A_75 = arith.index_cast %parallel_loop3A_66 : i32 to index
        %parallel_loop3A_76 = tpu.vector_load %arg9[%parallel_loop3A_74, %parallel_loop3A_75] {strides = array<i32>} : memref<128x256xf32, #tpu.memory_space<vmem>>, vector<16xf32>,
        tpu.vector_store %arg9[%parallel_loop3A_74, %parallel_loop3A_75], %parallel_loop3A_73 {strides = array<i32>} : memref<128x256xf32, #tpu.memory_space<vmem>>, vector<16xf32>,
      } {sc.loop_unroll_factor = 8 : i64, sc.parallel_access}
      "tpu.region"() ({
        %run_scoped3A = tpu.sem_alloc : memref<!tpu.dma_semaphore, #tpu.memory_space<semaphore_mem>>
        %dma_start3A_24 = arith.constant 0 : i32
        %dma_start3A_25 = tpu.memref_slice %arg6[%add3A_11, %dma_start3A_24] : memref<131072x256xf32, #tpu.memory_space<hbm>> -> memref<128x256xf32, #tpu.memory_space<hbm>>
        %dma_start3A_26 = arith.constant 0 : i32
        %dma_start3A_27 = tpu.memref_slice %arg6[%add3A_11, %dma_start3A_26] : memref<131072x256xf32, #tpu.memory_space<hbm>> -> memref<128x256xf32, #tpu.memory_space<hbm>>
        tpu.enqueue_dma source(%arg9 : memref<128x256xf32, #tpu.memory_space<vmem>>) target(%dma_start3A_27 : memref<128x256xf32, #tpu.memory_space<hbm>>) target_semaphore(%run_scoped3A : memref<!tpu.dma_semaphore, #tpu.memory_space<semaphore_mem>>)
        %dma_wait3A_28 = arith.constant 0 : i32
        %dma_wait3A_29 = tpu.memref_slice %arg6[%add3A_11, %dma_wait3A_28] : memref<131072x256xf32, #tpu.memory_space<hbm>> -> memref<128x256xf32, #tpu.memory_space<hbm>>
        %dma_wait3A_30 = arith.constant 0 : i32
        %dma_wait3A_31 = tpu.memref_slice %arg6[%add3A_11, %dma_wait3A_30] : memref<131072x256xf32, #tpu.memory_space<hbm>> -> memref<128x256xf32, #tpu.memory_space<hbm>>
        tpu.wait_dma2 semaphore(%run_scoped3A : memref<!tpu.dma_semaphore, #tpu.memory_space<semaphore_mem>>) src(%arg9 : memref<128x256xf32, #tpu.memory_space<vmem>>) dst(%dma_wait3A_31 : memref<128x256xf32, #tpu.memory_space<hbm>>)
        tpu.yield
      }) : () -> ()
    }
    %scan3A_7 = arith.constant 32 : i32
    return
  }
}

module attributes {stable_mosaic.version = 14 : i64} {
  func.func @_proj_body(%arg0: i32, %arg1: i32, %arg2: memref<1x512x256xf32, #tpu.memory_space<vmem>>, %arg3: memref<256x256xf32, #tpu.memory_space<vmem>>, %arg4: memref<256x256xf32, #tpu.memory_space<vmem>>, %arg5: memref<1x512x256xf32, #tpu.memory_space<vmem>>, %arg6: memref<1x512x256xf32, #tpu.memory_space<vmem>>) attributes {dimension_semantics = [#tpu.dimension_semantics<arbitrary>, #tpu.dimension_semantics<arbitrary>], iteration_bounds = array<i64: 4, 4>, scalar_prefetch = 0 : i64, scratch_operands = 0 : i64, tpu.core_type = #tpu.core_type<tc>, window_params = [{transform_indices = @transform_0, window_bounds = array<i64: 1, 512, 256>}, {pipeline_mode = #tpu.pipeline_mode<synchronous>, transform_indices = @transform_1, window_bounds = array<i64: 256, 256>}, {pipeline_mode = #tpu.pipeline_mode<synchronous>, transform_indices = @transform_2, window_bounds = array<i64: 256, 256>}, {transform_indices = @transform_3, window_bounds = array<i64: 1, 512, 256>}, {transform_indices = @transform_4, window_bounds = array<i64: 1, 512, 256>}]} {
    %get3A = arith.constant 0 : index
    %get3A_0 = arith.constant 0 : index
    %get3A_1 = arith.constant 0 : index
    %get3A_2 = vector.load %arg2[%get3A, %get3A_0, %get3A_1] : memref<1x512x256xf32, #tpu.memory_space<vmem>>, vector<1x512x256xf32>
    %get3A_3 = vector.shape_cast %get3A_2 : vector<1x512x256xf32> to vector<512x256xf32>
    %get3A_4 = arith.constant 0 : index
    %get3A_5 = arith.constant 0 : index
    %get3A_6 = vector.load %arg3[%get3A_4, %get3A_5] : memref<256x256xf32, #tpu.memory_space<vmem>>, vector<256x256xf32>
    %dot_general3A = arith.constant dense<0.000000e+00> : vector<512x256xf32>
    %dot_general3A_7 = tpu.matmul %get3A_3, %get3A_6, %dot_general3A {dimension_numbers = #tpu.dot_dimension_numbers<[1], [0], [0], [1], [0, 0, 1, 1], [], []>, transpose_lhs_hint = false} : vector<512x256xf32>, vector<256x256xf32>, vector<512x256xf32> -> vector<512x256xf32>
    %swap3A = arith.constant 0 : index
    %swap3A_8 = arith.constant 0 : index
    %swap3A_9 = arith.constant 0 : index
    %swap3A_10 = vector.load %arg5[%swap3A, %swap3A_8, %swap3A_9] : memref<1x512x256xf32, #tpu.memory_space<vmem>>, vector<1x512x256xf32>
    %swap3A_11 = vector.shape_cast %swap3A_10 : vector<1x512x256xf32> to vector<512x256xf32>
    %swap3A_12 = vector.shape_cast %dot_general3A_7 : vector<512x256xf32> to vector<1x512x256xf32>
    tpu.vector_store %arg5[%swap3A, %swap3A_8, %swap3A_9], %swap3A_12 {strides = array<i32>} : memref<1x512x256xf32, #tpu.memory_space<vmem>>, vector<1x512x256xf32>,
    %get3A_13 = arith.constant 0 : index
    %get3A_14 = arith.constant 0 : index
    %get3A_15 = vector.load %arg4[%get3A_13, %get3A_14] : memref<256x256xf32, #tpu.memory_space<vmem>>, vector<256x256xf32>
    %dot_general3A_16 = arith.constant dense<0.000000e+00> : vector<512x256xf32>
    %dot_general3A_17 = tpu.matmul %get3A_3, %get3A_15, %dot_general3A_16 {dimension_numbers = #tpu.dot_dimension_numbers<[1], [0], [0], [1], [0, 0, 1, 1], [], []>, transpose_lhs_hint = false} : vector<512x256xf32>, vector<256x256xf32>, vector<512x256xf32> -> vector<512x256xf32>
    %swap3A_18 = arith.constant 0 : index
    %swap3A_19 = arith.constant 0 : index
    %swap3A_20 = arith.constant 0 : index
    %swap3A_21 = vector.load %arg6[%swap3A_18, %swap3A_19, %swap3A_20] : memref<1x512x256xf32, #tpu.memory_space<vmem>>, vector<1x512x256xf32>
    %swap3A_22 = vector.shape_cast %swap3A_21 : vector<1x512x256xf32> to vector<512x256xf32>
    %swap3A_23 = vector.shape_cast %dot_general3A_17 : vector<512x256xf32> to vector<1x512x256xf32>
    tpu.vector_store %arg6[%swap3A_18, %swap3A_19, %swap3A_20], %swap3A_23 {strides = array<i32>} : memref<1x512x256xf32, #tpu.memory_space<vmem>>, vector<1x512x256xf32>,
    return
  }
  func.func @transform_0(%arg0: i32, %arg1: i32) -> (i32, i32, i32) {
    %c0_i32 = arith.constant 0 : i32
    %c0_i32_0 = arith.constant 0 : i32
    return %arg0, %arg1, %c0_i32 : i32, i32, i32
  }
  func.func @transform_1(%arg0: i32, %arg1: i32) -> (i32, i32) {
    %c0_i32 = arith.constant 0 : i32
    %c0_i32_0 = arith.constant 0 : i32
    %c0_i32_1 = arith.constant 0 : i32
    return %c0_i32, %c0_i32_0 : i32, i32
  }
  func.func @transform_2(%arg0: i32, %arg1: i32) -> (i32, i32) {
    %c0_i32 = arith.constant 0 : i32
    %c0_i32_0 = arith.constant 0 : i32
    %c0_i32_1 = arith.constant 0 : i32
    return %c0_i32, %c0_i32_0 : i32, i32
  }
  func.func @transform_3(%arg0: i32, %arg1: i32) -> (i32, i32, i32) {
    %c0_i32 = arith.constant 0 : i32
    %c0_i32_0 = arith.constant 0 : i32
    return %arg0, %arg1, %c0_i32 : i32, i32, i32
  }
  func.func @transform_4(%arg0: i32, %arg1: i32) -> (i32, i32, i32) {
    %c0_i32 = arith.constant 0 : i32
    %c0_i32_0 = arith.constant 0 : i32
    return %arg0, %arg1, %c0_i32 : i32, i32, i32
  }
}

module attributes {stable_mosaic.version = 14 : i64} {
  func.func @_edge_body(%arg0: i32, %arg1: memref<1024x256xf32, #tpu.memory_space<vmem>>, %arg2: memref<1024x16xf32, #tpu.memory_space<vmem>>, %arg3: memref<1024x1xf32, #tpu.memory_space<vmem>>, %arg4: memref<16x256xf32, #tpu.memory_space<vmem>>, %arg5: memref<1x256xf32, #tpu.memory_space<vmem>>, %arg6: memref<1x256xf32, #tpu.memory_space<vmem>>, %arg7: memref<1x256xf32, #tpu.memory_space<vmem>>, %arg8: memref<1x1xf32, #tpu.memory_space<smem>>, %arg9: memref<1x1xf32, #tpu.memory_space<smem>>, %arg10: memref<1024x256xf32, #tpu.memory_space<vmem>>, %arg11: memref<262144xf32, #tpu.memory_space<vmem>>) attributes {dimension_semantics = [#tpu.dimension_semantics<arbitrary>], iteration_bounds = array<i64: 128>, scalar_prefetch = 0 : i64, scratch_operands = 0 : i64, tpu.core_type = #tpu.core_type<tc>, window_params = [{transform_indices = @transform_0, window_bounds = array<i64: 1024, 256>}, {transform_indices = @transform_1, window_bounds = array<i64: 1024, 16>}, {transform_indices = @transform_2, window_bounds = array<i64: 1024, 1>}, {pipeline_mode = #tpu.pipeline_mode<synchronous>, transform_indices = @transform_3, window_bounds = array<i64: 16, 256>}, {pipeline_mode = #tpu.pipeline_mode<synchronous>, transform_indices = @transform_4, window_bounds = array<i64: 1, 256>}, {pipeline_mode = #tpu.pipeline_mode<synchronous>, transform_indices = @transform_5, window_bounds = array<i64: 1, 256>}, {pipeline_mode = #tpu.pipeline_mode<synchronous>, transform_indices = @transform_6, window_bounds = array<i64: 1, 256>}, {transform_indices = @transform_7, window_bounds = array<i64: 1, 1>}, {transform_indices = @transform_8, window_bounds = array<i64: 1, 1>}, {transform_indices = @transform_9, window_bounds = array<i64: 1024, 256>}, {transform_indices = @transform_10, window_bounds = array<i64: 262144>}]} {
    %get3A = arith.constant 0 : index
    %get3A_0 = arith.constant 0 : index
    %get3A_1 = vector.load %arg1[%get3A, %get3A_0] : memref<1024x256xf32, #tpu.memory_space<vmem>>, vector<1024x256xf32>
    %get3A_2 = arith.constant 0 : index
    %get3A_3 = arith.constant 0 : index
    %get3A_4 = vector.load %arg2[%get3A_2, %get3A_3] : memref<1024x16xf32, #tpu.memory_space<vmem>>, vector<1024x16xf32>
    %get3A_5 = arith.constant 0 : index
    %get3A_6 = arith.constant 0 : index
    %get3A_7 = vector.load %arg4[%get3A_5, %get3A_6] : memref<16x256xf32, #tpu.memory_space<vmem>>, vector<16x256xf32>
    %dot_general3A = arith.constant dense<0.000000e+00> : vector<1024x256xf32>
    %dot_general3A_8 = tpu.matmul %get3A_4, %get3A_7, %dot_general3A {dimension_numbers = #tpu.dot_dimension_numbers<[1], [0], [0], [1], [0, 0, 1, 1], [], []>, transpose_lhs_hint = false} : vector<1024x16xf32>, vector<16x256xf32>, vector<1024x256xf32> -> vector<1024x256xf32>
    %add3A = arith.addf %get3A_1, %dot_general3A_8 : vector<1024x256xf32>
    %get3A_9 = arith.constant 0 : index
    %get3A_10 = arith.constant 0 : index
    %get3A_11 = vector.load %arg5[%get3A_9, %get3A_10] : memref<1x256xf32, #tpu.memory_space<vmem>>, vector<1x256xf32>
    %add3A_12 = vector.broadcast %get3A_11 : vector<1x256xf32> to vector<1024x256xf32>
    %add3A_13 = arith.addf %add3A, %add3A_12 : vector<1024x256xf32>
    %mul3A = arith.constant 5.000000e-01 : f32
    %mul3A_14 = vector.broadcast %mul3A : f32 to vector<1024x256xf32>
    %mul3A_15 = arith.mulf %mul3A_14, %add3A_13 : vector<1024x256xf32>
    %mul3A_16 = arith.constant 0.707106769 : f32
    %mul3A_17 = vector.broadcast %mul3A_16 : f32 to vector<1024x256xf32>
    %mul3A_18 = arith.mulf %add3A_13, %mul3A_17 : vector<1024x256xf32>
    %erf3A = math.erf %mul3A_18 : vector<1024x256xf32>
    %add3A_19 = arith.constant 1.000000e+00 : f32
    %add3A_20 = vector.broadcast %add3A_19 : f32 to vector<1024x256xf32>
    %add3A_21 = arith.addf %add3A_20, %erf3A : vector<1024x256xf32>
    %mul3A_22 = arith.mulf %mul3A_15, %add3A_21 : vector<1024x256xf32>
    %reduce_sum3A = arith.constant dense<0.000000e+00> : vector<1024xf32>
    %reduce_sum3A_23 = vector.multi_reduction <add>, %mul3A_22, %reduce_sum3A [1] : vector<1024x256xf32> to vector<1024xf32>
    %broadcast_in_dim3A = vector.shape_cast %reduce_sum3A_23 : vector<1024xf32> to vector<1024x1xf32>
    %div3A = arith.constant 2.560000e+02 : f32
    %div3A_24 = vector.broadcast %div3A : f32 to vector<1024x1xf32>
    %div3A_25 = arith.divf %broadcast_in_dim3A, %div3A_24 : vector<1024x1xf32>
    %sub3A = vector.broadcast %div3A_25 : vector<1024x1xf32> to vector<1024x256xf32>
    %sub3A_26 = arith.subf %mul3A_22, %sub3A : vector<1024x256xf32>
    %mul3A_27 = arith.mulf %sub3A_26, %sub3A_26 : vector<1024x256xf32>
    %reduce_sum3A_28 = arith.constant dense<0.000000e+00> : vector<1024xf32>
    %reduce_sum3A_29 = vector.multi_reduction <add>, %mul3A_27, %reduce_sum3A_28 [1] : vector<1024x256xf32> to vector<1024xf32>
    %broadcast_in_dim3A_30 = vector.shape_cast %reduce_sum3A_29 : vector<1024xf32> to vector<1024x1xf32>
    %div3A_31 = arith.constant 2.560000e+02 : f32
    %div3A_32 = vector.broadcast %div3A_31 : f32 to vector<1024x1xf32>
    %div3A_33 = arith.divf %broadcast_in_dim3A_30, %div3A_32 : vector<1024x1xf32>
    %add3A_34 = arith.constant 1.000000e-03 : f32
    %add3A_35 = vector.broadcast %add3A_34 : f32 to vector<1024x1xf32>
    %add3A_36 = arith.addf %div3A_33, %add3A_35 : vector<1024x1xf32>
    %rsqrt3A = math.rsqrt %add3A_36 : vector<1024x1xf32>
    %mul3A_37 = vector.broadcast %rsqrt3A : vector<1024x1xf32> to vector<1024x256xf32>
    %mul3A_38 = arith.mulf %sub3A_26, %mul3A_37 : vector<1024x256xf32>
    %get3A_39 = arith.constant 0 : index
    %get3A_40 = arith.constant 0 : index
    %get3A_41 = vector.load %arg6[%get3A_39, %get3A_40] : memref<1x256xf32, #tpu.memory_space<vmem>>, vector<1x256xf32>
    %mul3A_42 = vector.broadcast %get3A_41 : vector<1x256xf32> to vector<1024x256xf32>
    %mul3A_43 = arith.mulf %mul3A_38, %mul3A_42 : vector<1024x256xf32>
    %get3A_44 = arith.constant 0 : index
    %get3A_45 = arith.constant 0 : index
    %get3A_46 = vector.load %arg7[%get3A_44, %get3A_45] : memref<1x256xf32, #tpu.memory_space<vmem>>, vector<1x256xf32>
    %add3A_47 = vector.broadcast %get3A_46 : vector<1x256xf32> to vector<1024x256xf32>
    %add3A_48 = arith.addf %mul3A_43, %add3A_47 : vector<1024x256xf32>
    %get3A_49 = arith.constant 0 : index
    %get3A_50 = arith.constant 0 : index
    %get3A_51 = memref.load %arg8[%get3A_49, %get3A_50] : memref<1x1xf32, #tpu.memory_space<smem>>
    %get3A_52 = arith.constant 0 : index
    %get3A_53 = arith.constant 0 : index
    %get3A_54 = memref.load %arg9[%get3A_52, %get3A_53] : memref<1x1xf32, #tpu.memory_space<smem>>
    %get3A_55 = arith.constant 0 : index
    %get3A_56 = arith.constant 0 : index
    %get3A_57 = vector.load %arg3[%get3A_55, %get3A_56] : memref<1024x1xf32, #tpu.memory_space<vmem>>, vector<1024x1xf32>
    %mul3A_58 = arith.mulf %get3A_57, %get3A_57 : vector<1024x1xf32>
    %mul3A_59 = arith.mulf %get3A_51, %get3A_51 : f32
    %div3A_60 = arith.constant 5.000000e-01 : f32
    %div3A_61 = arith.divf %div3A_60, %mul3A_59 : f32
    %mul3A_62 = vector.broadcast %div3A_61 : f32 to vector<1024x1xf32>
    %mul3A_63 = arith.mulf %mul3A_58, %mul3A_62 : vector<1024x1xf32>
    %log3A = math.log %mul3A_63 : vector<1024x1xf32>
    %mul3A_64 = vector.broadcast %get3A_54 : f32 to vector<1024x1xf32>
    %mul3A_65 = arith.mulf %mul3A_64, %log3A : vector<1024x1xf32>
    %exp3A = math.exp %mul3A_65 : vector<1024x1xf32>
    %neg3A = arith.constant 0.000000e+00 : f32
    %neg3A_66 = vector.broadcast %neg3A : f32 to vector<1024x1xf32>
    %neg3A_67 = arith.subf %neg3A_66, %exp3A : vector<1024x1xf32>
    %exp3A_68 = math.exp %neg3A_67 : vector<1024x1xf32>
    %mul3A_69 = vector.broadcast %exp3A_68 : vector<1024x1xf32> to vector<1024x256xf32>
    %mul3A_70 = arith.mulf %add3A_48, %mul3A_69 : vector<1024x256xf32>
    %swap3A = arith.constant 0 : index
    %swap3A_71 = arith.constant 0 : index
    %swap3A_72 = vector.load %arg10[%swap3A, %swap3A_71] : memref<1024x256xf32, #tpu.memory_space<vmem>>, vector<1024x256xf32>
    tpu.vector_store %arg10[%swap3A, %swap3A_71], %mul3A_70 {strides = array<i32>} : memref<1024x256xf32, #tpu.memory_space<vmem>>, vector<1024x256xf32>,
    %slice3A = vector.extract_strided_slice %mul3A_70 {offsets = [0, 0], sizes = [256, 256], strides = [1, 1]} : vector<1024x256xf32> to vector<256x256xf32>
    %transpose3A = tpu.transpose %slice3A, [1, 0] : vector<256x256xf32> -> vector<256x256xf32>
    %reshape3A = vector.shape_cast %transpose3A : vector<256x256xf32> to vector<65536xf32>
    %swap3A_73 = arith.constant 0 : index
    %swap3A_74 = vector.load %arg11[%swap3A_73] : memref<262144xf32, #tpu.memory_space<vmem>>, vector<65536xf32>
    tpu.vector_store %arg11[%swap3A_73], %reshape3A {strides = array<i32>} : memref<262144xf32, #tpu.memory_space<vmem>>, vector<65536xf32>,
    %slice3A_75 = vector.extract_strided_slice %mul3A_70 {offsets = [256, 0], sizes = [256, 256], strides = [1, 1]} : vector<1024x256xf32> to vector<256x256xf32>
    %transpose3A_76 = tpu.transpose %slice3A_75, [1, 0] : vector<256x256xf32> -> vector<256x256xf32>
    %reshape3A_77 = vector.shape_cast %transpose3A_76 : vector<256x256xf32> to vector<65536xf32>
    %swap3A_78 = arith.constant 65536 : index
    %swap3A_79 = vector.load %arg11[%swap3A_78] : memref<262144xf32, #tpu.memory_space<vmem>>, vector<65536xf32>
    tpu.vector_store %arg11[%swap3A_78], %reshape3A_77 {strides = array<i32>} : memref<262144xf32, #tpu.memory_space<vmem>>, vector<65536xf32>,
    %slice3A_80 = vector.extract_strided_slice %mul3A_70 {offsets = [512, 0], sizes = [256, 256], strides = [1, 1]} : vector<1024x256xf32> to vector<256x256xf32>
    %transpose3A_81 = tpu.transpose %slice3A_80, [1, 0] : vector<256x256xf32> -> vector<256x256xf32>
    %reshape3A_82 = vector.shape_cast %transpose3A_81 : vector<256x256xf32> to vector<65536xf32>
    %swap3A_83 = arith.constant 131072 : index
    %swap3A_84 = vector.load %arg11[%swap3A_83] : memref<262144xf32, #tpu.memory_space<vmem>>, vector<65536xf32>
    tpu.vector_store %arg11[%swap3A_83], %reshape3A_82 {strides = array<i32>} : memref<262144xf32, #tpu.memory_space<vmem>>, vector<65536xf32>,
    %slice3A_85 = vector.extract_strided_slice %mul3A_70 {offsets = [768, 0], sizes = [256, 256], strides = [1, 1]} : vector<1024x256xf32> to vector<256x256xf32>
    %transpose3A_86 = tpu.transpose %slice3A_85, [1, 0] : vector<256x256xf32> -> vector<256x256xf32>
    %reshape3A_87 = vector.shape_cast %transpose3A_86 : vector<256x256xf32> to vector<65536xf32>
    %swap3A_88 = arith.constant 196608 : index
    %swap3A_89 = vector.load %arg11[%swap3A_88] : memref<262144xf32, #tpu.memory_space<vmem>>, vector<65536xf32>
    tpu.vector_store %arg11[%swap3A_88], %reshape3A_87 {strides = array<i32>} : memref<262144xf32, #tpu.memory_space<vmem>>, vector<65536xf32>,
    return
  }
  func.func @transform_0(%arg0: i32) -> (i32, i32) {
    %c0_i32 = arith.constant 0 : i32
    %c0_i32_0 = arith.constant 0 : i32
    return %arg0, %c0_i32 : i32, i32
  }
  func.func @transform_1(%arg0: i32) -> (i32, i32) {
    %c0_i32 = arith.constant 0 : i32
    %c0_i32_0 = arith.constant 0 : i32
    return %arg0, %c0_i32 : i32, i32
  }
  func.func @transform_2(%arg0: i32) -> (i32, i32) {
    %c0_i32 = arith.constant 0 : i32
    %c0_i32_0 = arith.constant 0 : i32
    return %arg0, %c0_i32 : i32, i32
  }
  func.func @transform_3(%arg0: i32) -> (i32, i32) {
    %c0_i32 = arith.constant 0 : i32
    %c0_i32_0 = arith.constant 0 : i32
    %c0_i32_1 = arith.constant 0 : i32
    return %c0_i32, %c0_i32_0 : i32, i32
  }
  func.func @transform_4(%arg0: i32) -> (i32, i32) {
    %c0_i32 = arith.constant 0 : i32
    %c0_i32_0 = arith.constant 0 : i32
    %c0_i32_1 = arith.constant 0 : i32
    return %c0_i32, %c0_i32_0 : i32, i32
  }
  func.func @transform_5(%arg0: i32) -> (i32, i32) {
    %c0_i32 = arith.constant 0 : i32
    %c0_i32_0 = arith.constant 0 : i32
    %c0_i32_1 = arith.constant 0 : i32
    return %c0_i32, %c0_i32_0 : i32, i32
  }
  func.func @transform_6(%arg0: i32) -> (i32, i32) {
    %c0_i32 = arith.constant 0 : i32
    %c0_i32_0 = arith.constant 0 : i32
    %c0_i32_1 = arith.constant 0 : i32
    return %c0_i32, %c0_i32_0 : i32, i32
  }
  func.func @transform_7(%arg0: i32) -> (i32, i32) {
    %c0_i32 = arith.constant 0 : i32
    %c0_i32_0 = arith.constant 0 : i32
    %c0_i32_1 = arith.constant 0 : i32
    return %c0_i32, %c0_i32_0 : i32, i32
  }
  func.func @transform_8(%arg0: i32) -> (i32, i32) {
    %c0_i32 = arith.constant 0 : i32
    %c0_i32_0 = arith.constant 0 : i32
    %c0_i32_1 = arith.constant 0 : i32
    return %c0_i32, %c0_i32_0 : i32, i32
  }
  func.func @transform_9(%arg0: i32) -> (i32, i32) {
    %c0_i32 = arith.constant 0 : i32
    %c0_i32_0 = arith.constant 0 : i32
    return %arg0, %c0_i32 : i32, i32
  }
  func.func @transform_10(%arg0: i32) -> i32 {
    %c0_i32 = arith.constant 0 : i32
    return %arg0 : i32
  }
}

module attributes {stable_mosaic.version = 14 : i64} {
  func.func @_attn_body(%arg0: i32, %arg1: i32, %arg2: memref<1x256x256xf32, #tpu.memory_space<vmem>>, %arg3: memref<1x2048x256xf32, #tpu.memory_space<vmem>>, %arg4: memref<1x2048x256xf32, #tpu.memory_space<vmem>>, %arg5: memref<1x256x256xf32, #tpu.memory_space<vmem>>, %arg6: memref<256x256xf32, #tpu.memory_space<vmem>>, %arg7: memref<1x256xf32, #tpu.memory_space<vmem>>, %arg8: memref<1x256xf32, #tpu.memory_space<vmem>>, %arg9: memref<1x256xf32, #tpu.memory_space<vmem>>, %arg10: memref<1x256x256xf32, #tpu.memory_space<vmem>>) attributes {dimension_semantics = [#tpu.dimension_semantics<arbitrary>, #tpu.dimension_semantics<arbitrary>], iteration_bounds = array<i64: 4, 8>, scalar_prefetch = 0 : i64, scratch_operands = 0 : i64, tpu.core_type = #tpu.core_type<tc>, window_params = [{transform_indices = @transform_0, window_bounds = array<i64: 1, 256, 256>}, {transform_indices = @transform_1, window_bounds = array<i64: 1, 2048, 256>}, {transform_indices = @transform_2, window_bounds = array<i64: 1, 2048, 256>}, {transform_indices = @transform_3, window_bounds = array<i64: 1, 256, 256>}, {pipeline_mode = #tpu.pipeline_mode<synchronous>, transform_indices = @transform_4, window_bounds = array<i64: 256, 256>}, {pipeline_mode = #tpu.pipeline_mode<synchronous>, transform_indices = @transform_5, window_bounds = array<i64: 1, 256>}, {pipeline_mode = #tpu.pipeline_mode<synchronous>, transform_indices = @transform_6, window_bounds = array<i64: 1, 256>}, {pipeline_mode = #tpu.pipeline_mode<synchronous>, transform_indices = @transform_7, window_bounds = array<i64: 1, 256>}, {transform_indices = @transform_8, window_bounds = array<i64: 1, 256, 256>}]} {
    %get3A = arith.constant 0 : index
    %get3A_0 = arith.constant 0 : index
    %get3A_1 = arith.constant 0 : index
    %get3A_2 = vector.load %arg2[%get3A, %get3A_0, %get3A_1] : memref<1x256x256xf32, #tpu.memory_space<vmem>>, vector<1x256x256xf32>
    %get3A_3 = vector.shape_cast %get3A_2 : vector<1x256x256xf32> to vector<256x256xf32>
    %get3A_4 = arith.constant 0 : index
    %get3A_5 = arith.constant 0 : index
    %get3A_6 = arith.constant 0 : index
    %get3A_7 = vector.load %arg3[%get3A_4, %get3A_5, %get3A_6] : memref<1x2048x256xf32, #tpu.memory_space<vmem>>, vector<1x2048x256xf32>
    %get3A_8 = vector.shape_cast %get3A_7 : vector<1x2048x256xf32> to vector<2048x256xf32>
    %get3A_9 = arith.constant 0 : index
    %get3A_10 = arith.constant 0 : index
    %get3A_11 = arith.constant 0 : index
    %get3A_12 = vector.load %arg4[%get3A_9, %get3A_10, %get3A_11] : memref<1x2048x256xf32, #tpu.memory_space<vmem>>, vector<1x2048x256xf32>
    %get3A_13 = vector.shape_cast %get3A_12 : vector<1x2048x256xf32> to vector<2048x256xf32>
    %get3A_14 = arith.constant 0 : index
    %get3A_15 = arith.constant 0 : index
    %get3A_16 = arith.constant 0 : index
    %get3A_17 = vector.load %arg5[%get3A_14, %get3A_15, %get3A_16] : memref<1x256x256xf32, #tpu.memory_space<vmem>>, vector<1x256x256xf32>
    %get3A_18 = vector.shape_cast %get3A_17 : vector<1x256x256xf32> to vector<256x256xf32>
    %slice3A = vector.extract_strided_slice %get3A_3 {offsets = [0, 0], sizes = [256, 32], strides = [1, 1]} : vector<256x256xf32> to vector<256x32xf32>
    %slice3A_19 = vector.extract_strided_slice %get3A_8 {offsets = [0, 0], sizes = [2048, 32], strides = [1, 1]} : vector<2048x256xf32> to vector<2048x32xf32>
    %slice3A_20 = vector.extract_strided_slice %get3A_13 {offsets = [0, 0], sizes = [2048, 32], strides = [1, 1]} : vector<2048x256xf32> to vector<2048x32xf32>
    %dot_general3A = arith.constant dense<0.000000e+00> : vector<256x2048xf32>
    %dot_general3A_21 = tpu.matmul %slice3A, %slice3A_19, %dot_general3A {dimension_numbers = #tpu.dot_dimension_numbers<[1], [1], [0], [0], [0, 0, 1, 0], [], []>, transpose_lhs_hint = false} : vector<256x32xf32>, vector<2048x32xf32>, vector<256x2048xf32> -> vector<256x2048xf32>
    %mul3A = arith.constant 0.176776692 : f32
    %mul3A_22 = vector.broadcast %mul3A : f32 to vector<256x2048xf32>
    %mul3A_23 = arith.mulf %dot_general3A_21, %mul3A_22 : vector<256x2048xf32>
    %reduce_max3A = arith.constant dense<0xFF800000> : vector<256xf32>
    %reduce_max3A_24 = vector.multi_reduction <maximumf>, %mul3A_23, %reduce_max3A [1] : vector<256x2048xf32> to vector<256xf32>
    %broadcast_in_dim3A = vector.shape_cast %reduce_max3A_24 : vector<256xf32> to vector<256x1xf32>
    %sub3A = vector.broadcast %broadcast_in_dim3A : vector<256x1xf32> to vector<256x2048xf32>
    %sub3A_25 = arith.subf %mul3A_23, %sub3A : vector<256x2048xf32>
    %exp3A = math.exp %sub3A_25 : vector<256x2048xf32>
    %reduce_sum3A = arith.constant dense<0.000000e+00> : vector<256xf32>
    %reduce_sum3A_26 = vector.multi_reduction <add>, %exp3A, %reduce_sum3A [1] : vector<256x2048xf32> to vector<256xf32>
    %broadcast_in_dim3A_27 = vector.shape_cast %reduce_sum3A_26 : vector<256xf32> to vector<256x1xf32>
    %div3A = vector.broadcast %broadcast_in_dim3A_27 : vector<256x1xf32> to vector<256x2048xf32>
    %div3A_28 = arith.divf %exp3A, %div3A : vector<256x2048xf32>
    %dot_general3A_29 = arith.constant dense<0.000000e+00> : vector<256x32xf32>
    %dot_general3A_30 = tpu.matmul %div3A_28, %slice3A_20, %dot_general3A_29 {dimension_numbers = #tpu.dot_dimension_numbers<[1], [0], [0], [1], [0, 0, 1, 1], [], []>, transpose_lhs_hint = false} : vector<256x2048xf32>, vector<2048x32xf32>, vector<256x32xf32> -> vector<256x32xf32>
    %slice3A_31 = vector.extract_strided_slice %get3A_3 {offsets = [0, 32], sizes = [256, 32], strides = [1, 1]} : vector<256x256xf32> to vector<256x32xf32>
    %slice3A_32 = vector.extract_strided_slice %get3A_8 {offsets = [0, 32], sizes = [2048, 32], strides = [1, 1]} : vector<2048x256xf32> to vector<2048x32xf32>
    %slice3A_33 = vector.extract_strided_slice %get3A_13 {offsets = [0, 32], sizes = [2048, 32], strides = [1, 1]} : vector<2048x256xf32> to vector<2048x32xf32>
    %dot_general3A_34 = arith.constant dense<0.000000e+00> : vector<256x2048xf32>
    %dot_general3A_35 = tpu.matmul %slice3A_31, %slice3A_32, %dot_general3A_34 {dimension_numbers = #tpu.dot_dimension_numbers<[1], [1], [0], [0], [0, 0, 1, 0], [], []>, transpose_lhs_hint = false} : vector<256x32xf32>, vector<2048x32xf32>, vector<256x2048xf32> -> vector<256x2048xf32>
    %mul3A_36 = arith.constant 0.176776692 : f32
    %mul3A_37 = vector.broadcast %mul3A_36 : f32 to vector<256x2048xf32>
    %mul3A_38 = arith.mulf %dot_general3A_35, %mul3A_37 : vector<256x2048xf32>
    %reduce_max3A_39 = arith.constant dense<0xFF800000> : vector<256xf32>
    %reduce_max3A_40 = vector.multi_reduction <maximumf>, %mul3A_38, %reduce_max3A_39 [1] : vector<256x2048xf32> to vector<256xf32>
    %broadcast_in_dim3A_41 = vector.shape_cast %reduce_max3A_40 : vector<256xf32> to vector<256x1xf32>
    %sub3A_42 = vector.broadcast %broadcast_in_dim3A_41 : vector<256x1xf32> to vector<256x2048xf32>
    %sub3A_43 = arith.subf %mul3A_38, %sub3A_42 : vector<256x2048xf32>
    %exp3A_44 = math.exp %sub3A_43 : vector<256x2048xf32>
    %reduce_sum3A_45 = arith.constant dense<0.000000e+00> : vector<256xf32>
    %reduce_sum3A_46 = vector.multi_reduction <add>, %exp3A_44, %reduce_sum3A_45 [1] : vector<256x2048xf32> to vector<256xf32>
    %broadcast_in_dim3A_47 = vector.shape_cast %reduce_sum3A_46 : vector<256xf32> to vector<256x1xf32>
    %div3A_48 = vector.broadcast %broadcast_in_dim3A_47 : vector<256x1xf32> to vector<256x2048xf32>
    %div3A_49 = arith.divf %exp3A_44, %div3A_48 : vector<256x2048xf32>
    %dot_general3A_50 = arith.constant dense<0.000000e+00> : vector<256x32xf32>
    %dot_general3A_51 = tpu.matmul %div3A_49, %slice3A_33, %dot_general3A_50 {dimension_numbers = #tpu.dot_dimension_numbers<[1], [0], [0], [1], [0, 0, 1, 1], [], []>, transpose_lhs_hint = false} : vector<256x2048xf32>, vector<2048x32xf32>, vector<256x32xf32> -> vector<256x32xf32>
    %slice3A_52 = vector.extract_strided_slice %get3A_3 {offsets = [0, 64], sizes = [256, 32], strides = [1, 1]} : vector<256x256xf32> to vector<256x32xf32>
    %slice3A_53 = vector.extract_strided_slice %get3A_8 {offsets = [0, 64], sizes = [2048, 32], strides = [1, 1]} : vector<2048x256xf32> to vector<2048x32xf32>
    %slice3A_54 = vector.extract_strided_slice %get3A_13 {offsets = [0, 64], sizes = [2048, 32], strides = [1, 1]} : vector<2048x256xf32> to vector<2048x32xf32>
    %dot_general3A_55 = arith.constant dense<0.000000e+00> : vector<256x2048xf32>
    %dot_general3A_56 = tpu.matmul %slice3A_52, %slice3A_53, %dot_general3A_55 {dimension_numbers = #tpu.dot_dimension_numbers<[1], [1], [0], [0], [0, 0, 1, 0], [], []>, transpose_lhs_hint = false} : vector<256x32xf32>, vector<2048x32xf32>, vector<256x2048xf32> -> vector<256x2048xf32>
    %mul3A_57 = arith.constant 0.176776692 : f32
    %mul3A_58 = vector.broadcast %mul3A_57 : f32 to vector<256x2048xf32>
    %mul3A_59 = arith.mulf %dot_general3A_56, %mul3A_58 : vector<256x2048xf32>
    %reduce_max3A_60 = arith.constant dense<0xFF800000> : vector<256xf32>
    %reduce_max3A_61 = vector.multi_reduction <maximumf>, %mul3A_59, %reduce_max3A_60 [1] : vector<256x2048xf32> to vector<256xf32>
    %broadcast_in_dim3A_62 = vector.shape_cast %reduce_max3A_61 : vector<256xf32> to vector<256x1xf32>
    %sub3A_63 = vector.broadcast %broadcast_in_dim3A_62 : vector<256x1xf32> to vector<256x2048xf32>
    %sub3A_64 = arith.subf %mul3A_59, %sub3A_63 : vector<256x2048xf32>
    %exp3A_65 = math.exp %sub3A_64 : vector<256x2048xf32>
    %reduce_sum3A_66 = arith.constant dense<0.000000e+00> : vector<256xf32>
    %reduce_sum3A_67 = vector.multi_reduction <add>, %exp3A_65, %reduce_sum3A_66 [1] : vector<256x2048xf32> to vector<256xf32>
    %broadcast_in_dim3A_68 = vector.shape_cast %reduce_sum3A_67 : vector<256xf32> to vector<256x1xf32>
    %div3A_69 = vector.broadcast %broadcast_in_dim3A_68 : vector<256x1xf32> to vector<256x2048xf32>
    %div3A_70 = arith.divf %exp3A_65, %div3A_69 : vector<256x2048xf32>
    %dot_general3A_71 = arith.constant dense<0.000000e+00> : vector<256x32xf32>
    %dot_general3A_72 = tpu.matmul %div3A_70, %slice3A_54, %dot_general3A_71 {dimension_numbers = #tpu.dot_dimension_numbers<[1], [0], [0], [1], [0, 0, 1, 1], [], []>, transpose_lhs_hint = false} : vector<256x2048xf32>, vector<2048x32xf32>, vector<256x32xf32> -> vector<256x32xf32>
    %slice3A_73 = vector.extract_strided_slice %get3A_3 {offsets = [0, 96], sizes = [256, 32], strides = [1, 1]} : vector<256x256xf32> to vector<256x32xf32>
    %slice3A_74 = vector.extract_strided_slice %get3A_8 {offsets = [0, 96], sizes = [2048, 32], strides = [1, 1]} : vector<2048x256xf32> to vector<2048x32xf32>
    %slice3A_75 = vector.extract_strided_slice %get3A_13 {offsets = [0, 96], sizes = [2048, 32], strides = [1, 1]} : vector<2048x256xf32> to vector<2048x32xf32>
    %dot_general3A_76 = arith.constant dense<0.000000e+00> : vector<256x2048xf32>
    %dot_general3A_77 = tpu.matmul %slice3A_73, %slice3A_74, %dot_general3A_76 {dimension_numbers = #tpu.dot_dimension_numbers<[1], [1], [0], [0], [0, 0, 1, 0], [], []>, transpose_lhs_hint = false} : vector<256x32xf32>, vector<2048x32xf32>, vector<256x2048xf32> -> vector<256x2048xf32>
    %mul3A_78 = arith.constant 0.176776692 : f32
    %mul3A_79 = vector.broadcast %mul3A_78 : f32 to vector<256x2048xf32>
    %mul3A_80 = arith.mulf %dot_general3A_77, %mul3A_79 : vector<256x2048xf32>
    %reduce_max3A_81 = arith.constant dense<0xFF800000> : vector<256xf32>
    %reduce_max3A_82 = vector.multi_reduction <maximumf>, %mul3A_80, %reduce_max3A_81 [1] : vector<256x2048xf32> to vector<256xf32>
    %broadcast_in_dim3A_83 = vector.shape_cast %reduce_max3A_82 : vector<256xf32> to vector<256x1xf32>
    %sub3A_84 = vector.broadcast %broadcast_in_dim3A_83 : vector<256x1xf32> to vector<256x2048xf32>
    %sub3A_85 = arith.subf %mul3A_80, %sub3A_84 : vector<256x2048xf32>
    %exp3A_86 = math.exp %sub3A_85 : vector<256x2048xf32>
    %reduce_sum3A_87 = arith.constant dense<0.000000e+00> : vector<256xf32>
    %reduce_sum3A_88 = vector.multi_reduction <add>, %exp3A_86, %reduce_sum3A_87 [1] : vector<256x2048xf32> to vector<256xf32>
    %broadcast_in_dim3A_89 = vector.shape_cast %reduce_sum3A_88 : vector<256xf32> to vector<256x1xf32>
    %div3A_90 = vector.broadcast %broadcast_in_dim3A_89 : vector<256x1xf32> to vector<256x2048xf32>
    %div3A_91 = arith.divf %exp3A_86, %div3A_90 : vector<256x2048xf32>
    %dot_general3A_92 = arith.constant dense<0.000000e+00> : vector<256x32xf32>
    %dot_general3A_93 = tpu.matmul %div3A_91, %slice3A_75, %dot_general3A_92 {dimension_numbers = #tpu.dot_dimension_numbers<[1], [0], [0], [1], [0, 0, 1, 1], [], []>, transpose_lhs_hint = false} : vector<256x2048xf32>, vector<2048x32xf32>, vector<256x32xf32> -> vector<256x32xf32>
    %slice3A_94 = vector.extract_strided_slice %get3A_3 {offsets = [0, 128], sizes = [256, 32], strides = [1, 1]} : vector<256x256xf32> to vector<256x32xf32>
    %slice3A_95 = vector.extract_strided_slice %get3A_8 {offsets = [0, 128], sizes = [2048, 32], strides = [1, 1]} : vector<2048x256xf32> to vector<2048x32xf32>
    %slice3A_96 = vector.extract_strided_slice %get3A_13 {offsets = [0, 128], sizes = [2048, 32], strides = [1, 1]} : vector<2048x256xf32> to vector<2048x32xf32>
    %dot_general3A_97 = arith.constant dense<0.000000e+00> : vector<256x2048xf32>
    %dot_general3A_98 = tpu.matmul %slice3A_94, %slice3A_95, %dot_general3A_97 {dimension_numbers = #tpu.dot_dimension_numbers<[1], [1], [0], [0], [0, 0, 1, 0], [], []>, transpose_lhs_hint = false} : vector<256x32xf32>, vector<2048x32xf32>, vector<256x2048xf32> -> vector<256x2048xf32>
    %mul3A_99 = arith.constant 0.176776692 : f32
    %mul3A_100 = vector.broadcast %mul3A_99 : f32 to vector<256x2048xf32>
    %mul3A_101 = arith.mulf %dot_general3A_98, %mul3A_100 : vector<256x2048xf32>
    %reduce_max3A_102 = arith.constant dense<0xFF800000> : vector<256xf32>
    %reduce_max3A_103 = vector.multi_reduction <maximumf>, %mul3A_101, %reduce_max3A_102 [1] : vector<256x2048xf32> to vector<256xf32>
    %broadcast_in_dim3A_104 = vector.shape_cast %reduce_max3A_103 : vector<256xf32> to vector<256x1xf32>
    %sub3A_105 = vector.broadcast %broadcast_in_dim3A_104 : vector<256x1xf32> to vector<256x2048xf32>
    %sub3A_106 = arith.subf %mul3A_101, %sub3A_105 : vector<256x2048xf32>
    %exp3A_107 = math.exp %sub3A_106 : vector<256x2048xf32>
    %reduce_sum3A_108 = arith.constant dense<0.000000e+00> : vector<256xf32>
    %reduce_sum3A_109 = vector.multi_reduction <add>, %exp3A_107, %reduce_sum3A_108 [1] : vector<256x2048xf32> to vector<256xf32>
    %broadcast_in_dim3A_110 = vector.shape_cast %reduce_sum3A_109 : vector<256xf32> to vector<256x1xf32>
    %div3A_111 = vector.broadcast %broadcast_in_dim3A_110 : vector<256x1xf32> to vector<256x2048xf32>
    %div3A_112 = arith.divf %exp3A_107, %div3A_111 : vector<256x2048xf32>
    %dot_general3A_113 = arith.constant dense<0.000000e+00> : vector<256x32xf32>
    %dot_general3A_114 = tpu.matmul %div3A_112, %slice3A_96, %dot_general3A_113 {dimension_numbers = #tpu.dot_dimension_numbers<[1], [0], [0], [1], [0, 0, 1, 1], [], []>, transpose_lhs_hint = false} : vector<256x2048xf32>, vector<2048x32xf32>, vector<256x32xf32> -> vector<256x32xf32>
    %slice3A_115 = vector.extract_strided_slice %get3A_3 {offsets = [0, 160], sizes = [256, 32], strides = [1, 1]} : vector<256x256xf32> to vector<256x32xf32>
    %slice3A_116 = vector.extract_strided_slice %get3A_8 {offsets = [0, 160], sizes = [2048, 32], strides = [1, 1]} : vector<2048x256xf32> to vector<2048x32xf32>
    %slice3A_117 = vector.extract_strided_slice %get3A_13 {offsets = [0, 160], sizes = [2048, 32], strides = [1, 1]} : vector<2048x256xf32> to vector<2048x32xf32>
    %dot_general3A_118 = arith.constant dense<0.000000e+00> : vector<256x2048xf32>
    %dot_general3A_119 = tpu.matmul %slice3A_115, %slice3A_116, %dot_general3A_118 {dimension_numbers = #tpu.dot_dimension_numbers<[1], [1], [0], [0], [0, 0, 1, 0], [], []>, transpose_lhs_hint = false} : vector<256x32xf32>, vector<2048x32xf32>, vector<256x2048xf32> -> vector<256x2048xf32>
    %mul3A_120 = arith.constant 0.176776692 : f32
    %mul3A_121 = vector.broadcast %mul3A_120 : f32 to vector<256x2048xf32>
    %mul3A_122 = arith.mulf %dot_general3A_119, %mul3A_121 : vector<256x2048xf32>
    %reduce_max3A_123 = arith.constant dense<0xFF800000> : vector<256xf32>
    %reduce_max3A_124 = vector.multi_reduction <maximumf>, %mul3A_122, %reduce_max3A_123 [1] : vector<256x2048xf32> to vector<256xf32>
    %broadcast_in_dim3A_125 = vector.shape_cast %reduce_max3A_124 : vector<256xf32> to vector<256x1xf32>
    %sub3A_126 = vector.broadcast %broadcast_in_dim3A_125 : vector<256x1xf32> to vector<256x2048xf32>
    %sub3A_127 = arith.subf %mul3A_122, %sub3A_126 : vector<256x2048xf32>
    %exp3A_128 = math.exp %sub3A_127 : vector<256x2048xf32>
    %reduce_sum3A_129 = arith.constant dense<0.000000e+00> : vector<256xf32>
    %reduce_sum3A_130 = vector.multi_reduction <add>, %exp3A_128, %reduce_sum3A_129 [1] : vector<256x2048xf32> to vector<256xf32>
    %broadcast_in_dim3A_131 = vector.shape_cast %reduce_sum3A_130 : vector<256xf32> to vector<256x1xf32>
    %div3A_132 = vector.broadcast %broadcast_in_dim3A_131 : vector<256x1xf32> to vector<256x2048xf32>
    %div3A_133 = arith.divf %exp3A_128, %div3A_132 : vector<256x2048xf32>
    %dot_general3A_134 = arith.constant dense<0.000000e+00> : vector<256x32xf32>
    %dot_general3A_135 = tpu.matmul %div3A_133, %slice3A_117, %dot_general3A_134 {dimension_numbers = #tpu.dot_dimension_numbers<[1], [0], [0], [1], [0, 0, 1, 1], [], []>, transpose_lhs_hint = false} : vector<256x2048xf32>, vector<2048x32xf32>, vector<256x32xf32> -> vector<256x32xf32>
    %slice3A_136 = vector.extract_strided_slice %get3A_3 {offsets = [0, 192], sizes = [256, 32], strides = [1, 1]} : vector<256x256xf32> to vector<256x32xf32>
    %slice3A_137 = vector.extract_strided_slice %get3A_8 {offsets = [0, 192], sizes = [2048, 32], strides = [1, 1]} : vector<2048x256xf32> to vector<2048x32xf32>
    %slice3A_138 = vector.extract_strided_slice %get3A_13 {offsets = [0, 192], sizes = [2048, 32], strides = [1, 1]} : vector<2048x256xf32> to vector<2048x32xf32>
    %dot_general3A_139 = arith.constant dense<0.000000e+00> : vector<256x2048xf32>
    %dot_general3A_140 = tpu.matmul %slice3A_136, %slice3A_137, %dot_general3A_139 {dimension_numbers = #tpu.dot_dimension_numbers<[1], [1], [0], [0], [0, 0, 1, 0], [], []>, transpose_lhs_hint = false} : vector<256x32xf32>, vector<2048x32xf32>, vector<256x2048xf32> -> vector<256x2048xf32>
    %mul3A_141 = arith.constant 0.176776692 : f32
    %mul3A_142 = vector.broadcast %mul3A_141 : f32 to vector<256x2048xf32>
    %mul3A_143 = arith.mulf %dot_general3A_140, %mul3A_142 : vector<256x2048xf32>
    %reduce_max3A_144 = arith.constant dense<0xFF800000> : vector<256xf32>
    %reduce_max3A_145 = vector.multi_reduction <maximumf>, %mul3A_143, %reduce_max3A_144 [1] : vector<256x2048xf32> to vector<256xf32>
    %broadcast_in_dim3A_146 = vector.shape_cast %reduce_max3A_145 : vector<256xf32> to vector<256x1xf32>
    %sub3A_147 = vector.broadcast %broadcast_in_dim3A_146 : vector<256x1xf32> to vector<256x2048xf32>
    %sub3A_148 = arith.subf %mul3A_143, %sub3A_147 : vector<256x2048xf32>
    %exp3A_149 = math.exp %sub3A_148 : vector<256x2048xf32>
    %reduce_sum3A_150 = arith.constant dense<0.000000e+00> : vector<256xf32>
    %reduce_sum3A_151 = vector.multi_reduction <add>, %exp3A_149, %reduce_sum3A_150 [1] : vector<256x2048xf32> to vector<256xf32>
    %broadcast_in_dim3A_152 = vector.shape_cast %reduce_sum3A_151 : vector<256xf32> to vector<256x1xf32>
    %div3A_153 = vector.broadcast %broadcast_in_dim3A_152 : vector<256x1xf32> to vector<256x2048xf32>
    %div3A_154 = arith.divf %exp3A_149, %div3A_153 : vector<256x2048xf32>
    %dot_general3A_155 = arith.constant dense<0.000000e+00> : vector<256x32xf32>
    %dot_general3A_156 = tpu.matmul %div3A_154, %slice3A_138, %dot_general3A_155 {dimension_numbers = #tpu.dot_dimension_numbers<[1], [0], [0], [1], [0, 0, 1, 1], [], []>, transpose_lhs_hint = false} : vector<256x2048xf32>, vector<2048x32xf32>, vector<256x32xf32> -> vector<256x32xf32>
    %slice3A_157 = vector.extract_strided_slice %get3A_3 {offsets = [0, 224], sizes = [256, 32], strides = [1, 1]} : vector<256x256xf32> to vector<256x32xf32>
    %slice3A_158 = vector.extract_strided_slice %get3A_8 {offsets = [0, 224], sizes = [2048, 32], strides = [1, 1]} : vector<2048x256xf32> to vector<2048x32xf32>
    %slice3A_159 = vector.extract_strided_slice %get3A_13 {offsets = [0, 224], sizes = [2048, 32], strides = [1, 1]} : vector<2048x256xf32> to vector<2048x32xf32>
    %dot_general3A_160 = arith.constant dense<0.000000e+00> : vector<256x2048xf32>
    %dot_general3A_161 = tpu.matmul %slice3A_157, %slice3A_158, %dot_general3A_160 {dimension_numbers = #tpu.dot_dimension_numbers<[1], [1], [0], [0], [0, 0, 1, 0], [], []>, transpose_lhs_hint = false} : vector<256x32xf32>, vector<2048x32xf32>, vector<256x2048xf32> -> vector<256x2048xf32>
    %mul3A_162 = arith.constant 0.176776692 : f32
    %mul3A_163 = vector.broadcast %mul3A_162 : f32 to vector<256x2048xf32>
    %mul3A_164 = arith.mulf %dot_general3A_161, %mul3A_163 : vector<256x2048xf32>
    %reduce_max3A_165 = arith.constant dense<0xFF800000> : vector<256xf32>
    %reduce_max3A_166 = vector.multi_reduction <maximumf>, %mul3A_164, %reduce_max3A_165 [1] : vector<256x2048xf32> to vector<256xf32>
    %broadcast_in_dim3A_167 = vector.shape_cast %reduce_max3A_166 : vector<256xf32> to vector<256x1xf32>
    %sub3A_168 = vector.broadcast %broadcast_in_dim3A_167 : vector<256x1xf32> to vector<256x2048xf32>
    %sub3A_169 = arith.subf %mul3A_164, %sub3A_168 : vector<256x2048xf32>
    %exp3A_170 = math.exp %sub3A_169 : vector<256x2048xf32>
    %reduce_sum3A_171 = arith.constant dense<0.000000e+00> : vector<256xf32>
    %reduce_sum3A_172 = vector.multi_reduction <add>, %exp3A_170, %reduce_sum3A_171 [1] : vector<256x2048xf32> to vector<256xf32>
    %broadcast_in_dim3A_173 = vector.shape_cast %reduce_sum3A_172 : vector<256xf32> to vector<256x1xf32>
    %div3A_174 = vector.broadcast %broadcast_in_dim3A_173 : vector<256x1xf32> to vector<256x2048xf32>
    %div3A_175 = arith.divf %exp3A_170, %div3A_174 : vector<256x2048xf32>
    %dot_general3A_176 = arith.constant dense<0.000000e+00> : vector<256x32xf32>
    %dot_general3A_177 = tpu.matmul %div3A_175, %slice3A_159, %dot_general3A_176 {dimension_numbers = #tpu.dot_dimension_numbers<[1], [0], [0], [1], [0, 0, 1, 1], [], []>, transpose_lhs_hint = false} : vector<256x2048xf32>, vector<2048x32xf32>, vector<256x32xf32> -> vector<256x32xf32>
    %concatenate3A = tpu.concatenate %dot_general3A_30, %dot_general3A_51, %dot_general3A_72, %dot_general3A_93, %dot_general3A_114, %dot_general3A_135, %dot_general3A_156, %dot_general3A_177 in 1 : vector<256x32xf32>, vector<256x32xf32>, vector<256x32xf32>, vector<256x32xf32>, vector<256x32xf32>, vector<256x32xf32>, vector<256x32xf32>, vector<256x32xf32> -> vector<256x256xf32>
    %mul3A_178 = arith.mulf %concatenate3A, %get3A_18 : vector<256x256xf32>
    %get3A_179 = arith.constant 0 : index
    %get3A_180 = arith.constant 0 : index
    %get3A_181 = vector.load %arg6[%get3A_179, %get3A_180] : memref<256x256xf32, #tpu.memory_space<vmem>>, vector<256x256xf32>
    %dot_general3A_182 = arith.constant dense<0.000000e+00> : vector<256x256xf32>
    %dot_general3A_183 = tpu.matmul %mul3A_178, %get3A_181, %dot_general3A_182 {dimension_numbers = #tpu.dot_dimension_numbers<[1], [0], [0], [1], [0, 0, 1, 1], [], []>, transpose_lhs_hint = false} : vector<256x256xf32>, vector<256x256xf32>, vector<256x256xf32> -> vector<256x256xf32>
    %get3A_184 = arith.constant 0 : index
    %get3A_185 = arith.constant 0 : index
    %get3A_186 = vector.load %arg7[%get3A_184, %get3A_185] : memref<1x256xf32, #tpu.memory_space<vmem>>, vector<1x256xf32>
    %add3A = vector.broadcast %get3A_186 : vector<1x256xf32> to vector<256x256xf32>
    %add3A_187 = arith.addf %dot_general3A_183, %add3A : vector<256x256xf32>
    %mul3A_188 = arith.constant 5.000000e-01 : f32
    %mul3A_189 = vector.broadcast %mul3A_188 : f32 to vector<256x256xf32>
    %mul3A_190 = arith.mulf %mul3A_189, %add3A_187 : vector<256x256xf32>
    %mul3A_191 = arith.constant 0.707106769 : f32
    %mul3A_192 = vector.broadcast %mul3A_191 : f32 to vector<256x256xf32>
    %mul3A_193 = arith.mulf %add3A_187, %mul3A_192 : vector<256x256xf32>
    %erf3A = math.erf %mul3A_193 : vector<256x256xf32>
    %add3A_194 = arith.constant 1.000000e+00 : f32
    %add3A_195 = vector.broadcast %add3A_194 : f32 to vector<256x256xf32>
    %add3A_196 = arith.addf %add3A_195, %erf3A : vector<256x256xf32>
    %mul3A_197 = arith.mulf %mul3A_190, %add3A_196 : vector<256x256xf32>
    %reduce_sum3A_198 = arith.constant dense<0.000000e+00> : vector<256xf32>
    %reduce_sum3A_199 = vector.multi_reduction <add>, %mul3A_197, %reduce_sum3A_198 [1] : vector<256x256xf32> to vector<256xf32>
    %broadcast_in_dim3A_200 = vector.shape_cast %reduce_sum3A_199 : vector<256xf32> to vector<256x1xf32>
    %div3A_201 = arith.constant 2.560000e+02 : f32
    %div3A_202 = vector.broadcast %div3A_201 : f32 to vector<256x1xf32>
    %div3A_203 = arith.divf %broadcast_in_dim3A_200, %div3A_202 : vector<256x1xf32>
    %sub3A_204 = vector.broadcast %div3A_203 : vector<256x1xf32> to vector<256x256xf32>
    %sub3A_205 = arith.subf %mul3A_197, %sub3A_204 : vector<256x256xf32>
    %mul3A_206 = arith.mulf %sub3A_205, %sub3A_205 : vector<256x256xf32>
    %reduce_sum3A_207 = arith.constant dense<0.000000e+00> : vector<256xf32>
    %reduce_sum3A_208 = vector.multi_reduction <add>, %mul3A_206, %reduce_sum3A_207 [1] : vector<256x256xf32> to vector<256xf32>
    %broadcast_in_dim3A_209 = vector.shape_cast %reduce_sum3A_208 : vector<256xf32> to vector<256x1xf32>
    %div3A_210 = arith.constant 2.560000e+02 : f32
    %div3A_211 = vector.broadcast %div3A_210 : f32 to vector<256x1xf32>
    %div3A_212 = arith.divf %broadcast_in_dim3A_209, %div3A_211 : vector<256x1xf32>
    %add3A_213 = arith.constant 1.000000e-03 : f32
    %add3A_214 = vector.broadcast %add3A_213 : f32 to vector<256x1xf32>
    %add3A_215 = arith.addf %div3A_212, %add3A_214 : vector<256x1xf32>
    %rsqrt3A = math.rsqrt %add3A_215 : vector<256x1xf32>
    %mul3A_216 = vector.broadcast %rsqrt3A : vector<256x1xf32> to vector<256x256xf32>
    %mul3A_217 = arith.mulf %sub3A_205, %mul3A_216 : vector<256x256xf32>
    %get3A_218 = arith.constant 0 : index
    %get3A_219 = arith.constant 0 : index
    %get3A_220 = vector.load %arg8[%get3A_218, %get3A_219] : memref<1x256xf32, #tpu.memory_space<vmem>>, vector<1x256xf32>
    %mul3A_221 = vector.broadcast %get3A_220 : vector<1x256xf32> to vector<256x256xf32>
    %mul3A_222 = arith.mulf %mul3A_217, %mul3A_221 : vector<256x256xf32>
    %get3A_223 = arith.constant 0 : index
    %get3A_224 = arith.constant 0 : index
    %get3A_225 = vector.load %arg9[%get3A_223, %get3A_224] : memref<1x256xf32, #tpu.memory_space<vmem>>, vector<1x256xf32>
    %add3A_226 = vector.broadcast %get3A_225 : vector<1x256xf32> to vector<256x256xf32>
    %add3A_227 = arith.addf %mul3A_222, %add3A_226 : vector<256x256xf32>
    %swap3A = arith.constant 0 : index
    %swap3A_228 = arith.constant 0 : index
    %swap3A_229 = arith.constant 0 : index
    %swap3A_230 = vector.load %arg10[%swap3A, %swap3A_228, %swap3A_229] : memref<1x256x256xf32, #tpu.memory_space<vmem>>, vector<1x256x256xf32>
    %swap3A_231 = vector.shape_cast %swap3A_230 : vector<1x256x256xf32> to vector<256x256xf32>
    %swap3A_232 = vector.shape_cast %add3A_227 : vector<256x256xf32> to vector<1x256x256xf32>
    tpu.vector_store %arg10[%swap3A, %swap3A_228, %swap3A_229], %swap3A_232 {strides = array<i32>} : memref<1x256x256xf32, #tpu.memory_space<vmem>>, vector<1x256x256xf32>,
    return
  }
  func.func @transform_0(%arg0: i32, %arg1: i32) -> (i32, i32, i32) {
    %c0_i32 = arith.constant 0 : i32
    %c0_i32_0 = arith.constant 0 : i32
    return %arg0, %arg1, %c0_i32 : i32, i32, i32
  }
  func.func @transform_1(%arg0: i32, %arg1: i32) -> (i32, i32, i32) {
    %c0_i32 = arith.constant 0 : i32
    %c0_i32_0 = arith.constant 0 : i32
    %c0_i32_1 = arith.constant 0 : i32
    return %arg0, %c0_i32, %c0_i32_0 : i32, i32, i32
  }
  func.func @transform_2(%arg0: i32, %arg1: i32) -> (i32, i32, i32) {
    %c0_i32 = arith.constant 0 : i32
    %c0_i32_0 = arith.constant 0 : i32
    %c0_i32_1 = arith.constant 0 : i32
    return %arg0, %c0_i32, %c0_i32_0 : i32, i32, i32
  }
  func.func @transform_3(%arg0: i32, %arg1: i32) -> (i32, i32, i32) {
    %c0_i32 = arith.constant 0 : i32
    %c0_i32_0 = arith.constant 0 : i32
    return %arg0, %arg1, %c0_i32 : i32, i32, i32
  }
  func.func @transform_4(%arg0: i32, %arg1: i32) -> (i32, i32) {
    %c0_i32 = arith.constant 0 : i32
    %c0_i32_0 = arith.constant 0 : i32
    %c0_i32_1 = arith.constant 0 : i32
    return %c0_i32, %c0_i32_0 : i32, i32
  }
  func.func @transform_5(%arg0: i32, %arg1: i32) -> (i32, i32) {
    %c0_i32 = arith.constant 0 : i32
    %c0_i32_0 = arith.constant 0 : i32
    %c0_i32_1 = arith.constant 0 : i32
    return %c0_i32, %c0_i32_0 : i32, i32
  }
  func.func @transform_6(%arg0: i32, %arg1: i32) -> (i32, i32) {
    %c0_i32 = arith.constant 0 : i32
    %c0_i32_0 = arith.constant 0 : i32
    %c0_i32_1 = arith.constant 0 : i32
    return %c0_i32, %c0_i32_0 : i32, i32
  }
  func.func @transform_7(%arg0: i32, %arg1: i32) -> (i32, i32) {
    %c0_i32 = arith.constant 0 : i32
    %c0_i32_0 = arith.constant 0 : i32
    %c0_i32_1 = arith.constant 0 : i32
    return %c0_i32, %c0_i32_0 : i32, i32
  }
  func.func @transform_8(%arg0: i32, %arg1: i32) -> (i32, i32, i32) {
    %c0_i32 = arith.constant 0 : i32
    %c0_i32_0 = arith.constant 0 : i32
    return %arg0, %arg1, %c0_i32 : i32, i32, i32
  }
}

module attributes {stable_mosaic.version = 14 : i64} {
  func.func @_qkvg_body(%arg0: i32, %arg1: i32, %arg2: memref<1x512x256xf32, #tpu.memory_space<vmem>>, %arg3: memref<256x512xf32, #tpu.memory_space<vmem>>, %arg4: memref<256x1024xf32, #tpu.memory_space<vmem>>, %arg5: memref<256x1024xf32, #tpu.memory_space<vmem>>, %arg6: memref<1x1024xf32, #tpu.memory_space<vmem>>, %arg7: memref<1x512x256xf32, #tpu.memory_space<vmem>>, %arg8: memref<1x512x256xf32, #tpu.memory_space<vmem>>, %arg9: memref<1x512x256xf32, #tpu.memory_space<vmem>>, %arg10: memref<1x512x256xf32, #tpu.memory_space<vmem>>) attributes {dimension_semantics = [#tpu.dimension_semantics<arbitrary>, #tpu.dimension_semantics<arbitrary>], iteration_bounds = array<i64: 4, 4>, scalar_prefetch = 0 : i64, scratch_operands = 0 : i64, tpu.core_type = #tpu.core_type<tc>, window_params = [{transform_indices = @transform_0, window_bounds = array<i64: 1, 512, 256>}, {transform_indices = @transform_1, window_bounds = array<i64: 256, 512>}, {pipeline_mode = #tpu.pipeline_mode<synchronous>, transform_indices = @transform_2, window_bounds = array<i64: 256, 1024>}, {pipeline_mode = #tpu.pipeline_mode<synchronous>, transform_indices = @transform_3, window_bounds = array<i64: 256, 1024>}, {pipeline_mode = #tpu.pipeline_mode<synchronous>, transform_indices = @transform_4, window_bounds = array<i64: 1, 1024>}, {transform_indices = @transform_5, window_bounds = array<i64: 1, 512, 256>}, {transform_indices = @transform_6, window_bounds = array<i64: 1, 512, 256>}, {transform_indices = @transform_7, window_bounds = array<i64: 1, 512, 256>}, {transform_indices = @transform_8, window_bounds = array<i64: 1, 512, 256>}]} {
    %get3A = arith.constant 0 : index
    %get3A_0 = arith.constant 0 : index
    %get3A_1 = arith.constant 0 : index
    %get3A_2 = vector.load %arg2[%get3A, %get3A_0, %get3A_1] : memref<1x512x256xf32, #tpu.memory_space<vmem>>, vector<1x512x256xf32>
    %get3A_3 = vector.shape_cast %get3A_2 : vector<1x512x256xf32> to vector<512x256xf32>
    %get3A_4 = arith.constant 0 : index
    %get3A_5 = arith.constant 0 : index
    %get3A_6 = vector.load %arg4[%get3A_4, %get3A_5] : memref<256x1024xf32, #tpu.memory_space<vmem>>, vector<256x1024xf32>
    %dot_general3A = arith.constant dense<0.000000e+00> : vector<512x1024xf32>
    %dot_general3A_7 = tpu.matmul %get3A_3, %get3A_6, %dot_general3A {dimension_numbers = #tpu.dot_dimension_numbers<[1], [0], [0], [1], [0, 0, 1, 1], [], []>, transpose_lhs_hint = false} : vector<512x256xf32>, vector<256x1024xf32>, vector<512x1024xf32> -> vector<512x1024xf32>
    %get3A_8 = arith.constant 0 : index
    %get3A_9 = arith.constant 0 : index
    %get3A_10 = vector.load %arg3[%get3A_8, %get3A_9] : memref<256x512xf32, #tpu.memory_space<vmem>>, vector<256x512xf32>
    %get3A_11 = arith.constant 0 : index
    %get3A_12 = arith.constant 0 : index
    %get3A_13 = vector.load %arg5[%get3A_11, %get3A_12] : memref<256x1024xf32, #tpu.memory_space<vmem>>, vector<256x1024xf32>
    %dot_general3A_14 = arith.constant dense<0.000000e+00> : vector<512x1024xf32>
    %dot_general3A_15 = tpu.matmul %get3A_10, %get3A_13, %dot_general3A_14 {dimension_numbers = #tpu.dot_dimension_numbers<[0], [0], [1], [1], [0, 1, 1, 1], [], []>, transpose_lhs_hint = false} : vector<256x512xf32>, vector<256x1024xf32>, vector<512x1024xf32> -> vector<512x1024xf32>
    %add3A = arith.addf %dot_general3A_7, %dot_general3A_15 : vector<512x1024xf32>
    %get3A_16 = arith.constant 0 : index
    %get3A_17 = arith.constant 0 : index
    %get3A_18 = vector.load %arg6[%get3A_16, %get3A_17] : memref<1x1024xf32, #tpu.memory_space<vmem>>, vector<1x1024xf32>
    %add3A_19 = vector.broadcast %get3A_18 : vector<1x1024xf32> to vector<512x1024xf32>
    %add3A_20 = arith.addf %add3A, %add3A_19 : vector<512x1024xf32>
    %slice3A = vector.extract_strided_slice %add3A_20 {offsets = [0, 0], sizes = [512, 256], strides = [1, 1]} : vector<512x1024xf32> to vector<512x256xf32>
    %swap3A = arith.constant 0 : index
    %swap3A_21 = arith.constant 0 : index
    %swap3A_22 = arith.constant 0 : index
    %swap3A_23 = vector.load %arg7[%swap3A, %swap3A_21, %swap3A_22] : memref<1x512x256xf32, #tpu.memory_space<vmem>>, vector<1x512x256xf32>
    %swap3A_24 = vector.shape_cast %swap3A_23 : vector<1x512x256xf32> to vector<512x256xf32>
    %swap3A_25 = vector.shape_cast %slice3A : vector<512x256xf32> to vector<1x512x256xf32>
    tpu.vector_store %arg7[%swap3A, %swap3A_21, %swap3A_22], %swap3A_25 {strides = array<i32>} : memref<1x512x256xf32, #tpu.memory_space<vmem>>, vector<1x512x256xf32>,
    %slice3A_26 = vector.extract_strided_slice %add3A_20 {offsets = [0, 256], sizes = [512, 256], strides = [1, 1]} : vector<512x1024xf32> to vector<512x256xf32>
    %swap3A_27 = arith.constant 0 : index
    %swap3A_28 = arith.constant 0 : index
    %swap3A_29 = arith.constant 0 : index
    %swap3A_30 = vector.load %arg8[%swap3A_27, %swap3A_28, %swap3A_29] : memref<1x512x256xf32, #tpu.memory_space<vmem>>, vector<1x512x256xf32>
    %swap3A_31 = vector.shape_cast %swap3A_30 : vector<1x512x256xf32> to vector<512x256xf32>
    %swap3A_32 = vector.shape_cast %slice3A_26 : vector<512x256xf32> to vector<1x512x256xf32>
    tpu.vector_store %arg8[%swap3A_27, %swap3A_28, %swap3A_29], %swap3A_32 {strides = array<i32>} : memref<1x512x256xf32, #tpu.memory_space<vmem>>, vector<1x512x256xf32>,
    %slice3A_33 = vector.extract_strided_slice %add3A_20 {offsets = [0, 512], sizes = [512, 256], strides = [1, 1]} : vector<512x1024xf32> to vector<512x256xf32>
    %swap3A_34 = arith.constant 0 : index
    %swap3A_35 = arith.constant 0 : index
    %swap3A_36 = arith.constant 0 : index
    %swap3A_37 = vector.load %arg9[%swap3A_34, %swap3A_35, %swap3A_36] : memref<1x512x256xf32, #tpu.memory_space<vmem>>, vector<1x512x256xf32>
    %swap3A_38 = vector.shape_cast %swap3A_37 : vector<1x512x256xf32> to vector<512x256xf32>
    %swap3A_39 = vector.shape_cast %slice3A_33 : vector<512x256xf32> to vector<1x512x256xf32>
    tpu.vector_store %arg9[%swap3A_34, %swap3A_35, %swap3A_36], %swap3A_39 {strides = array<i32>} : memref<1x512x256xf32, #tpu.memory_space<vmem>>, vector<1x512x256xf32>,
    %slice3A_40 = vector.extract_strided_slice %add3A_20 {offsets = [0, 768], sizes = [512, 256], strides = [1, 1]} : vector<512x1024xf32> to vector<512x256xf32>
    %logistic3A = arith.negf %slice3A_40 : vector<512x256xf32>
    %logistic3A_41 = math.exp %logistic3A : vector<512x256xf32>
    %logistic3A_42 = arith.constant 1.000000e+00 : f32
    %logistic3A_43 = vector.broadcast %logistic3A_42 : f32 to vector<512x256xf32>
    %logistic3A_44 = arith.addf %logistic3A_43, %logistic3A_41 : vector<512x256xf32>
    %logistic3A_45 = arith.divf %logistic3A_43, %logistic3A_44 : vector<512x256xf32>
    %swap3A_46 = arith.constant 0 : index
    %swap3A_47 = arith.constant 0 : index
    %swap3A_48 = arith.constant 0 : index
    %swap3A_49 = vector.load %arg10[%swap3A_46, %swap3A_47, %swap3A_48] : memref<1x512x256xf32, #tpu.memory_space<vmem>>, vector<1x512x256xf32>
    %swap3A_50 = vector.shape_cast %swap3A_49 : vector<1x512x256xf32> to vector<512x256xf32>
    %swap3A_51 = vector.shape_cast %logistic3A_45 : vector<512x256xf32> to vector<1x512x256xf32>
    tpu.vector_store %arg10[%swap3A_46, %swap3A_47, %swap3A_48], %swap3A_51 {strides = array<i32>} : memref<1x512x256xf32, #tpu.memory_space<vmem>>, vector<1x512x256xf32>,
    return
  }
  func.func @transform_0(%arg0: i32, %arg1: i32) -> (i32, i32, i32) {
    %c0_i32 = arith.constant 0 : i32
    %c0_i32_0 = arith.constant 0 : i32
    return %arg0, %arg1, %c0_i32 : i32, i32, i32
  }
  func.func @transform_1(%arg0: i32, %arg1: i32) -> (i32, i32) {
    %mul3A = arith.constant 4 : i32
    %mul3A_0 = arith.muli %arg0, %mul3A : i32
    %add3A = arith.addi %mul3A_0, %arg1 : i32
    %c0_i32 = arith.constant 0 : i32
    %c0_i32_1 = arith.constant 0 : i32
    return %c0_i32, %add3A : i32, i32
  }
  func.func @transform_2(%arg0: i32, %arg1: i32) -> (i32, i32) {
    %c0_i32 = arith.constant 0 : i32
    %c0_i32_0 = arith.constant 0 : i32
    %c0_i32_1 = arith.constant 0 : i32
    return %c0_i32, %c0_i32_0 : i32, i32
  }
  func.func @transform_3(%arg0: i32, %arg1: i32) -> (i32, i32) {
    %c0_i32 = arith.constant 0 : i32
    %c0_i32_0 = arith.constant 0 : i32
    %c0_i32_1 = arith.constant 0 : i32
    return %c0_i32, %c0_i32_0 : i32, i32
  }
  func.func @transform_4(%arg0: i32, %arg1: i32) -> (i32, i32) {
    %c0_i32 = arith.constant 0 : i32
    %c0_i32_0 = arith.constant 0 : i32
    %c0_i32_1 = arith.constant 0 : i32
    return %c0_i32, %c0_i32_0 : i32, i32
  }
  func.func @transform_5(%arg0: i32, %arg1: i32) -> (i32, i32, i32) {
    %c0_i32 = arith.constant 0 : i32
    %c0_i32_0 = arith.constant 0 : i32
    return %arg0, %arg1, %c0_i32 : i32, i32, i32
  }
  func.func @transform_6(%arg0: i32, %arg1: i32) -> (i32, i32, i32) {
    %c0_i32 = arith.constant 0 : i32
    %c0_i32_0 = arith.constant 0 : i32
    return %arg0, %arg1, %c0_i32 : i32, i32, i32
  }
  func.func @transform_7(%arg0: i32, %arg1: i32) -> (i32, i32, i32) {
    %c0_i32 = arith.constant 0 : i32
    %c0_i32_0 = arith.constant 0 : i32
    return %arg0, %arg1, %c0_i32 : i32, i32, i32
  }
  func.func @transform_8(%arg0: i32, %arg1: i32) -> (i32, i32, i32) {
    %c0_i32 = arith.constant 0 : i32
    %c0_i32_0 = arith.constant 0 : i32
    return %arg0, %arg1, %c0_i32 : i32, i32, i32
  }
}

</mosaic_0001>

<sc_bundles>
// kernel: kernel.11.cloned.1.call-start
scs
__scs_entry_jumppad:
0x0: {  	(pc) =	sbr.rel $0x88, $3  }
0x1: {  	(tag) =	ssettag $0x0;
	lr =	simm.s32 $0x1  }
0x2: {  	[smem:$0x3F8B] =	sst lr;
	_ =	strace $0xD0000000  }
0x3: {  	_ = 	snop  }
0x4: {  	_ = 	snop  }
0x5: {  	_ = 	snop  }
0x6: {  	_ = 	snop  }
0x7: {  	_ = 	snop  }
__scs_overlays_trampoline_lowered:
0x8: {  	[smem:$0x3F9A] =	sst s0  }
0x9: {  	[smem:$0x3F9B] =	sst s1  }
0xa: {  	[smem:$0x3F9C] =	sst s2  }
0xb: {  	[smem:$0x3F9D] =	sst s3  }
0xc: {  	[smem:$0x3F9E] =	sst s4  }
0xd: {  	[smem:$0x3F9F] =	sst s5  }
0xe: {  	[smem:$0x3FA0] =	sst s6  }
0xf: {  	[smem:$0x3FA1] =	sst s7  }
0x10: {  	[smem:$0x3FA2] =	sst s8  }
0x11: {  	[smem:$0x3FA3] =	sst s9;
	s0 =	simm.s32 @!p0 $0x0  }
0x12: {  	s1 =	sld [smem:$0x3F89];
	s0 =	simm.s32 @p0 $0x1  }
0x13: {  	[smem:$0x3FA4] =	sst s0;
	s0 =	simm.s32 @!p1 $0x0  }
0x14: {  	s2 =	sld [smem:$0x3F88];
	s0 =	simm.s32 @p1 $0x1  }
0x15: {  	[smem:$0x3FA5] =	sst s0;
	s0 =	simm.s32 @!p2 $0x0  }
0x16: {  	s3 =	sld [smem:$0x3FDB];
	s0 =	simm.s32 @p2 $0x1  }
0x17: {  	s4 =	simm.s32 $0x1BF5;
	[smem:$0x3FA7] =	sst s0  }
0x18: {  	s0 =	sld [smem:$0x3F8A];
	_ =	swait.ge [sflag:s4], $0x0  }
0x19: {  	s7 =	sld [smem:$0x3F8B]  }
0x1a: {  	s8 =	sadd.s32 $0xFFFFE003, lr  }
0x1b: {  	s9 =	sadd.s32 $0xFFFFFEF7, lr;
	s5 =	simm.s32 $0xFFFFFFFF;
	p2 =	slt.u32 s8, $0xFFFFF086  }
0x1c: {  	p1 =	slt.u32 s9, $0xF7A;
	s5 =	simm.s32 @!p2 $0x0  }
0x1d: {  	s5 =	simm.s32 @p1 $0x1;
	p0 =	seq.s32 s7, s2  }
0x1e: {  	s7 =	smul.u32 @!p0 $0xF7A, s2;
	p2 =	seq.s32 @!p0 s5, $0x0  }
0x1f: {  	s9 =	smul.u32 $0xF7A, s1;
	s8 =	simm.s32 @!p0 $0x1BF5;
	p2 =	por !p2, p0  }
0x20: {  	[sflag:s8] =	ssyncset.s32 @!p0 $0xFFFFF086;
	s6 =	sadd.s32 @!p0 s3, s7;
	s7 =	simm.s32 @!p0 $0x108  }
0x21: {  	s3 =	sadd.s32 s3, s9;
	s6 =	sadd.s32 @!p0 $0x88, s6;
	s7 =	simm.s32 @p2 $0x1082  }
0x22: {  	[simem:s7], [sflag:s8] =	dma.local @!p0 [hbm:s6], $0xF7A  }
0x23: {  	s9 =	sor.u32 $0xD0000000, s2;
	s6 =	simm.s32 $0x108;
	_ =	swait.ge @!p0 [sflag:s8], $0x0  }
0x24: {  	s3 =	sadd.s32 $0x88, s3;
	s6 =	simm.s32 @!p1 $0x1082;
	[sflag:s4] =	ssyncset.s32 $0xFFFFF086  }
0x25: {  	[simem:s6], [sflag:s4] =	dma.local [hbm:s3], $0xF7A  }
0x26: {  	[smem:$0x3F8B] =	sst s1;
	(tag) =	ssettag s2;
	_ =	strace s9  }
0x27: {  	s1 =	sld [smem:$0x3F9B]  }
0x28: {  	s2 =	sld [smem:$0x3F9C]  }
0x29: {  	s4 =	sld [smem:$0x3F9E]  }
0x2a: {  	p0 =	seq.s32 s5, $0x0;
	s5 =	sld [smem:$0x3F9F]  }
0x2b: {  	s6 =	sld [smem:$0x3FA0]  }
0x2c: {  	s7 =	sld [smem:$0x3FA1]  }
0x2d: {  	s3 =	simm.s32 $0x108;
	s8 =	sld [smem:$0x3FA2]  }
0x2e: {  	s3 =	simm.s32 @!p0 $0x1082;
	s9 =	sld [smem:$0x3FA3]  }
0x2f: {  	lr =	sadd.s32 s0, s3;
	s0 =	sld [smem:$0x3F9A]  }
0x30: {  	s3 =	sld [smem:$0x3F9D]  }
0x31: {  	[smem:$0x3FA6] =	sst s10  }
0x32: {  	s10 =	sld [smem:$0x3FA4];
	_ =	sdelay $0x3  }
0x33: {  	p0 =	seq.s32 s10, $0x1;
	s10 =	sld [smem:$0x3FA6];
	_ =	sdelay $0x3  }
0x34: {  	[smem:$0x3FA6] =	sst s10  }
0x35: {  	s10 =	sld [smem:$0x3FA5];
	_ =	sdelay $0x3  }
0x36: {  	p1 =	seq.s32 s10, $0x1;
	s10 =	sld [smem:$0x3FA6];
	_ =	sdelay $0x3  }
0x37: {  	[smem:$0x3FA6] =	sst s10  }
0x38: {  	s10 =	sld [smem:$0x3FA7]  }
0x39: {  	_ = 	snop;
	(pc) =	sbr.ind lr, $3  }
0x3a: {  	_ = 	snop  }
0x3b: {  	_ = 	snop  }
0x3c: {  	p2 =	seq.s32 s10, $0x1;
	s10 =	sld [smem:$0x3FA6]  }
0x3d: {  	_ =	shalt  }
0x3e: {  	_ =	shalt  }
0x3f: {  	_ =	shalt  }
0x40: {  	_ =	shalt  }
0x41: {  	_ =	shalt  }
0x42: {  	_ =	shalt  }
0x43: {  	_ =	shalt  }
0x44: {  	_ =	shalt  }
0x45: {  	_ =	shalt  }
0x46: {  	_ =	shalt  }
0x47: {  	_ =	shalt  }
0x48: {  	_ =	shalt  }
0x49: {  	_ =	shalt  }
0x4a: {  	_ =	shalt  }
0x4b: {  	_ =	shalt  }
0x4c: {  	_ =	shalt  }
0x4d: {  	_ =	shalt  }
0x4e: {  	_ =	shalt  }
0x4f: {  	_ =	shalt  }
0x50: {  	_ =	shalt  }
0x51: {  	_ =	shalt  }
0x52: {  	_ =	shalt  }
0x53: {  	_ =	shalt  }
0x54: {  	_ =	shalt  }
0x55: {  	_ =	shalt  }
0x56: {  	_ =	shalt  }
0x57: {  	_ =	shalt  }
0x58: {  	_ =	shalt  }
0x59: {  	_ =	shalt  }
0x5a: {  	_ =	shalt  }
0x5b: {  	_ =	shalt  }
0x5c: {  	_ =	shalt  }
0x5d: {  	_ =	shalt  }
0x5e: {  	_ =	shalt  }
0x5f: {  	_ =	shalt  }
0x60: {  	_ =	shalt  }
0x61: {  	_ =	shalt  }
0x62: {  	_ =	shalt  }
0x63: {  	_ =	shalt  }
0x64: {  	_ =	shalt  }
0x65: {  	_ =	shalt  }
0x66: {  	_ =	shalt  }
0x67: {  	_ =	shalt  }
0x68: {  	_ =	shalt  }
0x69: {  	_ =	shalt  }
0x6a: {  	_ =	shalt  }
0x6b: {  	_ =	shalt  }
0x6c: {  	_ =	shalt  }
0x6d: {  	_ =	shalt  }
0x6e: {  	_ =	shalt  }
0x6f: {  	_ =	shalt  }
0x70: {  	_ =	shalt  }
0x71: {  	_ =	shalt  }
0x72: {  	_ =	shalt  }
0x73: {  	_ =	shalt  }
0x74: {  	_ =	shalt  }
0x75: {  	_ =	shalt  }
0x76: {  	_ =	shalt  }
0x77: {  	_ =	shalt  }
0x78: {  	_ =	shalt  }
0x79: {  	_ =	shalt  }
0x7a: {  	_ =	shalt  }
0x7b: {  	_ =	shalt  }
0x7c: {  	_ =	shalt  }
0x7d: {  	_ =	shalt  }
0x7e: {  	_ =	shalt  }
0x7f: {  	_ =	shalt  }
0x80: {  	_ =	shalt  }
0x81: {  	_ =	shalt  }
0x82: {  	_ =	shalt  }
0x83: {  	_ =	shalt  }
0x84: {  	_ =	shalt  }
0x85: {  	_ =	shalt  }
0x86: {  	_ =	shalt  }
0x87: {  	_ =	shalt  }
.Lfunc_end0:
.L_simem_size_0:
called_computation.1_lowered:
.L_overlay_start_0:
0x88: {  	s2 =	sld [smem:$0x3FD9]  }
0x89: {  	s3 =	sld [smem:$0x3FFE];
	_ =	sdelay $0x1  }
0x8a: {  	s1 =	srdreg.scid  }
0x8b: {  	s0 =	sand.u32 $0x1, s1  }
0x8c: {  	s14 =	sshll.u32 s0, $0xA;
	s2 =	sadd.s32 s3, s2  }
0x8d: {  	s2 =	sadd.s32 s2, s14  }
0x8e: {  	[smem:$0x3FB2] =	sst s2  }
0x8f: {  	_ = 	snop  }
0x90: {  	s2 =	sld [smem:$0x3FD0];
	_ =	sdelay $0x2  }
0x91: {  	s15 =	simm.s32 $0xA;
	s4 =	simm.s32 $0x10  }
0x92: {  	[smem:s4], [sflag:s15] =	dma.local [hbm:s2], $0x1  }
0x93: {  	_ =	swait.eq [sflag:s15], $0x1  }
0x94: {  	[sflag:s15] =	ssyncset.done $0x0  }
0x95: {  	[sflag:s15] =	ssyncadd.s32 $0xFFFFFFFF  }
0x96: {  	s16 =	sld [smem:$0x10];
	(tm) =	ssettm $0x1  }
0x97: {  	s17 =	sld [smem:$0x3FFB];
	_ =	sdelay $0x3  }
0x98: {  	_ =	strace s17  }
0x99: {  	s3 =	sld [smem:$0x3FFC];
	_ =	sdelay $0x3  }
0x9a: {  	_ =	strace s3  }
0x9b: {  	s3 =	sld [smem:$0x3FFD];
	_ =	sdelay $0x3  }
0x9c: {  	_ =	strace s3  }
0x9d: {  	_ =	strace $0x8FFFFFFF  }
0x9e: {  	s18 =	sld [smem:$0x3FDB];
	_ =	sdelay $0x1  }
0x9f: {  	s19 =	simm.s32 $_scs_section_size  }
0xa0: {  	s5 =	simm.s32 $_size__tile_overlayer_lowered;
	s6 =	simm.s32 $_tile_overlayer_lowered  }
0xa1: {  	s22 =	simm.s32 $0x1BFF;
	s21 =	sshll.u32 s6, $0x1;
	s3 =	sadd.s32 s19, s18  }
0xa2: {  	s7 =	simm.s32 $0x0;
	s20 =	sshll.u32 s5, $0x1;
	s5 =	sadd.s32 s21, s3  }
0xa3: {  	[timem:s7], [sflag:s22] =	dma.local [hbm:s5], s20  }
0xa4: {  	_ =	swait.ge [sflag:s22], s20  }
0xa5: {  	s4 =	ssub.s32 $0x0, s20;
	[sflag:s22] =	ssyncset.done $0x0  }
0xa6: {  	[sflag:s22] =	ssyncadd.s32 s4;
	_ =	sdelay $0x1  }
0xa7: {  	s23 =	simm.s32 $0x1B8B  }
0xa8: {  	_ =	swait.ge [sflag:s23], $0x1  }
0xa9: {  	[sflag:s23] =	ssyncset.done $0x0  }
0xaa: {  	s25 =	simm.s32 $0x1B8E;
	s24 =	sld [smem:$0x3FFE];
	[sflag:s23] =	ssyncadd.s32 $0xFFFFFFFF  }
0xab: {  	s26 =	simm.s32 $execute0_lowered;
	[smem:$0x3FD2] =	sst s25  }
0xac: {  	s5 =	sshll.u32 s26, $0x1;
	_ =	strace $0x80000049;
	[dreg:$0x1] =	wrdreg $0xFFFFFFFF  }
0xad: {  	s28 =	simm.s32 $_size_execute0_lowered;
	s3 =	sadd.s32 s3, s5;
	[dreg:$0x0] =	wrdreg $0x0  }
0xae: {  	s5 =	sshll.u32 s28, $0x1;
	[dreg:$0x2] =	wrdreg s3  }
0xaf: {  	[dreg:$0x3] =	wrdreg s5  }
0xb0: {  	[dreg:$0x4] =	wrdreg $0xC0  }
0xb1: {  	_ =	task [dreg:s7], $0x5FFFF  }
0xb2: {  	[dreg:$0x1] =	wrdreg $0xFFFFFFFF  }
0xb3: {  	[dreg:$0x0] =	wrdreg $0x60  }
0xb4: {  	[dreg:$0x2] =	wrdreg s24  }
0xb5: {  	[dreg:$0x3] =	wrdreg s16  }
0xb6: {  	[dreg:$0x4] =	wrdreg $0x9  }
0xb7: {  	_ =	task.clear_ibuf [dreg:s7], $0x5FFFF;
	_ =	strace $0x90000049  }
0xb8: {  	s29 =	simm.s32 $0x9;
	_ =	strace $0x8000004B  }
0xb9: {  	_ =	swait.ge [sflag:s29], $0x1  }
0xba: {  	[sflag:s29] =	ssyncadd.s32 $0xFFFFFFFF  }
0xbb: {  	_ =	strace $0x9000004B  }
0xbc: {  	_ =	sfence  }
0xbd: {  	s30 =	sld [smem:$0x0];
	_ =	sdelay $0x2  }
0xbe: {  	s31 =	sshll.u32 s1, $0xD;
	s1 =	sshrl.u32 s1, $0x2  }
0xbf: {  	s3 =	sand.u32 $0x4000, s31;
	s1 =	sadd.s32 s1, s30  }
0xc0: {  	s0 =	sor.u32 s3, s0;
	s1 =	sshll.u32 s1, $0x11  }
0xc1: {  	s0 =	sor.u32 s1, s0  }
0xc2: {  	s0 =	sadd.s32 $0x8F2B, s0  }
0xc3: {  	[sflag:s0] =	ssyncadd.remote.s32 $0x1  }
0xc4: {  	_ =	sfence.sel $0xFFFF  }
0xc5: {  	[dreg:$0x0] =	wrdreg $0xFFFFFFFF;
	(pc) =	sbr.abs _section_cstart, $3  }
0xc6: {  	[dreg:$0x1] =	wrdreg $0xFFFFFFFF  }
0xc7: {  	_ =	task.clear_ibuf [dreg:s7], $0x2FFFF;
	_ =	strace $0x9FFFFFFF  }
0xc8: {  	(tm) =	ssettm $0x7FFFFFFF  }
0xc9: {  	_ =	shalt  }
tec
execute0_lowered:
.L_overlay_start_1:
0x0: {  	(tag) =	ssettag $0x1  }
0x1: {  	s0 =	rddreg [dreg:$0x0]  }
0x2: {  	s1 =	rddreg [dreg:$0x1];
	s2 =	simm.s32 $0x0;
	s8 =	stileid.u32  }
0x3: {  	s3 =	srdreg.scid;
	[smem:$0x7FF] =	sst s2;
	s4 =	sshll.u32 s8, $0x9  }
0x4: {  	s5 =	sand.u32 $0x1, s3;
	s3 =	sadd.s32 $0x848600, s0;
	s8 =	sshll.u32 s8, $0xD  }
0x5: {  	_ =	strace $0x8000004A;
	s6 =	sadd.s32 s4, s0;
	s10 =	ssub.s32 $0x2, s5  }
0x6: {  	s7 =	sshll.u32 s5, $0x11;
	s12 =	sshll.u32 s5, $0x8;
	s9 =	sshll.u32 s5, $0x15  }
0x7: {  	[dreg:$0x3] =	wrdreg s12;
	s5 =	sadd.s32 $0x888600, s6;
	s13 =	sadd.s32 s3, s7  }
0x8: {  	s8 =	sor.u32 s8, s7;
	[dreg:$0x5] =	wrdreg s13;
	s14 =	sadd.s32 s9, s5  }
0x9: {  	s1 =	sadd.s32 s1, s8;
	[dreg:$0x6] =	wrdreg s14  }
0xa: {  	s15 =	sadd.s32 $0x200, s1;
	[dreg:$0x4] =	wrdreg s1  }
0xb: {  	s16 =	sadd.s32 $0x400, s1;
	[dreg:$0x7] =	wrdreg s15  }
0xc: {  	s17 =	sadd.s32 $0x600, s1;
	[dreg:$0x8] =	wrdreg s16  }
0xd: {  	s18 =	sadd.s32 $0x800, s1;
	[dreg:$0x9] =	wrdreg s17  }
0xe: {  	s19 =	sadd.s32 $0xA00, s1;
	[dreg:$0xa] =	wrdreg s18  }
0xf: {  	s20 =	sadd.s32 $0xC00, s1;
	[dreg:$0xb] =	wrdreg s19  }
0x10: {  	s21 =	sadd.s32 $0xE00, s1;
	[dreg:$0xc] =	wrdreg s20  }
0x11: {  	s22 =	sadd.s32 $0x1000, s1;
	[dreg:$0xd] =	wrdreg s21  }
0x12: {  	s23 =	sadd.s32 $0x1200, s1;
	[dreg:$0xe] =	wrdreg s22  }
0x13: {  	s24 =	sadd.s32 $0x1400, s1;
	[dreg:$0xf] =	wrdreg s23  }
0x14: {  	s30 =	simm.s32 $0x4000;
	s25 =	sadd.s32 $0x1600, s1;
	[dreg:$0x10] =	wrdreg s24  }
0x15: {  	s31 =	simm.s32 $0x5100;
	s26 =	sadd.s32 $0x1800, s1;
	[dreg:$0x11] =	wrdreg s25  }
0x16: {  	s4 =	simm.s32 $0x0;
	s28 =	sadd.s32 $0x1A00, s1;
	[dreg:$0x12] =	wrdreg s26  }
0x17: {  	v0 =	vlaneseq.u32;
	s11 =	sshrl.u32 s10, $0x1;
	s29 =	sadd.s32 $0x1C00, s1;
	[dreg:$0x13] =	wrdreg s28  }
0x18: {  	v1 =	vimm.f32 $0.0e+00;
	v2 =	vmul.u32 $0x11, v0;
	v3 =	vor.u32 $0x10, v0;
	s0 =	ssub.s32 s10, s11;
	s1 =	sadd.s32 $0x1E00, s1;
	[dreg:$0x14] =	wrdreg s29  }
0x19: {  	v4 =	vor.u32 $0x20, v0;
	v5 =	vor.u32 $0x30, v0;
	v6 =	vor.u32 $0x40, v0;
	s7 =	simm.s32 $0x2000;
	s0 =	smax.u32 s0, $0x1;
	[dreg:$0x15] =	wrdreg s1  }
0x1a: {  	v7 =	vor.u32 $0x50, v0;
	v8 =	vor.u32 $0x60, v0;
	v9 =	vor.u32 $0x70, v0;
	[dreg:$0x16] =	wrdreg s0;
	s26 =	simm.s32 $0x1;
	s0 =	simm.s32 $0x2  }
.LBB2_1:
0x1b: {  	[dreg:$0x17] =	wrdreg s4;
	s8 =	simm.s32 $0x5140  }
0x1c: {  	[tilespmem:s8+$0xFFFFFFC0] =	vst v1  }
0x1d: {  	[tilespmem:s8+$0x30] =	vst v1  }
0x1e: {  	[tilespmem:s8+$0x20] =	vst v1  }
0x1f: {  	[tilespmem:s8+$0x10] =	vst v1  }
0x20: {  	[tilespmem:s8+$0x0] =	vst v1  }
0x21: {  	[tilespmem:s8+$0xFFFFFFF0] =	vst v1  }
0x22: {  	s9 =	simm.s32 $0x0;
	[tilespmem:s8+$0xFFFFFFE0] =	vst v1  }
.LBB2_2:
0x23: {  	s9 =	sadd.s32 $0x8, s9;
	[tilespmem:s8+$0xFFFFFFD0] =	vst v1;
	s8 =	sadd.s32 $0x80, s8  }
0x24: {  	[tilespmem:s8+$0xFFFFFFC0] =	vst v1;
	p0 =	slt.u32 s9, $0xFF8  }
0x25: {  	[tilespmem:s8+$0x30] =	vst v1  }
.Ltmp0:
0x26: {  	[tilespmem:s8+$0x20] =	vst v1;
	(pc) =	sbr.rel @p0 .LBB2_2-.Ltmp0, $4  }
0x27: {  	[tilespmem:s8+$0x10] =	vst v1  }
0x28: {  	[tilespmem:s8+$0x0] =	vst v1  }
0x29: {  	[tilespmem:s8+$0xFFFFFFF0] =	vst v1  }
0x2a: {  	[tilespmem:s8+$0xFFFFFFE0] =	vst v1  }
0x2b: {  	[tilespmem:s8+$0xFFFFFFD0] =	vst v1  }
0x2c: {  	s8 =	simm.s32 $0x0;
	[tilespmem:$0x15100] =	vst v1;
	s1 =	rddreg [dreg:$0x5]  }
0x2d: {  	[tilespmem:s8], [sflag:$0x1] =	stream.linear.gather [hbm4b:s1+s8], $0x1000, $0x38;
	[tilespmem:$0x15180] =	vst v63  }
0x2e: {  	s29 =	rddreg [dreg:$0x6]  }
0x2f: {  	[tilespmem:s7], [sflag:$0x1] =	stream.linear.gather [hbm4b:s29+s8], $0x1000, $0x38;
	[tilespmem:$0x15180] =	vst v63  }
.LBB2_4:
0x30: {  	_ =	swait.ge [sflag:s26], $0x1000  }
0x31: {  	s9 =	sshll.u32 s8, $0x1;
	[sflag:s26] =	ssyncset.done $0x0;
	s1 =	rddreg [dreg:$0x3]  }
0x32: {  	[sflag:s26] =	ssyncadd.s32 $0xFFFFF000;
	s9 =	sor.u32 s9, s1  }
0x33: {  	_ =	swait.ge [sflag:s26], $0x1000;
	s10 =	sor.u32 $0x1, s9  }
0x34: {  	s25 =	simm.s32 $0x1000;
	[sflag:s26] =	ssyncset.done $0x0;
	s11 =	sshll.u32 s10, $0x9  }
0x35: {  	s10 =	sshll.u32 s10, $0xD;
	[sflag:s26] =	ssyncadd.s32 $0xFFFFF000;
	s11 =	sadd.s32 s3, s11  }
0x36: {  	[tilespmem:s25], [sflag:$0x2] =	stream.linear.gather [hbm4b:s11+s2], $0x1000, $0x38;
	[tilespmem:$0x15180] =	vst v63  }
0x37: {  	s28 =	simm.s32 $0x3000;
	s12 =	simm.s32 $0x0;
	s10 =	sadd.s32 s10, s5  }
0x38: {  	[tilespmem:s28], [sflag:$0x2] =	stream.linear.gather [hbm4b:s10+s2], $0x1000, $0x38;
	[tilespmem:$0x15180] =	vst v63  }
0x39: {  	s12 =	sand.u32 $0x3FFFFF00, s12;
	s10 =	simm.s32 $0x0  }
0x3a: {  	s12 =	sadd.s32 $0x2000, s12;
	s29 =	sand.u32 $0x8, s10  }
0x3b: {  	s13 =	sor.u32 $0x1, s29;
	s14 =	sor.u32 $0x7, s29;
	s15 =	sor.u32 $0x2, s29  }
0x3c: {  	s17 =	sor.u32 $0x3, s29;
	s18 =	sor.u32 $0x4, s29;
	s16 =	smul.u32 $0x110, s14  }
0x3d: {  	s19 =	sor.u32 $0x5, s29;
	s21 =	sshll.u32 s13, $0x4;
	s13 =	smul.u32 $0x110, s13  }
0x3e: {  	s20 =	sor.u32 $0x6, s29;
	s22 =	sshll.u32 s15, $0x4;
	s15 =	smul.u32 $0x110, s15  }
0x3f: {  	s25 =	sshll.u32 s29, $0x4;
	s23 =	sshll.u32 s17, $0x4;
	s17 =	smul.u32 $0x110, s17  }
0x40: {  	s14 =	sshll.u32 s14, $0x4;
	s24 =	sshll.u32 s18, $0x4;
	s1 =	smul.u32 $0x110, s18  }
0x41: {  	s6 =	sshll.u32 s19, $0x4;
	s7 =	sshll.u32 s20, $0x4;
	s4 =	smul.u32 $0x110, s19  }
0x42: {  	s25 =	sor.u32 s25, s12;
	s20 =	smul.u32 $0x110, s20;
	s14 =	sor.u32 s14, s12  }
0x43: {  	s21 =	sor.u32 s21, s12;
	s22 =	sor.u32 s22, s12;
	s23 =	sor.u32 s23, s12  }
0x44: {  	s24 =	sor.u32 s24, s12;
	s6 =	sor.u32 s6, s12;
	s7 =	sor.u32 s7, s12  }
0x45: {  	s12 =	simm.s32 $0x8;
	s16 =	sadd.s32 $0x0, s16;
	s28 =	sadd.s32 $0x0, s13  }
0x46: {  	s18 =	sadd.s32 $0x0, s15;
	s17 =	sadd.s32 $0x0, s17;
	s19 =	sadd.s32 $0x0, s1;
	v11 =	vld [tilespmem:s14+$0x0]  }
0x47: {  	s15 =	smul.u32 $0x110, s29;
	s11 =	sadd.s32 $0x0, s4;
	s13 =	sand.u32 $0x8, s12;
	v13 =	vld [tilespmem:s21+$0x0]  }
0x48: {  	s14 =	sadd.s32 $0x0, s20;
	s20 =	simm.s32 $0x80;
	v15 =	vld [tilespmem:s22+$0x0];
	v12 =	vadd.s32 s16, v2;
	s29 =	sor.u32 $0x7, s13  }
0x49: {  	v17 =	vld [tilespmem:s23+$0x0];
	v14 =	vadd.s32 s28, v2;
	s21 =	sor.u32 $0x1, s13;
	s16 =	sand.u32 $0x3FFFFF00, s20;
	v16 =	vadd.s32 s18, v2;
	s18 =	sor.u32 $0x2, s13  }
0x4a: {  	v19 =	vld [tilespmem:s24+$0x0];
	v18 =	vadd.s32 s17, v2;
	s23 =	sor.u32 $0x3, s13;
	s24 =	sor.u32 $0x4, s13;
	s17 =	sor.u32 $0x5, s13  }
0x4b: {  	s1 =	smul.u32 $0x110, s29;
	s22 =	sadd.s32 $0x2000, s16;
	s4 =	sshll.u32 s29, $0x4  }
0x4c: {  	v21 =	vld [tilespmem:s6+$0x0];
	v20 =	vadd.s32 s19, v2;
	v22 =	vadd.s32 s11, v2;
	s16 =	sor.u32 $0x6, s13;
	s11 =	sshll.u32 s21, $0x4;
	s19 =	sshll.u32 s18, $0x4  }
0x4d: {  	v23 =	vld [tilespmem:s7+$0x0];
	v24 =	vadd.s32 s14, v2;
	s29 =	sshll.u32 s23, $0x4;
	s7 =	sshll.u32 s24, $0x4;
	s14 =	sshll.u32 s17, $0x4;
	[tilespmem:v12+s30+$0x0] =	vst.idx.msk $0xffff, v11  }
0x4e: {  	v10 =	vld [tilespmem:s25+$0x0];
	s21 =	smul.u32 $0x110, s21;
	s20 =	sor.u32 s4, s22;
	s25 =	sadd.s32 $0x0, s1;
	[tilespmem:v14+s30+$0x0] =	vst.idx.msk $0xffff, v13  }
0x4f: {  	s15 =	sadd.s32 $0x0, s15;
	s6 =	sor.u32 s11, s22;
	v25 =	vld [tilespmem:s20+$0x0];
	s1 =	sshll.u32 s13, $0x4;
	v26 =	vadd.s32 s25, v2;
	[tilespmem:v16+s30+$0x0] =	vst.idx.msk $0xffff, v15  }
0x50: {  	s28 =	sshll.u32 s16, $0x4;
	s4 =	sor.u32 s19, s22;
	s20 =	sor.u32 s1, s22;
	v12 =	vld [tilespmem:s6+$0x0];
	[tilespmem:v18+s30+$0x0] =	vst.idx.msk $0xffff, v17  }
0x51: {  	s29 =	sor.u32 s29, s22;
	s19 =	sor.u32 s28, s22;
	s28 =	smul.u32 $0x110, s18;
	v11 =	vld [tilespmem:s20+$0x0];
	[tilespmem:v20+s30+$0x0] =	vst.idx.msk $0xffff, v19  }
0x52: {  	s7 =	sor.u32 s7, s22;
	s11 =	simm.s32 $0x40;
	s18 =	smul.u32 $0x110, s23;
	v13 =	vld [tilespmem:s4+$0x0];
	[tilespmem:v22+s30+$0x0] =	vst.idx.msk $0xffff, v21  }
0x53: {  	s20 =	sor.u32 s14, s22;
	s14 =	simm.s32 $0x77;
	v14 =	vld [tilespmem:s29+$0x0];
	[tilespmem:v24+s30+$0x0] =	vst.idx.msk $0xffff, v23;
	s6 =	sadd.s32 $0x0, s21;
	v17 =	vadd.s32 s15, v2  }
0x54: {  	v15 =	vld [tilespmem:s7+$0x0];
	s15 =	simm.s32 $0x0;
	s22 =	sadd.s32 $0x0, s28;
	s21 =	smul.u32 $0x110, s24;
	v16 =	vadd.s32 s6, v2;
	[tilespmem:v26+s30+$0x0] =	vst.idx.msk $0xffff, v25  }
.LBB2_5:
0x55: {  	v18 =	vadd.s32 s22, v2;
	s6 =	sadd.s32 s15, s18;
	v19 =	vld [tilespmem:s20+$0x0];
	s7 =	smul.u32 $0x110, s17  }
0x56: {  	s16 =	smul.u32 $0x110, s16;
	s12 =	sadd.s32 $0x8, s12;
	v20 =	vadd.s32 s6, v2;
	s6 =	sadd.s32 s15, s21;
	v21 =	vld [tilespmem:s19+$0x0]  }
0x57: {  	s18 =	smul.u32 $0x110, s13;
	s13 =	sand.u32 $0x8, s12;
	v22 =	vadd.s32 s6, v2;
	s6 =	sadd.s32 s15, s7  }
0x58: {  	p0 =	slt.u32 s12, $0xF8;
	s21 =	sshrl.u32 s12, $0x4;
	v23 =	vadd.s32 s6, v2;
	s6 =	sadd.s32 s15, s16;
	[tilespmem:v17+s30+$0x0] =	vst.idx.msk $0xffff, v10;
	v10 =	vmov v11  }
0x59: {  	s7 =	sshll.u32 s12, $0x4;
	s19 =	sor.u32 $0x1, s13;
	s16 =	sor.u32 $0x7, s13;
	[tilespmem:v16+s30+$0x0] =	vst.idx.msk $0xffff, v12;
	v11 =	vadd.s32 s6, v2  }
0x5a: {  	s6 =	sand.u32 $0x3FFFFF00, s7;
	s7 =	sor.u32 $0x2, s13;
	s17 =	smul.u32 $0x110, s16;
	[tilespmem:v18+s30+$0x0] =	vst.idx.msk $0xffff, v13  }
0x5b: {  	s22 =	sor.u32 $0x3, s13;
	s16 =	sshll.u32 s16, $0x4;
	s6 =	sadd.s32 $0x2000, s6;
	[tilespmem:v20+s30+$0x0] =	vst.idx.msk $0xffff, v14  }
0x5c: {  	s24 =	sor.u32 $0x4, s13;
	s20 =	sor.u32 s16, s6;
	s23 =	sadd.s32 s21, s17;
	[tilespmem:v22+s30+$0x0] =	vst.idx.msk $0xffff, v15  }
0x5d: {  	s4 =	sshll.u32 s13, $0x4;
	s17 =	sor.u32 $0x5, s13;
	s16 =	sor.u32 $0x6, s13;
	v14 =	vadd.s32 s23, v2;
	v13 =	vld [tilespmem:s20+$0x0];
	[tilespmem:v23+s30+$0x0] =	vst.idx.msk $0xffff, v19  }
0x5e: {  	s25 =	sshll.u32 s22, $0x4;
	s23 =	sshll.u32 s7, $0x4;
	s20 =	sshll.u32 s19, $0x4;
	[tilespmem:v11+s30+$0x0] =	vst.idx.msk $0xffff, v21  }
0x5f: {  	s28 =	sshll.u32 s24, $0x4;
	s29 =	sshll.u32 s17, $0x4;
	s1 =	sshll.u32 s16, $0x4  }
0x60: {  	s4 =	sor.u32 s4, s6;
	s23 =	sor.u32 s23, s6;
	s20 =	sor.u32 s20, s6  }
.Ltmp1:
0x61: {  	s25 =	sor.u32 s25, s6;
	s28 =	sor.u32 s28, s6;
	v12 =	vld [tilespmem:s20+$0x0];
	(pc) =	sbr.rel @p0 .LBB2_5-.Ltmp1, $4  }
0x62: {  	s20 =	sor.u32 s29, s6;
	v11 =	vld [tilespmem:s4+$0x0];
	s4 =	smul.u32 $0x110, s19;
	s19 =	sor.u32 s1, s6;
	[tilespmem:v14+s30+$0x0] =	vst.idx.msk $0xffff, v13  }
0x63: {  	s1 =	smul.u32 $0x110, s7;
	s6 =	sadd.s32 s15, s18;
	s15 =	smov.u32 s21;
	v13 =	vld [tilespmem:s23+$0x0]  }
0x64: {  	s18 =	smul.u32 $0x110, s22;
	v17 =	vadd.s32 s6, v2;
	s4 =	sadd.s32 s15, s4;
	v14 =	vld [tilespmem:s25+$0x0]  }
0x65: {  	s21 =	smul.u32 $0x110, s24;
	s22 =	sadd.s32 s15, s1;
	v16 =	vadd.s32 s4, v2;
	v15 =	vld [tilespmem:s28+$0x0]  }
0x66: {  	_ = 	snop  }
0x67: {  	v18 =	vadd.s32 s22, v2;
	s1 =	sadd.s32 s15, s18;
	s4 =	smul.u32 $0x110, s17  }
0x68: {  	s6 =	smul.u32 $0x110, s16;
	v19 =	vadd.s32 s1, v2;
	s12 =	sadd.s32 s15, s21  }
0x69: {  	s7 =	smul.u32 $0x110, s13;
	v20 =	vadd.s32 s12, v2;
	s17 =	sadd.s32 s15, s4  }
0x6a: {  	v21 =	vld [tilespmem:s20+$0x0];
	[tilespmem:v17+s30+$0x0] =	vst.idx.msk $0xffff, v10;
	s18 =	sadd.s32 s15, s6;
	v22 =	vadd.s32 s17, v2  }
0x6b: {  	v10 =	vld [tilespmem:s19+$0x0];
	[tilespmem:v16+s30+$0x0] =	vst.idx.msk $0xffff, v12;
	s20 =	sadd.s32 s15, s7;
	v12 =	vadd.s32 s18, v2  }
0x6c: {  	[tilespmem:v18+s30+$0x0] =	vst.idx.msk $0xffff, v13;
	v13 =	vadd.s32 s20, v2  }
0x6d: {  	[tilespmem:v19+s30+$0x0] =	vst.idx.msk $0xffff, v14  }
0x6e: {  	s25 =	simm.s32 $0x33;
	v14 =	vadd.s32 s14, v0;
	[tilespmem:v20+s30+$0x0] =	vst.idx.msk $0xffff, v15  }
0x6f: {  	v17 =	vadd.s32 s25, v0;
	[tilespmem:v22+s30+$0x0] =	vst.idx.msk $0xffff, v21  }
0x70: {  	[tilespmem:v12+s30+$0x0] =	vst.idx.msk $0xffff, v10  }
0x71: {  	[tilespmem:v13+s30+$0x0] =	vst.idx.msk $0xffff, v11  }
0x72: {  	v16 =	vld [tilespmem:s11+$0x20]  }
0x73: {  	s21 =	simm.s32 $0x66;
	v11 =	vld.idx.msk [tilespmem:v14+s30+$0x0], $0xffff  }
0x74: {  	s23 =	simm.s32 $0x11;
	v15 =	vadd.s32 s21, v0;
	v14 =	vld.idx.msk [tilespmem:v17+s30+$0x0], $0xffff  }
0x75: {  	s24 =	simm.s32 $0x22;
	v12 =	vadd.s32 s23, v0;
	v22 =	vld [tilespmem:s11+$0xFFFFFFD0]  }
0x76: {  	s28 =	simm.s32 $0x44;
	v13 =	vadd.s32 s24, v0;
	v23 =	vld [tilespmem:s11+$0xFFFFFFE0]  }
0x77: {  	v18 =	vadd.s32 s28, v0;
	v17 =	vld [tilespmem:s11+$0x0]  }
0x78: {  	v19 =	vld [tilespmem:s11+$0xFFFFFFC0]  }
0x79: {  	v15 =	vld.idx.msk [tilespmem:v15+s30+$0x0], $0xffff  }
0x7a: {  	v20 =	vld.idx.msk [tilespmem:v12+s30+$0x0], $0xffff  }
0x7b: {  	s22 =	simm.s32 $0x0;
	v21 =	vld.idx.msk [tilespmem:v13+s30+$0x0], $0xffff  }
0x7c: {  	s29 =	simm.s32 $0x55;
	v10 =	vadd.s32 s22, v0;
	v13 =	vld.idx.msk [tilespmem:v18+s30+$0x0], $0xffff  }
0x7d: {  	v12 =	vadd.s32 s29, v0;
	v18 =	vld [tilespmem:s11+$0xFFFFFFF0]  }
0x7e: {  	[tilespmem:v16+s31+$0x0] =	vst.idx.add.f32.msk $0xffff, v15  }
0x7f: {  	v16 =	vld [tilespmem:s11+$0x10]  }
0x80: {  	v15 =	vld [tilespmem:s11+$0x30]  }
0x81: {  	v10 =	vld.idx.msk [tilespmem:v10+s30+$0x0], $0xffff  }
0x82: {  	v12 =	vld.idx.msk [tilespmem:v12+s30+$0x0], $0xffff  }
0x83: {  	[tilespmem:v22+s31+$0x0] =	vst.idx.add.f32.msk $0xffff, v20  }
0x84: {  	s12 =	simm.s32 $0xFF;
	[tilespmem:v23+s31+$0x0] =	vst.idx.add.f32.msk $0xffff, v21  }
.LBB2_7:
0x85: {  	s1 =	sadd.s32 $0xFFFFFF89, s12;
	s4 =	sadd.s32 $0xFFFFFFEF, s12;
	v20 =	vadd.s32 s12, v0;
	s10 =	sadd.s32 $0x8, s10;
	[tilespmem:v18+s31+$0x0] =	vst.idx.add.f32.msk $0xffff, v14  }
0x86: {  	s6 =	sadd.s32 $0xFFFFFFAB, s12;
	v14 =	vadd.s32 s1, v0;
	s1 =	sadd.s32 $0xFFFFFF9A, s12;
	v18 =	vadd.s32 s4, v0;
	p0 =	slt.u32 s10, $0xF8;
	[tilespmem:v17+s31+$0x0] =	vst.idx.add.f32.msk $0xffff, v13;
	v21 =	vmov v19  }
0x87: {  	v17 =	vadd.s32 s6, v0;
	s4 =	sadd.s32 $0xFFFFFFCD, s12;
	s6 =	sadd.s32 $0xFFFFFFDE, s12;
	v13 =	vadd.s32 s1, v0;
	s1 =	sadd.s32 $0xFFFFFFBC, s12;
	[tilespmem:v16+s31+$0x0] =	vst.idx.add.f32.msk $0xffff, v12  }
0x88: {  	s11 =	sadd.s32 $0x80, s11;
	v16 =	vadd.s32 s4, v0;
	v19 =	vadd.s32 s6, v0;
	v12 =	vadd.s32 s1, v0;
	[tilespmem:v15+s31+$0x0] =	vst.idx.add.f32.msk $0xffff, v11  }
0x89: {  	v15 =	vld [tilespmem:s11+$0x20]  }
0x8a: {  	v11 =	vld.idx.msk [tilespmem:v20+s30+$0x0], $0xffff  }
0x8b: {  	v18 =	vld.idx.msk [tilespmem:v18+s30+$0x0], $0xffff  }
0x8c: {  	v20 =	vld.idx.msk [tilespmem:v14+s30+$0x0], $0xffff  }
0x8d: {  	v22 =	vld.idx.msk [tilespmem:v13+s30+$0x0], $0xffff  }
0x8e: {  	v23 =	vld.idx.msk [tilespmem:v17+s30+$0x0], $0xffff  }
0x8f: {  	v14 =	vld.idx.msk [tilespmem:v12+s30+$0x0], $0xffff  }
0x90: {  	v13 =	vld.idx.msk [tilespmem:v16+s30+$0x0], $0xffff  }
0x91: {  	[tilespmem:v15+s31+$0x0] =	vst.idx.add.f32.msk $0xffff, v18  }
0x92: {  	v12 =	vld.idx.msk [tilespmem:v19+s30+$0x0], $0xffff  }
0x93: {  	v24 =	vld [tilespmem:s11+$0xFFFFFFD0]  }
0x94: {  	v25 =	vld [tilespmem:s11+$0xFFFFFFE0]  }
0x95: {  	v18 =	vld [tilespmem:s11+$0xFFFFFFF0]  }
0x96: {  	v17 =	vld [tilespmem:s11+$0x0]  }
0x97: {  	v16 =	vld [tilespmem:s11+$0x10]  }
.Ltmp2:
0x98: {  	v15 =	vld [tilespmem:s11+$0x30];
	(pc) =	sbr.rel @p0 .LBB2_7-.Ltmp2, $4  }
0x99: {  	v19 =	vld [tilespmem:s11+$0xFFFFFFC0]  }
0x9a: {  	[tilespmem:v21+s31+$0x0] =	vst.idx.add.f32.msk $0xffff, v10;
	v10 =	vmov v20  }
0x9b: {  	[tilespmem:v24+s31+$0x0] =	vst.idx.add.f32.msk $0xffff, v22  }
0x9c: {  	s12 =	sadd.s32 $0x88, s12;
	[tilespmem:v25+s31+$0x0] =	vst.idx.add.f32.msk $0xffff, v23  }
0x9d: {  	_ =	sdelay $0x3  }
0x9e: {  	[tilespmem:v18+s31+$0x0] =	vst.idx.add.f32.msk $0xffff, v14  }
0x9f: {  	[tilespmem:v17+s31+$0x0] =	vst.idx.add.f32.msk $0xffff, v13  }
0xa0: {  	[tilespmem:v16+s31+$0x0] =	vst.idx.add.f32.msk $0xffff, v12  }
0xa1: {  	[tilespmem:v15+s31+$0x0] =	vst.idx.add.f32.msk $0xffff, v11  }
0xa2: {  	[tilespmem:v19+s31+$0x0] =	vst.idx.add.f32.msk $0xffff, v10  }
0xa3: {  	_ =	swait.ge [sflag:s0], $0x1000  }
0xa4: {  	[sflag:s0] =	ssyncset.done $0x0  }
0xa5: {  	p0 =	seq.s32 s8, $0x7F;
	[sflag:s0] =	ssyncadd.s32 $0xFFFFF000  }
0xa6: {  	s23 =	simm.s32 $0x0;
	s1 =	sadd.s32 @!p0 $0x2, s9;
	_ =	swait.ge [sflag:s0], $0x1000  }
0xa7: {  	s6 =	simm.s32 @!p0 $0x0;
	s4 =	sshll.u32 @!p0 s1, $0x9;
	[sflag:s0] =	ssyncset.done $0x0  }
0xa8: {  	s1 =	sshll.u32 @!p0 s1, $0xD;
	s4 =	sadd.s32 @!p0 s3, s4;
	[sflag:s0] =	ssyncadd.s32 $0xFFFFF000  }
0xa9: {  	[tilespmem:s6], [sflag:$0x1] =	stream.linear.gather @!p0 [hbm4b:s4+s6], $0x1000, $0x38;
	[tilespmem:$0x15180] =	vst v63  }
0xaa: {  	s9 =	simm.s32 $0x0;
	s1 =	sadd.s32 @!p0 s1, s5;
	s4 =	simm.s32 @!p0 $0x2000  }
0xab: {  	[tilespmem:s4], [sflag:$0x1] =	stream.linear.gather @!p0 [hbm4b:s1+s6], $0x1000, $0x38;
	[tilespmem:$0x15180] =	vst v63  }
0xac: {  	s1 =	sand.u32 $0x8, s9;
	s4 =	sand.u32 $0x3FFFFF00, s23  }
0xad: {  	s24 =	sor.u32 $0x1, s1;
	s7 =	sor.u32 $0x7, s1;
	s12 =	sor.u32 $0x2, s1  }
0xae: {  	s13 =	sor.u32 $0x3, s1;
	s25 =	sor.u32 $0x4, s1;
	s15 =	sor.u32 $0x5, s1  }
0xaf: {  	s16 =	sor.u32 $0x6, s1;
	s23 =	sshll.u32 s1, $0x4;
	s1 =	smul.u32 $0x110, s1  }
0xb0: {  	s10 =	simm.s32 $0x1040;
	s4 =	sadd.s32 $0x3000, s4;
	s11 =	smul.u32 $0x110, s7  }
0xb1: {  	s7 =	sshll.u32 s7, $0x4;
	s17 =	sshll.u32 s24, $0x4;
	s6 =	smul.u32 $0x110, s24  }
0xb2: {  	s18 =	sshll.u32 s12, $0x4;
	s19 =	sshll.u32 s13, $0x4;
	s12 =	smul.u32 $0x110, s12  }
0xb3: {  	s20 =	sshll.u32 s25, $0x4;
	s21 =	sshll.u32 s15, $0x4;
	s13 =	smul.u32 $0x110, s13  }
0xb4: {  	s22 =	sshll.u32 s16, $0x4;
	s23 =	sor.u32 s23, s4;
	s15 =	smul.u32 $0x110, s15  }
0xb5: {  	s16 =	smul.u32 $0x110, s16;
	s7 =	sor.u32 s7, s4;
	s17 =	sor.u32 s17, s4  }
0xb6: {  	s18 =	sor.u32 s18, s4;
	s19 =	sor.u32 s19, s4;
	s20 =	sor.u32 s20, s4  }
0xb7: {  	s21 =	sor.u32 s21, s4;
	s4 =	sor.u32 s22, s4;
	s1 =	sadd.s32 $0x0, s1  }
0xb8: {  	s14 =	sadd.s32 $0x0, s11;
	s11 =	smul.u32 $0x110, s25;
	s6 =	sadd.s32 $0x0, s6  }
0xb9: {  	s28 =	sadd.s32 $0x0, s12;
	s13 =	sadd.s32 $0x0, s13;
	v13 =	vld [tilespmem:s17+$0x0];
	s17 =	sadd.s32 $0x0, s16  }
0xba: {  	v11 =	vld [tilespmem:s7+$0x0];
	s16 =	simm.s32 $0x80;
	v12 =	vadd.s32 s14, v2;
	s29 =	sadd.s32 $0x0, s11;
	s11 =	simm.s32 $0x8  }
0xbb: {  	v10 =	vld [tilespmem:s23+$0x0];
	s14 =	sadd.s32 $0x0, s15;
	v14 =	vadd.s32 s6, v2;
	s6 =	sand.u32 $0x3FFFFF00, s16;
	s12 =	sand.u32 $0x8, s11  }
0xbc: {  	v15 =	vld [tilespmem:s18+$0x0];
	v16 =	vadd.s32 s28, v2;
	v18 =	vadd.s32 s13, v2;
	s13 =	simm.s32 $0x0;
	s6 =	sadd.s32 $0x3000, s6;
	s23 =	sor.u32 $0x1, s12  }
0xbd: {  	v17 =	vld [tilespmem:s19+$0x0];
	s24 =	sor.u32 $0x7, s12;
	s18 =	sor.u32 $0x2, s12;
	s7 =	sor.u32 $0x3, s12  }
0xbe: {  	v21 =	vld [tilespmem:s21+$0x0];
	v22 =	vadd.s32 s14, v2;
	s14 =	sor.u32 $0x4, s12;
	s16 =	sor.u32 $0x5, s12;
	s25 =	smul.u32 $0x110, s24  }
0xbf: {  	v19 =	vld [tilespmem:s20+$0x0];
	v20 =	vadd.s32 s29, v2;
	s15 =	sshll.u32 s24, $0x4;
	s21 =	sshll.u32 s18, $0x4;
	s22 =	sshll.u32 s14, $0x4;
	[tilespmem:v12+s30+$0x0] =	vst.idx.msk $0xffff, v11  }
0xc0: {  	v23 =	vld [tilespmem:s4+$0x0];
	s28 =	sor.u32 s15, s6;
	[tilespmem:v14+s30+$0x0] =	vst.idx.msk $0xffff, v13;
	v14 =	vadd.s32 s17, v2;
	s17 =	sshll.u32 s23, $0x4;
	s29 =	sadd.s32 $0x0, s25  }
0xc1: {  	s15 =	sor.u32 $0x6, s12;
	[tilespmem:v16+s30+$0x0] =	vst.idx.msk $0xffff, v15;
	s25 =	sshll.u32 s7, $0x4;
	v15 =	vld [tilespmem:s28+$0x0];
	s4 =	sor.u32 s17, s6;
	v16 =	vadd.s32 s29, v2  }
0xc2: {  	[tilespmem:v18+s30+$0x0] =	vst.idx.msk $0xffff, v17;
	s28 =	sshll.u32 s12, $0x4;
	s17 =	sor.u32 s21, s6;
	s29 =	sshll.u32 s16, $0x4;
	v12 =	vld [tilespmem:s4+$0x0]  }
0xc3: {  	[tilespmem:v22+s30+$0x0] =	vst.idx.msk $0xffff, v21;
	s20 =	sor.u32 s28, s6;
	s21 =	sor.u32 s25, s6;
	s25 =	smul.u32 $0x110, s23;
	v13 =	vld [tilespmem:s17+$0x0]  }
0xc4: {  	s24 =	sshll.u32 s15, $0x4;
	[tilespmem:v20+s30+$0x0] =	vst.idx.msk $0xffff, v19;
	v11 =	vld [tilespmem:s20+$0x0];
	s19 =	sor.u32 s29, s6;
	s29 =	smul.u32 $0x110, s18  }
0xc5: {  	v17 =	vadd.s32 s1, v2;
	s28 =	sor.u32 s22, s6;
	s17 =	smul.u32 $0x110, s7;
	s20 =	sadd.s32 $0x0, s25;
	[tilespmem:v14+s30+$0x0] =	vst.idx.msk $0xffff, v23;
	v14 =	vld [tilespmem:s21+$0x0]  }
0xc6: {  	s18 =	sor.u32 s24, s6;
	s21 =	sadd.s32 $0x0, s29;
	[tilespmem:v16+s30+$0x0] =	vst.idx.msk $0xffff, v15;
	v16 =	vadd.s32 s20, v2;
	v15 =	vld [tilespmem:s28+$0x0];
	s20 =	smul.u32 $0x110, s14  }
.LBB2_9:
0xc7: {  	v18 =	vadd.s32 s21, v2;
	s1 =	sadd.s32 s13, s17;
	v19 =	vld [tilespmem:s19+$0x0];
	s4 =	smul.u32 $0x110, s16;
	s14 =	simm.s32 $0x77  }
0xc8: {  	s6 =	smul.u32 $0x110, s15;
	s11 =	sadd.s32 $0x8, s11;
	v20 =	vadd.s32 s1, v2;
	s1 =	sadd.s32 s13, s20;
	v21 =	vld [tilespmem:s18+$0x0]  }
0xc9: {  	s17 =	smul.u32 $0x110, s12;
	s12 =	sand.u32 $0x8, s11;
	v22 =	vadd.s32 s1, v2;
	s1 =	sadd.s32 s13, s4  }
0xca: {  	p0 =	slt.u32 s11, $0xF8;
	s20 =	sshrl.u32 s11, $0x4;
	v23 =	vadd.s32 s1, v2;
	s1 =	sadd.s32 s13, s6;
	[tilespmem:v17+s30+$0x0] =	vst.idx.msk $0xffff, v10;
	v10 =	vmov v11  }
0xcb: {  	s4 =	sshll.u32 s11, $0x4;
	s7 =	sor.u32 $0x7, s12;
	s6 =	sor.u32 $0x1, s12;
	[tilespmem:v16+s30+$0x0] =	vst.idx.msk $0xffff, v12;
	v11 =	vadd.s32 s1, v2  }
0xcc: {  	s15 =	smul.u32 $0x110, s7;
	s1 =	sand.u32 $0x3FFFFF00, s4;
	s4 =	sor.u32 $0x2, s12;
	[tilespmem:v18+s30+$0x0] =	vst.idx.msk $0xffff, v13  }
0xcd: {  	s21 =	sor.u32 $0x3, s12;
	s7 =	sshll.u32 s7, $0x4;
	s1 =	sadd.s32 $0x3000, s1;
	[tilespmem:v20+s30+$0x0] =	vst.idx.msk $0xffff, v14  }
0xce: {  	s22 =	sor.u32 $0x4, s12;
	s18 =	sadd.s32 s20, s15;
	s7 =	sor.u32 s7, s1;
	[tilespmem:v22+s30+$0x0] =	vst.idx.msk $0xffff, v15  }
0xcf: {  	s16 =	sor.u32 $0x5, s12;
	s28 =	sshll.u32 s12, $0x4;
	s15 =	sor.u32 $0x6, s12;
	v14 =	vadd.s32 s18, v2;
	v13 =	vld [tilespmem:s7+$0x0];
	[tilespmem:v23+s30+$0x0] =	vst.idx.msk $0xffff, v19  }
0xd0: {  	s19 =	sshll.u32 s21, $0x4;
	s18 =	sshll.u32 s4, $0x4;
	s7 =	sshll.u32 s6, $0x4;
	[tilespmem:v11+s30+$0x0] =	vst.idx.msk $0xffff, v21  }
0xd1: {  	s23 =	sshll.u32 s22, $0x4;
	s24 =	sshll.u32 s16, $0x4;
	s25 =	sshll.u32 s15, $0x4  }
0xd2: {  	s23 =	sor.u32 s23, s1;
	s29 =	sor.u32 s18, s1;
	s7 =	sor.u32 s7, s1  }
.Ltmp3:
0xd3: {  	s18 =	sor.u32 s28, s1;
	v12 =	vld [tilespmem:s7+$0x0];
	s7 =	sor.u32 s19, s1;
	(pc) =	sbr.rel @p0 .LBB2_9-.Ltmp3, $4  }
0xd4: {  	s6 =	smul.u32 $0x110, s6;
	s19 =	sor.u32 s24, s1;
	v11 =	vld [tilespmem:s18+$0x0];
	s18 =	sor.u32 s25, s1;
	[tilespmem:v14+s30+$0x0] =	vst.idx.msk $0xffff, v13  }
0xd5: {  	s1 =	smul.u32 $0x110, s4;
	s4 =	sadd.s32 s13, s17;
	s13 =	smov.u32 s20;
	v13 =	vld [tilespmem:s29+$0x0]  }
0xd6: {  	s17 =	smul.u32 $0x110, s21;
	s6 =	sadd.s32 s13, s6;
	v17 =	vadd.s32 s4, v2;
	v14 =	vld [tilespmem:s7+$0x0]  }
0xd7: {  	s20 =	smul.u32 $0x110, s22;
	v16 =	vadd.s32 s6, v2;
	s21 =	sadd.s32 s13, s1;
	v15 =	vld [tilespmem:s23+$0x0]  }
0xd8: {  	_ = 	snop  }
0xd9: {  	v18 =	vadd.s32 s21, v2;
	s1 =	sadd.s32 s13, s17;
	s4 =	smul.u32 $0x110, s16  }
0xda: {  	s6 =	smul.u32 $0x110, s15;
	v19 =	vadd.s32 s1, v2;
	s16 =	sadd.s32 s13, s20  }
0xdb: {  	s7 =	smul.u32 $0x110, s12;
	v20 =	vadd.s32 s16, v2;
	s17 =	sadd.s32 s13, s4  }
0xdc: {  	v21 =	vld [tilespmem:s19+$0x0];
	[tilespmem:v17+s30+$0x0] =	vst.idx.msk $0xffff, v10;
	s19 =	sadd.s32 s13, s6;
	v22 =	vadd.s32 s17, v2  }
0xdd: {  	v10 =	vld [tilespmem:s18+$0x0];
	[tilespmem:v16+s30+$0x0] =	vst.idx.msk $0xffff, v12;
	s20 =	sadd.s32 s13, s7;
	v12 =	vadd.s32 s19, v2  }
0xde: {  	[tilespmem:v18+s30+$0x0] =	vst.idx.msk $0xffff, v13;
	v13 =	vadd.s32 s20, v2  }
0xdf: {  	[tilespmem:v19+s30+$0x0] =	vst.idx.msk $0xffff, v14  }
0xe0: {  	s25 =	simm.s32 $0x33;
	v14 =	vadd.s32 s14, v0;
	[tilespmem:v20+s30+$0x0] =	vst.idx.msk $0xffff, v15  }
0xe1: {  	v17 =	vadd.s32 s25, v0;
	[tilespmem:v22+s30+$0x0] =	vst.idx.msk $0xffff, v21  }
0xe2: {  	[tilespmem:v12+s30+$0x0] =	vst.idx.msk $0xffff, v10  }
0xe3: {  	[tilespmem:v13+s30+$0x0] =	vst.idx.msk $0xffff, v11  }
0xe4: {  	v16 =	vld [tilespmem:s10+$0x20]  }
0xe5: {  	s21 =	simm.s32 $0x66;
	v11 =	vld.idx.msk [tilespmem:v14+s30+$0x0], $0xffff  }
0xe6: {  	s22 =	simm.s32 $0x0;
	v15 =	vadd.s32 s21, v0;
	v14 =	vld.idx.msk [tilespmem:v17+s30+$0x0], $0xffff  }
0xe7: {  	s23 =	simm.s32 $0x11;
	v10 =	vadd.s32 s22, v0;
	v22 =	vld [tilespmem:s10+$0xFFFFFFD0]  }
0xe8: {  	s24 =	simm.s32 $0x22;
	v12 =	vadd.s32 s23, v0;
	v23 =	vld [tilespmem:s10+$0xFFFFFFE0]  }
0xe9: {  	s28 =	simm.s32 $0x44;
	v13 =	vadd.s32 s24, v0;
	v19 =	vld [tilespmem:s10+$0xFFFFFFF0]  }
0xea: {  	v18 =	vadd.s32 s28, v0;
	v17 =	vld [tilespmem:s10+$0x0]  }
0xeb: {  	v15 =	vld.idx.msk [tilespmem:v15+s30+$0x0], $0xffff  }
0xec: {  	v10 =	vld.idx.msk [tilespmem:v10+s30+$0x0], $0xffff  }
0xed: {  	v20 =	vld.idx.msk [tilespmem:v12+s30+$0x0], $0xffff  }
0xee: {  	s29 =	simm.s32 $0x55;
	v21 =	vld.idx.msk [tilespmem:v13+s30+$0x0], $0xffff  }
0xef: {  	v12 =	vadd.s32 s29, v0;
	v13 =	vld.idx.msk [tilespmem:v18+s30+$0x0], $0xffff  }
0xf0: {  	[tilespmem:v16+s31+$0x0] =	vst.idx.add.f32.msk $0xffff, v15  }
0xf1: {  	v16 =	vld [tilespmem:s10+$0x10]  }
0xf2: {  	v15 =	vld [tilespmem:s10+$0x30]  }
0xf3: {  	v18 =	vld [tilespmem:s10+$0xFFFFFFC0]  }
0xf4: {  	v12 =	vld.idx.msk [tilespmem:v12+s30+$0x0], $0xffff  }
0xf5: {  	[tilespmem:v22+s31+$0x0] =	vst.idx.add.f32.msk $0xffff, v20  }
0xf6: {  	s11 =	simm.s32 $0xFF;
	[tilespmem:v23+s31+$0x0] =	vst.idx.add.f32.msk $0xffff, v21  }
.LBB2_11:
0xf7: {  	s1 =	sadd.s32 $0xFFFFFF89, s11;
	s4 =	sadd.s32 $0xFFFFFFEF, s11;
	v20 =	vadd.s32 s11, v0;
	s9 =	sadd.s32 $0x8, s9;
	[tilespmem:v19+s31+$0x0] =	vst.idx.add.f32.msk $0xffff, v14  }
0xf8: {  	s6 =	sadd.s32 $0xFFFFFFAB, s11;
	v14 =	vadd.s32 s1, v0;
	s1 =	sadd.s32 $0xFFFFFF9A, s11;
	v19 =	vadd.s32 s4, v0;
	p0 =	slt.u32 s9, $0xF8;
	[tilespmem:v17+s31+$0x0] =	vst.idx.add.f32.msk $0xffff, v13;
	v21 =	vmov v18  }
0xf9: {  	v17 =	vadd.s32 s6, v0;
	s4 =	sadd.s32 $0xFFFFFFCD, s11;
	s6 =	sadd.s32 $0xFFFFFFDE, s11;
	v13 =	vadd.s32 s1, v0;
	s1 =	sadd.s32 $0xFFFFFFBC, s11;
	[tilespmem:v16+s31+$0x0] =	vst.idx.add.f32.msk $0xffff, v12  }
0xfa: {  	s10 =	sadd.s32 $0x80, s10;
	v16 =	vadd.s32 s4, v0;
	v18 =	vadd.s32 s6, v0;
	v12 =	vadd.s32 s1, v0;
	[tilespmem:v15+s31+$0x0] =	vst.idx.add.f32.msk $0xffff, v11  }
0xfb: {  	v15 =	vld [tilespmem:s10+$0x20]  }
0xfc: {  	v11 =	vld.idx.msk [tilespmem:v20+s30+$0x0], $0xffff  }
0xfd: {  	v19 =	vld.idx.msk [tilespmem:v19+s30+$0x0], $0xffff  }
0xfe: {  	v20 =	vld.idx.msk [tilespmem:v14+s30+$0x0], $0xffff  }
0xff: {  	v22 =	vld.idx.msk [tilespmem:v13+s30+$0x0], $0xffff  }
0x100: {  	v23 =	vld.idx.msk [tilespmem:v17+s30+$0x0], $0xffff  }
0x101: {  	v14 =	vld.idx.msk [tilespmem:v12+s30+$0x0], $0xffff  }
0x102: {  	v13 =	vld.idx.msk [tilespmem:v16+s30+$0x0], $0xffff  }
0x103: {  	[tilespmem:v15+s31+$0x0] =	vst.idx.add.f32.msk $0xffff, v19  }
0x104: {  	v12 =	vld.idx.msk [tilespmem:v18+s30+$0x0], $0xffff  }
0x105: {  	v24 =	vld [tilespmem:s10+$0xFFFFFFD0]  }
0x106: {  	v25 =	vld [tilespmem:s10+$0xFFFFFFE0]  }
0x107: {  	v19 =	vld [tilespmem:s10+$0xFFFFFFF0]  }
0x108: {  	v17 =	vld [tilespmem:s10+$0x0]  }
0x109: {  	v16 =	vld [tilespmem:s10+$0x10]  }
.Ltmp4:
0x10a: {  	v15 =	vld [tilespmem:s10+$0x30];
	(pc) =	sbr.rel @p0 .LBB2_11-.Ltmp4, $4  }
0x10b: {  	v18 =	vld [tilespmem:s10+$0xFFFFFFC0]  }
0x10c: {  	[tilespmem:v21+s31+$0x0] =	vst.idx.add.f32.msk $0xffff, v10;
	v10 =	vmov v20  }
0x10d: {  	[tilespmem:v24+s31+$0x0] =	vst.idx.add.f32.msk $0xffff, v22  }
0x10e: {  	s11 =	sadd.s32 $0x88, s11;
	[tilespmem:v25+s31+$0x0] =	vst.idx.add.f32.msk $0xffff, v23  }
0x10f: {  	_ =	sdelay $0x1  }
0x110: {  	s8 =	sadd.s32 $0x1, s8  }
0x111: {  	p0 =	sne.s32 s8, $0x80  }
.Ltmp5:
0x112: {  	[tilespmem:v19+s31+$0x0] =	vst.idx.add.f32.msk $0xffff, v14;
	(pc) =	sbr.rel @p0 .LBB2_4-.Ltmp5, $4  }
0x113: {  	[tilespmem:v17+s31+$0x0] =	vst.idx.add.f32.msk $0xffff, v13  }
0x114: {  	[tilespmem:v16+s31+$0x0] =	vst.idx.add.f32.msk $0xffff, v12  }
0x115: {  	[tilespmem:v15+s31+$0x0] =	vst.idx.add.f32.msk $0xffff, v11  }
0x116: {  	[tilespmem:v18+s31+$0x0] =	vst.idx.add.f32.msk $0xffff, v10  }
0x117: {  	s1 =	simm.s32 $0x0  }
0x118: {  	v10 =	vmov s1  }
0x119: {  	v10 =	vshrl.u32 v10, $0x7  }
0x11a: {  	v10 =	vshll.u32 v10, $0x7  }
0x11b: {  	v11 =	vbroadcast v10, $0x0;
	_ =	sdelay $0x1  }
0x11c: {  	v10 =	vor.u32 v0, v11  }
0x11d: {  	v12 =	vor.u32 v3, v11  }
0x11e: {  	s28 =	simm.s32 $0x80;
	v13 =	vor.u32 v4, v11  }
0x11f: {  	v15 =	vmov s28;
	v14 =	vor.u32 v5, v11  }
0x120: {  	v15 =	vshrl.u32 v15, $0x7;
	v16 =	vor.u32 v6, v11  }
0x121: {  	v15 =	vshll.u32 v15, $0x7;
	v17 =	vor.u32 v7, v11;
	v10 =	vld.idx.msk [tilespmem:v10+s31+$0x0], $0xffff  }
0x122: {  	v18 =	vbroadcast v15, $0x0;
	v15 =	vor.u32 v8, v11;
	v12 =	vld.idx.msk [tilespmem:v12+s31+$0x0], $0xffff  }
0x123: {  	v11 =	vor.u32 v9, v11;
	v13 =	vld.idx.msk [tilespmem:v13+s31+$0x0], $0xffff  }
0x124: {  	v19 =	vor.u32 v0, v18;
	v14 =	vld.idx.msk [tilespmem:v14+s31+$0x0], $0xffff  }
0x125: {  	v20 =	vor.u32 v3, v18;
	v21 =	vld.idx.msk [tilespmem:v16+s31+$0x0], $0xffff  }
0x126: {  	s29 =	simm.s32 $0x100;
	v26 =	vor.u32 v6, v18;
	v24 =	vld.idx.msk [tilespmem:v17+s31+$0x0], $0xffff  }
0x127: {  	s8 =	simm.s32 $0x2040;
	v22 =	vor.u32 v4, v18;
	v25 =	vld.idx.msk [tilespmem:v15+s31+$0x0], $0xffff;
	v15 =	vmov s29  }
0x128: {  	v17 =	vor.u32 v5, v18;
	v27 =	vld.idx.msk [tilespmem:v11+s31+$0x0], $0xffff;
	[tilespmem:s8+$0xFFFFFFD0] =	vst v12;
	v12 =	vshrl.u32 v15, $0x7  }
0x129: {  	v11 =	vld.idx.msk [tilespmem:v19+s31+$0x0], $0xffff;
	v19 =	vor.u32 v7, v18;
	[tilespmem:s8+$0xFFFFFFE0] =	vst v13;
	v12 =	vshll.u32 v12, $0x7  }
0x12a: {  	v23 =	vor.u32 v8, v18;
	v16 =	vld.idx.msk [tilespmem:v20+s31+$0x0], $0xffff;
	[tilespmem:s8+$0xFFFFFFF0] =	vst v14;
	v12 =	vbroadcast v12, $0x0  }
0x12b: {  	v20 =	vor.u32 v9, v18;
	v18 =	vld.idx.msk [tilespmem:v26+s31+$0x0], $0xffff;
	[tilespmem:s8+$0x0] =	vst v21  }
0x12c: {  	v15 =	vld.idx.msk [tilespmem:v22+s31+$0x0], $0xffff;
	[tilespmem:s8+$0x10] =	vst v24;
	v13 =	vor.u32 v0, v12  }
0x12d: {  	v17 =	vld.idx.msk [tilespmem:v17+s31+$0x0], $0xffff;
	[tilespmem:s8+$0x20] =	vst v25;
	v22 =	vor.u32 v3, v12  }
0x12e: {  	s9 =	simm.s32 $0x10;
	s10 =	simm.s32 $0x180;
	v19 =	vld.idx.msk [tilespmem:v19+s31+$0x0], $0xffff;
	[tilespmem:s8+$0x30] =	vst v27;
	v14 =	vor.u32 v5, v12;
	v21 =	vor.u32 v4, v12  }
.LBB2_14:
0x12f: {  	v24 =	vmov s10;
	s9 =	sadd.s32 $0x8, s9;
	v25 =	vld.idx.msk [tilespmem:v23+s31+$0x0], $0xffff;
	[tilespmem:s8+$0xFFFFFFC0] =	vst v10;
	s8 =	sadd.s32 $0x80, s8;
	v10 =	vmov v11  }
0x130: {  	v11 =	vshrl.u32 v24, $0x7;
	p0 =	slt.u32 s9, $0xF8;
	v24 =	vor.u32 v6, v12;
	[tilespmem:s8+$0xFFFFFFD0] =	vst v16;
	v26 =	vld.idx.msk [tilespmem:v20+s31+$0x0], $0xffff  }
0x131: {  	v27 =	vor.u32 v7, v12;
	v16 =	vshll.u32 v11, $0x7;
	v11 =	vld.idx.msk [tilespmem:v13+s31+$0x0], $0xffff;
	[tilespmem:s8+$0xFFFFFFE0] =	vst v15  }
.Ltmp6:
0x132: {  	v23 =	vor.u32 v8, v12;
	v28 =	vbroadcast v16, $0x0;
	v16 =	vld.idx.msk [tilespmem:v22+s31+$0x0], $0xffff;
	[tilespmem:s8+$0xFFFFFFF0] =	vst v17;
	(pc) =	sbr.rel @p0 .LBB2_14-.Ltmp6, $4  }
0x133: {  	v20 =	vor.u32 v9, v12;
	v15 =	vld.idx.msk [tilespmem:v21+s31+$0x0], $0xffff;
	[tilespmem:s8+$0x0] =	vst v18  }
0x134: {  	v13 =	vor.u32 v0, v28;
	v17 =	vld.idx.msk [tilespmem:v14+s31+$0x0], $0xffff;
	v14 =	vor.u32 v5, v28;
	[tilespmem:s8+$0x10] =	vst v19;
	v12 =	vmov v28  }
0x135: {  	v22 =	vor.u32 v3, v12;
	v18 =	vld.idx.msk [tilespmem:v24+s31+$0x0], $0xffff;
	[tilespmem:s8+$0x20] =	vst v25  }
0x136: {  	s10 =	sadd.s32 $0x80, s10;
	v21 =	vor.u32 v4, v12;
	v19 =	vld.idx.msk [tilespmem:v27+s31+$0x0], $0xffff;
	[tilespmem:s8+$0x30] =	vst v26  }
0x137: {  	_ =	sdelay $0x1  }
0x138: {  	[tilespmem:s8+$0xFFFFFFC0] =	vst v10;
	s1 =	sadd.s32 $0x80, s8  }
0x139: {  	[tilespmem:s1+$0xFFFFFFD0] =	vst v16  }
0x13a: {  	v10 =	vld.idx.msk [tilespmem:v23+s31+$0x0], $0xffff;
	[tilespmem:s1+$0xFFFFFFE0] =	vst v15  }
0x13b: {  	v20 =	vld.idx.msk [tilespmem:v20+s31+$0x0], $0xffff;
	v60 =	vor.u32 v8, v12;
	[tilespmem:s1+$0xFFFFFFC0] =	vst v11  }
0x13c: {  	v14 =	vld.idx.msk [tilespmem:v14+s31+$0x0], $0xffff;
	v16 =	vor.u32 v6, v12;
	[tilespmem:s1+$0xFFFFFFF0] =	vst v17  }
0x13d: {  	v13 =	vld.idx.msk [tilespmem:v13+s31+$0x0], $0xffff;
	v15 =	vor.u32 v7, v12;
	[tilespmem:s1+$0x0] =	vst v18  }
0x13e: {  	v12 =	vor.u32 v9, v12;
	v17 =	vld.idx.msk [tilespmem:v22+s31+$0x0], $0xffff;
	[tilespmem:s1+$0x10] =	vst v19  }
0x13f: {  	v18 =	vld.idx.msk [tilespmem:v21+s31+$0x0], $0xffff;
	[tilespmem:s1+$0x20] =	vst v10  }
0x140: {  	[tilespmem:s1+$0x30] =	vst v20;
	s1 =	sadd.s32 $0x80, s1;
	v11 =	vld.idx.msk [tilespmem:v60+s31+$0x0], $0xffff  }
0x141: {  	v10 =	vld.idx.msk [tilespmem:v16+s31+$0x0], $0xffff;
	[tilespmem:s1+$0xFFFFFFF0] =	vst v14  }
0x142: {  	v15 =	vld.idx.msk [tilespmem:v15+s31+$0x0], $0xffff;
	[tilespmem:s1+$0xFFFFFFC0] =	vst v13  }
0x143: {  	v12 =	vld.idx.msk [tilespmem:v12+s31+$0x0], $0xffff;
	[tilespmem:s1+$0xFFFFFFD0] =	vst v17  }
0x144: {  	[tilespmem:s1+$0xFFFFFFE0] =	vst v18  }
0x145: {  	[tilespmem:s1+$0x20] =	vst v11  }
0x146: {  	[tilespmem:s1+$0x0] =	vst v10  }
0x147: {  	[tilespmem:s1+$0x10] =	vst v15  }
0x148: {  	s7 =	simm.s32 $0x2000;
	s4 =	simm.s32 $0x1061;
	s15 =	simm.s32 $0x1011;
	[tilespmem:s1+$0x30] =	vst v12  }
0x149: {  	s11 =	simm.s32 $0x3;
	s16 =	simm.s32 $0x1021;
	v11 =	vadd.s32 s4, v0;
	s1 =	rddreg [dreg:$0x4]  }
0x14a: {  	v12 =	vadd.s32 s15, v0;
	[hbm4b:s1+s2] =	stream.linear.scatter [tilespmem:s7], [sflag:$0x3], $0x1000, $0x38;
	[tilespmem:$0x15180] =	vst v63  }
0x14b: {  	s17 =	simm.s32 $0x1001;
	v13 =	vadd.s32 s16, v0;
	_ =	swait.ge [sflag:s11], $0x1000  }
0x14c: {  	s18 =	simm.s32 $0x1031;
	v14 =	vadd.s32 s17, v0;
	[sflag:s11] =	ssyncset.done $0x0  }
0x14d: {  	s19 =	simm.s32 $0x1041;
	v15 =	vadd.s32 s18, v0;
	[sflag:s11] =	ssyncadd.s32 $0xFFFFF000  }
0x14e: {  	s20 =	simm.s32 $0x1051;
	v16 =	vadd.s32 s19, v0;
	v11 =	vld.idx.msk [tilespmem:v11+s31+$0x0], $0xffff  }
0x14f: {  	s21 =	simm.s32 $0x10F1;
	v17 =	vadd.s32 s20, v0;
	v12 =	vld.idx.msk [tilespmem:v12+s31+$0x0], $0xffff  }
0x150: {  	s14 =	simm.s32 $0x1071;
	v19 =	vadd.s32 s21, v0;
	v13 =	vld.idx.msk [tilespmem:v13+s31+$0x0], $0xffff  }
0x151: {  	s23 =	simm.s32 $0x1091;
	v10 =	vadd.s32 s14, v0;
	v14 =	vld.idx.msk [tilespmem:v14+s31+$0x0], $0xffff  }
0x152: {  	s22 =	simm.s32 $0x10E1;
	v61 =	vadd.s32 s23, v0;
	v62 =	vld.idx.msk [tilespmem:v15+s31+$0x0], $0xffff  }
0x153: {  	s8 =	simm.s32 $0x2040;
	s24 =	simm.s32 $0x10A1;
	v20 =	vadd.s32 s22, v0;
	v24 =	vld.idx.msk [tilespmem:v16+s31+$0x0], $0xffff  }
0x154: {  	s6 =	simm.s32 $0x1081;
	v63 =	vadd.s32 s24, v0;
	v18 =	vld.idx.msk [tilespmem:v17+s31+$0x0], $0xffff;
	[tilespmem:s8+$0x20] =	vst v11  }
0x155: {  	s25 =	simm.s32 $0x10B1;
	[tilespmem:s8+$0xFFFFFFD0] =	vst v12;
	v11 =	vld.idx.msk [tilespmem:v19+s31+$0x0], $0xffff;
	v19 =	vadd.s32 s6, v0  }
0x156: {  	s28 =	simm.s32 $0x10C1;
	v10 =	vld.idx.msk [tilespmem:v10+s31+$0x0], $0xffff;
	[tilespmem:s8+$0xFFFFFFC0] =	vst v14;
	v14 =	vadd.s32 s25, v0  }
0x157: {  	s29 =	simm.s32 $0x10D1;
	v15 =	vadd.s32 s28, v0;
	v16 =	vld.idx.msk [tilespmem:v61+s31+$0x0], $0xffff;
	[tilespmem:s8+$0xFFFFFFE0] =	vst v13  }
0x158: {  	v12 =	vld.idx.msk [tilespmem:v20+s31+$0x0], $0xffff;
	[tilespmem:s8+$0xFFFFFFF0] =	vst v62;
	v13 =	vadd.s32 s29, v0  }
0x159: {  	s9 =	simm.s32 $0x8;
	s10 =	simm.s32 $0x1171;
	v17 =	vld.idx.msk [tilespmem:v63+s31+$0x0], $0xffff;
	[tilespmem:s8+$0x0] =	vst v24  }
.LBB2_16:
0x15a: {  	s1 =	sadd.s32 $0xFFFFFFA0, s10;
	s4 =	sadd.s32 $0xFFFFFFF0, s10;
	v20 =	vadd.s32 s10, v0;
	s9 =	sadd.s32 $0x8, s9;
	v21 =	vld.idx.msk [tilespmem:v19+s31+$0x0], $0xffff;
	[tilespmem:s8+$0x10] =	vst v18  }
0x15b: {  	s6 =	sadd.s32 $0xFFFFFFC0, s10;
	v22 =	vadd.s32 s1, v0;
	s1 =	sadd.s32 $0xFFFFFFB0, s10;
	v23 =	vadd.s32 s4, v0;
	p0 =	slt.u32 s9, $0xF8;
	v24 =	vld.idx.msk [tilespmem:v14+s31+$0x0], $0xffff;
	[tilespmem:s8+$0x30] =	vst v10  }
0x15c: {  	v14 =	vadd.s32 s6, v0;
	s4 =	sadd.s32 $0xFFFFFFE0, s10;
	s8 =	sadd.s32 $0x80, s8;
	v10 =	vmov v11;
	v25 =	vadd.s32 s1, v0;
	s1 =	sadd.s32 $0xFFFFFFD0, s10;
	v26 =	vld.idx.msk [tilespmem:v15+s31+$0x0], $0xffff  }
0x15d: {  	s6 =	sadd.s32 $0xFFFFFF90, s10;
	v15 =	vadd.s32 s1, v0;
	v18 =	vld.idx.msk [tilespmem:v13+s31+$0x0], $0xffff;
	v13 =	vadd.s32 s4, v0;
	[tilespmem:s8+$0x20] =	vst v12  }
.Ltmp7:
0x15e: {  	v19 =	vadd.s32 s6, v0;
	[tilespmem:s8+$0xFFFFFFD0] =	vst v16;
	(pc) =	sbr.rel @p0 .LBB2_16-.Ltmp7, $4  }
0x15f: {  	v11 =	vld.idx.msk [tilespmem:v20+s31+$0x0], $0xffff;
	[tilespmem:s8+$0xFFFFFFE0] =	vst v17  }
0x160: {  	v12 =	vld.idx.msk [tilespmem:v23+s31+$0x0], $0xffff;
	[tilespmem:s8+$0xFFFFFFC0] =	vst v21  }
0x161: {  	v16 =	vld.idx.msk [tilespmem:v22+s31+$0x0], $0xffff;
	[tilespmem:s8+$0xFFFFFFF0] =	vst v24  }
0x162: {  	s10 =	sadd.s32 $0x80, s10;
	v17 =	vld.idx.msk [tilespmem:v25+s31+$0x0], $0xffff;
	[tilespmem:s8+$0x0] =	vst v26  }
0x163: {  	_ =	sdelay $0x2  }
0x164: {  	[tilespmem:s8+$0x10] =	vst v18  }
0x165: {  	v19 =	vld.idx.msk [tilespmem:v19+s31+$0x0], $0xffff;
	[tilespmem:s8+$0x30] =	vst v10;
	s1 =	sadd.s32 $0x80, s8  }
0x166: {  	v14 =	vld.idx.msk [tilespmem:v14+s31+$0x0], $0xffff;
	[tilespmem:s1+$0x30] =	vst v11  }
0x167: {  	v10 =	vld.idx.msk [tilespmem:v15+s31+$0x0], $0xffff;
	[tilespmem:s1+$0x20] =	vst v12  }
0x168: {  	v12 =	vld.idx.msk [tilespmem:v13+s31+$0x0], $0xffff;
	[tilespmem:s1+$0xFFFFFFD0] =	vst v16  }
0x169: {  	[tilespmem:s1+$0xFFFFFFE0] =	vst v17  }
0x16a: {  	[tilespmem:s1+$0xFFFFFFC0] =	vst v19  }
0x16b: {  	[tilespmem:s1+$0xFFFFFFF0] =	vst v14  }
0x16c: {  	[tilespmem:s1+$0x0] =	vst v10  }
0x16d: {  	s4 =	simm.s32 $0x2062;
	[tilespmem:s1+$0x10] =	vst v12  }
0x16e: {  	s15 =	simm.s32 $0x2012;
	s16 =	simm.s32 $0x2022;
	v11 =	vadd.s32 s4, v0;
	s1 =	rddreg [dreg:$0x7]  }
0x16f: {  	v12 =	vadd.s32 s15, v0;
	[hbm4b:s1+s2] =	stream.linear.scatter [tilespmem:s7], [sflag:$0x3], $0x1000, $0x38;
	[tilespmem:$0x15180] =	vst v63  }
0x170: {  	s17 =	simm.s32 $0x2002;
	v13 =	vadd.s32 s16, v0;
	_ =	swait.ge [sflag:s11], $0x1000  }
0x171: {  	s18 =	simm.s32 $0x2032;
	v14 =	vadd.s32 s17, v0;
	[sflag:s11] =	ssyncset.done $0x0  }
0x172: {  	s19 =	simm.s32 $0x2042;
	v15 =	vadd.s32 s18, v0;
	[sflag:s11] =	ssyncadd.s32 $0xFFFFF000  }
0x173: {  	s20 =	simm.s32 $0x2052;
	v16 =	vadd.s32 s19, v0;
	v11 =	vld.idx.msk [tilespmem:v11+s31+$0x0], $0xffff  }
0x174: {  	s21 =	simm.s32 $0x20F2;
	v17 =	vadd.s32 s20, v0;
	v12 =	vld.idx.msk [tilespmem:v12+s31+$0x0], $0xffff  }
0x175: {  	s14 =	simm.s32 $0x2072;
	v19 =	vadd.s32 s21, v0;
	v13 =	vld.idx.msk [tilespmem:v13+s31+$0x0], $0xffff  }
0x176: {  	s23 =	simm.s32 $0x2092;
	v10 =	vadd.s32 s14, v0;
	v14 =	vld.idx.msk [tilespmem:v14+s31+$0x0], $0xffff  }
0x177: {  	s22 =	simm.s32 $0x20E2;
	v21 =	vadd.s32 s23, v0;
	v22 =	vld.idx.msk [tilespmem:v15+s31+$0x0], $0xffff  }
0x178: {  	s8 =	simm.s32 $0x2040;
	s24 =	simm.s32 $0x20A2;
	v20 =	vadd.s32 s22, v0;
	v24 =	vld.idx.msk [tilespmem:v16+s31+$0x0], $0xffff  }
0x179: {  	s6 =	simm.s32 $0x2082;
	v23 =	vadd.s32 s24, v0;
	v18 =	vld.idx.msk [tilespmem:v17+s31+$0x0], $0xffff;
	[tilespmem:s8+$0x20] =	vst v11  }
0x17a: {  	s25 =	simm.s32 $0x20B2;
	[tilespmem:s8+$0xFFFFFFD0] =	vst v12;
	v11 =	vld.idx.msk [tilespmem:v19+s31+$0x0], $0xffff;
	v19 =	vadd.s32 s6, v0  }
0x17b: {  	s28 =	simm.s32 $0x20C2;
	v10 =	vld.idx.msk [tilespmem:v10+s31+$0x0], $0xffff;
	[tilespmem:s8+$0xFFFFFFC0] =	vst v14;
	v14 =	vadd.s32 s25, v0  }
0x17c: {  	s29 =	simm.s32 $0x20D2;
	v15 =	vadd.s32 s28, v0;
	v16 =	vld.idx.msk [tilespmem:v21+s31+$0x0], $0xffff;
	[tilespmem:s8+$0xFFFFFFE0] =	vst v13  }
0x17d: {  	v12 =	vld.idx.msk [tilespmem:v20+s31+$0x0], $0xffff;
	[tilespmem:s8+$0xFFFFFFF0] =	vst v22;
	v13 =	vadd.s32 s29, v0  }
0x17e: {  	s9 =	simm.s32 $0x8;
	s10 =	simm.s32 $0x2172;
	v17 =	vld.idx.msk [tilespmem:v23+s31+$0x0], $0xffff;
	[tilespmem:s8+$0x0] =	vst v24  }
.LBB2_18:
0x17f: {  	s1 =	sadd.s32 $0xFFFFFFA0, s10;
	s4 =	sadd.s32 $0xFFFFFFF0, s10;
	v20 =	vadd.s32 s10, v0;
	s9 =	sadd.s32 $0x8, s9;
	v21 =	vld.idx.msk [tilespmem:v19+s31+$0x0], $0xffff;
	[tilespmem:s8+$0x10] =	vst v18  }
0x180: {  	s6 =	sadd.s32 $0xFFFFFFC0, s10;
	v22 =	vadd.s32 s1, v0;
	s1 =	sadd.s32 $0xFFFFFFB0, s10;
	v23 =	vadd.s32 s4, v0;
	p0 =	slt.u32 s9, $0xF8;
	v24 =	vld.idx.msk [tilespmem:v14+s31+$0x0], $0xffff;
	[tilespmem:s8+$0x30] =	vst v10  }
0x181: {  	v14 =	vadd.s32 s6, v0;
	s4 =	sadd.s32 $0xFFFFFFE0, s10;
	s8 =	sadd.s32 $0x80, s8;
	v10 =	vmov v11;
	v25 =	vadd.s32 s1, v0;
	s1 =	sadd.s32 $0xFFFFFFD0, s10;
	v26 =	vld.idx.msk [tilespmem:v15+s31+$0x0], $0xffff  }
0x182: {  	s6 =	sadd.s32 $0xFFFFFF90, s10;
	v15 =	vadd.s32 s1, v0;
	v18 =	vld.idx.msk [tilespmem:v13+s31+$0x0], $0xffff;
	v13 =	vadd.s32 s4, v0;
	[tilespmem:s8+$0x20] =	vst v12  }
.Ltmp8:
0x183: {  	v19 =	vadd.s32 s6, v0;
	[tilespmem:s8+$0xFFFFFFD0] =	vst v16;
	(pc) =	sbr.rel @p0 .LBB2_18-.Ltmp8, $4  }
0x184: {  	v11 =	vld.idx.msk [tilespmem:v20+s31+$0x0], $0xffff;
	[tilespmem:s8+$0xFFFFFFE0] =	vst v17  }
0x185: {  	v12 =	vld.idx.msk [tilespmem:v23+s31+$0x0], $0xffff;
	[tilespmem:s8+$0xFFFFFFC0] =	vst v21  }
0x186: {  	v16 =	vld.idx.msk [tilespmem:v22+s31+$0x0], $0xffff;
	[tilespmem:s8+$0xFFFFFFF0] =	vst v24  }
0x187: {  	s10 =	sadd.s32 $0x80, s10;
	v17 =	vld.idx.msk [tilespmem:v25+s31+$0x0], $0xffff;
	[tilespmem:s8+$0x0] =	vst v26  }
0x188: {  	_ =	sdelay $0x2  }
0x189: {  	[tilespmem:s8+$0x10] =	vst v18  }
0x18a: {  	v19 =	vld.idx.msk [tilespmem:v19+s31+$0x0], $0xffff;
	[tilespmem:s8+$0x30] =	vst v10;
	s1 =	sadd.s32 $0x80, s8  }
0x18b: {  	v14 =	vld.idx.msk [tilespmem:v14+s31+$0x0], $0xffff;
	[tilespmem:s1+$0x30] =	vst v11  }
0x18c: {  	v10 =	vld.idx.msk [tilespmem:v15+s31+$0x0], $0xffff;
	[tilespmem:s1+$0x20] =	vst v12  }
0x18d: {  	v12 =	vld.idx.msk [tilespmem:v13+s31+$0x0], $0xffff;
	[tilespmem:s1+$0xFFFFFFD0] =	vst v16  }
0x18e: {  	[tilespmem:s1+$0xFFFFFFE0] =	vst v17  }
0x18f: {  	[tilespmem:s1+$0xFFFFFFC0] =	vst v19  }
0x190: {  	[tilespmem:s1+$0xFFFFFFF0] =	vst v14  }
0x191: {  	[tilespmem:s1+$0x0] =	vst v10  }
0x192: {  	s4 =	simm.s32 $0x3063;
	[tilespmem:s1+$0x10] =	vst v12  }
0x193: {  	s15 =	simm.s32 $0x3013;
	s16 =	simm.s32 $0x3023;
	v11 =	vadd.s32 s4, v0;
	s1 =	rddreg [dreg:$0x8]  }
0x194: {  	v12 =	vadd.s32 s15, v0;
	[hbm4b:s1+s2] =	stream.linear.scatter [tilespmem:s7], [sflag:$0x3], $0x1000, $0x38;
	[tilespmem:$0x15180] =	vst v63  }
0x195: {  	s17 =	simm.s32 $0x3003;
	v13 =	vadd.s32 s16, v0;
	_ =	swait.ge [sflag:s11], $0x1000  }
0x196: {  	s18 =	simm.s32 $0x3033;
	v14 =	vadd.s32 s17, v0;
	[sflag:s11] =	ssyncset.done $0x0  }
0x197: {  	s19 =	simm.s32 $0x3043;
	v15 =	vadd.s32 s18, v0;
	[sflag:s11] =	ssyncadd.s32 $0xFFFFF000  }
0x198: {  	s20 =	simm.s32 $0x3053;
	v16 =	vadd.s32 s19, v0;
	v11 =	vld.idx.msk [tilespmem:v11+s31+$0x0], $0xffff  }
0x199: {  	s21 =	simm.s32 $0x30F3;
	v17 =	vadd.s32 s20, v0;
	v12 =	vld.idx.msk [tilespmem:v12+s31+$0x0], $0xffff  }
0x19a: {  	s14 =	simm.s32 $0x3073;
	v19 =	vadd.s32 s21, v0;
	v13 =	vld.idx.msk [tilespmem:v13+s31+$0x0], $0xffff  }
0x19b: {  	s23 =	simm.s32 $0x3093;
	v10 =	vadd.s32 s14, v0;
	v14 =	vld.idx.msk [tilespmem:v14+s31+$0x0], $0xffff  }
0x19c: {  	s22 =	simm.s32 $0x30E3;
	v21 =	vadd.s32 s23, v0;
	v22 =	vld.idx.msk [tilespmem:v15+s31+$0x0], $0xffff  }
0x19d: {  	s8 =	simm.s32 $0x2040;
	s24 =	simm.s32 $0x30A3;
	v20 =	vadd.s32 s22, v0;
	v24 =	vld.idx.msk [tilespmem:v16+s31+$0x0], $0xffff  }
0x19e: {  	s6 =	simm.s32 $0x3083;
	v23 =	vadd.s32 s24, v0;
	v18 =	vld.idx.msk [tilespmem:v17+s31+$0x0], $0xffff;
	[tilespmem:s8+$0x20] =	vst v11  }
0x19f: {  	s25 =	simm.s32 $0x30B3;
	[tilespmem:s8+$0xFFFFFFD0] =	vst v12;
	v11 =	vld.idx.msk [tilespmem:v19+s31+$0x0], $0xffff;
	v19 =	vadd.s32 s6, v0  }
0x1a0: {  	s28 =	simm.s32 $0x30C3;
	v10 =	vld.idx.msk [tilespmem:v10+s31+$0x0], $0xffff;
	[tilespmem:s8+$0xFFFFFFC0] =	vst v14;
	v14 =	vadd.s32 s25, v0  }
0x1a1: {  	s29 =	simm.s32 $0x30D3;
	v15 =	vadd.s32 s28, v0;
	v16 =	vld.idx.msk [tilespmem:v21+s31+$0x0], $0xffff;
	[tilespmem:s8+$0xFFFFFFE0] =	vst v13  }
0x1a2: {  	v12 =	vld.idx.msk [tilespmem:v20+s31+$0x0], $0xffff;
	[tilespmem:s8+$0xFFFFFFF0] =	vst v22;
	v13 =	vadd.s32 s29, v0  }
0x1a3: {  	s9 =	simm.s32 $0x8;
	s10 =	simm.s32 $0x3173;
	v17 =	vld.idx.msk [tilespmem:v23+s31+$0x0], $0xffff;
	[tilespmem:s8+$0x0] =	vst v24  }
.LBB2_20:
0x1a4: {  	s1 =	sadd.s32 $0xFFFFFFA0, s10;
	s4 =	sadd.s32 $0xFFFFFFF0, s10;
	v20 =	vadd.s32 s10, v0;
	s9 =	sadd.s32 $0x8, s9;
	v21 =	vld.idx.msk [tilespmem:v19+s31+$0x0], $0xffff;
	[tilespmem:s8+$0x10] =	vst v18  }
0x1a5: {  	s6 =	sadd.s32 $0xFFFFFFC0, s10;
	v22 =	vadd.s32 s1, v0;
	s1 =	sadd.s32 $0xFFFFFFB0, s10;
	v23 =	vadd.s32 s4, v0;
	p0 =	slt.u32 s9, $0xF8;
	v24 =	vld.idx.msk [tilespmem:v14+s31+$0x0], $0xffff;
	[tilespmem:s8+$0x30] =	vst v10  }
0x1a6: {  	v14 =	vadd.s32 s6, v0;
	s4 =	sadd.s32 $0xFFFFFFE0, s10;
	s8 =	sadd.s32 $0x80, s8;
	v10 =	vmov v11;
	v25 =	vadd.s32 s1, v0;
	s1 =	sadd.s32 $0xFFFFFFD0, s10;
	v26 =	vld.idx.msk [tilespmem:v15+s31+$0x0], $0xffff  }
0x1a7: {  	s6 =	sadd.s32 $0xFFFFFF90, s10;
	v15 =	vadd.s32 s1, v0;
	v18 =	vld.idx.msk [tilespmem:v13+s31+$0x0], $0xffff;
	v13 =	vadd.s32 s4, v0;
	[tilespmem:s8+$0x20] =	vst v12  }
.Ltmp9:
0x1a8: {  	v19 =	vadd.s32 s6, v0;
	[tilespmem:s8+$0xFFFFFFD0] =	vst v16;
	(pc) =	sbr.rel @p0 .LBB2_20-.Ltmp9, $4  }
0x1a9: {  	v11 =	vld.idx.msk [tilespmem:v20+s31+$0x0], $0xffff;
	[tilespmem:s8+$0xFFFFFFE0] =	vst v17  }
0x1aa: {  	v12 =	vld.idx.msk [tilespmem:v23+s31+$0x0], $0xffff;
	[tilespmem:s8+$0xFFFFFFC0] =	vst v21  }
0x1ab: {  	v16 =	vld.idx.msk [tilespmem:v22+s31+$0x0], $0xffff;
	[tilespmem:s8+$0xFFFFFFF0] =	vst v24  }
0x1ac: {  	s10 =	sadd.s32 $0x80, s10;
	v17 =	vld.idx.msk [tilespmem:v25+s31+$0x0], $0xffff;
	[tilespmem:s8+$0x0] =	vst v26  }
0x1ad: {  	_ =	sdelay $0x2  }
0x1ae: {  	[tilespmem:s8+$0x10] =	vst v18  }
0x1af: {  	v19 =	vld.idx.msk [tilespmem:v19+s31+$0x0], $0xffff;
	[tilespmem:s8+$0x30] =	vst v10;
	s1 =	sadd.s32 $0x80, s8  }
0x1b0: {  	v14 =	vld.idx.msk [tilespmem:v14+s31+$0x0], $0xffff;
	[tilespmem:s1+$0x30] =	vst v11  }
0x1b1: {  	v10 =	vld.idx.msk [tilespmem:v15+s31+$0x0], $0xffff;
	[tilespmem:s1+$0x20] =	vst v12  }
0x1b2: {  	v12 =	vld.idx.msk [tilespmem:v13+s31+$0x0], $0xffff;
	[tilespmem:s1+$0xFFFFFFD0] =	vst v16  }
0x1b3: {  	[tilespmem:s1+$0xFFFFFFE0] =	vst v17  }
0x1b4: {  	[tilespmem:s1+$0xFFFFFFC0] =	vst v19  }
0x1b5: {  	[tilespmem:s1+$0xFFFFFFF0] =	vst v14  }
0x1b6: {  	[tilespmem:s1+$0x0] =	vst v10  }
0x1b7: {  	s4 =	simm.s32 $0x4064;
	[tilespmem:s1+$0x10] =	vst v12  }
0x1b8: {  	s15 =	simm.s32 $0x4014;
	s16 =	simm.s32 $0x4024;
	v11 =	vadd.s32 s4, v0;
	s1 =	rddreg [dreg:$0x9]  }
0x1b9: {  	v12 =	vadd.s32 s15, v0;
	[hbm4b:s1+s2] =	stream.linear.scatter [tilespmem:s7], [sflag:$0x3], $0x1000, $0x38;
	[tilespmem:$0x15180] =	vst v63  }
0x1ba: {  	s17 =	simm.s32 $0x4004;
	v13 =	vadd.s32 s16, v0;
	_ =	swait.ge [sflag:s11], $0x1000  }
0x1bb: {  	s18 =	simm.s32 $0x4034;
	v14 =	vadd.s32 s17, v0;
	[sflag:s11] =	ssyncset.done $0x0  }
0x1bc: {  	s19 =	simm.s32 $0x4044;
	v15 =	vadd.s32 s18, v0;
	[sflag:s11] =	ssyncadd.s32 $0xFFFFF000  }
0x1bd: {  	s20 =	simm.s32 $0x4054;
	v16 =	vadd.s32 s19, v0;
	v11 =	vld.idx.msk [tilespmem:v11+s31+$0x0], $0xffff  }
0x1be: {  	s21 =	simm.s32 $0x40F4;
	v17 =	vadd.s32 s20, v0;
	v12 =	vld.idx.msk [tilespmem:v12+s31+$0x0], $0xffff  }
0x1bf: {  	s14 =	simm.s32 $0x4074;
	v19 =	vadd.s32 s21, v0;
	v13 =	vld.idx.msk [tilespmem:v13+s31+$0x0], $0xffff  }
0x1c0: {  	s23 =	simm.s32 $0x4094;
	v10 =	vadd.s32 s14, v0;
	v14 =	vld.idx.msk [tilespmem:v14+s31+$0x0], $0xffff  }
0x1c1: {  	s22 =	simm.s32 $0x40E4;
	v21 =	vadd.s32 s23, v0;
	v22 =	vld.idx.msk [tilespmem:v15+s31+$0x0], $0xffff  }
0x1c2: {  	s8 =	simm.s32 $0x2040;
	s24 =	simm.s32 $0x40A4;
	v20 =	vadd.s32 s22, v0;
	v24 =	vld.idx.msk [tilespmem:v16+s31+$0x0], $0xffff  }
0x1c3: {  	s6 =	simm.s32 $0x4084;
	v23 =	vadd.s32 s24, v0;
	v18 =	vld.idx.msk [tilespmem:v17+s31+$0x0], $0xffff;
	[tilespmem:s8+$0x20] =	vst v11  }
0x1c4: {  	s25 =	simm.s32 $0x40B4;
	[tilespmem:s8+$0xFFFFFFD0] =	vst v12;
	v11 =	vld.idx.msk [tilespmem:v19+s31+$0x0], $0xffff;
	v19 =	vadd.s32 s6, v0  }
0x1c5: {  	s28 =	simm.s32 $0x40C4;
	v10 =	vld.idx.msk [tilespmem:v10+s31+$0x0], $0xffff;
	[tilespmem:s8+$0xFFFFFFC0] =	vst v14;
	v14 =	vadd.s32 s25, v0  }
0x1c6: {  	s29 =	simm.s32 $0x40D4;
	v15 =	vadd.s32 s28, v0;
	v16 =	vld.idx.msk [tilespmem:v21+s31+$0x0], $0xffff;
	[tilespmem:s8+$0xFFFFFFE0] =	vst v13  }
0x1c7: {  	v12 =	vld.idx.msk [tilespmem:v20+s31+$0x0], $0xffff;
	[tilespmem:s8+$0xFFFFFFF0] =	vst v22;
	v13 =	vadd.s32 s29, v0  }
0x1c8: {  	s9 =	simm.s32 $0x8;
	s10 =	simm.s32 $0x4174;
	v17 =	vld.idx.msk [tilespmem:v23+s31+$0x0], $0xffff;
	[tilespmem:s8+$0x0] =	vst v24  }
.LBB2_22:
0x1c9: {  	s1 =	sadd.s32 $0xFFFFFFA0, s10;
	s4 =	sadd.s32 $0xFFFFFFF0, s10;
	v20 =	vadd.s32 s10, v0;
	s9 =	sadd.s32 $0x8, s9;
	v21 =	vld.idx.msk [tilespmem:v19+s31+$0x0], $0xffff;
	[tilespmem:s8+$0x10] =	vst v18  }
0x1ca: {  	s6 =	sadd.s32 $0xFFFFFFC0, s10;
	v22 =	vadd.s32 s1, v0;
	s1 =	sadd.s32 $0xFFFFFFB0, s10;
	v23 =	vadd.s32 s4, v0;
	p0 =	slt.u32 s9, $0xF8;
	v24 =	vld.idx.msk [tilespmem:v14+s31+$0x0], $0xffff;
	[tilespmem:s8+$0x30] =	vst v10  }
0x1cb: {  	v14 =	vadd.s32 s6, v0;
	s4 =	sadd.s32 $0xFFFFFFE0, s10;
	s8 =	sadd.s32 $0x80, s8;
	v10 =	vmov v11;
	v25 =	vadd.s32 s1, v0;
	s1 =	sadd.s32 $0xFFFFFFD0, s10;
	v26 =	vld.idx.msk [tilespmem:v15+s31+$0x0], $0xffff  }
0x1cc: {  	s6 =	sadd.s32 $0xFFFFFF90, s10;
	v15 =	vadd.s32 s1, v0;
	v18 =	vld.idx.msk [tilespmem:v13+s31+$0x0], $0xffff;
	v13 =	vadd.s32 s4, v0;
	[tilespmem:s8+$0x20] =	vst v12  }
.Ltmp10:
0x1cd: {  	v19 =	vadd.s32 s6, v0;
	[tilespmem:s8+$0xFFFFFFD0] =	vst v16;
	(pc) =	sbr.rel @p0 .LBB2_22-.Ltmp10, $4  }
0x1ce: {  	v11 =	vld.idx.msk [tilespmem:v20+s31+$0x0], $0xffff;
	[tilespmem:s8+$0xFFFFFFE0] =	vst v17  }
0x1cf: {  	v12 =	vld.idx.msk [tilespmem:v23+s31+$0x0], $0xffff;
	[tilespmem:s8+$0xFFFFFFC0] =	vst v21  }
0x1d0: {  	v16 =	vld.idx.msk [tilespmem:v22+s31+$0x0], $0xffff;
	[tilespmem:s8+$0xFFFFFFF0] =	vst v24  }
0x1d1: {  	s10 =	sadd.s32 $0x80, s10;
	v17 =	vld.idx.msk [tilespmem:v25+s31+$0x0], $0xffff;
	[tilespmem:s8+$0x0] =	vst v26  }
0x1d2: {  	_ =	sdelay $0x2  }
0x1d3: {  	[tilespmem:s8+$0x10] =	vst v18  }
0x1d4: {  	v19 =	vld.idx.msk [tilespmem:v19+s31+$0x0], $0xffff;
	[tilespmem:s8+$0x30] =	vst v10;
	s1 =	sadd.s32 $0x80, s8  }
0x1d5: {  	v14 =	vld.idx.msk [tilespmem:v14+s31+$0x0], $0xffff;
	[tilespmem:s1+$0x30] =	vst v11  }
0x1d6: {  	v10 =	vld.idx.msk [tilespmem:v15+s31+$0x0], $0xffff;
	[tilespmem:s1+$0x20] =	vst v12  }
0x1d7: {  	v12 =	vld.idx.msk [tilespmem:v13+s31+$0x0], $0xffff;
	[tilespmem:s1+$0xFFFFFFD0] =	vst v16  }
0x1d8: {  	[tilespmem:s1+$0xFFFFFFE0] =	vst v17  }
0x1d9: {  	[tilespmem:s1+$0xFFFFFFC0] =	vst v19  }
0x1da: {  	[tilespmem:s1+$0xFFFFFFF0] =	vst v14  }
0x1db: {  	[tilespmem:s1+$0x0] =	vst v10  }
0x1dc: {  	s4 =	simm.s32 $0x5065;
	[tilespmem:s1+$0x10] =	vst v12  }
0x1dd: {  	s15 =	simm.s32 $0x5015;
	s16 =	simm.s32 $0x5025;
	v11 =	vadd.s32 s4, v0;
	s1 =	rddreg [dreg:$0xa]  }
0x1de: {  	v12 =	vadd.s32 s15, v0;
	[hbm4b:s1+s2] =	stream.linear.scatter [tilespmem:s7], [sflag:$0x3], $0x1000, $0x38;
	[tilespmem:$0x15180] =	vst v63  }
0x1df: {  	s17 =	simm.s32 $0x5005;
	v13 =	vadd.s32 s16, v0;
	_ =	swait.ge [sflag:s11], $0x1000  }
0x1e0: {  	s18 =	simm.s32 $0x5035;
	v14 =	vadd.s32 s17, v0;
	[sflag:s11] =	ssyncset.done $0x0  }
0x1e1: {  	s19 =	simm.s32 $0x5045;
	v15 =	vadd.s32 s18, v0;
	[sflag:s11] =	ssyncadd.s32 $0xFFFFF000  }
0x1e2: {  	s20 =	simm.s32 $0x5055;
	v16 =	vadd.s32 s19, v0;
	v11 =	vld.idx.msk [tilespmem:v11+s31+$0x0], $0xffff  }
0x1e3: {  	s21 =	simm.s32 $0x50F5;
	v17 =	vadd.s32 s20, v0;
	v12 =	vld.idx.msk [tilespmem:v12+s31+$0x0], $0xffff  }
0x1e4: {  	s14 =	simm.s32 $0x5075;
	v19 =	vadd.s32 s21, v0;
	v13 =	vld.idx.msk [tilespmem:v13+s31+$0x0], $0xffff  }
0x1e5: {  	s23 =	simm.s32 $0x5095;
	v10 =	vadd.s32 s14, v0;
	v14 =	vld.idx.msk [tilespmem:v14+s31+$0x0], $0xffff  }
0x1e6: {  	s22 =	simm.s32 $0x50E5;
	v21 =	vadd.s32 s23, v0;
	v22 =	vld.idx.msk [tilespmem:v15+s31+$0x0], $0xffff  }
0x1e7: {  	s8 =	simm.s32 $0x2040;
	s24 =	simm.s32 $0x50A5;
	v20 =	vadd.s32 s22, v0;
	v24 =	vld.idx.msk [tilespmem:v16+s31+$0x0], $0xffff  }
0x1e8: {  	s6 =	simm.s32 $0x5085;
	v23 =	vadd.s32 s24, v0;
	v18 =	vld.idx.msk [tilespmem:v17+s31+$0x0], $0xffff;
	[tilespmem:s8+$0x20] =	vst v11  }
0x1e9: {  	s25 =	simm.s32 $0x50B5;
	[tilespmem:s8+$0xFFFFFFD0] =	vst v12;
	v11 =	vld.idx.msk [tilespmem:v19+s31+$0x0], $0xffff;
	v19 =	vadd.s32 s6, v0  }
0x1ea: {  	s28 =	simm.s32 $0x50C5;
	v10 =	vld.idx.msk [tilespmem:v10+s31+$0x0], $0xffff;
	[tilespmem:s8+$0xFFFFFFC0] =	vst v14;
	v14 =	vadd.s32 s25, v0  }
0x1eb: {  	s29 =	simm.s32 $0x50D5;
	v15 =	vadd.s32 s28, v0;
	v16 =	vld.idx.msk [tilespmem:v21+s31+$0x0], $0xffff;
	[tilespmem:s8+$0xFFFFFFE0] =	vst v13  }
0x1ec: {  	v12 =	vld.idx.msk [tilespmem:v20+s31+$0x0], $0xffff;
	[tilespmem:s8+$0xFFFFFFF0] =	vst v22;
	v13 =	vadd.s32 s29, v0  }
0x1ed: {  	s9 =	simm.s32 $0x8;
	s10 =	simm.s32 $0x5175;
	v17 =	vld.idx.msk [tilespmem:v23+s31+$0x0], $0xffff;
	[tilespmem:s8+$0x0] =	vst v24  }
.LBB2_24:
0x1ee: {  	s1 =	sadd.s32 $0xFFFFFFA0, s10;
	s4 =	sadd.s32 $0xFFFFFFF0, s10;
	v20 =	vadd.s32 s10, v0;
	s9 =	sadd.s32 $0x8, s9;
	v21 =	vld.idx.msk [tilespmem:v19+s31+$0x0], $0xffff;
	[tilespmem:s8+$0x10] =	vst v18  }
0x1ef: {  	s6 =	sadd.s32 $0xFFFFFFC0, s10;
	v22 =	vadd.s32 s1, v0;
	s1 =	sadd.s32 $0xFFFFFFB0, s10;
	v23 =	vadd.s32 s4, v0;
	p0 =	slt.u32 s9, $0xF8;
	v24 =	vld.idx.msk [tilespmem:v14+s31+$0x0], $0xffff;
	[tilespmem:s8+$0x30] =	vst v10  }
0x1f0: {  	v14 =	vadd.s32 s6, v0;
	s4 =	sadd.s32 $0xFFFFFFE0, s10;
	s8 =	sadd.s32 $0x80, s8;
	v10 =	vmov v11;
	v25 =	vadd.s32 s1, v0;
	s1 =	sadd.s32 $0xFFFFFFD0, s10;
	v26 =	vld.idx.msk [tilespmem:v15+s31+$0x0], $0xffff  }
0x1f1: {  	s6 =	sadd.s32 $0xFFFFFF90, s10;
	v15 =	vadd.s32 s1, v0;
	v18 =	vld.idx.msk [tilespmem:v13+s31+$0x0], $0xffff;
	v13 =	vadd.s32 s4, v0;
	[tilespmem:s8+$0x20] =	vst v12  }
.Ltmp11:
0x1f2: {  	v19 =	vadd.s32 s6, v0;
	[tilespmem:s8+$0xFFFFFFD0] =	vst v16;
	(pc) =	sbr.rel @p0 .LBB2_24-.Ltmp11, $4  }
0x1f3: {  	v11 =	vld.idx.msk [tilespmem:v20+s31+$0x0], $0xffff;
	[tilespmem:s8+$0xFFFFFFE0] =	vst v17  }
0x1f4: {  	v12 =	vld.idx.msk [tilespmem:v23+s31+$0x0], $0xffff;
	[tilespmem:s8+$0xFFFFFFC0] =	vst v21  }
0x1f5: {  	v16 =	vld.idx.msk [tilespmem:v22+s31+$0x0], $0xffff;
	[tilespmem:s8+$0xFFFFFFF0] =	vst v24  }
0x1f6: {  	s10 =	sadd.s32 $0x80, s10;
	v17 =	vld.idx.msk [tilespmem:v25+s31+$0x0], $0xffff;
	[tilespmem:s8+$0x0] =	vst v26  }
0x1f7: {  	_ =	sdelay $0x2  }
0x1f8: {  	[tilespmem:s8+$0x10] =	vst v18  }
0x1f9: {  	v19 =	vld.idx.msk [tilespmem:v19+s31+$0x0], $0xffff;
	[tilespmem:s8+$0x30] =	vst v10;
	s1 =	sadd.s32 $0x80, s8  }
0x1fa: {  	v14 =	vld.idx.msk [tilespmem:v14+s31+$0x0], $0xffff;
	[tilespmem:s1+$0x30] =	vst v11  }
0x1fb: {  	v10 =	vld.idx.msk [tilespmem:v15+s31+$0x0], $0xffff;
	[tilespmem:s1+$0x20] =	vst v12  }
0x1fc: {  	v12 =	vld.idx.msk [tilespmem:v13+s31+$0x0], $0xffff;
	[tilespmem:s1+$0xFFFFFFD0] =	vst v16  }
0x1fd: {  	[tilespmem:s1+$0xFFFFFFE0] =	vst v17  }
0x1fe: {  	[tilespmem:s1+$0xFFFFFFC0] =	vst v19  }
0x1ff: {  	[tilespmem:s1+$0xFFFFFFF0] =	vst v14  }
0x200: {  	[tilespmem:s1+$0x0] =	vst v10  }
0x201: {  	s4 =	simm.s32 $0x6066;
	[tilespmem:s1+$0x10] =	vst v12  }
0x202: {  	s15 =	simm.s32 $0x6016;
	s16 =	simm.s32 $0x6026;
	v11 =	vadd.s32 s4, v0;
	s1 =	rddreg [dreg:$0xb]  }
0x203: {  	v12 =	vadd.s32 s15, v0;
	[hbm4b:s1+s2] =	stream.linear.scatter [tilespmem:s7], [sflag:$0x3], $0x1000, $0x38;
	[tilespmem:$0x15180] =	vst v63  }
0x204: {  	s17 =	simm.s32 $0x6006;
	v13 =	vadd.s32 s16, v0;
	_ =	swait.ge [sflag:s11], $0x1000  }
0x205: {  	s18 =	simm.s32 $0x6036;
	v14 =	vadd.s32 s17, v0;
	[sflag:s11] =	ssyncset.done $0x0  }
0x206: {  	s19 =	simm.s32 $0x6046;
	v15 =	vadd.s32 s18, v0;
	[sflag:s11] =	ssyncadd.s32 $0xFFFFF000  }
0x207: {  	s20 =	simm.s32 $0x6056;
	v16 =	vadd.s32 s19, v0;
	v11 =	vld.idx.msk [tilespmem:v11+s31+$0x0], $0xffff  }
0x208: {  	s21 =	simm.s32 $0x60F6;
	v17 =	vadd.s32 s20, v0;
	v12 =	vld.idx.msk [tilespmem:v12+s31+$0x0], $0xffff  }
0x209: {  	s14 =	simm.s32 $0x6076;
	v19 =	vadd.s32 s21, v0;
	v13 =	vld.idx.msk [tilespmem:v13+s31+$0x0], $0xffff  }
0x20a: {  	s23 =	simm.s32 $0x6096;
	v10 =	vadd.s32 s14, v0;
	v14 =	vld.idx.msk [tilespmem:v14+s31+$0x0], $0xffff  }
0x20b: {  	s22 =	simm.s32 $0x60E6;
	v21 =	vadd.s32 s23, v0;
	v22 =	vld.idx.msk [tilespmem:v15+s31+$0x0], $0xffff  }
0x20c: {  	s8 =	simm.s32 $0x2040;
	s24 =	simm.s32 $0x60A6;
	v20 =	vadd.s32 s22, v0;
	v24 =	vld.idx.msk [tilespmem:v16+s31+$0x0], $0xffff  }
0x20d: {  	s6 =	simm.s32 $0x6086;
	v23 =	vadd.s32 s24, v0;
	v18 =	vld.idx.msk [tilespmem:v17+s31+$0x0], $0xffff;
	[tilespmem:s8+$0x20] =	vst v11  }
0x20e: {  	s25 =	simm.s32 $0x60B6;
	[tilespmem:s8+$0xFFFFFFD0] =	vst v12;
	v11 =	vld.idx.msk [tilespmem:v19+s31+$0x0], $0xffff;
	v19 =	vadd.s32 s6, v0  }
0x20f: {  	s28 =	simm.s32 $0x60C6;
	v10 =	vld.idx.msk [tilespmem:v10+s31+$0x0], $0xffff;
	[tilespmem:s8+$0xFFFFFFC0] =	vst v14;
	v14 =	vadd.s32 s25, v0  }
0x210: {  	s29 =	simm.s32 $0x60D6;
	v15 =	vadd.s32 s28, v0;
	v16 =	vld.idx.msk [tilespmem:v21+s31+$0x0], $0xffff;
	[tilespmem:s8+$0xFFFFFFE0] =	vst v13  }
0x211: {  	v12 =	vld.idx.msk [tilespmem:v20+s31+$0x0], $0xffff;
	[tilespmem:s8+$0xFFFFFFF0] =	vst v22;
	v13 =	vadd.s32 s29, v0  }
0x212: {  	s9 =	simm.s32 $0x8;
	s10 =	simm.s32 $0x6176;
	v17 =	vld.idx.msk [tilespmem:v23+s31+$0x0], $0xffff;
	[tilespmem:s8+$0x0] =	vst v24  }
.LBB2_26:
0x213: {  	s1 =	sadd.s32 $0xFFFFFFA0, s10;
	s4 =	sadd.s32 $0xFFFFFFF0, s10;
	v20 =	vadd.s32 s10, v0;
	s9 =	sadd.s32 $0x8, s9;
	v21 =	vld.idx.msk [tilespmem:v19+s31+$0x0], $0xffff;
	[tilespmem:s8+$0x10] =	vst v18  }
0x214: {  	s6 =	sadd.s32 $0xFFFFFFC0, s10;
	v22 =	vadd.s32 s1, v0;
	s1 =	sadd.s32 $0xFFFFFFB0, s10;
	v23 =	vadd.s32 s4, v0;
	p0 =	slt.u32 s9, $0xF8;
	v24 =	vld.idx.msk [tilespmem:v14+s31+$0x0], $0xffff;
	[tilespmem:s8+$0x30] =	vst v10  }
0x215: {  	v14 =	vadd.s32 s6, v0;
	s4 =	sadd.s32 $0xFFFFFFE0, s10;
	s8 =	sadd.s32 $0x80, s8;
	v10 =	vmov v11;
	v25 =	vadd.s32 s1, v0;
	s1 =	sadd.s32 $0xFFFFFFD0, s10;
	v26 =	vld.idx.msk [tilespmem:v15+s31+$0x0], $0xffff  }
0x216: {  	s6 =	sadd.s32 $0xFFFFFF90, s10;
	v15 =	vadd.s32 s1, v0;
	v18 =	vld.idx.msk [tilespmem:v13+s31+$0x0], $0xffff;
	v13 =	vadd.s32 s4, v0;
	[tilespmem:s8+$0x20] =	vst v12  }
.Ltmp12:
0x217: {  	v19 =	vadd.s32 s6, v0;
	[tilespmem:s8+$0xFFFFFFD0] =	vst v16;
	(pc) =	sbr.rel @p0 .LBB2_26-.Ltmp12, $4  }
0x218: {  	v11 =	vld.idx.msk [tilespmem:v20+s31+$0x0], $0xffff;
	[tilespmem:s8+$0xFFFFFFE0] =	vst v17  }
0x219: {  	v12 =	vld.idx.msk [tilespmem:v23+s31+$0x0], $0xffff;
	[tilespmem:s8+$0xFFFFFFC0] =	vst v21  }
0x21a: {  	v16 =	vld.idx.msk [tilespmem:v22+s31+$0x0], $0xffff;
	[tilespmem:s8+$0xFFFFFFF0] =	vst v24  }
0x21b: {  	s10 =	sadd.s32 $0x80, s10;
	v17 =	vld.idx.msk [tilespmem:v25+s31+$0x0], $0xffff;
	[tilespmem:s8+$0x0] =	vst v26  }
0x21c: {  	_ =	sdelay $0x2  }
0x21d: {  	[tilespmem:s8+$0x10] =	vst v18  }
0x21e: {  	v19 =	vld.idx.msk [tilespmem:v19+s31+$0x0], $0xffff;
	[tilespmem:s8+$0x30] =	vst v10;
	s1 =	sadd.s32 $0x80, s8  }
0x21f: {  	v14 =	vld.idx.msk [tilespmem:v14+s31+$0x0], $0xffff;
	[tilespmem:s1+$0x30] =	vst v11  }
0x220: {  	v10 =	vld.idx.msk [tilespmem:v15+s31+$0x0], $0xffff;
	[tilespmem:s1+$0x20] =	vst v12  }
0x221: {  	v12 =	vld.idx.msk [tilespmem:v13+s31+$0x0], $0xffff;
	[tilespmem:s1+$0xFFFFFFD0] =	vst v16  }
0x222: {  	[tilespmem:s1+$0xFFFFFFE0] =	vst v17  }
0x223: {  	[tilespmem:s1+$0xFFFFFFC0] =	vst v19  }
0x224: {  	[tilespmem:s1+$0xFFFFFFF0] =	vst v14  }
0x225: {  	[tilespmem:s1+$0x0] =	vst v10  }
0x226: {  	s4 =	simm.s32 $0x7067;
	[tilespmem:s1+$0x10] =	vst v12  }
0x227: {  	s15 =	simm.s32 $0x7017;
	s16 =	simm.s32 $0x7027;
	v11 =	vadd.s32 s4, v0;
	s1 =	rddreg [dreg:$0xc]  }
0x228: {  	v12 =	vadd.s32 s15, v0;
	[hbm4b:s1+s2] =	stream.linear.scatter [tilespmem:s7], [sflag:$0x3], $0x1000, $0x38;
	[tilespmem:$0x15180] =	vst v63  }
0x229: {  	s17 =	simm.s32 $0x7007;
	v13 =	vadd.s32 s16, v0;
	_ =	swait.ge [sflag:s11], $0x1000  }
0x22a: {  	s18 =	simm.s32 $0x7037;
	v14 =	vadd.s32 s17, v0;
	[sflag:s11] =	ssyncset.done $0x0  }
0x22b: {  	s19 =	simm.s32 $0x7047;
	v15 =	vadd.s32 s18, v0;
	[sflag:s11] =	ssyncadd.s32 $0xFFFFF000  }
0x22c: {  	s20 =	simm.s32 $0x7057;
	v16 =	vadd.s32 s19, v0;
	v11 =	vld.idx.msk [tilespmem:v11+s31+$0x0], $0xffff  }
0x22d: {  	s21 =	simm.s32 $0x70F7;
	v17 =	vadd.s32 s20, v0;
	v12 =	vld.idx.msk [tilespmem:v12+s31+$0x0], $0xffff  }
0x22e: {  	s14 =	simm.s32 $0x7077;
	v19 =	vadd.s32 s21, v0;
	v13 =	vld.idx.msk [tilespmem:v13+s31+$0x0], $0xffff  }
0x22f: {  	s23 =	simm.s32 $0x7097;
	v10 =	vadd.s32 s14, v0;
	v14 =	vld.idx.msk [tilespmem:v14+s31+$0x0], $0xffff  }
0x230: {  	s22 =	simm.s32 $0x70E7;
	v21 =	vadd.s32 s23, v0;
	v22 =	vld.idx.msk [tilespmem:v15+s31+$0x0], $0xffff  }
0x231: {  	s8 =	simm.s32 $0x2040;
	s24 =	simm.s32 $0x70A7;
	v20 =	vadd.s32 s22, v0;
	v24 =	vld.idx.msk [tilespmem:v16+s31+$0x0], $0xffff  }
0x232: {  	s6 =	simm.s32 $0x7087;
	v23 =	vadd.s32 s24, v0;
	v18 =	vld.idx.msk [tilespmem:v17+s31+$0x0], $0xffff;
	[tilespmem:s8+$0x20] =	vst v11  }
0x233: {  	s25 =	simm.s32 $0x70B7;
	[tilespmem:s8+$0xFFFFFFD0] =	vst v12;
	v11 =	vld.idx.msk [tilespmem:v19+s31+$0x0], $0xffff;
	v19 =	vadd.s32 s6, v0  }
0x234: {  	s28 =	simm.s32 $0x70C7;
	v10 =	vld.idx.msk [tilespmem:v10+s31+$0x0], $0xffff;
	[tilespmem:s8+$0xFFFFFFC0] =	vst v14;
	v14 =	vadd.s32 s25, v0  }
0x235: {  	s29 =	simm.s32 $0x70D7;
	v15 =	vadd.s32 s28, v0;
	v16 =	vld.idx.msk [tilespmem:v21+s31+$0x0], $0xffff;
	[tilespmem:s8+$0xFFFFFFE0] =	vst v13  }
0x236: {  	v12 =	vld.idx.msk [tilespmem:v20+s31+$0x0], $0xffff;
	[tilespmem:s8+$0xFFFFFFF0] =	vst v22;
	v13 =	vadd.s32 s29, v0  }
0x237: {  	s9 =	simm.s32 $0x8;
	s10 =	simm.s32 $0x7177;
	v17 =	vld.idx.msk [tilespmem:v23+s31+$0x0], $0xffff;
	[tilespmem:s8+$0x0] =	vst v24  }
.LBB2_28:
0x238: {  	s1 =	sadd.s32 $0xFFFFFFA0, s10;
	s4 =	sadd.s32 $0xFFFFFFF0, s10;
	v20 =	vadd.s32 s10, v0;
	s9 =	sadd.s32 $0x8, s9;
	v21 =	vld.idx.msk [tilespmem:v19+s31+$0x0], $0xffff;
	[tilespmem:s8+$0x10] =	vst v18  }
0x239: {  	s6 =	sadd.s32 $0xFFFFFFC0, s10;
	v22 =	vadd.s32 s1, v0;
	s1 =	sadd.s32 $0xFFFFFFB0, s10;
	v23 =	vadd.s32 s4, v0;
	p0 =	slt.u32 s9, $0xF8;
	v24 =	vld.idx.msk [tilespmem:v14+s31+$0x0], $0xffff;
	[tilespmem:s8+$0x30] =	vst v10  }
0x23a: {  	v14 =	vadd.s32 s6, v0;
	s4 =	sadd.s32 $0xFFFFFFE0, s10;
	s8 =	sadd.s32 $0x80, s8;
	v10 =	vmov v11;
	v25 =	vadd.s32 s1, v0;
	s1 =	sadd.s32 $0xFFFFFFD0, s10;
	v26 =	vld.idx.msk [tilespmem:v15+s31+$0x0], $0xffff  }
0x23b: {  	s6 =	sadd.s32 $0xFFFFFF90, s10;
	v15 =	vadd.s32 s1, v0;
	v18 =	vld.idx.msk [tilespmem:v13+s31+$0x0], $0xffff;
	v13 =	vadd.s32 s4, v0;
	[tilespmem:s8+$0x20] =	vst v12  }
.Ltmp13:
0x23c: {  	v19 =	vadd.s32 s6, v0;
	[tilespmem:s8+$0xFFFFFFD0] =	vst v16;
	(pc) =	sbr.rel @p0 .LBB2_28-.Ltmp13, $4  }
0x23d: {  	v11 =	vld.idx.msk [tilespmem:v20+s31+$0x0], $0xffff;
	[tilespmem:s8+$0xFFFFFFE0] =	vst v17  }
0x23e: {  	v12 =	vld.idx.msk [tilespmem:v23+s31+$0x0], $0xffff;
	[tilespmem:s8+$0xFFFFFFC0] =	vst v21  }
0x23f: {  	v16 =	vld.idx.msk [tilespmem:v22+s31+$0x0], $0xffff;
	[tilespmem:s8+$0xFFFFFFF0] =	vst v24  }
0x240: {  	s10 =	sadd.s32 $0x80, s10;
	v17 =	vld.idx.msk [tilespmem:v25+s31+$0x0], $0xffff;
	[tilespmem:s8+$0x0] =	vst v26  }
0x241: {  	_ =	sdelay $0x2  }
0x242: {  	[tilespmem:s8+$0x10] =	vst v18  }
0x243: {  	v19 =	vld.idx.msk [tilespmem:v19+s31+$0x0], $0xffff;
	[tilespmem:s8+$0x30] =	vst v10;
	s1 =	sadd.s32 $0x80, s8  }
0x244: {  	v14 =	vld.idx.msk [tilespmem:v14+s31+$0x0], $0xffff;
	[tilespmem:s1+$0x30] =	vst v11  }
0x245: {  	v10 =	vld.idx.msk [tilespmem:v15+s31+$0x0], $0xffff;
	[tilespmem:s1+$0x20] =	vst v12  }
0x246: {  	v12 =	vld.idx.msk [tilespmem:v13+s31+$0x0], $0xffff;
	[tilespmem:s1+$0xFFFFFFD0] =	vst v16  }
0x247: {  	[tilespmem:s1+$0xFFFFFFE0] =	vst v17  }
0x248: {  	[tilespmem:s1+$0xFFFFFFC0] =	vst v19  }
0x249: {  	[tilespmem:s1+$0xFFFFFFF0] =	vst v14  }
0x24a: {  	[tilespmem:s1+$0x0] =	vst v10  }
0x24b: {  	s4 =	simm.s32 $0x8068;
	[tilespmem:s1+$0x10] =	vst v12  }
0x24c: {  	s15 =	simm.s32 $0x8018;
	s16 =	simm.s32 $0x8028;
	v11 =	vadd.s32 s4, v0;
	s1 =	rddreg [dreg:$0xd]  }
0x24d: {  	v12 =	vadd.s32 s15, v0;
	[hbm4b:s1+s2] =	stream.linear.scatter [tilespmem:s7], [sflag:$0x3], $0x1000, $0x38;
	[tilespmem:$0x15180] =	vst v63  }
0x24e: {  	s17 =	simm.s32 $0x8008;
	v13 =	vadd.s32 s16, v0;
	_ =	swait.ge [sflag:s11], $0x1000  }
0x24f: {  	s18 =	simm.s32 $0x8038;
	v14 =	vadd.s32 s17, v0;
	[sflag:s11] =	ssyncset.done $0x0  }
0x250: {  	s19 =	simm.s32 $0x8048;
	v15 =	vadd.s32 s18, v0;
	[sflag:s11] =	ssyncadd.s32 $0xFFFFF000  }
0x251: {  	s20 =	simm.s32 $0x8058;
	v16 =	vadd.s32 s19, v0;
	v11 =	vld.idx.msk [tilespmem:v11+s31+$0x0], $0xffff  }
0x252: {  	s21 =	simm.s32 $0x80F8;
	v17 =	vadd.s32 s20, v0;
	v12 =	vld.idx.msk [tilespmem:v12+s31+$0x0], $0xffff  }
0x253: {  	s14 =	simm.s32 $0x8078;
	v19 =	vadd.s32 s21, v0;
	v13 =	vld.idx.msk [tilespmem:v13+s31+$0x0], $0xffff  }
0x254: {  	s23 =	simm.s32 $0x8098;
	v10 =	vadd.s32 s14, v0;
	v14 =	vld.idx.msk [tilespmem:v14+s31+$0x0], $0xffff  }
0x255: {  	s22 =	simm.s32 $0x80E8;
	v21 =	vadd.s32 s23, v0;
	v22 =	vld.idx.msk [tilespmem:v15+s31+$0x0], $0xffff  }
0x256: {  	s8 =	simm.s32 $0x2040;
	s24 =	simm.s32 $0x80A8;
	v20 =	vadd.s32 s22, v0;
	v24 =	vld.idx.msk [tilespmem:v16+s31+$0x0], $0xffff  }
0x257: {  	s6 =	simm.s32 $0x8088;
	v23 =	vadd.s32 s24, v0;
	v18 =	vld.idx.msk [tilespmem:v17+s31+$0x0], $0xffff;
	[tilespmem:s8+$0x20] =	vst v11  }
0x258: {  	s25 =	simm.s32 $0x80B8;
	[tilespmem:s8+$0xFFFFFFD0] =	vst v12;
	v11 =	vld.idx.msk [tilespmem:v19+s31+$0x0], $0xffff;
	v19 =	vadd.s32 s6, v0  }
0x259: {  	s28 =	simm.s32 $0x80C8;
	v10 =	vld.idx.msk [tilespmem:v10+s31+$0x0], $0xffff;
	[tilespmem:s8+$0xFFFFFFC0] =	vst v14;
	v14 =	vadd.s32 s25, v0  }
0x25a: {  	s29 =	simm.s32 $0x80D8;
	v15 =	vadd.s32 s28, v0;
	v16 =	vld.idx.msk [tilespmem:v21+s31+$0x0], $0xffff;
	[tilespmem:s8+$0xFFFFFFE0] =	vst v13  }
0x25b: {  	v12 =	vld.idx.msk [tilespmem:v20+s31+$0x0], $0xffff;
	[tilespmem:s8+$0xFFFFFFF0] =	vst v22;
	v13 =	vadd.s32 s29, v0  }
0x25c: {  	s9 =	simm.s32 $0x8;
	s10 =	simm.s32 $0x8178;
	v17 =	vld.idx.msk [tilespmem:v23+s31+$0x0], $0xffff;
	[tilespmem:s8+$0x0] =	vst v24  }
.LBB2_30:
0x25d: {  	s1 =	sadd.s32 $0xFFFFFFA0, s10;
	s4 =	sadd.s32 $0xFFFFFFF0, s10;
	v20 =	vadd.s32 s10, v0;
	s9 =	sadd.s32 $0x8, s9;
	v21 =	vld.idx.msk [tilespmem:v19+s31+$0x0], $0xffff;
	[tilespmem:s8+$0x10] =	vst v18  }
0x25e: {  	s6 =	sadd.s32 $0xFFFFFFC0, s10;
	v22 =	vadd.s32 s1, v0;
	s1 =	sadd.s32 $0xFFFFFFB0, s10;
	v23 =	vadd.s32 s4, v0;
	p0 =	slt.u32 s9, $0xF8;
	v24 =	vld.idx.msk [tilespmem:v14+s31+$0x0], $0xffff;
	[tilespmem:s8+$0x30] =	vst v10  }
0x25f: {  	v14 =	vadd.s32 s6, v0;
	s4 =	sadd.s32 $0xFFFFFFE0, s10;
	s8 =	sadd.s32 $0x80, s8;
	v10 =	vmov v11;
	v25 =	vadd.s32 s1, v0;
	s1 =	sadd.s32 $0xFFFFFFD0, s10;
	v26 =	vld.idx.msk [tilespmem:v15+s31+$0x0], $0xffff  }
0x260: {  	s6 =	sadd.s32 $0xFFFFFF90, s10;
	v15 =	vadd.s32 s1, v0;
	v18 =	vld.idx.msk [tilespmem:v13+s31+$0x0], $0xffff;
	v13 =	vadd.s32 s4, v0;
	[tilespmem:s8+$0x20] =	vst v12  }
.Ltmp14:
0x261: {  	v19 =	vadd.s32 s6, v0;
	[tilespmem:s8+$0xFFFFFFD0] =	vst v16;
	(pc) =	sbr.rel @p0 .LBB2_30-.Ltmp14, $4  }
0x262: {  	v11 =	vld.idx.msk [tilespmem:v20+s31+$0x0], $0xffff;
	[tilespmem:s8+$0xFFFFFFE0] =	vst v17  }
0x263: {  	v12 =	vld.idx.msk [tilespmem:v23+s31+$0x0], $0xffff;
	[tilespmem:s8+$0xFFFFFFC0] =	vst v21  }
0x264: {  	v16 =	vld.idx.msk [tilespmem:v22+s31+$0x0], $0xffff;
	[tilespmem:s8+$0xFFFFFFF0] =	vst v24  }
0x265: {  	s10 =	sadd.s32 $0x80, s10;
	v17 =	vld.idx.msk [tilespmem:v25+s31+$0x0], $0xffff;
	[tilespmem:s8+$0x0] =	vst v26  }
0x266: {  	_ =	sdelay $0x2  }
0x267: {  	[tilespmem:s8+$0x10] =	vst v18  }
0x268: {  	v19 =	vld.idx.msk [tilespmem:v19+s31+$0x0], $0xffff;
	[tilespmem:s8+$0x30] =	vst v10;
	s1 =	sadd.s32 $0x80, s8  }
0x269: {  	v14 =	vld.idx.msk [tilespmem:v14+s31+$0x0], $0xffff;
	[tilespmem:s1+$0x30] =	vst v11  }
0x26a: {  	v10 =	vld.idx.msk [tilespmem:v15+s31+$0x0], $0xffff;
	[tilespmem:s1+$0x20] =	vst v12  }
0x26b: {  	v12 =	vld.idx.msk [tilespmem:v13+s31+$0x0], $0xffff;
	[tilespmem:s1+$0xFFFFFFD0] =	vst v16  }
0x26c: {  	[tilespmem:s1+$0xFFFFFFE0] =	vst v17  }
0x26d: {  	[tilespmem:s1+$0xFFFFFFC0] =	vst v19  }
0x26e: {  	[tilespmem:s1+$0xFFFFFFF0] =	vst v14  }
0x26f: {  	[tilespmem:s1+$0x0] =	vst v10  }
0x270: {  	s4 =	simm.s32 $0x9069;
	[tilespmem:s1+$0x10] =	vst v12  }
0x271: {  	s15 =	simm.s32 $0x9019;
	s16 =	simm.s32 $0x9029;
	v11 =	vadd.s32 s4, v0;
	s1 =	rddreg [dreg:$0xe]  }
0x272: {  	v12 =	vadd.s32 s15, v0;
	[hbm4b:s1+s2] =	stream.linear.scatter [tilespmem:s7], [sflag:$0x3], $0x1000, $0x38;
	[tilespmem:$0x15180] =	vst v63  }
0x273: {  	s17 =	simm.s32 $0x9009;
	v13 =	vadd.s32 s16, v0;
	_ =	swait.ge [sflag:s11], $0x1000  }
0x274: {  	s18 =	simm.s32 $0x9039;
	v14 =	vadd.s32 s17, v0;
	[sflag:s11] =	ssyncset.done $0x0  }
0x275: {  	s19 =	simm.s32 $0x9049;
	v15 =	vadd.s32 s18, v0;
	[sflag:s11] =	ssyncadd.s32 $0xFFFFF000  }
0x276: {  	s20 =	simm.s32 $0x9059;
	v16 =	vadd.s32 s19, v0;
	v11 =	vld.idx.msk [tilespmem:v11+s31+$0x0], $0xffff  }
0x277: {  	s21 =	simm.s32 $0x90F9;
	v17 =	vadd.s32 s20, v0;
	v12 =	vld.idx.msk [tilespmem:v12+s31+$0x0], $0xffff  }
0x278: {  	s14 =	simm.s32 $0x9079;
	v19 =	vadd.s32 s21, v0;
	v13 =	vld.idx.msk [tilespmem:v13+s31+$0x0], $0xffff  }
0x279: {  	s23 =	simm.s32 $0x9099;
	v10 =	vadd.s32 s14, v0;
	v14 =	vld.idx.msk [tilespmem:v14+s31+$0x0], $0xffff  }
0x27a: {  	s22 =	simm.s32 $0x90E9;
	v21 =	vadd.s32 s23, v0;
	v22 =	vld.idx.msk [tilespmem:v15+s31+$0x0], $0xffff  }
0x27b: {  	s8 =	simm.s32 $0x2040;
	s24 =	simm.s32 $0x90A9;
	v20 =	vadd.s32 s22, v0;
	v24 =	vld.idx.msk [tilespmem:v16+s31+$0x0], $0xffff  }
0x27c: {  	s6 =	simm.s32 $0x9089;
	v23 =	vadd.s32 s24, v0;
	v18 =	vld.idx.msk [tilespmem:v17+s31+$0x0], $0xffff;
	[tilespmem:s8+$0x20] =	vst v11  }
0x27d: {  	s25 =	simm.s32 $0x90B9;
	[tilespmem:s8+$0xFFFFFFD0] =	vst v12;
	v11 =	vld.idx.msk [tilespmem:v19+s31+$0x0], $0xffff;
	v19 =	vadd.s32 s6, v0  }
0x27e: {  	s28 =	simm.s32 $0x90C9;
	v10 =	vld.idx.msk [tilespmem:v10+s31+$0x0], $0xffff;
	[tilespmem:s8+$0xFFFFFFC0] =	vst v14;
	v14 =	vadd.s32 s25, v0  }
0x27f: {  	s29 =	simm.s32 $0x90D9;
	v15 =	vadd.s32 s28, v0;
	v16 =	vld.idx.msk [tilespmem:v21+s31+$0x0], $0xffff;
	[tilespmem:s8+$0xFFFFFFE0] =	vst v13  }
0x280: {  	v12 =	vld.idx.msk [tilespmem:v20+s31+$0x0], $0xffff;
	[tilespmem:s8+$0xFFFFFFF0] =	vst v22;
	v13 =	vadd.s32 s29, v0  }
0x281: {  	s9 =	simm.s32 $0x8;
	s10 =	simm.s32 $0x9179;
	v17 =	vld.idx.msk [tilespmem:v23+s31+$0x0], $0xffff;
	[tilespmem:s8+$0x0] =	vst v24  }
.LBB2_32:
0x282: {  	s1 =	sadd.s32 $0xFFFFFFA0, s10;
	s4 =	sadd.s32 $0xFFFFFFF0, s10;
	v20 =	vadd.s32 s10, v0;
	s9 =	sadd.s32 $0x8, s9;
	v21 =	vld.idx.msk [tilespmem:v19+s31+$0x0], $0xffff;
	[tilespmem:s8+$0x10] =	vst v18  }
0x283: {  	s6 =	sadd.s32 $0xFFFFFFC0, s10;
	v22 =	vadd.s32 s1, v0;
	s1 =	sadd.s32 $0xFFFFFFB0, s10;
	v23 =	vadd.s32 s4, v0;
	p0 =	slt.u32 s9, $0xF8;
	v24 =	vld.idx.msk [tilespmem:v14+s31+$0x0], $0xffff;
	[tilespmem:s8+$0x30] =	vst v10  }
0x284: {  	v14 =	vadd.s32 s6, v0;
	s4 =	sadd.s32 $0xFFFFFFE0, s10;
	s8 =	sadd.s32 $0x80, s8;
	v10 =	vmov v11;
	v25 =	vadd.s32 s1, v0;
	s1 =	sadd.s32 $0xFFFFFFD0, s10;
	v26 =	vld.idx.msk [tilespmem:v15+s31+$0x0], $0xffff  }
0x285: {  	s6 =	sadd.s32 $0xFFFFFF90, s10;
	v15 =	vadd.s32 s1, v0;
	v18 =	vld.idx.msk [tilespmem:v13+s31+$0x0], $0xffff;
	v13 =	vadd.s32 s4, v0;
	[tilespmem:s8+$0x20] =	vst v12  }
.Ltmp15:
0x286: {  	v19 =	vadd.s32 s6, v0;
	[tilespmem:s8+$0xFFFFFFD0] =	vst v16;
	(pc) =	sbr.rel @p0 .LBB2_32-.Ltmp15, $4  }
0x287: {  	v11 =	vld.idx.msk [tilespmem:v20+s31+$0x0], $0xffff;
	[tilespmem:s8+$0xFFFFFFE0] =	vst v17  }
0x288: {  	v12 =	vld.idx.msk [tilespmem:v23+s31+$0x0], $0xffff;
	[tilespmem:s8+$0xFFFFFFC0] =	vst v21  }
0x289: {  	v16 =	vld.idx.msk [tilespmem:v22+s31+$0x0], $0xffff;
	[tilespmem:s8+$0xFFFFFFF0] =	vst v24  }
0x28a: {  	s10 =	sadd.s32 $0x80, s10;
	v17 =	vld.idx.msk [tilespmem:v25+s31+$0x0], $0xffff;
	[tilespmem:s8+$0x0] =	vst v26  }
0x28b: {  	_ =	sdelay $0x2  }
0x28c: {  	[tilespmem:s8+$0x10] =	vst v18  }
0x28d: {  	v19 =	vld.idx.msk [tilespmem:v19+s31+$0x0], $0xffff;
	[tilespmem:s8+$0x30] =	vst v10;
	s1 =	sadd.s32 $0x80, s8  }
0x28e: {  	v14 =	vld.idx.msk [tilespmem:v14+s31+$0x0], $0xffff;
	[tilespmem:s1+$0x30] =	vst v11  }
0x28f: {  	v10 =	vld.idx.msk [tilespmem:v15+s31+$0x0], $0xffff;
	[tilespmem:s1+$0x20] =	vst v12  }
0x290: {  	v12 =	vld.idx.msk [tilespmem:v13+s31+$0x0], $0xffff;
	[tilespmem:s1+$0xFFFFFFD0] =	vst v16  }
0x291: {  	[tilespmem:s1+$0xFFFFFFE0] =	vst v17  }
0x292: {  	[tilespmem:s1+$0xFFFFFFC0] =	vst v19  }
0x293: {  	[tilespmem:s1+$0xFFFFFFF0] =	vst v14  }
0x294: {  	[tilespmem:s1+$0x0] =	vst v10  }
0x295: {  	s4 =	simm.s32 $0xA06A;
	[tilespmem:s1+$0x10] =	vst v12  }
0x296: {  	s15 =	simm.s32 $0xA01A;
	s16 =	simm.s32 $0xA02A;
	v11 =	vadd.s32 s4, v0;
	s1 =	rddreg [dreg:$0xf]  }
0x297: {  	v12 =	vadd.s32 s15, v0;
	[hbm4b:s1+s2] =	stream.linear.scatter [tilespmem:s7], [sflag:$0x3], $0x1000, $0x38;
	[tilespmem:$0x15180] =	vst v63  }
0x298: {  	s17 =	simm.s32 $0xA00A;
	v13 =	vadd.s32 s16, v0;
	_ =	swait.ge [sflag:s11], $0x1000  }
0x299: {  	s18 =	simm.s32 $0xA03A;
	v14 =	vadd.s32 s17, v0;
	[sflag:s11] =	ssyncset.done $0x0  }
0x29a: {  	s19 =	simm.s32 $0xA04A;
	v15 =	vadd.s32 s18, v0;
	[sflag:s11] =	ssyncadd.s32 $0xFFFFF000  }
0x29b: {  	s20 =	simm.s32 $0xA05A;
	v16 =	vadd.s32 s19, v0;
	v11 =	vld.idx.msk [tilespmem:v11+s31+$0x0], $0xffff  }
0x29c: {  	s21 =	simm.s32 $0xA0FA;
	v17 =	vadd.s32 s20, v0;
	v12 =	vld.idx.msk [tilespmem:v12+s31+$0x0], $0xffff  }
0x29d: {  	s14 =	simm.s32 $0xA07A;
	v19 =	vadd.s32 s21, v0;
	v13 =	vld.idx.msk [tilespmem:v13+s31+$0x0], $0xffff  }
0x29e: {  	s23 =	simm.s32 $0xA09A;
	v10 =	vadd.s32 s14, v0;
	v14 =	vld.idx.msk [tilespmem:v14+s31+$0x0], $0xffff  }
0x29f: {  	s22 =	simm.s32 $0xA0EA;
	v21 =	vadd.s32 s23, v0;
	v22 =	vld.idx.msk [tilespmem:v15+s31+$0x0], $0xffff  }
0x2a0: {  	s8 =	simm.s32 $0x2040;
	s24 =	simm.s32 $0xA0AA;
	v20 =	vadd.s32 s22, v0;
	v24 =	vld.idx.msk [tilespmem:v16+s31+$0x0], $0xffff  }
0x2a1: {  	s6 =	simm.s32 $0xA08A;
	v23 =	vadd.s32 s24, v0;
	v18 =	vld.idx.msk [tilespmem:v17+s31+$0x0], $0xffff;
	[tilespmem:s8+$0x20] =	vst v11  }
0x2a2: {  	s25 =	simm.s32 $0xA0BA;
	[tilespmem:s8+$0xFFFFFFD0] =	vst v12;
	v11 =	vld.idx.msk [tilespmem:v19+s31+$0x0], $0xffff;
	v19 =	vadd.s32 s6, v0  }
0x2a3: {  	s28 =	simm.s32 $0xA0CA;
	v10 =	vld.idx.msk [tilespmem:v10+s31+$0x0], $0xffff;
	[tilespmem:s8+$0xFFFFFFC0] =	vst v14;
	v14 =	vadd.s32 s25, v0  }
0x2a4: {  	s29 =	simm.s32 $0xA0DA;
	v15 =	vadd.s32 s28, v0;
	v16 =	vld.idx.msk [tilespmem:v21+s31+$0x0], $0xffff;
	[tilespmem:s8+$0xFFFFFFE0] =	vst v13  }
0x2a5: {  	v12 =	vld.idx.msk [tilespmem:v20+s31+$0x0], $0xffff;
	[tilespmem:s8+$0xFFFFFFF0] =	vst v22;
	v13 =	vadd.s32 s29, v0  }
0x2a6: {  	s9 =	simm.s32 $0x8;
	s10 =	simm.s32 $0xA17A;
	v17 =	vld.idx.msk [tilespmem:v23+s31+$0x0], $0xffff;
	[tilespmem:s8+$0x0] =	vst v24  }
.LBB2_34:
0x2a7: {  	s1 =	sadd.s32 $0xFFFFFFA0, s10;
	s4 =	sadd.s32 $0xFFFFFFF0, s10;
	v20 =	vadd.s32 s10, v0;
	s9 =	sadd.s32 $0x8, s9;
	v21 =	vld.idx.msk [tilespmem:v19+s31+$0x0], $0xffff;
	[tilespmem:s8+$0x10] =	vst v18  }
0x2a8: {  	s6 =	sadd.s32 $0xFFFFFFC0, s10;
	v22 =	vadd.s32 s1, v0;
	s1 =	sadd.s32 $0xFFFFFFB0, s10;
	v23 =	vadd.s32 s4, v0;
	p0 =	slt.u32 s9, $0xF8;
	v24 =	vld.idx.msk [tilespmem:v14+s31+$0x0], $0xffff;
	[tilespmem:s8+$0x30] =	vst v10  }
0x2a9: {  	v14 =	vadd.s32 s6, v0;
	s4 =	sadd.s32 $0xFFFFFFE0, s10;
	s8 =	sadd.s32 $0x80, s8;
	v10 =	vmov v11;
	v25 =	vadd.s32 s1, v0;
	s1 =	sadd.s32 $0xFFFFFFD0, s10;
	v26 =	vld.idx.msk [tilespmem:v15+s31+$0x0], $0xffff  }
0x2aa: {  	s6 =	sadd.s32 $0xFFFFFF90, s10;
	v15 =	vadd.s32 s1, v0;
	v18 =	vld.idx.msk [tilespmem:v13+s31+$0x0], $0xffff;
	v13 =	vadd.s32 s4, v0;
	[tilespmem:s8+$0x20] =	vst v12  }
.Ltmp16:
0x2ab: {  	v19 =	vadd.s32 s6, v0;
	[tilespmem:s8+$0xFFFFFFD0] =	vst v16;
	(pc) =	sbr.rel @p0 .LBB2_34-.Ltmp16, $4  }
0x2ac: {  	v11 =	vld.idx.msk [tilespmem:v20+s31+$0x0], $0xffff;
	[tilespmem:s8+$0xFFFFFFE0] =	vst v17  }
0x2ad: {  	v12 =	vld.idx.msk [tilespmem:v23+s31+$0x0], $0xffff;
	[tilespmem:s8+$0xFFFFFFC0] =	vst v21  }
0x2ae: {  	v16 =	vld.idx.msk [tilespmem:v22+s31+$0x0], $0xffff;
	[tilespmem:s8+$0xFFFFFFF0] =	vst v24  }
0x2af: {  	s10 =	sadd.s32 $0x80, s10;
	v17 =	vld.idx.msk [tilespmem:v25+s31+$0x0], $0xffff;
	[tilespmem:s8+$0x0] =	vst v26  }
0x2b0: {  	_ =	sdelay $0x2  }
0x2b1: {  	[tilespmem:s8+$0x10] =	vst v18  }
0x2b2: {  	v19 =	vld.idx.msk [tilespmem:v19+s31+$0x0], $0xffff;
	[tilespmem:s8+$0x30] =	vst v10;
	s1 =	sadd.s32 $0x80, s8  }
0x2b3: {  	v14 =	vld.idx.msk [tilespmem:v14+s31+$0x0], $0xffff;
	[tilespmem:s1+$0x30] =	vst v11  }
0x2b4: {  	v10 =	vld.idx.msk [tilespmem:v15+s31+$0x0], $0xffff;
	[tilespmem:s1+$0x20] =	vst v12  }
0x2b5: {  	v12 =	vld.idx.msk [tilespmem:v13+s31+$0x0], $0xffff;
	[tilespmem:s1+$0xFFFFFFD0] =	vst v16  }
0x2b6: {  	[tilespmem:s1+$0xFFFFFFE0] =	vst v17  }
0x2b7: {  	[tilespmem:s1+$0xFFFFFFC0] =	vst v19  }
0x2b8: {  	[tilespmem:s1+$0xFFFFFFF0] =	vst v14  }
0x2b9: {  	[tilespmem:s1+$0x0] =	vst v10  }
0x2ba: {  	s4 =	simm.s32 $0xB06B;
	[tilespmem:s1+$0x10] =	vst v12  }
0x2bb: {  	s15 =	simm.s32 $0xB01B;
	s16 =	simm.s32 $0xB02B;
	v11 =	vadd.s32 s4, v0;
	s1 =	rddreg [dreg:$0x10]  }
0x2bc: {  	v12 =	vadd.s32 s15, v0;
	[hbm4b:s1+s2] =	stream.linear.scatter [tilespmem:s7], [sflag:$0x3], $0x1000, $0x38;
	[tilespmem:$0x15180] =	vst v63  }
0x2bd: {  	s17 =	simm.s32 $0xB00B;
	v13 =	vadd.s32 s16, v0;
	_ =	swait.ge [sflag:s11], $0x1000  }
0x2be: {  	s18 =	simm.s32 $0xB03B;
	v14 =	vadd.s32 s17, v0;
	[sflag:s11] =	ssyncset.done $0x0  }
0x2bf: {  	s19 =	simm.s32 $0xB04B;
	v15 =	vadd.s32 s18, v0;
	[sflag:s11] =	ssyncadd.s32 $0xFFFFF000  }
0x2c0: {  	s20 =	simm.s32 $0xB05B;
	v16 =	vadd.s32 s19, v0;
	v11 =	vld.idx.msk [tilespmem:v11+s31+$0x0], $0xffff  }
0x2c1: {  	s21 =	simm.s32 $0xB0FB;
	v17 =	vadd.s32 s20, v0;
	v12 =	vld.idx.msk [tilespmem:v12+s31+$0x0], $0xffff  }
0x2c2: {  	s14 =	simm.s32 $0xB07B;
	v19 =	vadd.s32 s21, v0;
	v13 =	vld.idx.msk [tilespmem:v13+s31+$0x0], $0xffff  }
0x2c3: {  	s23 =	simm.s32 $0xB09B;
	v10 =	vadd.s32 s14, v0;
	v14 =	vld.idx.msk [tilespmem:v14+s31+$0x0], $0xffff  }
0x2c4: {  	s22 =	simm.s32 $0xB0EB;
	v21 =	vadd.s32 s23, v0;
	v22 =	vld.idx.msk [tilespmem:v15+s31+$0x0], $0xffff  }
0x2c5: {  	s8 =	simm.s32 $0x2040;
	s24 =	simm.s32 $0xB0AB;
	v20 =	vadd.s32 s22, v0;
	v24 =	vld.idx.msk [tilespmem:v16+s31+$0x0], $0xffff  }
0x2c6: {  	s6 =	simm.s32 $0xB08B;
	v23 =	vadd.s32 s24, v0;
	v18 =	vld.idx.msk [tilespmem:v17+s31+$0x0], $0xffff;
	[tilespmem:s8+$0x20] =	vst v11  }
0x2c7: {  	s25 =	simm.s32 $0xB0BB;
	[tilespmem:s8+$0xFFFFFFD0] =	vst v12;
	v11 =	vld.idx.msk [tilespmem:v19+s31+$0x0], $0xffff;
	v19 =	vadd.s32 s6, v0  }
0x2c8: {  	s28 =	simm.s32 $0xB0CB;
	v10 =	vld.idx.msk [tilespmem:v10+s31+$0x0], $0xffff;
	[tilespmem:s8+$0xFFFFFFC0] =	vst v14;
	v14 =	vadd.s32 s25, v0  }
0x2c9: {  	s29 =	simm.s32 $0xB0DB;
	v15 =	vadd.s32 s28, v0;
	v16 =	vld.idx.msk [tilespmem:v21+s31+$0x0], $0xffff;
	[tilespmem:s8+$0xFFFFFFE0] =	vst v13  }
0x2ca: {  	v12 =	vld.idx.msk [tilespmem:v20+s31+$0x0], $0xffff;
	[tilespmem:s8+$0xFFFFFFF0] =	vst v22;
	v13 =	vadd.s32 s29, v0  }
0x2cb: {  	s9 =	simm.s32 $0x8;
	s10 =	simm.s32 $0xB17B;
	v17 =	vld.idx.msk [tilespmem:v23+s31+$0x0], $0xffff;
	[tilespmem:s8+$0x0] =	vst v24  }
.LBB2_36:
0x2cc: {  	s1 =	sadd.s32 $0xFFFFFFA0, s10;
	s4 =	sadd.s32 $0xFFFFFFF0, s10;
	v20 =	vadd.s32 s10, v0;
	s9 =	sadd.s32 $0x8, s9;
	v21 =	vld.idx.msk [tilespmem:v19+s31+$0x0], $0xffff;
	[tilespmem:s8+$0x10] =	vst v18  }
0x2cd: {  	s6 =	sadd.s32 $0xFFFFFFC0, s10;
	v22 =	vadd.s32 s1, v0;
	s1 =	sadd.s32 $0xFFFFFFB0, s10;
	v23 =	vadd.s32 s4, v0;
	p0 =	slt.u32 s9, $0xF8;
	v24 =	vld.idx.msk [tilespmem:v14+s31+$0x0], $0xffff;
	[tilespmem:s8+$0x30] =	vst v10  }
0x2ce: {  	v14 =	vadd.s32 s6, v0;
	s4 =	sadd.s32 $0xFFFFFFE0, s10;
	s8 =	sadd.s32 $0x80, s8;
	v10 =	vmov v11;
	v25 =	vadd.s32 s1, v0;
	s1 =	sadd.s32 $0xFFFFFFD0, s10;
	v26 =	vld.idx.msk [tilespmem:v15+s31+$0x0], $0xffff  }
0x2cf: {  	s6 =	sadd.s32 $0xFFFFFF90, s10;
	v15 =	vadd.s32 s1, v0;
	v18 =	vld.idx.msk [tilespmem:v13+s31+$0x0], $0xffff;
	v13 =	vadd.s32 s4, v0;
	[tilespmem:s8+$0x20] =	vst v12  }
.Ltmp17:
0x2d0: {  	v19 =	vadd.s32 s6, v0;
	[tilespmem:s8+$0xFFFFFFD0] =	vst v16;
	(pc) =	sbr.rel @p0 .LBB2_36-.Ltmp17, $4  }
0x2d1: {  	v11 =	vld.idx.msk [tilespmem:v20+s31+$0x0], $0xffff;
	[tilespmem:s8+$0xFFFFFFE0] =	vst v17  }
0x2d2: {  	v12 =	vld.idx.msk [tilespmem:v23+s31+$0x0], $0xffff;
	[tilespmem:s8+$0xFFFFFFC0] =	vst v21  }
0x2d3: {  	v16 =	vld.idx.msk [tilespmem:v22+s31+$0x0], $0xffff;
	[tilespmem:s8+$0xFFFFFFF0] =	vst v24  }
0x2d4: {  	s10 =	sadd.s32 $0x80, s10;
	v17 =	vld.idx.msk [tilespmem:v25+s31+$0x0], $0xffff;
	[tilespmem:s8+$0x0] =	vst v26  }
0x2d5: {  	_ =	sdelay $0x2  }
0x2d6: {  	[tilespmem:s8+$0x10] =	vst v18  }
0x2d7: {  	v19 =	vld.idx.msk [tilespmem:v19+s31+$0x0], $0xffff;
	[tilespmem:s8+$0x30] =	vst v10;
	s1 =	sadd.s32 $0x80, s8  }
0x2d8: {  	v14 =	vld.idx.msk [tilespmem:v14+s31+$0x0], $0xffff;
	[tilespmem:s1+$0x30] =	vst v11  }
0x2d9: {  	v10 =	vld.idx.msk [tilespmem:v15+s31+$0x0], $0xffff;
	[tilespmem:s1+$0x20] =	vst v12  }
0x2da: {  	v12 =	vld.idx.msk [tilespmem:v13+s31+$0x0], $0xffff;
	[tilespmem:s1+$0xFFFFFFD0] =	vst v16  }
0x2db: {  	[tilespmem:s1+$0xFFFFFFE0] =	vst v17  }
0x2dc: {  	[tilespmem:s1+$0xFFFFFFC0] =	vst v19  }
0x2dd: {  	[tilespmem:s1+$0xFFFFFFF0] =	vst v14  }
0x2de: {  	[tilespmem:s1+$0x0] =	vst v10  }
0x2df: {  	s4 =	simm.s32 $0xC06C;
	[tilespmem:s1+$0x10] =	vst v12  }
0x2e0: {  	s15 =	simm.s32 $0xC01C;
	s16 =	simm.s32 $0xC02C;
	v11 =	vadd.s32 s4, v0;
	s1 =	rddreg [dreg:$0x11]  }
0x2e1: {  	v12 =	vadd.s32 s15, v0;
	[hbm4b:s1+s2] =	stream.linear.scatter [tilespmem:s7], [sflag:$0x3], $0x1000, $0x38;
	[tilespmem:$0x15180] =	vst v63  }
0x2e2: {  	s17 =	simm.s32 $0xC00C;
	v13 =	vadd.s32 s16, v0;
	_ =	swait.ge [sflag:s11], $0x1000  }
0x2e3: {  	s18 =	simm.s32 $0xC03C;
	v14 =	vadd.s32 s17, v0;
	[sflag:s11] =	ssyncset.done $0x0  }
0x2e4: {  	s19 =	simm.s32 $0xC04C;
	v15 =	vadd.s32 s18, v0;
	[sflag:s11] =	ssyncadd.s32 $0xFFFFF000  }
0x2e5: {  	s20 =	simm.s32 $0xC05C;
	v16 =	vadd.s32 s19, v0;
	v11 =	vld.idx.msk [tilespmem:v11+s31+$0x0], $0xffff  }
0x2e6: {  	s21 =	simm.s32 $0xC0FC;
	v17 =	vadd.s32 s20, v0;
	v12 =	vld.idx.msk [tilespmem:v12+s31+$0x0], $0xffff  }
0x2e7: {  	s14 =	simm.s32 $0xC07C;
	v19 =	vadd.s32 s21, v0;
	v13 =	vld.idx.msk [tilespmem:v13+s31+$0x0], $0xffff  }
0x2e8: {  	s23 =	simm.s32 $0xC09C;
	v10 =	vadd.s32 s14, v0;
	v14 =	vld.idx.msk [tilespmem:v14+s31+$0x0], $0xffff  }
0x2e9: {  	s22 =	simm.s32 $0xC0EC;
	v21 =	vadd.s32 s23, v0;
	v22 =	vld.idx.msk [tilespmem:v15+s31+$0x0], $0xffff  }
0x2ea: {  	s8 =	simm.s32 $0x2040;
	s24 =	simm.s32 $0xC0AC;
	v20 =	vadd.s32 s22, v0;
	v24 =	vld.idx.msk [tilespmem:v16+s31+$0x0], $0xffff  }
0x2eb: {  	s6 =	simm.s32 $0xC08C;
	v23 =	vadd.s32 s24, v0;
	v18 =	vld.idx.msk [tilespmem:v17+s31+$0x0], $0xffff;
	[tilespmem:s8+$0x20] =	vst v11  }
0x2ec: {  	s25 =	simm.s32 $0xC0BC;
	[tilespmem:s8+$0xFFFFFFD0] =	vst v12;
	v11 =	vld.idx.msk [tilespmem:v19+s31+$0x0], $0xffff;
	v19 =	vadd.s32 s6, v0  }
0x2ed: {  	s28 =	simm.s32 $0xC0CC;
	v10 =	vld.idx.msk [tilespmem:v10+s31+$0x0], $0xffff;
	[tilespmem:s8+$0xFFFFFFC0] =	vst v14;
	v14 =	vadd.s32 s25, v0  }
0x2ee: {  	s29 =	simm.s32 $0xC0DC;
	v15 =	vadd.s32 s28, v0;
	v16 =	vld.idx.msk [tilespmem:v21+s31+$0x0], $0xffff;
	[tilespmem:s8+$0xFFFFFFE0] =	vst v13  }
0x2ef: {  	v12 =	vld.idx.msk [tilespmem:v20+s31+$0x0], $0xffff;
	[tilespmem:s8+$0xFFFFFFF0] =	vst v22;
	v13 =	vadd.s32 s29, v0  }
0x2f0: {  	s9 =	simm.s32 $0x8;
	s10 =	simm.s32 $0xC17C;
	v17 =	vld.idx.msk [tilespmem:v23+s31+$0x0], $0xffff;
	[tilespmem:s8+$0x0] =	vst v24  }
.LBB2_38:
0x2f1: {  	s1 =	sadd.s32 $0xFFFFFFA0, s10;
	s4 =	sadd.s32 $0xFFFFFFF0, s10;
	v20 =	vadd.s32 s10, v0;
	s9 =	sadd.s32 $0x8, s9;
	v21 =	vld.idx.msk [tilespmem:v19+s31+$0x0], $0xffff;
	[tilespmem:s8+$0x10] =	vst v18  }
0x2f2: {  	s6 =	sadd.s32 $0xFFFFFFC0, s10;
	v22 =	vadd.s32 s1, v0;
	s1 =	sadd.s32 $0xFFFFFFB0, s10;
	v23 =	vadd.s32 s4, v0;
	p0 =	slt.u32 s9, $0xF8;
	v24 =	vld.idx.msk [tilespmem:v14+s31+$0x0], $0xffff;
	[tilespmem:s8+$0x30] =	vst v10  }
0x2f3: {  	v14 =	vadd.s32 s6, v0;
	s4 =	sadd.s32 $0xFFFFFFE0, s10;
	s8 =	sadd.s32 $0x80, s8;
	v10 =	vmov v11;
	v25 =	vadd.s32 s1, v0;
	s1 =	sadd.s32 $0xFFFFFFD0, s10;
	v26 =	vld.idx.msk [tilespmem:v15+s31+$0x0], $0xffff  }
0x2f4: {  	s6 =	sadd.s32 $0xFFFFFF90, s10;
	v15 =	vadd.s32 s1, v0;
	v18 =	vld.idx.msk [tilespmem:v13+s31+$0x0], $0xffff;
	v13 =	vadd.s32 s4, v0;
	[tilespmem:s8+$0x20] =	vst v12  }
.Ltmp18:
0x2f5: {  	v19 =	vadd.s32 s6, v0;
	[tilespmem:s8+$0xFFFFFFD0] =	vst v16;
	(pc) =	sbr.rel @p0 .LBB2_38-.Ltmp18, $4  }
0x2f6: {  	v11 =	vld.idx.msk [tilespmem:v20+s31+$0x0], $0xffff;
	[tilespmem:s8+$0xFFFFFFE0] =	vst v17  }
0x2f7: {  	v12 =	vld.idx.msk [tilespmem:v23+s31+$0x0], $0xffff;
	[tilespmem:s8+$0xFFFFFFC0] =	vst v21  }
0x2f8: {  	v16 =	vld.idx.msk [tilespmem:v22+s31+$0x0], $0xffff;
	[tilespmem:s8+$0xFFFFFFF0] =	vst v24  }
0x2f9: {  	s10 =	sadd.s32 $0x80, s10;
	v17 =	vld.idx.msk [tilespmem:v25+s31+$0x0], $0xffff;
	[tilespmem:s8+$0x0] =	vst v26  }
0x2fa: {  	_ =	sdelay $0x2  }
0x2fb: {  	[tilespmem:s8+$0x10] =	vst v18  }
0x2fc: {  	v19 =	vld.idx.msk [tilespmem:v19+s31+$0x0], $0xffff;
	[tilespmem:s8+$0x30] =	vst v10;
	s1 =	sadd.s32 $0x80, s8  }
0x2fd: {  	v14 =	vld.idx.msk [tilespmem:v14+s31+$0x0], $0xffff;
	[tilespmem:s1+$0x30] =	vst v11  }
0x2fe: {  	v10 =	vld.idx.msk [tilespmem:v15+s31+$0x0], $0xffff;
	[tilespmem:s1+$0x20] =	vst v12  }
0x2ff: {  	v12 =	vld.idx.msk [tilespmem:v13+s31+$0x0], $0xffff;
	[tilespmem:s1+$0xFFFFFFD0] =	vst v16  }
0x300: {  	[tilespmem:s1+$0xFFFFFFE0] =	vst v17  }
0x301: {  	[tilespmem:s1+$0xFFFFFFC0] =	vst v19  }
0x302: {  	[tilespmem:s1+$0xFFFFFFF0] =	vst v14  }
0x303: {  	[tilespmem:s1+$0x0] =	vst v10  }
0x304: {  	s4 =	simm.s32 $0xD06D;
	[tilespmem:s1+$0x10] =	vst v12  }
0x305: {  	s15 =	simm.s32 $0xD01D;
	s16 =	simm.s32 $0xD02D;
	v11 =	vadd.s32 s4, v0;
	s1 =	rddreg [dreg:$0x12]  }
0x306: {  	v12 =	vadd.s32 s15, v0;
	[hbm4b:s1+s2] =	stream.linear.scatter [tilespmem:s7], [sflag:$0x3], $0x1000, $0x38;
	[tilespmem:$0x15180] =	vst v63  }
0x307: {  	s17 =	simm.s32 $0xD00D;
	v13 =	vadd.s32 s16, v0;
	_ =	swait.ge [sflag:s11], $0x1000  }
0x308: {  	s18 =	simm.s32 $0xD03D;
	v14 =	vadd.s32 s17, v0;
	[sflag:s11] =	ssyncset.done $0x0  }
0x309: {  	s19 =	simm.s32 $0xD04D;
	v15 =	vadd.s32 s18, v0;
	[sflag:s11] =	ssyncadd.s32 $0xFFFFF000  }
0x30a: {  	s20 =	simm.s32 $0xD05D;
	v16 =	vadd.s32 s19, v0;
	v11 =	vld.idx.msk [tilespmem:v11+s31+$0x0], $0xffff  }
0x30b: {  	s21 =	simm.s32 $0xD0FD;
	v17 =	vadd.s32 s20, v0;
	v12 =	vld.idx.msk [tilespmem:v12+s31+$0x0], $0xffff  }
0x30c: {  	s14 =	simm.s32 $0xD07D;
	v19 =	vadd.s32 s21, v0;
	v13 =	vld.idx.msk [tilespmem:v13+s31+$0x0], $0xffff  }
0x30d: {  	s23 =	simm.s32 $0xD09D;
	v10 =	vadd.s32 s14, v0;
	v14 =	vld.idx.msk [tilespmem:v14+s31+$0x0], $0xffff  }
0x30e: {  	s22 =	simm.s32 $0xD0ED;
	v21 =	vadd.s32 s23, v0;
	v22 =	vld.idx.msk [tilespmem:v15+s31+$0x0], $0xffff  }
0x30f: {  	s8 =	simm.s32 $0x2040;
	s24 =	simm.s32 $0xD0AD;
	v20 =	vadd.s32 s22, v0;
	v24 =	vld.idx.msk [tilespmem:v16+s31+$0x0], $0xffff  }
0x310: {  	s6 =	simm.s32 $0xD08D;
	v23 =	vadd.s32 s24, v0;
	v18 =	vld.idx.msk [tilespmem:v17+s31+$0x0], $0xffff;
	[tilespmem:s8+$0x20] =	vst v11  }
0x311: {  	s25 =	simm.s32 $0xD0BD;
	[tilespmem:s8+$0xFFFFFFD0] =	vst v12;
	v11 =	vld.idx.msk [tilespmem:v19+s31+$0x0], $0xffff;
	v19 =	vadd.s32 s6, v0  }
0x312: {  	s28 =	simm.s32 $0xD0CD;
	v10 =	vld.idx.msk [tilespmem:v10+s31+$0x0], $0xffff;
	[tilespmem:s8+$0xFFFFFFC0] =	vst v14;
	v14 =	vadd.s32 s25, v0  }
0x313: {  	s29 =	simm.s32 $0xD0DD;
	v15 =	vadd.s32 s28, v0;
	v16 =	vld.idx.msk [tilespmem:v21+s31+$0x0], $0xffff;
	[tilespmem:s8+$0xFFFFFFE0] =	vst v13  }
0x314: {  	v12 =	vld.idx.msk [tilespmem:v20+s31+$0x0], $0xffff;
	[tilespmem:s8+$0xFFFFFFF0] =	vst v22;
	v13 =	vadd.s32 s29, v0  }
0x315: {  	s9 =	simm.s32 $0x8;
	s10 =	simm.s32 $0xD17D;
	v17 =	vld.idx.msk [tilespmem:v23+s31+$0x0], $0xffff;
	[tilespmem:s8+$0x0] =	vst v24  }
.LBB2_40:
0x316: {  	s1 =	sadd.s32 $0xFFFFFFA0, s10;
	s4 =	sadd.s32 $0xFFFFFFF0, s10;
	v20 =	vadd.s32 s10, v0;
	s9 =	sadd.s32 $0x8, s9;
	v21 =	vld.idx.msk [tilespmem:v19+s31+$0x0], $0xffff;
	[tilespmem:s8+$0x10] =	vst v18  }
0x317: {  	s6 =	sadd.s32 $0xFFFFFFC0, s10;
	v22 =	vadd.s32 s1, v0;
	s1 =	sadd.s32 $0xFFFFFFB0, s10;
	v23 =	vadd.s32 s4, v0;
	p0 =	slt.u32 s9, $0xF8;
	v24 =	vld.idx.msk [tilespmem:v14+s31+$0x0], $0xffff;
	[tilespmem:s8+$0x30] =	vst v10  }
0x318: {  	v14 =	vadd.s32 s6, v0;
	s4 =	sadd.s32 $0xFFFFFFE0, s10;
	s8 =	sadd.s32 $0x80, s8;
	v10 =	vmov v11;
	v25 =	vadd.s32 s1, v0;
	s1 =	sadd.s32 $0xFFFFFFD0, s10;
	v26 =	vld.idx.msk [tilespmem:v15+s31+$0x0], $0xffff  }
0x319: {  	s6 =	sadd.s32 $0xFFFFFF90, s10;
	v15 =	vadd.s32 s1, v0;
	v18 =	vld.idx.msk [tilespmem:v13+s31+$0x0], $0xffff;
	v13 =	vadd.s32 s4, v0;
	[tilespmem:s8+$0x20] =	vst v12  }
.Ltmp19:
0x31a: {  	v19 =	vadd.s32 s6, v0;
	[tilespmem:s8+$0xFFFFFFD0] =	vst v16;
	(pc) =	sbr.rel @p0 .LBB2_40-.Ltmp19, $4  }
0x31b: {  	v11 =	vld.idx.msk [tilespmem:v20+s31+$0x0], $0xffff;
	[tilespmem:s8+$0xFFFFFFE0] =	vst v17  }
0x31c: {  	v12 =	vld.idx.msk [tilespmem:v23+s31+$0x0], $0xffff;
	[tilespmem:s8+$0xFFFFFFC0] =	vst v21  }
0x31d: {  	v16 =	vld.idx.msk [tilespmem:v22+s31+$0x0], $0xffff;
	[tilespmem:s8+$0xFFFFFFF0] =	vst v24  }
0x31e: {  	s10 =	sadd.s32 $0x80, s10;
	v17 =	vld.idx.msk [tilespmem:v25+s31+$0x0], $0xffff;
	[tilespmem:s8+$0x0] =	vst v26  }
0x31f: {  	_ =	sdelay $0x2  }
0x320: {  	[tilespmem:s8+$0x10] =	vst v18  }
0x321: {  	v19 =	vld.idx.msk [tilespmem:v19+s31+$0x0], $0xffff;
	[tilespmem:s8+$0x30] =	vst v10;
	s1 =	sadd.s32 $0x80, s8  }
0x322: {  	v14 =	vld.idx.msk [tilespmem:v14+s31+$0x0], $0xffff;
	[tilespmem:s1+$0x30] =	vst v11  }
0x323: {  	v10 =	vld.idx.msk [tilespmem:v15+s31+$0x0], $0xffff;
	[tilespmem:s1+$0x20] =	vst v12  }
0x324: {  	v12 =	vld.idx.msk [tilespmem:v13+s31+$0x0], $0xffff;
	[tilespmem:s1+$0xFFFFFFD0] =	vst v16  }
0x325: {  	[tilespmem:s1+$0xFFFFFFE0] =	vst v17  }
0x326: {  	[tilespmem:s1+$0xFFFFFFC0] =	vst v19  }
0x327: {  	[tilespmem:s1+$0xFFFFFFF0] =	vst v14  }
0x328: {  	[tilespmem:s1+$0x0] =	vst v10  }
0x329: {  	s4 =	simm.s32 $0xE06E;
	[tilespmem:s1+$0x10] =	vst v12  }
0x32a: {  	s15 =	simm.s32 $0xE01E;
	s16 =	simm.s32 $0xE02E;
	v11 =	vadd.s32 s4, v0;
	s1 =	rddreg [dreg:$0x13]  }
0x32b: {  	v12 =	vadd.s32 s15, v0;
	[hbm4b:s1+s2] =	stream.linear.scatter [tilespmem:s7], [sflag:$0x3], $0x1000, $0x38;
	[tilespmem:$0x15180] =	vst v63  }
0x32c: {  	s17 =	simm.s32 $0xE00E;
	v13 =	vadd.s32 s16, v0;
	_ =	swait.ge [sflag:s11], $0x1000  }
0x32d: {  	s18 =	simm.s32 $0xE03E;
	v14 =	vadd.s32 s17, v0;
	[sflag:s11] =	ssyncset.done $0x0  }
0x32e: {  	s19 =	simm.s32 $0xE04E;
	v15 =	vadd.s32 s18, v0;
	[sflag:s11] =	ssyncadd.s32 $0xFFFFF000  }
0x32f: {  	s20 =	simm.s32 $0xE05E;
	v16 =	vadd.s32 s19, v0;
	v11 =	vld.idx.msk [tilespmem:v11+s31+$0x0], $0xffff  }
0x330: {  	s21 =	simm.s32 $0xE0FE;
	v17 =	vadd.s32 s20, v0;
	v12 =	vld.idx.msk [tilespmem:v12+s31+$0x0], $0xffff  }
0x331: {  	s14 =	simm.s32 $0xE07E;
	v19 =	vadd.s32 s21, v0;
	v13 =	vld.idx.msk [tilespmem:v13+s31+$0x0], $0xffff  }
0x332: {  	s23 =	simm.s32 $0xE09E;
	v10 =	vadd.s32 s14, v0;
	v14 =	vld.idx.msk [tilespmem:v14+s31+$0x0], $0xffff  }
0x333: {  	s22 =	simm.s32 $0xE0EE;
	v21 =	vadd.s32 s23, v0;
	v22 =	vld.idx.msk [tilespmem:v15+s31+$0x0], $0xffff  }
0x334: {  	s8 =	simm.s32 $0x2040;
	s24 =	simm.s32 $0xE0AE;
	v20 =	vadd.s32 s22, v0;
	v24 =	vld.idx.msk [tilespmem:v16+s31+$0x0], $0xffff  }
0x335: {  	s6 =	simm.s32 $0xE08E;
	v23 =	vadd.s32 s24, v0;
	v18 =	vld.idx.msk [tilespmem:v17+s31+$0x0], $0xffff;
	[tilespmem:s8+$0x20] =	vst v11  }
0x336: {  	s25 =	simm.s32 $0xE0BE;
	[tilespmem:s8+$0xFFFFFFD0] =	vst v12;
	v11 =	vld.idx.msk [tilespmem:v19+s31+$0x0], $0xffff;
	v19 =	vadd.s32 s6, v0  }
0x337: {  	s28 =	simm.s32 $0xE0CE;
	v10 =	vld.idx.msk [tilespmem:v10+s31+$0x0], $0xffff;
	[tilespmem:s8+$0xFFFFFFC0] =	vst v14;
	v14 =	vadd.s32 s25, v0  }
0x338: {  	s29 =	simm.s32 $0xE0DE;
	v15 =	vadd.s32 s28, v0;
	v16 =	vld.idx.msk [tilespmem:v21+s31+$0x0], $0xffff;
	[tilespmem:s8+$0xFFFFFFE0] =	vst v13  }
0x339: {  	v12 =	vld.idx.msk [tilespmem:v20+s31+$0x0], $0xffff;
	[tilespmem:s8+$0xFFFFFFF0] =	vst v22;
	v13 =	vadd.s32 s29, v0  }
0x33a: {  	s9 =	simm.s32 $0x8;
	s10 =	simm.s32 $0xE17E;
	v17 =	vld.idx.msk [tilespmem:v23+s31+$0x0], $0xffff;
	[tilespmem:s8+$0x0] =	vst v24  }
.LBB2_42:
0x33b: {  	s1 =	sadd.s32 $0xFFFFFFA0, s10;
	s4 =	sadd.s32 $0xFFFFFFF0, s10;
	v20 =	vadd.s32 s10, v0;
	s9 =	sadd.s32 $0x8, s9;
	v21 =	vld.idx.msk [tilespmem:v19+s31+$0x0], $0xffff;
	[tilespmem:s8+$0x10] =	vst v18  }
0x33c: {  	s6 =	sadd.s32 $0xFFFFFFC0, s10;
	v22 =	vadd.s32 s1, v0;
	s1 =	sadd.s32 $0xFFFFFFB0, s10;
	v23 =	vadd.s32 s4, v0;
	p0 =	slt.u32 s9, $0xF8;
	v24 =	vld.idx.msk [tilespmem:v14+s31+$0x0], $0xffff;
	[tilespmem:s8+$0x30] =	vst v10  }
0x33d: {  	v14 =	vadd.s32 s6, v0;
	s4 =	sadd.s32 $0xFFFFFFE0, s10;
	s8 =	sadd.s32 $0x80, s8;
	v10 =	vmov v11;
	v25 =	vadd.s32 s1, v0;
	s1 =	sadd.s32 $0xFFFFFFD0, s10;
	v26 =	vld.idx.msk [tilespmem:v15+s31+$0x0], $0xffff  }
0x33e: {  	s6 =	sadd.s32 $0xFFFFFF90, s10;
	v15 =	vadd.s32 s1, v0;
	v18 =	vld.idx.msk [tilespmem:v13+s31+$0x0], $0xffff;
	v13 =	vadd.s32 s4, v0;
	[tilespmem:s8+$0x20] =	vst v12  }
.Ltmp20:
0x33f: {  	v19 =	vadd.s32 s6, v0;
	[tilespmem:s8+$0xFFFFFFD0] =	vst v16;
	(pc) =	sbr.rel @p0 .LBB2_42-.Ltmp20, $4  }
0x340: {  	v11 =	vld.idx.msk [tilespmem:v20+s31+$0x0], $0xffff;
	[tilespmem:s8+$0xFFFFFFE0] =	vst v17  }
0x341: {  	v12 =	vld.idx.msk [tilespmem:v23+s31+$0x0], $0xffff;
	[tilespmem:s8+$0xFFFFFFC0] =	vst v21  }
0x342: {  	v16 =	vld.idx.msk [tilespmem:v22+s31+$0x0], $0xffff;
	[tilespmem:s8+$0xFFFFFFF0] =	vst v24  }
0x343: {  	s10 =	sadd.s32 $0x80, s10;
	v17 =	vld.idx.msk [tilespmem:v25+s31+$0x0], $0xffff;
	[tilespmem:s8+$0x0] =	vst v26  }
0x344: {  	_ =	sdelay $0x2  }
0x345: {  	[tilespmem:s8+$0x10] =	vst v18  }
0x346: {  	v19 =	vld.idx.msk [tilespmem:v19+s31+$0x0], $0xffff;
	[tilespmem:s8+$0x30] =	vst v10;
	s1 =	sadd.s32 $0x80, s8  }
0x347: {  	v14 =	vld.idx.msk [tilespmem:v14+s31+$0x0], $0xffff;
	[tilespmem:s1+$0x30] =	vst v11  }
0x348: {  	v10 =	vld.idx.msk [tilespmem:v15+s31+$0x0], $0xffff;
	[tilespmem:s1+$0x20] =	vst v12  }
0x349: {  	v12 =	vld.idx.msk [tilespmem:v13+s31+$0x0], $0xffff;
	[tilespmem:s1+$0xFFFFFFD0] =	vst v16  }
0x34a: {  	[tilespmem:s1+$0xFFFFFFE0] =	vst v17  }
0x34b: {  	[tilespmem:s1+$0xFFFFFFC0] =	vst v19  }
0x34c: {  	[tilespmem:s1+$0xFFFFFFF0] =	vst v14  }
0x34d: {  	[tilespmem:s1+$0x0] =	vst v10  }
0x34e: {  	s4 =	simm.s32 $0xF06F;
	[tilespmem:s1+$0x10] =	vst v12  }
0x34f: {  	s15 =	simm.s32 $0xF01F;
	s16 =	simm.s32 $0xF02F;
	v11 =	vadd.s32 s4, v0;
	s1 =	rddreg [dreg:$0x14]  }
0x350: {  	v12 =	vadd.s32 s15, v0;
	[hbm4b:s1+s2] =	stream.linear.scatter [tilespmem:s7], [sflag:$0x3], $0x1000, $0x38;
	[tilespmem:$0x15180] =	vst v63  }
0x351: {  	s17 =	simm.s32 $0xF00F;
	v13 =	vadd.s32 s16, v0;
	_ =	swait.ge [sflag:s11], $0x1000  }
0x352: {  	s18 =	simm.s32 $0xF03F;
	v14 =	vadd.s32 s17, v0;
	[sflag:s11] =	ssyncset.done $0x0  }
0x353: {  	s19 =	simm.s32 $0xF04F;
	v15 =	vadd.s32 s18, v0;
	[sflag:s11] =	ssyncadd.s32 $0xFFFFF000  }
0x354: {  	s20 =	simm.s32 $0xF05F;
	v16 =	vadd.s32 s19, v0;
	v11 =	vld.idx.msk [tilespmem:v11+s31+$0x0], $0xffff  }
0x355: {  	s21 =	simm.s32 $0xF0FF;
	v17 =	vadd.s32 s20, v0;
	v12 =	vld.idx.msk [tilespmem:v12+s31+$0x0], $0xffff  }
0x356: {  	s14 =	simm.s32 $0xF07F;
	v19 =	vadd.s32 s21, v0;
	v13 =	vld.idx.msk [tilespmem:v13+s31+$0x0], $0xffff  }
0x357: {  	s23 =	simm.s32 $0xF09F;
	v10 =	vadd.s32 s14, v0;
	v14 =	vld.idx.msk [tilespmem:v14+s31+$0x0], $0xffff  }
0x358: {  	s22 =	simm.s32 $0xF0EF;
	v21 =	vadd.s32 s23, v0;
	v22 =	vld.idx.msk [tilespmem:v15+s31+$0x0], $0xffff  }
0x359: {  	s8 =	simm.s32 $0x2040;
	s24 =	simm.s32 $0xF0AF;
	v20 =	vadd.s32 s22, v0;
	v24 =	vld.idx.msk [tilespmem:v16+s31+$0x0], $0xffff  }
0x35a: {  	s6 =	simm.s32 $0xF08F;
	v23 =	vadd.s32 s24, v0;
	v18 =	vld.idx.msk [tilespmem:v17+s31+$0x0], $0xffff;
	[tilespmem:s8+$0x20] =	vst v11  }
0x35b: {  	s25 =	simm.s32 $0xF0BF;
	[tilespmem:s8+$0xFFFFFFD0] =	vst v12;
	v11 =	vld.idx.msk [tilespmem:v19+s31+$0x0], $0xffff;
	v19 =	vadd.s32 s6, v0  }
0x35c: {  	s28 =	simm.s32 $0xF0CF;
	v10 =	vld.idx.msk [tilespmem:v10+s31+$0x0], $0xffff;
	[tilespmem:s8+$0xFFFFFFC0] =	vst v14;
	v14 =	vadd.s32 s25, v0  }
0x35d: {  	s29 =	simm.s32 $0xF0DF;
	v15 =	vadd.s32 s28, v0;
	v16 =	vld.idx.msk [tilespmem:v21+s31+$0x0], $0xffff;
	[tilespmem:s8+$0xFFFFFFE0] =	vst v13  }
0x35e: {  	v12 =	vld.idx.msk [tilespmem:v20+s31+$0x0], $0xffff;
	[tilespmem:s8+$0xFFFFFFF0] =	vst v22;
	v13 =	vadd.s32 s29, v0  }
0x35f: {  	s9 =	simm.s32 $0x8;
	s10 =	simm.s32 $0xF17F;
	v17 =	vld.idx.msk [tilespmem:v23+s31+$0x0], $0xffff;
	[tilespmem:s8+$0x0] =	vst v24  }
.LBB2_44:
0x360: {  	s1 =	sadd.s32 $0xFFFFFFA0, s10;
	s4 =	sadd.s32 $0xFFFFFFF0, s10;
	v20 =	vadd.s32 s10, v0;
	s9 =	sadd.s32 $0x8, s9;
	v21 =	vld.idx.msk [tilespmem:v19+s31+$0x0], $0xffff;
	[tilespmem:s8+$0x10] =	vst v18  }
0x361: {  	s6 =	sadd.s32 $0xFFFFFFC0, s10;
	v22 =	vadd.s32 s1, v0;
	s1 =	sadd.s32 $0xFFFFFFB0, s10;
	v23 =	vadd.s32 s4, v0;
	p0 =	slt.u32 s9, $0xF8;
	v24 =	vld.idx.msk [tilespmem:v14+s31+$0x0], $0xffff;
	[tilespmem:s8+$0x30] =	vst v10  }
0x362: {  	v14 =	vadd.s32 s6, v0;
	s4 =	sadd.s32 $0xFFFFFFE0, s10;
	s8 =	sadd.s32 $0x80, s8;
	v10 =	vmov v11;
	v25 =	vadd.s32 s1, v0;
	s1 =	sadd.s32 $0xFFFFFFD0, s10;
	v26 =	vld.idx.msk [tilespmem:v15+s31+$0x0], $0xffff  }
0x363: {  	s6 =	sadd.s32 $0xFFFFFF90, s10;
	v15 =	vadd.s32 s1, v0;
	v18 =	vld.idx.msk [tilespmem:v13+s31+$0x0], $0xffff;
	v13 =	vadd.s32 s4, v0;
	[tilespmem:s8+$0x20] =	vst v12  }
.Ltmp21:
0x364: {  	v19 =	vadd.s32 s6, v0;
	[tilespmem:s8+$0xFFFFFFD0] =	vst v16;
	(pc) =	sbr.rel @p0 .LBB2_44-.Ltmp21, $4  }
0x365: {  	v11 =	vld.idx.msk [tilespmem:v20+s31+$0x0], $0xffff;
	[tilespmem:s8+$0xFFFFFFE0] =	vst v17  }
0x366: {  	v12 =	vld.idx.msk [tilespmem:v23+s31+$0x0], $0xffff;
	[tilespmem:s8+$0xFFFFFFC0] =	vst v21  }
0x367: {  	v16 =	vld.idx.msk [tilespmem:v22+s31+$0x0], $0xffff;
	[tilespmem:s8+$0xFFFFFFF0] =	vst v24  }
0x368: {  	s10 =	sadd.s32 $0x80, s10;
	v17 =	vld.idx.msk [tilespmem:v25+s31+$0x0], $0xffff;
	[tilespmem:s8+$0x0] =	vst v26  }
0x369: {  	_ =	sdelay $0x2  }
0x36a: {  	[tilespmem:s8+$0x10] =	vst v18  }
0x36b: {  	v19 =	vld.idx.msk [tilespmem:v19+s31+$0x0], $0xffff;
	[tilespmem:s8+$0x30] =	vst v10;
	s1 =	sadd.s32 $0x80, s8  }
0x36c: {  	v14 =	vld.idx.msk [tilespmem:v14+s31+$0x0], $0xffff;
	[tilespmem:s1+$0x30] =	vst v11  }
0x36d: {  	v10 =	vld.idx.msk [tilespmem:v15+s31+$0x0], $0xffff;
	[tilespmem:s1+$0x20] =	vst v12  }
0x36e: {  	v63 =	vld.idx.msk [tilespmem:v13+s31+$0x0], $0xffff;
	[tilespmem:s1+$0xFFFFFFD0] =	vst v16  }
0x36f: {  	[tilespmem:s1+$0xFFFFFFE0] =	vst v17  }
0x370: {  	[tilespmem:s1+$0xFFFFFFC0] =	vst v19  }
0x371: {  	[tilespmem:s1+$0xFFFFFFF0] =	vst v14  }
0x372: {  	[tilespmem:s1+$0x0] =	vst v10  }
0x373: {  	[tilespmem:s1+$0x10] =	vst v63  }
0x374: {  	s1 =	rddreg [dreg:$0x15]  }
0x375: {  	[hbm4b:s1+s2] =	stream.linear.scatter [tilespmem:s7], [sflag:$0x3], $0x1000, $0x38;
	[tilespmem:$0x15180] =	vst v63  }
0x376: {  	_ =	swait.ge [sflag:s11], $0x1000  }
0x377: {  	s4 =	rddreg [dreg:$0x17]  }
0x378: {  	s29 =	rddreg [dreg:$0x16];
	s4 =	sadd.s32 $0x1, s4  }
0x379: {  	p0 =	sne.s32 s4, s29  }
.Ltmp22:
0x37a: {  	_ = 	snop;
	(pc) =	sbr.rel @p0 .LBB2_1-.Ltmp22, $3  }
0x37b: {  	_ =	sdelay $0x1  }
0x37c: {  	[sflag:s11] =	ssyncset.done $0x0  }
0x37d: {  	[sflag:s11] =	ssyncadd.s32 $0xFFFFF000  }
0x37e: {  	_ =	sfence.sel $0x180000  }
0x37f: {  	[bflag:$0x0] =	sbarrier.arrive $0xFFFF  }
0x380: {  	_ =	strace $0x9000004A  }
0x381: {  	s0 =	stileid.u32;
	[bflag:$0x2] =	sbarrier.arrive $0xFFFF  }
0x382: {  	p0 =	sne.s32 s0, $0x0;
	s0 =	rddreg [dreg:$0x2]  }
0x383: {  	s0 =	sadd.s32 @!p0 $0x100000, s0  }
0x384: {  	[sflag:s0] =	ssyncadd.tile.s32 @!p0 $0x1;
	_ =	shalt  }
.Lfunc_end2:
_tile_overlayer_lowered:
.L_overlay_start_2:
0x385: {  	(tag) =	ssettag $0x2  }
0x386: {  	s0 =	rddreg [dreg:$0x0];
	s2 =	stileid.u32  }
0x387: {  	s1 =	rddreg [dreg:$0x1];
	p0 =	sne.s32 s2, $0x0  }
0x388: {  	s3 =	rddreg [dreg:$0x2];
	[bflag:$0x3] =	sbarrier.arrive $0xFFFF;
	s2 =	simm.s32 @!p0 $0x1C03  }
0x389: {  	[timem:s3], [sflag:s2] =	dma.local @!p0 [hbm:s0], s1  }
0x38a: {  	s0 =	simm.s32 @!p0 $0x3  }
0x38b: {  	_ =	swait.ge @!p0 [sflag:s0], s1  }
0x38c: {  	s1 =	ssub.s32 @!p0 $0x0, s1;
	[sflag:s0] =	ssyncset.done @!p0 $0x0  }
0x38d: {  	[sflag:s0] =	ssyncadd.s32 @!p0 s1  }
0x38e: {  	[bflag:$0x3] =	sbarrier.arrive $0xFFFF  }
0x38f: {  	_ =	shalt  }

// kernel: kernel.8.cloned.1.call-start
scs
__scs_entry_jumppad:
0x0: {  	(pc) =	sbr.rel $0x88, $3  }
0x1: {  	(tag) =	ssettag $0x0;
	lr =	simm.s32 $0x1  }
0x2: {  	[smem:$0x3F8B] =	sst lr;
	_ =	strace $0xD0000000  }
0x3: {  	_ = 	snop  }
0x4: {  	_ = 	snop  }
0x5: {  	_ = 	snop  }
0x6: {  	_ = 	snop  }
0x7: {  	_ = 	snop  }
__scs_overlays_trampoline_lowered:
0x8: {  	[smem:$0x3F9A] =	sst s0  }
0x9: {  	[smem:$0x3F9B] =	sst s1  }
0xa: {  	[smem:$0x3F9C] =	sst s2  }
0xb: {  	[smem:$0x3F9D] =	sst s3  }
0xc: {  	[smem:$0x3F9E] =	sst s4  }
0xd: {  	[smem:$0x3F9F] =	sst s5  }
0xe: {  	[smem:$0x3FA0] =	sst s6  }
0xf: {  	[smem:$0x3FA1] =	sst s7  }
0x10: {  	[smem:$0x3FA2] =	sst s8  }
0x11: {  	[smem:$0x3FA3] =	sst s9;
	s0 =	simm.s32 @!p0 $0x0  }
0x12: {  	s1 =	sld [smem:$0x3F89];
	s0 =	simm.s32 @p0 $0x1  }
0x13: {  	[smem:$0x3FA4] =	sst s0;
	s0 =	simm.s32 @!p1 $0x0  }
0x14: {  	s2 =	sld [smem:$0x3F88];
	s0 =	simm.s32 @p1 $0x1  }
0x15: {  	[smem:$0x3FA5] =	sst s0;
	s0 =	simm.s32 @!p2 $0x0  }
0x16: {  	s3 =	sld [smem:$0x3FDB];
	s0 =	simm.s32 @p2 $0x1  }
0x17: {  	s4 =	simm.s32 $0x1BF5;
	[smem:$0x3FA7] =	sst s0  }
0x18: {  	s0 =	sld [smem:$0x3F8A];
	_ =	swait.ge [sflag:s4], $0x0  }
0x19: {  	s7 =	sld [smem:$0x3F8B]  }
0x1a: {  	s8 =	sadd.s32 $0xFFFFE003, lr  }
0x1b: {  	s9 =	sadd.s32 $0xFFFFFEF7, lr;
	s5 =	simm.s32 $0xFFFFFFFF;
	p2 =	slt.u32 s8, $0xFFFFF086  }
0x1c: {  	p1 =	slt.u32 s9, $0xF7A;
	s5 =	simm.s32 @!p2 $0x0  }
0x1d: {  	s5 =	simm.s32 @p1 $0x1;
	p0 =	seq.s32 s7, s2  }
0x1e: {  	s7 =	smul.u32 @!p0 $0xF7A, s2;
	p2 =	seq.s32 @!p0 s5, $0x0  }
0x1f: {  	s9 =	smul.u32 $0xF7A, s1;
	s8 =	simm.s32 @!p0 $0x1BF5;
	p2 =	por !p2, p0  }
0x20: {  	[sflag:s8] =	ssyncset.s32 @!p0 $0xFFFFF086;
	s6 =	sadd.s32 @!p0 s3, s7;
	s7 =	simm.s32 @!p0 $0x108  }
0x21: {  	s3 =	sadd.s32 s3, s9;
	s6 =	sadd.s32 @!p0 $0x88, s6;
	s7 =	simm.s32 @p2 $0x1082  }
0x22: {  	[simem:s7], [sflag:s8] =	dma.local @!p0 [hbm:s6], $0xF7A  }
0x23: {  	s9 =	sor.u32 $0xD0000000, s2;
	s6 =	simm.s32 $0x108;
	_ =	swait.ge @!p0 [sflag:s8], $0x0  }
0x24: {  	s3 =	sadd.s32 $0x88, s3;
	s6 =	simm.s32 @!p1 $0x1082;
	[sflag:s4] =	ssyncset.s32 $0xFFFFF086  }
0x25: {  	[simem:s6], [sflag:s4] =	dma.local [hbm:s3], $0xF7A  }
0x26: {  	[smem:$0x3F8B] =	sst s1;
	(tag) =	ssettag s2;
	_ =	strace s9  }
0x27: {  	s1 =	sld [smem:$0x3F9B]  }
0x28: {  	s2 =	sld [smem:$0x3F9C]  }
0x29: {  	s4 =	sld [smem:$0x3F9E]  }
0x2a: {  	p0 =	seq.s32 s5, $0x0;
	s5 =	sld [smem:$0x3F9F]  }
0x2b: {  	s6 =	sld [smem:$0x3FA0]  }
0x2c: {  	s7 =	sld [smem:$0x3FA1]  }
0x2d: {  	s3 =	simm.s32 $0x108;
	s8 =	sld [smem:$0x3FA2]  }
0x2e: {  	s3 =	simm.s32 @!p0 $0x1082;
	s9 =	sld [smem:$0x3FA3]  }
0x2f: {  	lr =	sadd.s32 s0, s3;
	s0 =	sld [smem:$0x3F9A]  }
0x30: {  	s3 =	sld [smem:$0x3F9D]  }
0x31: {  	[smem:$0x3FA6] =	sst s10  }
0x32: {  	s10 =	sld [smem:$0x3FA4];
	_ =	sdelay $0x3  }
0x33: {  	p0 =	seq.s32 s10, $0x1;
	s10 =	sld [smem:$0x3FA6];
	_ =	sdelay $0x3  }
0x34: {  	[smem:$0x3FA6] =	sst s10  }
0x35: {  	s10 =	sld [smem:$0x3FA5];
	_ =	sdelay $0x3  }
0x36: {  	p1 =	seq.s32 s10, $0x1;
	s10 =	sld [smem:$0x3FA6];
	_ =	sdelay $0x3  }
0x37: {  	[smem:$0x3FA6] =	sst s10  }
0x38: {  	s10 =	sld [smem:$0x3FA7]  }
0x39: {  	_ = 	snop;
	(pc) =	sbr.ind lr, $3  }
0x3a: {  	_ = 	snop  }
0x3b: {  	_ = 	snop  }
0x3c: {  	p2 =	seq.s32 s10, $0x1;
	s10 =	sld [smem:$0x3FA6]  }
0x3d: {  	_ =	shalt  }
0x3e: {  	_ =	shalt  }
0x3f: {  	_ =	shalt  }
0x40: {  	_ =	shalt  }
0x41: {  	_ =	shalt  }
0x42: {  	_ =	shalt  }
0x43: {  	_ =	shalt  }
0x44: {  	_ =	shalt  }
0x45: {  	_ =	shalt  }
0x46: {  	_ =	shalt  }
0x47: {  	_ =	shalt  }
0x48: {  	_ =	shalt  }
0x49: {  	_ =	shalt  }
0x4a: {  	_ =	shalt  }
0x4b: {  	_ =	shalt  }
0x4c: {  	_ =	shalt  }
0x4d: {  	_ =	shalt  }
0x4e: {  	_ =	shalt  }
0x4f: {  	_ =	shalt  }
0x50: {  	_ =	shalt  }
0x51: {  	_ =	shalt  }
0x52: {  	_ =	shalt  }
0x53: {  	_ =	shalt  }
0x54: {  	_ =	shalt  }
0x55: {  	_ =	shalt  }
0x56: {  	_ =	shalt  }
0x57: {  	_ =	shalt  }
0x58: {  	_ =	shalt  }
0x59: {  	_ =	shalt  }
0x5a: {  	_ =	shalt  }
0x5b: {  	_ =	shalt  }
0x5c: {  	_ =	shalt  }
0x5d: {  	_ =	shalt  }
0x5e: {  	_ =	shalt  }
0x5f: {  	_ =	shalt  }
0x60: {  	_ =	shalt  }
0x61: {  	_ =	shalt  }
0x62: {  	_ =	shalt  }
0x63: {  	_ =	shalt  }
0x64: {  	_ =	shalt  }
0x65: {  	_ =	shalt  }
0x66: {  	_ =	shalt  }
0x67: {  	_ =	shalt  }
0x68: {  	_ =	shalt  }
0x69: {  	_ =	shalt  }
0x6a: {  	_ =	shalt  }
0x6b: {  	_ =	shalt  }
0x6c: {  	_ =	shalt  }
0x6d: {  	_ =	shalt  }
0x6e: {  	_ =	shalt  }
0x6f: {  	_ =	shalt  }
0x70: {  	_ =	shalt  }
0x71: {  	_ =	shalt  }
0x72: {  	_ =	shalt  }
0x73: {  	_ =	shalt  }
0x74: {  	_ =	shalt  }
0x75: {  	_ =	shalt  }
0x76: {  	_ =	shalt  }
0x77: {  	_ =	shalt  }
0x78: {  	_ =	shalt  }
0x79: {  	_ =	shalt  }
0x7a: {  	_ =	shalt  }
0x7b: {  	_ =	shalt  }
0x7c: {  	_ =	shalt  }
0x7d: {  	_ =	shalt  }
0x7e: {  	_ =	shalt  }
0x7f: {  	_ =	shalt  }
0x80: {  	_ =	shalt  }
0x81: {  	_ =	shalt  }
0x82: {  	_ =	shalt  }
0x83: {  	_ =	shalt  }
0x84: {  	_ =	shalt  }
0x85: {  	_ =	shalt  }
0x86: {  	_ =	shalt  }
0x87: {  	_ =	shalt  }
.Lfunc_end0:
.L_simem_size_0:
called_computation_lowered:
.L_overlay_start_0:
0x88: {  	s2 =	sld [smem:$0x3FD9]  }
0x89: {  	s3 =	sld [smem:$0x3FFE];
	_ =	sdelay $0x1  }
0x8a: {  	s1 =	srdreg.scid  }
0x8b: {  	s0 =	sand.u32 $0x1, s1  }
0x8c: {  	s14 =	sshll.u32 s0, $0xA;
	s2 =	sadd.s32 s3, s2  }
0x8d: {  	s2 =	sadd.s32 s2, s14  }
0x8e: {  	[smem:$0x3FB2] =	sst s2  }
0x8f: {  	_ = 	snop  }
0x90: {  	s2 =	sld [smem:$0x3FD0];
	_ =	sdelay $0x2  }
0x91: {  	s15 =	simm.s32 $0xA;
	s4 =	simm.s32 $0x10  }
0x92: {  	[smem:s4], [sflag:s15] =	dma.local [hbm:s2], $0x1  }
0x93: {  	_ =	swait.eq [sflag:s15], $0x1  }
0x94: {  	[sflag:s15] =	ssyncset.done $0x0  }
0x95: {  	s16 =	sld [smem:$0x10];
	[sflag:s15] =	ssyncadd.s32 $0xFFFFFFFF  }
0x96: {  	s17 =	sld [smem:$0x13];
	(tm) =	ssettm $0x1  }
0x97: {  	s18 =	sld [smem:$0x3FFB];
	_ =	sdelay $0x3  }
0x98: {  	_ =	strace s18  }
0x99: {  	s4 =	sld [smem:$0x3FFC];
	_ =	sdelay $0x3  }
0x9a: {  	_ =	strace s4  }
0x9b: {  	s4 =	sld [smem:$0x3FFD];
	_ =	sdelay $0x3  }
0x9c: {  	_ =	strace s4  }
0x9d: {  	_ =	strace $0x8FFFFFFF  }
0x9e: {  	s19 =	sld [smem:$0x3FDB];
	_ =	sdelay $0x1  }
0x9f: {  	s5 =	simm.s32 $_scs_section_size  }
0xa0: {  	s6 =	simm.s32 $_size__tile_overlayer_lowered;
	s7 =	simm.s32 $_tile_overlayer_lowered  }
0xa1: {  	s22 =	simm.s32 $0x1BFF;
	s21 =	sshll.u32 s7, $0x1;
	s4 =	sadd.s32 s5, s19  }
0xa2: {  	s8 =	simm.s32 $0x0;
	s20 =	sshll.u32 s6, $0x1;
	s6 =	sadd.s32 s21, s4  }
0xa3: {  	[timem:s8], [sflag:s22] =	dma.local [hbm:s6], s20  }
0xa4: {  	_ =	swait.ge [sflag:s22], s20  }
0xa5: {  	s5 =	ssub.s32 $0x0, s20;
	[sflag:s22] =	ssyncset.done $0x0  }
0xa6: {  	[sflag:s22] =	ssyncadd.s32 s5;
	_ =	sdelay $0x1  }
0xa7: {  	s23 =	simm.s32 $0x1B8B  }
0xa8: {  	_ =	swait.ge [sflag:s23], $0x1  }
0xa9: {  	[sflag:s23] =	ssyncset.done $0x0  }
0xaa: {  	s25 =	simm.s32 $0x1B8E;
	s24 =	sld [smem:$0x3FFE];
	[sflag:s23] =	ssyncadd.s32 $0xFFFFFFFF  }
0xab: {  	s26 =	simm.s32 $execute0_lowered;
	[smem:$0x3FD2] =	sst s25  }
0xac: {  	s6 =	sshll.u32 s26, $0x1;
	_ =	strace $0x80000046;
	[dreg:$0x1] =	wrdreg $0xFFFFFFFF  }
0xad: {  	s28 =	simm.s32 $_size_execute0_lowered;
	s4 =	sadd.s32 s4, s6;
	[dreg:$0x0] =	wrdreg $0x0  }
0xae: {  	s6 =	sshll.u32 s28, $0x1;
	[dreg:$0x2] =	wrdreg s4  }
0xaf: {  	[dreg:$0x3] =	wrdreg s6  }
0xb0: {  	[dreg:$0x4] =	wrdreg $0xC0  }
0xb1: {  	_ =	task [dreg:s8], $0x5FFFF  }
0xb2: {  	[dreg:$0x1] =	wrdreg $0xFFFFFFFF  }
0xb3: {  	[dreg:$0x0] =	wrdreg $0x60  }
0xb4: {  	[dreg:$0x2] =	wrdreg s16  }
0xb5: {  	[dreg:$0x3] =	wrdreg s24  }
0xb6: {  	[dreg:$0x4] =	wrdreg s17  }
0xb7: {  	[dreg:$0x5] =	wrdreg $0x9  }
0xb8: {  	_ =	task.clear_ibuf [dreg:s8], $0x6FFFF;
	_ =	strace $0x90000046  }
0xb9: {  	s29 =	simm.s32 $0x9;
	_ =	strace $0x80000048  }
0xba: {  	_ =	swait.ge [sflag:s29], $0x1  }
0xbb: {  	[sflag:s29] =	ssyncadd.s32 $0xFFFFFFFF  }
0xbc: {  	_ =	strace $0x90000048  }
0xbd: {  	_ =	sfence  }
0xbe: {  	s30 =	sld [smem:$0x0];
	_ =	sdelay $0x2  }
0xbf: {  	s31 =	sshll.u32 s1, $0xD;
	s1 =	sshrl.u32 s1, $0x2  }
0xc0: {  	s3 =	sand.u32 $0x4000, s31;
	s1 =	sadd.s32 s1, s30  }
0xc1: {  	s0 =	sor.u32 s3, s0;
	s1 =	sshll.u32 s1, $0x11  }
0xc2: {  	s0 =	sor.u32 s1, s0  }
0xc3: {  	s0 =	sadd.s32 $0x8F2B, s0  }
0xc4: {  	[sflag:s0] =	ssyncadd.remote.s32 $0x1  }
0xc5: {  	_ =	sfence.sel $0xFFFF  }
0xc6: {  	[dreg:$0x0] =	wrdreg $0xFFFFFFFF;
	(pc) =	sbr.abs _section_cstart, $3  }
0xc7: {  	[dreg:$0x1] =	wrdreg $0xFFFFFFFF  }
0xc8: {  	_ =	task.clear_ibuf [dreg:s8], $0x2FFFF;
	_ =	strace $0x9FFFFFFF  }
0xc9: {  	(tm) =	ssettm $0x7FFFFFFF  }
tec
execute0_lowered:
.L_overlay_start_1:
0x0: {  	(tag) =	ssettag $0x1  }
0x1: {  	s1 =	rddreg [dreg:$0x0]  }
0x2: {  	s0 =	rddreg [dreg:$0x1]  }
0x3: {  	s2 =	simm.s32 $0x0;
	s28 =	srdreg.scid;
	s4 =	stileid.u32  }
0x4: {  	s10 =	simm.s32 $0x3;
	s12 =	simm.s32 $0x100;
	s31 =	simm.s32 $0x9100  }
0x5: {  	s9 =	simm.s32 $0xA900;
	s11 =	simm.s32 $0xC100;
	s13 =	simm.s32 $0xC900  }
0x6: {  	s14 =	simm.s32 $0xD100;
	s15 =	simm.s32 $0xD900;
	s16 =	simm.s32 $0xE100  }
0x7: {  	s17 =	simm.s32 $0xE900;
	s18 =	simm.s32 $0xF100;
	s19 =	simm.s32 $0xF900  }
0x8: {  	s20 =	simm.s32 $0x1;
	s21 =	simm.s32 $0x2;
	s23 =	simm.s32 $0x0  }
0x9: {  	[smem:$0x7FF] =	sst s2;
	s2 =	sand.u32 $0x1, s28;
	s5 =	sadd.s32 $0x4200, s0  }
0xa: {  	s6 =	sadd.s32 $0x44200, s0;
	s7 =	sadd.s32 $0x48200, s0;
	s3 =	ssub.s32 $0x2, s2  }
0xb: {  	s30 =	sshll.u32 s4, $0xD;
	s4 =	simm.s32 $0xA100;
	s29 =	sshrl.u32 s3, $0x1  }
0xc: {  	v2 =	vlaneseq.u32;
	_ =	strace $0x80000047;
	s2 =	sshll.u32 s2, $0xC;
	s0 =	ssub.s32 s3, s29  }
0xd: {  	vm0 =	vmmov $0xffff;
	v1 =	vshrl.u32 v2, $0x3;
	s8 =	sor.u32 s2, s30;
	s2 =	simm.s32 $0xB100;
	s0 =	smax.u32 s0, $0x1  }
0xe: {  	v0 =	vand.u32 $0x7, v2;
	v2 =	vor.u32 $0x8, v2;
	v1 =	vmul.u32 $0x8, v1;
	s3 =	simm.s32 $0xB900;
	[dreg:$0x4] =	wrdreg s0;
	s0 =	simm.s32 $0x9900  }
.LBB2_1:
0xf: {  	[dreg:$0x5] =	wrdreg s23;
	s22 =	simm.s32 $0x0  }
.LBB2_2:
0x10: {  	s23 =	sshll.u32 s22, $0x7  }
0x11: {  	s23 =	sadd.s32 s8, s23  }
0x12: {  	s25 =	sshrl.u32 s23, $0x3  }
0x13: {  	s24 =	simm.s32 $0x0;
	s26 =	sadd.s32 s6, s25  }
0x14: {  	[tilespmem:s24], [sflag:$0x3] =	stream.linear.gather [hbm4b:s26+s24], $0x80, $0x38;
	[tilespmem:$0x10100] =	vst v63  }
0x15: {  	_ =	swait.ge [sflag:s10], $0x80  }
0x16: {  	[sflag:s10] =	ssyncset.done $0x0  }
0x17: {  	[sflag:s10] =	ssyncadd.s32 $0xFFFFFF80  }
0x18: {  	s29 =	rddreg [dreg:$0x2]  }
0x19: {  	s30 =	simm.s32 $0x80;
	s25 =	sadd.s32 s29, s25  }
0x1a: {  	[tilespmem:s30], [sflag:$0x3] =	stream.linear.gather [hbm4b:s25+s24], $0x80, $0x38;
	[tilespmem:$0x10100] =	vst v63  }
0x1b: {  	_ =	swait.ge [sflag:s10], $0x80  }
0x1c: {  	[sflag:s10] =	ssyncset.done $0x0  }
0x1d: {  	[sflag:s10] =	ssyncadd.s32 $0xFFFFFF80  }
0x1e: {  	v3 =	vld [tilespmem:$0x0];
	_ =	sdelay $0x4  }
0x1f: {  	v4 =	vshll.u32 v3, $0x1  }
0x20: {  	v3 =	vand.u32 $0x7, v3;
	v4 =	vand.u32 $0xFFFFFFF0, v4  }
0x21: {  	v3 =	vor.u32 v3, v4  }
0x22: {  	v4 =	vperm.xlane v3, v0;
	_ =	sdelay $0x1  }
0x23: {  	v3 =	vperm.xlane v3, v2;
	v4 =	vadd.s32 v1, v4;
	_ =	sdelay $0x1  }
0x24: {  	v3 =	vadd.s32 v1, v3;
	_ =	sdelay $0x2  }
0x25: {  	[tilespmem:s12], [sflag:$0x1] =	stream.indirect_vreg.gather [hbm4b:s1+s24], $0x80, v4, vm0, $0xb8;
	[tilespmem:$0x10100] =	vst v63  }
0x26: {  	s26 =	simm.s32 $0x900  }
0x27: {  	[tilespmem:s26], [sflag:$0x1] =	stream.indirect_vreg.gather [hbm4b:s1+s24], $0x80, v3, vm0, $0xb8;
	[tilespmem:$0x10100] =	vst v63  }
0x28: {  	v3 =	vld [tilespmem:$0x10];
	_ =	sdelay $0x4  }
0x29: {  	v4 =	vshll.u32 v3, $0x1  }
0x2a: {  	v3 =	vand.u32 $0x7, v3;
	v4 =	vand.u32 $0xFFFFFFF0, v4  }
0x2b: {  	v3 =	vor.u32 v3, v4  }
0x2c: {  	v4 =	vperm.xlane v3, v0;
	_ =	sdelay $0x1  }
0x2d: {  	v3 =	vperm.xlane v3, v2;
	v4 =	vadd.s32 v1, v4;
	_ =	sdelay $0x1  }
0x2e: {  	v3 =	vadd.s32 v1, v3;
	_ =	sdelay $0x1  }
0x2f: {  	s28 =	simm.s32 $0x1100  }
0x30: {  	[tilespmem:s28], [sflag:$0x1] =	stream.indirect_vreg.gather [hbm4b:s1+s24], $0x80, v4, vm0, $0xb8;
	[tilespmem:$0x10100] =	vst v63  }
0x31: {  	s29 =	simm.s32 $0x1900  }
0x32: {  	[tilespmem:s29], [sflag:$0x1] =	stream.indirect_vreg.gather [hbm4b:s1+s24], $0x80, v3, vm0, $0xb8;
	[tilespmem:$0x10100] =	vst v63  }
0x33: {  	v3 =	vld [tilespmem:$0x20];
	_ =	sdelay $0x4  }
0x34: {  	v4 =	vshll.u32 v3, $0x1  }
0x35: {  	v3 =	vand.u32 $0x7, v3;
	v4 =	vand.u32 $0xFFFFFFF0, v4  }
0x36: {  	v3 =	vor.u32 v3, v4  }
0x37: {  	v4 =	vperm.xlane v3, v0;
	_ =	sdelay $0x1  }
0x38: {  	v3 =	vperm.xlane v3, v2;
	v4 =	vadd.s32 v1, v4;
	_ =	sdelay $0x1  }
0x39: {  	v3 =	vadd.s32 v1, v3;
	_ =	sdelay $0x1  }
0x3a: {  	s30 =	simm.s32 $0x2100  }
0x3b: {  	[tilespmem:s30], [sflag:$0x1] =	stream.indirect_vreg.gather [hbm4b:s1+s24], $0x80, v4, vm0, $0xb8;
	[tilespmem:$0x10100] =	vst v63  }
0x3c: {  	s26 =	simm.s32 $0x2900  }
0x3d: {  	[tilespmem:s26], [sflag:$0x1] =	stream.indirect_vreg.gather [hbm4b:s1+s24], $0x80, v3, vm0, $0xb8;
	[tilespmem:$0x10100] =	vst v63  }
0x3e: {  	v3 =	vld [tilespmem:$0x30];
	_ =	sdelay $0x4  }
0x3f: {  	v4 =	vshll.u32 v3, $0x1  }
0x40: {  	v3 =	vand.u32 $0x7, v3;
	v4 =	vand.u32 $0xFFFFFFF0, v4  }
0x41: {  	v3 =	vor.u32 v3, v4  }
0x42: {  	v4 =	vperm.xlane v3, v0;
	_ =	sdelay $0x1  }
0x43: {  	v3 =	vperm.xlane v3, v2;
	v4 =	vadd.s32 v1, v4;
	_ =	sdelay $0x1  }
0x44: {  	v3 =	vadd.s32 v1, v3;
	_ =	sdelay $0x1  }
0x45: {  	s28 =	simm.s32 $0x3100  }
0x46: {  	[tilespmem:s28], [sflag:$0x1] =	stream.indirect_vreg.gather [hbm4b:s1+s24], $0x80, v4, vm0, $0xb8;
	[tilespmem:$0x10100] =	vst v63  }
0x47: {  	s29 =	simm.s32 $0x3900  }
0x48: {  	[tilespmem:s29], [sflag:$0x1] =	stream.indirect_vreg.gather [hbm4b:s1+s24], $0x80, v3, vm0, $0xb8;
	[tilespmem:$0x10100] =	vst v63  }
0x49: {  	v3 =	vld [tilespmem:$0x40];
	_ =	sdelay $0x4  }
0x4a: {  	v4 =	vshll.u32 v3, $0x1  }
0x4b: {  	v3 =	vand.u32 $0x7, v3;
	v4 =	vand.u32 $0xFFFFFFF0, v4  }
0x4c: {  	v3 =	vor.u32 v3, v4  }
0x4d: {  	v4 =	vperm.xlane v3, v0;
	_ =	sdelay $0x1  }
0x4e: {  	v3 =	vperm.xlane v3, v2;
	v4 =	vadd.s32 v1, v4;
	_ =	sdelay $0x1  }
0x4f: {  	v3 =	vadd.s32 v1, v3;
	_ =	sdelay $0x1  }
0x50: {  	s30 =	simm.s32 $0x4100  }
0x51: {  	[tilespmem:s30], [sflag:$0x1] =	stream.indirect_vreg.gather [hbm4b:s1+s24], $0x80, v4, vm0, $0xb8;
	[tilespmem:$0x10100] =	vst v63  }
0x52: {  	s26 =	simm.s32 $0x4900  }
0x53: {  	[tilespmem:s26], [sflag:$0x1] =	stream.indirect_vreg.gather [hbm4b:s1+s24], $0x80, v3, vm0, $0xb8;
	[tilespmem:$0x10100] =	vst v63  }
0x54: {  	v3 =	vld [tilespmem:$0x50];
	_ =	sdelay $0x4  }
0x55: {  	v4 =	vshll.u32 v3, $0x1  }
0x56: {  	v3 =	vand.u32 $0x7, v3;
	v4 =	vand.u32 $0xFFFFFFF0, v4  }
0x57: {  	v3 =	vor.u32 v3, v4  }
0x58: {  	v4 =	vperm.xlane v3, v0;
	_ =	sdelay $0x1  }
0x59: {  	v3 =	vperm.xlane v3, v2;
	v4 =	vadd.s32 v1, v4;
	_ =	sdelay $0x1  }
0x5a: {  	v3 =	vadd.s32 v1, v3;
	_ =	sdelay $0x1  }
0x5b: {  	s28 =	simm.s32 $0x5100  }
0x5c: {  	[tilespmem:s28], [sflag:$0x1] =	stream.indirect_vreg.gather [hbm4b:s1+s24], $0x80, v4, vm0, $0xb8;
	[tilespmem:$0x10100] =	vst v63  }
0x5d: {  	s29 =	simm.s32 $0x5900  }
0x5e: {  	[tilespmem:s29], [sflag:$0x1] =	stream.indirect_vreg.gather [hbm4b:s1+s24], $0x80, v3, vm0, $0xb8;
	[tilespmem:$0x10100] =	vst v63  }
0x5f: {  	v3 =	vld [tilespmem:$0x60];
	_ =	sdelay $0x4  }
0x60: {  	v4 =	vshll.u32 v3, $0x1  }
0x61: {  	v3 =	vand.u32 $0x7, v3;
	v4 =	vand.u32 $0xFFFFFFF0, v4  }
0x62: {  	v3 =	vor.u32 v3, v4  }
0x63: {  	v4 =	vperm.xlane v3, v0;
	_ =	sdelay $0x1  }
0x64: {  	v3 =	vperm.xlane v3, v2;
	v4 =	vadd.s32 v1, v4;
	_ =	sdelay $0x1  }
0x65: {  	v3 =	vadd.s32 v1, v3;
	_ =	sdelay $0x1  }
0x66: {  	s30 =	simm.s32 $0x6100  }
0x67: {  	[tilespmem:s30], [sflag:$0x1] =	stream.indirect_vreg.gather [hbm4b:s1+s24], $0x80, v4, vm0, $0xb8;
	[tilespmem:$0x10100] =	vst v63  }
0x68: {  	s26 =	simm.s32 $0x6900  }
0x69: {  	[tilespmem:s26], [sflag:$0x1] =	stream.indirect_vreg.gather [hbm4b:s1+s24], $0x80, v3, vm0, $0xb8;
	[tilespmem:$0x10100] =	vst v63  }
0x6a: {  	v3 =	vld [tilespmem:$0x70];
	_ =	sdelay $0x4  }
0x6b: {  	v4 =	vshll.u32 v3, $0x1  }
0x6c: {  	v3 =	vand.u32 $0x7, v3;
	v4 =	vand.u32 $0xFFFFFFF0, v4  }
0x6d: {  	v3 =	vor.u32 v3, v4  }
0x6e: {  	v4 =	vperm.xlane v3, v0;
	_ =	sdelay $0x1  }
0x6f: {  	v3 =	vperm.xlane v3, v2;
	v4 =	vadd.s32 v1, v4;
	_ =	sdelay $0x1  }
0x70: {  	v3 =	vadd.s32 v1, v3;
	_ =	sdelay $0x1  }
0x71: {  	s28 =	simm.s32 $0x7100  }
0x72: {  	[tilespmem:s28], [sflag:$0x1] =	stream.indirect_vreg.gather [hbm4b:s1+s24], $0x80, v4, vm0, $0xb8;
	[tilespmem:$0x10100] =	vst v63  }
0x73: {  	s29 =	simm.s32 $0x7900  }
0x74: {  	[tilespmem:s29], [sflag:$0x1] =	stream.indirect_vreg.gather [hbm4b:s1+s24], $0x80, v3, vm0, $0xb8;
	[tilespmem:$0x10100] =	vst v63  }
0x75: {  	v3 =	vld [tilespmem:$0x80];
	_ =	sdelay $0x4  }
0x76: {  	v4 =	vshll.u32 v3, $0x1  }
0x77: {  	v3 =	vand.u32 $0x7, v3;
	v4 =	vand.u32 $0xFFFFFFF0, v4  }
0x78: {  	v3 =	vor.u32 v3, v4  }
0x79: {  	v4 =	vperm.xlane v3, v0;
	_ =	sdelay $0x1  }
0x7a: {  	v3 =	vperm.xlane v3, v2;
	v4 =	vadd.s32 v1, v4;
	_ =	sdelay $0x1  }
0x7b: {  	v3 =	vadd.s32 v1, v3;
	_ =	sdelay $0x1  }
0x7c: {  	s30 =	simm.s32 $0x8100  }
0x7d: {  	[tilespmem:s30], [sflag:$0x2] =	stream.indirect_vreg.gather [hbm4b:s5+s24], $0x80, v4, vm0, $0xb8;
	[tilespmem:$0x10100] =	vst v63  }
0x7e: {  	s26 =	simm.s32 $0x8900  }
0x7f: {  	[tilespmem:s26], [sflag:$0x2] =	stream.indirect_vreg.gather [hbm4b:s5+s24], $0x80, v3, vm0, $0xb8;
	[tilespmem:$0x10100] =	vst v63  }
0x80: {  	v3 =	vld [tilespmem:$0x90];
	_ =	sdelay $0x4  }
0x81: {  	v4 =	vshll.u32 v3, $0x1  }
0x82: {  	v3 =	vand.u32 $0x7, v3;
	v4 =	vand.u32 $0xFFFFFFF0, v4  }
0x83: {  	v3 =	vor.u32 v3, v4  }
0x84: {  	v4 =	vperm.xlane v3, v0;
	_ =	sdelay $0x1  }
0x85: {  	v3 =	vperm.xlane v3, v2;
	v4 =	vadd.s32 v1, v4;
	_ =	sdelay $0x1  }
0x86: {  	v3 =	vadd.s32 v1, v3;
	_ =	sdelay $0x2  }
0x87: {  	[tilespmem:s31], [sflag:$0x2] =	stream.indirect_vreg.gather [hbm4b:s5+s24], $0x80, v4, vm0, $0xb8;
	[tilespmem:$0x10100] =	vst v63  }
0x88: {  	_ = 	snop  }
0x89: {  	[tilespmem:s0], [sflag:$0x2] =	stream.indirect_vreg.gather [hbm4b:s5+s24], $0x80, v3, vm0, $0xb8;
	[tilespmem:$0x10100] =	vst v63  }
0x8a: {  	v3 =	vld [tilespmem:$0xA0];
	_ =	sdelay $0x4  }
0x8b: {  	v4 =	vshll.u32 v3, $0x1  }
0x8c: {  	v3 =	vand.u32 $0x7, v3;
	v4 =	vand.u32 $0xFFFFFFF0, v4  }
0x8d: {  	v3 =	vor.u32 v3, v4  }
0x8e: {  	v4 =	vperm.xlane v3, v0;
	_ =	sdelay $0x1  }
0x8f: {  	v3 =	vperm.xlane v3, v2;
	v4 =	vadd.s32 v1, v4;
	_ =	sdelay $0x1  }
0x90: {  	v3 =	vadd.s32 v1, v3;
	_ =	sdelay $0x2  }
0x91: {  	[tilespmem:s4], [sflag:$0x2] =	stream.indirect_vreg.gather [hbm4b:s5+s24], $0x80, v4, vm0, $0xb8;
	[tilespmem:$0x10100] =	vst v63  }
0x92: {  	_ = 	snop  }
0x93: {  	[tilespmem:s9], [sflag:$0x2] =	stream.indirect_vreg.gather [hbm4b:s5+s24], $0x80, v3, vm0, $0xb8;
	[tilespmem:$0x10100] =	vst v63  }
0x94: {  	v3 =	vld [tilespmem:$0xB0];
	_ =	sdelay $0x4  }
0x95: {  	v4 =	vshll.u32 v3, $0x1  }
0x96: {  	v3 =	vand.u32 $0x7, v3;
	v4 =	vand.u32 $0xFFFFFFF0, v4  }
0x97: {  	v3 =	vor.u32 v3, v4  }
0x98: {  	v4 =	vperm.xlane v3, v0;
	_ =	sdelay $0x1  }
0x99: {  	v3 =	vperm.xlane v3, v2;
	v4 =	vadd.s32 v1, v4;
	_ =	sdelay $0x1  }
0x9a: {  	v3 =	vadd.s32 v1, v3;
	_ =	sdelay $0x2  }
0x9b: {  	[tilespmem:s2], [sflag:$0x2] =	stream.indirect_vreg.gather [hbm4b:s5+s24], $0x80, v4, vm0, $0xb8;
	[tilespmem:$0x10100] =	vst v63  }
0x9c: {  	_ = 	snop  }
0x9d: {  	[tilespmem:s3], [sflag:$0x2] =	stream.indirect_vreg.gather [hbm4b:s5+s24], $0x80, v3, vm0, $0xb8;
	[tilespmem:$0x10100] =	vst v63  }
0x9e: {  	v3 =	vld [tilespmem:$0xC0];
	_ =	sdelay $0x4  }
0x9f: {  	v4 =	vshll.u32 v3, $0x1  }
0xa0: {  	v3 =	vand.u32 $0x7, v3;
	v4 =	vand.u32 $0xFFFFFFF0, v4  }
0xa1: {  	v3 =	vor.u32 v3, v4  }
0xa2: {  	v4 =	vperm.xlane v3, v0;
	_ =	sdelay $0x1  }
0xa3: {  	v3 =	vperm.xlane v3, v2;
	v4 =	vadd.s32 v1, v4;
	_ =	sdelay $0x1  }
0xa4: {  	v3 =	vadd.s32 v1, v3;
	_ =	sdelay $0x2  }
0xa5: {  	[tilespmem:s11], [sflag:$0x2] =	stream.indirect_vreg.gather [hbm4b:s5+s24], $0x80, v4, vm0, $0xb8;
	[tilespmem:$0x10100] =	vst v63  }
0xa6: {  	_ = 	snop  }
0xa7: {  	[tilespmem:s13], [sflag:$0x2] =	stream.indirect_vreg.gather [hbm4b:s5+s24], $0x80, v3, vm0, $0xb8;
	[tilespmem:$0x10100] =	vst v63  }
0xa8: {  	v3 =	vld [tilespmem:$0xD0];
	_ =	sdelay $0x4  }
0xa9: {  	v4 =	vshll.u32 v3, $0x1  }
0xaa: {  	v3 =	vand.u32 $0x7, v3;
	v4 =	vand.u32 $0xFFFFFFF0, v4  }
0xab: {  	v3 =	vor.u32 v3, v4  }
0xac: {  	v4 =	vperm.xlane v3, v0;
	_ =	sdelay $0x1  }
0xad: {  	v3 =	vperm.xlane v3, v2;
	v4 =	vadd.s32 v1, v4;
	_ =	sdelay $0x1  }
0xae: {  	v3 =	vadd.s32 v1, v3;
	_ =	sdelay $0x2  }
0xaf: {  	[tilespmem:s14], [sflag:$0x2] =	stream.indirect_vreg.gather [hbm4b:s5+s24], $0x80, v4, vm0, $0xb8;
	[tilespmem:$0x10100] =	vst v63  }
0xb0: {  	_ = 	snop  }
0xb1: {  	[tilespmem:s15], [sflag:$0x2] =	stream.indirect_vreg.gather [hbm4b:s5+s24], $0x80, v3, vm0, $0xb8;
	[tilespmem:$0x10100] =	vst v63  }
0xb2: {  	v3 =	vld [tilespmem:$0xE0];
	_ =	sdelay $0x4  }
0xb3: {  	v4 =	vshll.u32 v3, $0x1  }
0xb4: {  	v3 =	vand.u32 $0x7, v3;
	v4 =	vand.u32 $0xFFFFFFF0, v4  }
0xb5: {  	v3 =	vor.u32 v3, v4  }
0xb6: {  	v4 =	vperm.xlane v3, v0;
	_ =	sdelay $0x1  }
0xb7: {  	v3 =	vperm.xlane v3, v2;
	v4 =	vadd.s32 v1, v4;
	_ =	sdelay $0x1  }
0xb8: {  	v3 =	vadd.s32 v1, v3;
	_ =	sdelay $0x2  }
0xb9: {  	[tilespmem:s16], [sflag:$0x2] =	stream.indirect_vreg.gather [hbm4b:s5+s24], $0x80, v4, vm0, $0xb8;
	[tilespmem:$0x10100] =	vst v63  }
0xba: {  	_ = 	snop  }
0xbb: {  	[tilespmem:s17], [sflag:$0x2] =	stream.indirect_vreg.gather [hbm4b:s5+s24], $0x80, v3, vm0, $0xb8;
	[tilespmem:$0x10100] =	vst v63  }
0xbc: {  	v3 =	vld [tilespmem:$0xF0];
	_ =	sdelay $0x4  }
0xbd: {  	v4 =	vshll.u32 v3, $0x1  }
0xbe: {  	v3 =	vand.u32 $0x7, v3;
	v4 =	vand.u32 $0xFFFFFFF0, v4  }
0xbf: {  	v3 =	vor.u32 v3, v4  }
0xc0: {  	v4 =	vperm.xlane v3, v0;
	_ =	sdelay $0x1  }
0xc1: {  	v3 =	vperm.xlane v3, v2;
	v4 =	vadd.s32 v1, v4;
	_ =	sdelay $0x1  }
0xc2: {  	v3 =	vadd.s32 v1, v3;
	_ =	sdelay $0x2  }
0xc3: {  	[tilespmem:s18], [sflag:$0x2] =	stream.indirect_vreg.gather [hbm4b:s5+s24], $0x80, v4, vm0, $0xb8;
	[tilespmem:$0x10100] =	vst v63  }
0xc4: {  	_ = 	snop  }
0xc5: {  	[tilespmem:s19], [sflag:$0x2] =	stream.indirect_vreg.gather [hbm4b:s5+s24], $0x80, v3, vm0, $0xb8;
	[tilespmem:$0x10100] =	vst v63  }
0xc6: {  	_ =	swait.ge [sflag:s20], $0x8000  }
0xc7: {  	s28 =	simm.s32 $0x0;
	[sflag:s20] =	ssyncset.done $0x0  }
0xc8: {  	s25 =	sand.u32 $0x7800, s28;
	[sflag:s20] =	ssyncadd.s32 $0xFFFF8000  }
0xc9: {  	s28 =	simm.s32 $0x0;
	s29 =	sand.u32 $0x400, s24;
	_ =	swait.ge [sflag:s21], $0x8000  }
0xca: {  	s25 =	sor.u32 s29, s25;
	s30 =	sand.u32 $0x380, s28;
	[sflag:s21] =	ssyncset.done $0x0  }
0xcb: {  	s25 =	sor.u32 s30, s25;
	[sflag:s21] =	ssyncadd.s32 $0xFFFF8000  }
0xcc: {  	v3 =	vld [tilespmem:s25+$0x170]  }
0xcd: {  	v5 =	vld [tilespmem:s25+$0x8170]  }
0xce: {  	v6 =	vld [tilespmem:s25+$0x100]  }
0xcf: {  	v8 =	vld [tilespmem:s25+$0x8100]  }
0xd0: {  	v9 =	vld [tilespmem:s25+$0x110]  }
0xd1: {  	v10 =	vld [tilespmem:s25+$0x8110]  }
0xd2: {  	v4 =	vld [tilespmem:s25+$0x120]  }
0xd3: {  	v7 =	vld [tilespmem:s25+$0x8120];
	v5 =	vadd.f32 v5, v3  }
0xd4: {  	v8 =	vadd.f32 v8, v6;
	v3 =	vld [tilespmem:s25+$0x130]  }
0xd5: {  	v6 =	vld [tilespmem:s25+$0x8130];
	[tilespmem:s25+$0x170] =	vst v5  }
0xd6: {  	s26 =	simm.s32 $0x0;
	[tilespmem:s25+$0x100] =	vst v8;
	v8 =	vadd.f32 v10, v9;
	v5 =	vld [tilespmem:s25+$0x140]  }
.LBB2_3:
0xd7: {  	s26 =	sadd.s32 $0x8, s26;
	v9 =	vld [tilespmem:s25+$0x8140]  }
0xd8: {  	s24 =	sadd.s32 $0x400, s24;
	s28 =	sshll.u32 s26, $0x4;
	p0 =	slt.u32 s26, $0x7F8;
	[tilespmem:s25+$0x110] =	vst v8;
	v4 =	vadd.f32 v7, v4;
	v7 =	vld [tilespmem:s25+$0x150]  }
0xd9: {  	s29 =	sand.u32 $0x400, s24;
	s30 =	sshll.u32 s26, $0x3;
	s28 =	sand.u32 $0x7800, s28;
	v8 =	vld [tilespmem:s25+$0x8150]  }
0xda: {  	s28 =	sor.u32 s29, s28;
	s29 =	sand.u32 $0x380, s30;
	[tilespmem:s25+$0x120] =	vst v4;
	v3 =	vadd.f32 v6, v3;
	v4 =	vld [tilespmem:s25+$0x160]  }
0xdb: {  	s28 =	sor.u32 s29, s28;
	v6 =	vld [tilespmem:s25+$0x8160]  }
0xdc: {  	v10 =	vld [tilespmem:s28+$0x170];
	[tilespmem:s25+$0x130] =	vst v3;
	v3 =	vadd.f32 v9, v5  }
0xdd: {  	v5 =	vld [tilespmem:s28+$0x8170]  }
0xde: {  	v9 =	vld [tilespmem:s28+$0x100];
	[tilespmem:s25+$0x140] =	vst v3;
	v3 =	vadd.f32 v8, v7  }
0xdf: {  	v8 =	vld [tilespmem:s28+$0x8100]  }
0xe0: {  	v11 =	vld [tilespmem:s28+$0x110];
	[tilespmem:s25+$0x150] =	vst v3;
	v3 =	vadd.f32 v6, v4  }
0xe1: {  	v12 =	vld [tilespmem:s28+$0x8110]  }
.Ltmp0:
0xe2: {  	v4 =	vld [tilespmem:s28+$0x120];
	v5 =	vadd.f32 v5, v10;
	[tilespmem:s25+$0x160] =	vst v3;
	s25 =	smov.u32 s28;
	(pc) =	sbr.rel @p0 .LBB2_3-.Ltmp0, $4  }
0xe3: {  	v7 =	vld [tilespmem:s25+$0x8120]  }
0xe4: {  	v8 =	vadd.f32 v8, v9;
	v3 =	vld [tilespmem:s25+$0x130];
	[tilespmem:s25+$0x170] =	vst v5  }
0xe5: {  	v6 =	vld [tilespmem:s25+$0x8130]  }
0xe6: {  	[tilespmem:s25+$0x100] =	vst v8;
	v8 =	vadd.f32 v12, v11;
	v5 =	vld [tilespmem:s25+$0x140]  }
0xe7: {  	v9 =	vld [tilespmem:s25+$0x8140]  }
0xe8: {  	v10 =	vld [tilespmem:s25+$0x150]  }
0xe9: {  	v11 =	vld [tilespmem:s25+$0x8150]  }
0xea: {  	v12 =	vld [tilespmem:s25+$0x160]  }
0xeb: {  	v13 =	vld [tilespmem:s25+$0x8160]  }
0xec: {  	v4 =	vadd.f32 v7, v4  }
0xed: {  	[tilespmem:s25+$0x110] =	vst v8;
	v3 =	vadd.f32 v6, v3  }
0xee: {  	[tilespmem:s25+$0x120] =	vst v4;
	v62 =	vadd.f32 v9, v5  }
0xef: {  	[tilespmem:s25+$0x130] =	vst v3;
	v3 =	vadd.f32 v11, v10  }
0xf0: {  	s22 =	sadd.s32 $0x1, s22;
	v63 =	vadd.f32 v13, v12;
	[tilespmem:s25+$0x140] =	vst v62  }
0xf1: {  	s23 =	sshll.u32 s23, $0x5;
	p0 =	sne.s32 s22, $0x20;
	[tilespmem:s25+$0x150] =	vst v3  }
.Ltmp1:
0xf2: {  	s24 =	simm.s32 $0x0;
	s23 =	sadd.s32 s7, s23;
	[tilespmem:s25+$0x160] =	vst v63;
	(pc) =	sbr.rel @p0 .LBB2_2-.Ltmp1, $4  }
0xf3: {  	[hbm4b:s23+s24] =	stream.linear.scatter [tilespmem:s12], [sflag:$0x3], $0x8000, $0x38;
	[tilespmem:$0x10100] =	vst v63  }
0xf4: {  	_ =	swait.ge [sflag:s10], $0x8000  }
0xf5: {  	[sflag:s10] =	ssyncset.done $0x0  }
0xf6: {  	[sflag:s10] =	ssyncadd.s32 $0xFFFF8000  }
0xf7: {  	s23 =	rddreg [dreg:$0x5]  }
0xf8: {  	s22 =	rddreg [dreg:$0x4];
	s23 =	sadd.s32 $0x1, s23  }
0xf9: {  	p0 =	sne.s32 s23, s22  }
.Ltmp2:
0xfa: {  	_ = 	snop;
	(pc) =	sbr.rel @p0 .LBB2_1-.Ltmp2, $1  }
0xfb: {  	_ =	sdelay $0x3  }
0xfc: {  	_ =	sfence.sel $0x180000  }
0xfd: {  	[bflag:$0x0] =	sbarrier.arrive $0xFFFF  }
0xfe: {  	_ =	strace $0x90000047  }
0xff: {  	s0 =	stileid.u32;
	[bflag:$0x2] =	sbarrier.arrive $0xFFFF  }
0x100: {  	p0 =	sne.s32 s0, $0x0;
	s0 =	rddreg [dreg:$0x3]  }
0x101: {  	s0 =	sadd.s32 @!p0 $0x100000, s0  }
0x102: {  	[sflag:s0] =	ssyncadd.tile.s32 @!p0 $0x1;
	_ =	shalt  }
.Lfunc_end2:
_tile_overlayer_lowered:
.L_overlay_start_2:
0x103: {  	(tag) =	ssettag $0x2  }
0x104: {  	s0 =	rddreg [dreg:$0x0];
	s2 =	stileid.u32  }
0x105: {  	s1 =	rddreg [dreg:$0x1];
	p0 =	sne.s32 s2, $0x0  }
0x106: {  	s3 =	rddreg [dreg:$0x2];
	[bflag:$0x3] =	sbarrier.arrive $0xFFFF;
	s2 =	simm.s32 @!p0 $0x1C03  }
0x107: {  	[timem:s3], [sflag:s2] =	dma.local @!p0 [hbm:s0], s1  }
0x108: {  	s0 =	simm.s32 @!p0 $0x3  }
0x109: {  	_ =	swait.ge @!p0 [sflag:s0], s1  }
0x10a: {  	s1 =	ssub.s32 @!p0 $0x0, s1;
	[sflag:s0] =	ssyncset.done @!p0 $0x0  }
0x10b: {  	[sflag:s0] =	ssyncadd.s32 @!p0 s1  }
0x10c: {  	[bflag:$0x3] =	sbarrier.arrive $0xFFFF  }
0x10d: {  	_ =	shalt  }

</sc_bundles>
